<compile_context>
chip_gen: v7x
topology: tpu7x:2x2x1
jax: 0.10.2.dev20260603
libtpu: 0.0.44.dev20260713+nightly
codegen_flags: <defaults>
</compile_context>

<pallas_src>
import functools

import jax
import jax.numpy as jnp
from jax import lax
from jax.experimental import pallas as pl
from jax.experimental.pallas import tpu as pltpu
from jax.experimental.pallas import tpu_sc as plsc

N_ATOMS = 10000
H = 128
NBR = 32
N_MOLS = 200
MOL_SIZE = 50
FFN_HID = 512
MOL_HID = 256
NUM_TASKS = 12

CHUNK_ATOMS = 4
ROWS = CHUNK_ATOMS * NBR
NCHT = N_ATOMS * NBR // ROWS
NCHPAD = 3200
NBUF = 2
SC_APW = (96, 96)
CALL_BASES = (0, 2400, 4800, 7200)


def _make_sc_gather_sum(apw0, apw1, call_base_chunk):
    nch0, nch1 = apw0 // CHUNK_ATOMS, apw1 // CHUNK_ATOMS
    nout = 16 * (apw0 + apw1)
    mesh = plsc.VectorSubcoreMesh(core_axis_name="c", subcore_axis_name="s")

    @functools.partial(
        pl.kernel,
        mesh=mesh,
        out_type=jax.ShapeDtypeStruct((nout, H), jnp.float32),
        scratch_types=[
            pltpu.VMEM((max(nch0, nch1), ROWS), jnp.int32),
            pltpu.VMEM_SHARED((16 * max(apw0, apw1), H), jnp.float32),
            pltpu.VMEM_SHARED((N_ATOMS, H), jnp.float32),
        ]
        + [pltpu.VMEM((ROWS, H), jnp.float32)] * NBUF
        + [pltpu.VMEM((ROWS,), jnp.int32)] * NBUF
        + [pltpu.SemaphoreType.DMA] * (2 * NBUF),
    )
    def k(idx_hbm, table_hbm, out_hbm, idx_v, acc_sh, table_sh, *rest):
        rows = rest[:NBUF]
        own = rest[NBUF:2 * NBUF]
        sem_g = rest[2 * NBUF:3 * NBUF]
        sem_s = rest[3 * NBUF:]
        c = lax.axis_index("c")
        s = lax.axis_index("s")
        apw = jnp.where(c == 0, apw0, apw1)
        nch = jnp.where(c == 0, nch0, nch1)
        base_local = s * apw
        base_chunk = call_base_chunk + jnp.where(
            c == 0, s * nch0, 16 * nch0 + s * nch1)
        pltpu.sync_copy(idx_hbm.at[pl.ds(base_chunk, max(nch0, nch1))], idx_v)

        zero = jnp.zeros((16,), jnp.float32)

        def zbuf(r, carry):
            for g in range(H // 16):
                rows[0][r, pl.ds(g * 16, 16)] = zero
            return carry

        lax.fori_loop(0, ROWS, zbuf, 0)

        @pl.when(c == 0)
        def _():
            for t in range(apw0 // ROWS):
                pltpu.sync_copy(
                    rows[0], acc_sh.at[pl.ds(s * apw0 + t * ROWS, ROWS)])
            rem = apw0 % ROWS
            if rem:
                pltpu.sync_copy(
                    rows[0].at[pl.ds(0, rem)],
                    acc_sh.at[pl.ds(s * apw0 + (apw0 // ROWS) * ROWS, rem)])

        @pl.when(c != 0)
        def _():
            for t in range(apw1 // ROWS):
                pltpu.sync_copy(
                    rows[0], acc_sh.at[pl.ds(s * apw1 + t * ROWS, ROWS)])
            rem = apw1 % ROWS
            if rem:
                pltpu.sync_copy(
                    rows[0].at[pl.ds(0, rem)],
                    acc_sh.at[pl.ds(s * apw1 + (apw1 // ROWS) * ROWS, rem)])

        tpw = 624
        pltpu.sync_copy(table_hbm.at[pl.ds(s * tpw, tpw)],
                        table_sh.at[pl.ds(s * tpw, tpw)])

        @pl.when(s == 0)
        def _():
            pltpu.sync_copy(table_hbm.at[pl.ds(16 * tpw, N_ATOMS - 16 * tpw)],
                            table_sh.at[pl.ds(16 * tpw, N_ATOMS - 16 * tpw)])

        plsc.subcore_barrier()

        def gather(ci, b):
            pltpu.async_copy(table_sh.at[idx_v.at[ci]], rows[b], sem_g[b])

        def wait_gather(ci, b):
            pltpu.make_async_copy(table_sh.at[idx_v.at[ci]], rows[b],
                                  sem_g[b]).wait()

        def scat(b):
            pltpu.async_copy(rows[b], acc_sh.at[own[b]], sem_s[b], add=True)

        def wait_scat(b):
            pltpu.make_async_copy(rows[b], acc_sh.at[own[b]], sem_s[b]).wait()

        for b in range(NBUF):
            gather(b, b)

        def pair(p, carry):
            for b in range(NBUF):
                ci = p * NBUF + b
                wait_gather(ci, b)
                for g in range(ROWS // 16):
                    own[b][pl.ds(g * 16, 16)] = jnp.full(
                        (16,), ci * CHUNK_ATOMS + g // 2, jnp.int32
                    ) + base_local
                scat(b)
            for b in range(NBUF):
                @pl.when(p * NBUF + b + NBUF < nch)
                def _(b=b):
                    ci = p * NBUF + b
                    wait_scat(b)
                    gather(ci + NBUF, b)
            return carry

        lax.fori_loop(0, nch // NBUF, pair, 0)
        for b in range(NBUF):
            wait_scat(b)

        @pl.when(c == 0)
        def _():
            pltpu.sync_copy(acc_sh.at[pl.ds(s * apw0, apw0)],
                            out_hbm.at[pl.ds(s * apw0, apw0)])

        @pl.when(c != 0)
        def _():
            pltpu.sync_copy(acc_sh.at[pl.ds(s * apw1, apw1)],
                            out_hbm.at[pl.ds(16 * apw0 + s * apw1, apw1)])

    return k


ROWS_BLK = 400
NBLK = N_ATOMS // ROWS_BLK
MOLS_BLK = ROWS_BLK // MOL_SIZE


def _tc_body(orig_ref, aggr_a_ref, aggr_b_ref, aggr_c_ref, aggr_d_ref,
             w1a_ref, w1b_ref,
             b1_ref, w2_ref, b2_ref, g_ref, b_ref, wm1_ref, bm1_ref, wm2_ref,
             bm2_ref, out_ref, macc):
    i = pl.program_id(0)
    aggr = jnp.where(
        i < 6, aggr_a_ref[...],
        jnp.where(i < 12, aggr_b_ref[...],
                  jnp.where(i < 18, aggr_c_ref[...], aggr_d_ref[...])))
    x = jnp.dot(orig_ref[...], w1a_ref[...], preferred_element_type=jnp.float32)
    x = x + jnp.dot(aggr, w1b_ref[...],
                    preferred_element_type=jnp.float32)
    h = jnp.maximum(x + b1_ref[...], 0.0)
    y = jnp.dot(h, w2_ref[...], preferred_element_type=jnp.float32) + b2_ref[...]
    mu = jnp.mean(y, axis=-1, keepdims=True)
    var = jnp.mean((y - mu) * (y - mu), axis=-1, keepdims=True)
    yn = (y - mu) * lax.rsqrt(var + 1e-5) * g_ref[...] + b_ref[...]
    pooled = jnp.sum(yn.reshape(MOLS_BLK, MOL_SIZE, H), axis=1) * (1.0 / MOL_SIZE)
    macc[pl.ds(i * MOLS_BLK, MOLS_BLK), :] = pooled

    @pl.when(i == NBLK - 1)
    def _():
        m = macc[...]
        hm = jnp.maximum(
            jnp.dot(m, wm1_ref[...], preferred_element_type=jnp.float32)
            + bm1_ref[...], 0.0)
        out = jnp.dot(hm, wm2_ref[...], preferred_element_type=jnp.float32)
        out_ref[...] = (out + bm2_ref[...]) * 0.5


def _tc_ffn(orig, aggrs, w1a, w1b, b1, w2, b2, g, b, wm1, bm1, wm2, bm2):
    full = lambda shape: pl.BlockSpec(shape, lambda i: (0, 0))
    return pl.pallas_call(
        _tc_body,
        grid=(NBLK,),
        in_specs=[
            pl.BlockSpec((ROWS_BLK, H), lambda i: (i, 0)),
        ] + [
            pl.BlockSpec((ROWS_BLK, H),
                         functools.partial(
                             lambda k, i: (jnp.clip(i - 6 * k, 0,
                                                    6 if k == 3 else 5), 0),
                             k))
            for k in range(4)
        ] + [
            full((H, FFN_HID)),
            full((H, FFN_HID)),
            full((1, FFN_HID)),
            full((FFN_HID, H)),
            full((1, H)),
            full((1, H)),
            full((1, H)),
            full((H, MOL_HID)),
            full((1, MOL_HID)),
            full((MOL_HID, H)),
            full((1, H)),
        ],
        out_specs=pl.BlockSpec((N_MOLS, H), lambda i: (0, 0)),
        out_shape=jax.ShapeDtypeStruct((N_MOLS, H), jnp.float32),
        scratch_shapes=[pltpu.VMEM((N_MOLS, H), jnp.float32)],
    )(orig, *aggrs, w1a, w1b, b1, w2, b2, g, b, wm1, bm1, wm2, bm2)


def kernel(atom_output, bond_output, original_f_atoms, original_f_bonds,
           a2a, a2b, b2a, b2revb, a_scope,
           W_aa1, b_aa1, W_aa2, b_aa2, ln_aa_g, ln_aa_b,
           W_ab1, b_ab1, W_ab2, b_ab2, ln_ab_g, ln_ab_b,
           W_m1, b_m1, W_m2, b_m2):
    idx = jnp.concatenate(
        [a2a.astype(jnp.int32).reshape(NCHT, ROWS),
         jnp.zeros((NCHPAD - NCHT, ROWS), jnp.int32)])
    aggrs = [_make_sc_gather_sum(*SC_APW, base // 4)(idx, atom_output)
             for base in CALL_BASES]

    w1a = W_aa1[:H]
    w1b = W_aa1[H:]
    wm2 = jnp.zeros((MOL_HID, H), jnp.float32).at[:, :NUM_TASKS].set(W_m2)
    bm2 = jnp.zeros((1, H), jnp.float32).at[0, :NUM_TASKS].set(b_m2)
    out = _tc_ffn(original_f_atoms, aggrs, w1a, w1b,
                  b_aa1.reshape(1, -1), W_aa2, b_aa2.reshape(1, -1),
                  ln_aa_g.reshape(1, -1), ln_aa_b.reshape(1, -1),
                  W_m1, b_m1.reshape(1, -1), wm2, bm2)
    return out[:, :NUM_TASKS]

# --- scband reference (transcript-rebuilt; emitter-appended) ---
"""Pipeline reference for scband-node-readout-ffn2-87634512707838 (READ-ONLY COPY).

The authoritative reference and input builder live on the scoring server;
editing this copy changes nothing except your own understanding.
"""

import jax, jax.numpy as jnp
import numpy as np

N_ATOMS, N_BONDS, H, NBR = 10000, 320000, 128, 32
N_MOLS, MOL_SIZE = 200, 50
FFN_HID, NUM_TASKS, MOL_HID = 4 * H, 12, 256


def _layernorm(x, g, b, eps=1e-5):
    mu = jnp.mean(x, axis=-1, keepdims=True)
    var = jnp.var(x, axis=-1, keepdims=True)
    return (x - mu) / jnp.sqrt(var + eps) * g + b


def _pointwise_ffn(x, W1, b1, W2, b2):
    return jax.nn.relu(x @ W1 + b1) @ W2 + b2


def setup_inputs(seed: int = 0) -> dict:
    key = jax.random.key(seed)
    ks = jax.random.split(key, 24)
    s = 0.02
    inp = {
        "atom_output": jax.random.normal(ks[0], (N_ATOMS, H), dtype=jnp.float32),
        "bond_output": jax.random.normal(ks[1], (N_BONDS, H), dtype=jnp.float32),
        "original_f_atoms": jax.random.normal(ks[2], (N_ATOMS, H), dtype=jnp.float32),
        "original_f_bonds": jax.random.normal(ks[3], (N_BONDS, H), dtype=jnp.float32),
        "a2a": jax.random.randint(ks[4], (N_ATOMS, NBR), 0, N_ATOMS, dtype=jnp.int64 if jax.config.jax_enable_x64 else jnp.int32),
        "a2b": jax.random.randint(ks[5], (N_ATOMS, NBR), 0, N_BONDS, dtype=jnp.int64 if jax.config.jax_enable_x64 else jnp.int32),
        "b2a": jax.random.randint(ks[6], (N_BONDS,), 0, N_ATOMS, dtype=jnp.int64 if jax.config.jax_enable_x64 else jnp.int32),
        "b2revb": jax.random.randint(ks[7], (N_BONDS,), 0, N_BONDS, dtype=jnp.int64 if jax.config.jax_enable_x64 else jnp.int32),
        "a_scope": jnp.stack([jnp.arange(N_MOLS) * MOL_SIZE, jnp.full((N_MOLS,), MOL_SIZE)], axis=1),
        # ffn_atom_from_atom (in: hidden + atom_fdim = 2H)
        "W_aa1": jax.random.normal(ks[8], (2 * H, FFN_HID), dtype=jnp.float32) * s,
        "b_aa1": jnp.zeros((FFN_HID,), dtype=jnp.float32),
        "W_aa2": jax.random.normal(ks[9], (FFN_HID, H), dtype=jnp.float32) * s,
        "b_aa2": jnp.zeros((H,), dtype=jnp.float32),
        "ln_aa_g": jnp.ones((H,), dtype=jnp.float32),
        "ln_aa_b": jnp.zeros((H,), dtype=jnp.float32),
        # ffn_atom_from_bond
        "W_ab1": jax.random.normal(ks[10], (2 * H, FFN_HID), dtype=jnp.float32) * s,
        "b_ab1": jnp.zeros((FFN_HID,), dtype=jnp.float32),
        "W_ab2": jax.random.normal(ks[11], (FFN_HID, H), dtype=jnp.float32) * s,
        "b_ab2": jnp.zeros((H,), dtype=jnp.float32),
        "ln_ab_g": jnp.ones((H,), dtype=jnp.float32),
        "ln_ab_b": jnp.zeros((H,), dtype=jnp.float32),
        # mol_atom_from_atom_ffn (2-layer)
        "W_m1": jax.random.normal(ks[12], (H, MOL_HID), dtype=jnp.float32) * s,
        "b_m1": jnp.zeros((MOL_HID,), dtype=jnp.float32),
        "W_m2": jax.random.normal(ks[13], (MOL_HID, NUM_TASKS), dtype=jnp.float32) * s,
        "b_m2": jnp.zeros((NUM_TASKS,), dtype=jnp.float32),
    }
    return inp


def reference(atom_output, bond_output, original_f_atoms, original_f_bonds,
              a2a, a2b, b2a, b2revb, a_scope,
              W_aa1, b_aa1, W_aa2, b_aa2, ln_aa_g, ln_aa_b,
              W_ab1, b_ab1, W_ab2, b_ab2, ln_ab_g, ln_ab_b,
              W_m1, b_m1, W_m2, b_m2):
    # select_neighbor_and_aggregate + pointwise FFN + sublayer (atom-from-atom view)
    aggr_a = jnp.sum(jnp.take(atom_output, a2a, axis=0), axis=1)          # gather -> [N, NBR, H] -> sum
    x_aa = jnp.concatenate([original_f_atoms, aggr_a], axis=1)
    atom_in_atom_out = _layernorm(_pointwise_ffn(x_aa, W_aa1, b_aa1, W_aa2, b_aa2), ln_aa_g, ln_aa_b)
    # atom-from-bond view
    aggr_b = jnp.sum(jnp.take(bond_output, a2b, axis=0), axis=1)
    x_ab = jnp.concatenate([original_f_atoms, aggr_b], axis=1)
    bond_in_atom_out = _layernorm(_pointwise_ffn(x_ab, W_ab1, b_ab1, W_ab2, b_ab2), ln_ab_g, ln_ab_b)
    # readout: mean-pool atoms per molecule according to a_scope (start, size)
    sizes = a_scope[:, 1]
    ends = jnp.cumsum(sizes)
    mol_ids = jnp.searchsorted(ends, jnp.arange(atom_in_atom_out.shape[0], dtype=ends.dtype), side='right')
    mol_sum = jax.ops.segment_sum(atom_in_atom_out, mol_ids, num_segments=a_scope.shape[0])
    mol_atom_from_atom_output = mol_sum / sizes.astype(jnp.float32)[:, None]
    # mol-level FFN head (features_batch is None; dropout=0, eval mode, regression)
    atom_ffn_output = jax.nn.relu(mol_atom_from_atom_output @ W_m1 + b_m1) @ W_m2 + b_m2
    # peer-rank bond_ffn_output is received as zeros in single-device reference
    bond_ffn_output = jnp.zeros_like(atom_ffn_output)
    output = (atom_ffn_output + bond_ffn_output) / 2.0
    return output


if False:  # reference __main__ guard neutralized (emitter)
    out = reference(**setup_inputs())
    print(out.shape, out.dtype)

if __name__ == "__main__":
    import jax
    _d = setup_inputs()
    print(jax.jit(kernel)(*tuple(_d.values())))

</pallas_src>

<mosaic_0001>
#map = affine_map<(d0, d1) -> (0, 0)>
module attributes {stable_mosaic.version = 14 : i64} {
  func.func @k(%arg0: i32, %arg1: i32, %arg2: memref<3200x128xi32, #tpu.memory_space<hbm>>, %arg3: memref<10000x128xf32, #tpu.memory_space<hbm>>, %arg4: memref<3072x128xf32, #tpu.memory_space<hbm>>, %arg5: memref<24x128xi32, #tpu.memory_space<vmem>>, %arg6: memref<1536x128xf32, #tpu.memory_space<vmem_shared>>, %arg7: memref<10000x128xf32, #tpu.memory_space<vmem_shared>>, %arg8: memref<128x128xf32, #tpu.memory_space<vmem>>, %arg9: memref<128x128xf32, #tpu.memory_space<vmem>>, %arg10: memref<128xi32, #tpu.memory_space<vmem>>, %arg11: memref<128xi32, #tpu.memory_space<vmem>>, %arg12: memref<!tpu.dma_semaphore, #tpu.memory_space<semaphore_mem>>, %arg13: memref<!tpu.dma_semaphore, #tpu.memory_space<semaphore_mem>>, %arg14: memref<!tpu.dma_semaphore, #tpu.memory_space<semaphore_mem>>, %arg15: memref<!tpu.dma_semaphore, #tpu.memory_space<semaphore_mem>>) attributes {dimension_semantics = [#tpu.dimension_semantics<core_parallel>, #tpu.dimension_semantics<subcore_parallel>], iteration_bounds = array<i64: 2, 16>, scalar_prefetch = 0 : i64, scratch_operands = 11 : i64, tpu.core_type = #tpu.core_type<sc_vector_subcore>, window_params = [{transform_indices = #map}, {transform_indices = #map}, {transform_indices = #map}]} {
    %eq3A = arith.constant 0 : i32
    %eq3A_0 = arith.cmpi eq, %arg0, %eq3A : i32
    %jit3A = arith.constant 96 : i32
    %jit3A_1 = arith.constant 96 : i32
    %select_n3A = arith.select %eq3A_0, %jit3A, %jit3A_1 : i32
    %eq3A_2 = arith.constant 0 : i32
    %eq3A_3 = arith.cmpi eq, %arg0, %eq3A_2 : i32
    %jit3A_4 = arith.constant 24 : i32
    %jit3A_5 = arith.constant 24 : i32
    %select_n3A_6 = arith.select %eq3A_3, %jit3A_4, %jit3A_5 : i32
    %mul3A = arith.muli %arg1, %select_n3A : i32
    %eq3A_7 = arith.constant 0 : i32
    %eq3A_8 = arith.cmpi eq, %arg0, %eq3A_7 : i32
    %mul3A_9 = arith.constant 24 : i32
    %mul3A_10 = arith.muli %arg1, %mul3A_9 : i32
    %mul3A_11 = arith.constant 24 : i32
    %mul3A_12 = arith.muli %arg1, %mul3A_11 : i32
    %add3A = arith.constant 384 : i32
    %add3A_13 = arith.addi %add3A, %mul3A_12 : i32
    %select_n3A_14 = arith.select %eq3A_8, %mul3A_10, %add3A_13 : i32
    %add3A_15 = arith.constant 0 : i32
    %add3A_16 = arith.addi %add3A_15, %select_n3A_14 : i32
    "tpu.region"() ({
      %run_scoped3A = tpu.sem_alloc : memref<!tpu.dma_semaphore, #tpu.memory_space<semaphore_mem>>
      %dma_start3A_95 = arith.constant 0 : i32
      %dma_start3A_96 = tpu.memref_slice %arg2[%add3A_16, %dma_start3A_95] : memref<3200x128xi32, #tpu.memory_space<hbm>> -> memref<24x128xi32, #tpu.memory_space<hbm>>
      %dma_start3A_97 = arith.constant 0 : i32
      %dma_start3A_98 = tpu.memref_slice %arg2[%add3A_16, %dma_start3A_97] : memref<3200x128xi32, #tpu.memory_space<hbm>> -> memref<24x128xi32, #tpu.memory_space<hbm>>
      tpu.enqueue_dma source(%dma_start3A_98 : memref<24x128xi32, #tpu.memory_space<hbm>>) target(%arg5 : memref<24x128xi32, #tpu.memory_space<vmem>>) target_semaphore(%run_scoped3A : memref<!tpu.dma_semaphore, #tpu.memory_space<semaphore_mem>>)
      %dma_wait3A_99 = arith.constant 0 : i32
      %dma_wait3A_100 = tpu.memref_slice %arg2[%add3A_16, %dma_wait3A_99] : memref<3200x128xi32, #tpu.memory_space<hbm>> -> memref<24x128xi32, #tpu.memory_space<hbm>>
      %dma_wait3A_101 = arith.constant 0 : i32
      %dma_wait3A_102 = tpu.memref_slice %arg2[%add3A_16, %dma_wait3A_101] : memref<3200x128xi32, #tpu.memory_space<hbm>> -> memref<24x128xi32, #tpu.memory_space<hbm>>
      tpu.wait_dma2 semaphore(%run_scoped3A : memref<!tpu.dma_semaphore, #tpu.memory_space<semaphore_mem>>) src(%dma_wait3A_102 : memref<24x128xi32, #tpu.memory_space<hbm>>) dst(%arg5 : memref<24x128xi32, #tpu.memory_space<vmem>>)
      tpu.yield
    }) : () -> ()
    %broadcast_in_dim3A = arith.constant 0.000000e+00 : f32
    %broadcast_in_dim3A_17 = vector.broadcast %broadcast_in_dim3A : f32 to vector<16xf32>
    %scan3A = arith.constant 0 : i32
    %scan3A_18 = arith.constant 0 : i32
    %scan3A_19 = arith.constant 128 : i32
    %scan3A_20 = arith.addi %scan3A_18, %scan3A_19 : i32
    %scan3A_21 = arith.constant 1 : i32
    scf.for %scan3A_95 = %scan3A_18 to %scan3A_20 step %scan3A_21  : i32 {
      %swap3A = arith.index_cast %scan3A_95 : i32 to index
      %swap3A_96 = arith.constant 0 : index
      %swap3A_97 = tpu.vector_load %arg8[%swap3A, %swap3A_96] {strides = array<i32>} : memref<128x128xf32, #tpu.memory_space<vmem>>, vector<1x16xf32>,
      %swap3A_98 = vector.shape_cast %swap3A_97 : vector<1x16xf32> to vector<16xf32>
      %swap3A_99 = vector.shape_cast %broadcast_in_dim3A_17 : vector<16xf32> to vector<1x16xf32>
      tpu.vector_store %arg8[%swap3A, %swap3A_96], %swap3A_99 {strides = array<i32>} : memref<128x128xf32, #tpu.memory_space<vmem>>, vector<1x16xf32>,
      %swap3A_100 = arith.index_cast %scan3A_95 : i32 to index
      %swap3A_101 = arith.constant 16 : index
      %swap3A_102 = tpu.vector_load %arg8[%swap3A_100, %swap3A_101] {strides = array<i32>} : memref<128x128xf32, #tpu.memory_space<vmem>>, vector<1x16xf32>,
      %swap3A_103 = vector.shape_cast %swap3A_102 : vector<1x16xf32> to vector<16xf32>
      %swap3A_104 = vector.shape_cast %broadcast_in_dim3A_17 : vector<16xf32> to vector<1x16xf32>
      tpu.vector_store %arg8[%swap3A_100, %swap3A_101], %swap3A_104 {strides = array<i32>} : memref<128x128xf32, #tpu.memory_space<vmem>>, vector<1x16xf32>,
      %swap3A_105 = arith.index_cast %scan3A_95 : i32 to index
      %swap3A_106 = arith.constant 32 : index
      %swap3A_107 = tpu.vector_load %arg8[%swap3A_105, %swap3A_106] {strides = array<i32>} : memref<128x128xf32, #tpu.memory_space<vmem>>, vector<1x16xf32>,
      %swap3A_108 = vector.shape_cast %swap3A_107 : vector<1x16xf32> to vector<16xf32>
      %swap3A_109 = vector.shape_cast %broadcast_in_dim3A_17 : vector<16xf32> to vector<1x16xf32>
      tpu.vector_store %arg8[%swap3A_105, %swap3A_106], %swap3A_109 {strides = array<i32>} : memref<128x128xf32, #tpu.memory_space<vmem>>, vector<1x16xf32>,
      %swap3A_110 = arith.index_cast %scan3A_95 : i32 to index
      %swap3A_111 = arith.constant 48 : index
      %swap3A_112 = tpu.vector_load %arg8[%swap3A_110, %swap3A_111] {strides = array<i32>} : memref<128x128xf32, #tpu.memory_space<vmem>>, vector<1x16xf32>,
      %swap3A_113 = vector.shape_cast %swap3A_112 : vector<1x16xf32> to vector<16xf32>
      %swap3A_114 = vector.shape_cast %broadcast_in_dim3A_17 : vector<16xf32> to vector<1x16xf32>
      tpu.vector_store %arg8[%swap3A_110, %swap3A_111], %swap3A_114 {strides = array<i32>} : memref<128x128xf32, #tpu.memory_space<vmem>>, vector<1x16xf32>,
      %swap3A_115 = arith.index_cast %scan3A_95 : i32 to index
      %swap3A_116 = arith.constant 64 : index
      %swap3A_117 = tpu.vector_load %arg8[%swap3A_115, %swap3A_116] {strides = array<i32>} : memref<128x128xf32, #tpu.memory_space<vmem>>, vector<1x16xf32>,
      %swap3A_118 = vector.shape_cast %swap3A_117 : vector<1x16xf32> to vector<16xf32>
      %swap3A_119 = vector.shape_cast %broadcast_in_dim3A_17 : vector<16xf32> to vector<1x16xf32>
      tpu.vector_store %arg8[%swap3A_115, %swap3A_116], %swap3A_119 {strides = array<i32>} : memref<128x128xf32, #tpu.memory_space<vmem>>, vector<1x16xf32>,
      %swap3A_120 = arith.index_cast %scan3A_95 : i32 to index
      %swap3A_121 = arith.constant 80 : index
      %swap3A_122 = tpu.vector_load %arg8[%swap3A_120, %swap3A_121] {strides = array<i32>} : memref<128x128xf32, #tpu.memory_space<vmem>>, vector<1x16xf32>,
      %swap3A_123 = vector.shape_cast %swap3A_122 : vector<1x16xf32> to vector<16xf32>
      %swap3A_124 = vector.shape_cast %broadcast_in_dim3A_17 : vector<16xf32> to vector<1x16xf32>
      tpu.vector_store %arg8[%swap3A_120, %swap3A_121], %swap3A_124 {strides = array<i32>} : memref<128x128xf32, #tpu.memory_space<vmem>>, vector<1x16xf32>,
      %swap3A_125 = arith.index_cast %scan3A_95 : i32 to index
      %swap3A_126 = arith.constant 96 : index
      %swap3A_127 = tpu.vector_load %arg8[%swap3A_125, %swap3A_126] {strides = array<i32>} : memref<128x128xf32, #tpu.memory_space<vmem>>, vector<1x16xf32>,
      %swap3A_128 = vector.shape_cast %swap3A_127 : vector<1x16xf32> to vector<16xf32>
      %swap3A_129 = vector.shape_cast %broadcast_in_dim3A_17 : vector<16xf32> to vector<1x16xf32>
      tpu.vector_store %arg8[%swap3A_125, %swap3A_126], %swap3A_129 {strides = array<i32>} : memref<128x128xf32, #tpu.memory_space<vmem>>, vector<1x16xf32>,
      %swap3A_130 = arith.index_cast %scan3A_95 : i32 to index
      %swap3A_131 = arith.constant 112 : index
      %swap3A_132 = tpu.vector_load %arg8[%swap3A_130, %swap3A_131] {strides = array<i32>} : memref<128x128xf32, #tpu.memory_space<vmem>>, vector<1x16xf32>,
      %swap3A_133 = vector.shape_cast %swap3A_132 : vector<1x16xf32> to vector<16xf32>
      %swap3A_134 = vector.shape_cast %broadcast_in_dim3A_17 : vector<16xf32> to vector<1x16xf32>
      tpu.vector_store %arg8[%swap3A_130, %swap3A_131], %swap3A_134 {strides = array<i32>} : memref<128x128xf32, #tpu.memory_space<vmem>>, vector<1x16xf32>,
    }
    %scan3A_22 = arith.constant 128 : i32
    %eq3A_23 = arith.constant 0 : i32
    %eq3A_24 = arith.cmpi eq, %arg0, %eq3A_23 : i32
    %convert_element_type3A = arith.extui %eq3A_24 : i1 to i32
    %cond3A = arith.constant 0 : i32
    %cond3A_25 = arith.cmpi ne, %convert_element_type3A, %cond3A : i32
    scf.if %cond3A_25 {
      %mul3A_95 = arith.constant 96 : i32
      %mul3A_96 = arith.muli %arg1, %mul3A_95 : i32
      %add3A_97 = arith.constant 0 : i32
      %add3A_98 = arith.addi %mul3A_96, %add3A_97 : i32
      "tpu.region"() ({
        %run_scoped3A = tpu.sem_alloc : memref<!tpu.dma_semaphore, #tpu.memory_space<semaphore_mem>>
        %dma_start3A_99 = arith.constant 0 : i32
        %dma_start3A_100 = arith.constant 0 : i32
        %dma_start3A_101 = tpu.memref_slice %arg8[%dma_start3A_99, %dma_start3A_100] : memref<128x128xf32, #tpu.memory_space<vmem>> -> memref<96x128xf32, #tpu.memory_space<vmem>>
        %dma_start3A_102 = arith.constant 0 : i32
        %dma_start3A_103 = tpu.memref_slice %arg6[%add3A_98, %dma_start3A_102] : memref<1536x128xf32, #tpu.memory_space<vmem_shared>> -> memref<96x128xf32, #tpu.memory_space<vmem_shared>>
        %dma_start3A_104 = arith.constant 0 : i32
        %dma_start3A_105 = tpu.memref_slice %arg6[%add3A_98, %dma_start3A_104] : memref<1536x128xf32, #tpu.memory_space<vmem_shared>> -> memref<96x128xf32, #tpu.memory_space<vmem_shared>>
        %dma_start3A_106 = arith.constant 0 : i32
        %dma_start3A_107 = arith.constant 0 : i32
        %dma_start3A_108 = tpu.memref_slice %arg8[%dma_start3A_106, %dma_start3A_107] : memref<128x128xf32, #tpu.memory_space<vmem>> -> memref<96x128xf32, #tpu.memory_space<vmem>>
        tpu.enqueue_dma source(%dma_start3A_108 : memref<96x128xf32, #tpu.memory_space<vmem>>) target(%dma_start3A_105 : memref<96x128xf32, #tpu.memory_space<vmem_shared>>) target_semaphore(%run_scoped3A : memref<!tpu.dma_semaphore, #tpu.memory_space<semaphore_mem>>)
        %dma_wait3A_109 = arith.constant 0 : i32
        %dma_wait3A_110 = arith.constant 0 : i32
        %dma_wait3A_111 = tpu.memref_slice %arg8[%dma_wait3A_109, %dma_wait3A_110] : memref<128x128xf32, #tpu.memory_space<vmem>> -> memref<96x128xf32, #tpu.memory_space<vmem>>
        %dma_wait3A_112 = arith.constant 0 : i32
        %dma_wait3A_113 = tpu.memref_slice %arg6[%add3A_98, %dma_wait3A_112] : memref<1536x128xf32, #tpu.memory_space<vmem_shared>> -> memref<96x128xf32, #tpu.memory_space<vmem_shared>>
        %dma_wait3A_114 = arith.constant 0 : i32
        %dma_wait3A_115 = tpu.memref_slice %arg6[%add3A_98, %dma_wait3A_114] : memref<1536x128xf32, #tpu.memory_space<vmem_shared>> -> memref<96x128xf32, #tpu.memory_space<vmem_shared>>
        %dma_wait3A_116 = arith.constant 0 : i32
        %dma_wait3A_117 = arith.constant 0 : i32
        %dma_wait3A_118 = tpu.memref_slice %arg8[%dma_wait3A_116, %dma_wait3A_117] : memref<128x128xf32, #tpu.memory_space<vmem>> -> memref<96x128xf32, #tpu.memory_space<vmem>>
        tpu.wait_dma2 semaphore(%run_scoped3A : memref<!tpu.dma_semaphore, #tpu.memory_space<semaphore_mem>>) src(%dma_wait3A_118 : memref<96x128xf32, #tpu.memory_space<vmem>>) dst(%dma_wait3A_115 : memref<96x128xf32, #tpu.memory_space<vmem_shared>>)
        tpu.yield
      }) : () -> ()
    } else {
    }
    %ne3A = arith.constant 0 : i32
    %ne3A_26 = arith.cmpi ne, %arg0, %ne3A : i32
    %convert_element_type3A_27 = arith.extui %ne3A_26 : i1 to i32
    %cond3A_28 = arith.constant 0 : i32
    %cond3A_29 = arith.cmpi ne, %convert_element_type3A_27, %cond3A_28 : i32
    scf.if %cond3A_29 {
      %mul3A_95 = arith.constant 96 : i32
      %mul3A_96 = arith.muli %arg1, %mul3A_95 : i32
      %add3A_97 = arith.constant 0 : i32
      %add3A_98 = arith.addi %mul3A_96, %add3A_97 : i32
      "tpu.region"() ({
        %run_scoped3A = tpu.sem_alloc : memref<!tpu.dma_semaphore, #tpu.memory_space<semaphore_mem>>
        %dma_start3A_99 = arith.constant 0 : i32
        %dma_start3A_100 = arith.constant 0 : i32
        %dma_start3A_101 = tpu.memref_slice %arg8[%dma_start3A_99, %dma_start3A_100] : memref<128x128xf32, #tpu.memory_space<vmem>> -> memref<96x128xf32, #tpu.memory_space<vmem>>
        %dma_start3A_102 = arith.constant 0 : i32
        %dma_start3A_103 = tpu.memref_slice %arg6[%add3A_98, %dma_start3A_102] : memref<1536x128xf32, #tpu.memory_space<vmem_shared>> -> memref<96x128xf32, #tpu.memory_space<vmem_shared>>
        %dma_start3A_104 = arith.constant 0 : i32
        %dma_start3A_105 = tpu.memref_slice %arg6[%add3A_98, %dma_start3A_104] : memref<1536x128xf32, #tpu.memory_space<vmem_shared>> -> memref<96x128xf32, #tpu.memory_space<vmem_shared>>
        %dma_start3A_106 = arith.constant 0 : i32
        %dma_start3A_107 = arith.constant 0 : i32
        %dma_start3A_108 = tpu.memref_slice %arg8[%dma_start3A_106, %dma_start3A_107] : memref<128x128xf32, #tpu.memory_space<vmem>> -> memref<96x128xf32, #tpu.memory_space<vmem>>
        tpu.enqueue_dma source(%dma_start3A_108 : memref<96x128xf32, #tpu.memory_space<vmem>>) target(%dma_start3A_105 : memref<96x128xf32, #tpu.memory_space<vmem_shared>>) target_semaphore(%run_scoped3A : memref<!tpu.dma_semaphore, #tpu.memory_space<semaphore_mem>>)
        %dma_wait3A_109 = arith.constant 0 : i32
        %dma_wait3A_110 = arith.constant 0 : i32
        %dma_wait3A_111 = tpu.memref_slice %arg8[%dma_wait3A_109, %dma_wait3A_110] : memref<128x128xf32, #tpu.memory_space<vmem>> -> memref<96x128xf32, #tpu.memory_space<vmem>>
        %dma_wait3A_112 = arith.constant 0 : i32
        %dma_wait3A_113 = tpu.memref_slice %arg6[%add3A_98, %dma_wait3A_112] : memref<1536x128xf32, #tpu.memory_space<vmem_shared>> -> memref<96x128xf32, #tpu.memory_space<vmem_shared>>
        %dma_wait3A_114 = arith.constant 0 : i32
        %dma_wait3A_115 = tpu.memref_slice %arg6[%add3A_98, %dma_wait3A_114] : memref<1536x128xf32, #tpu.memory_space<vmem_shared>> -> memref<96x128xf32, #tpu.memory_space<vmem_shared>>
        %dma_wait3A_116 = arith.constant 0 : i32
        %dma_wait3A_117 = arith.constant 0 : i32
        %dma_wait3A_118 = tpu.memref_slice %arg8[%dma_wait3A_116, %dma_wait3A_117] : memref<128x128xf32, #tpu.memory_space<vmem>> -> memref<96x128xf32, #tpu.memory_space<vmem>>
        tpu.wait_dma2 semaphore(%run_scoped3A : memref<!tpu.dma_semaphore, #tpu.memory_space<semaphore_mem>>) src(%dma_wait3A_118 : memref<96x128xf32, #tpu.memory_space<vmem>>) dst(%dma_wait3A_115 : memref<96x128xf32, #tpu.memory_space<vmem_shared>>)
        tpu.yield
      }) : () -> ()
    } else {
    }
    %mul3A_30 = arith.constant 624 : i32
    %mul3A_31 = arith.muli %arg1, %mul3A_30 : i32
    %mul3A_32 = arith.constant 624 : i32
    %mul3A_33 = arith.muli %arg1, %mul3A_32 : i32
    "tpu.region"() ({
      %run_scoped3A = tpu.sem_alloc : memref<!tpu.dma_semaphore, #tpu.memory_space<semaphore_mem>>
      %dma_start3A_95 = arith.constant 0 : i32
      %dma_start3A_96 = tpu.memref_slice %arg7[%mul3A_33, %dma_start3A_95] : memref<10000x128xf32, #tpu.memory_space<vmem_shared>> -> memref<624x128xf32, #tpu.memory_space<vmem_shared>>
      %dma_start3A_97 = arith.constant 0 : i32
      %dma_start3A_98 = tpu.memref_slice %arg3[%mul3A_31, %dma_start3A_97] : memref<10000x128xf32, #tpu.memory_space<hbm>> -> memref<624x128xf32, #tpu.memory_space<hbm>>
      tpu.enqueue_dma source(%dma_start3A_98 : memref<624x128xf32, #tpu.memory_space<hbm>>) target(%dma_start3A_96 : memref<624x128xf32, #tpu.memory_space<vmem_shared>>) target_semaphore(%run_scoped3A : memref<!tpu.dma_semaphore, #tpu.memory_space<semaphore_mem>>)
      %dma_wait3A_99 = arith.constant 0 : i32
      %dma_wait3A_100 = tpu.memref_slice %arg7[%mul3A_33, %dma_wait3A_99] : memref<10000x128xf32, #tpu.memory_space<vmem_shared>> -> memref<624x128xf32, #tpu.memory_space<vmem_shared>>
      %dma_wait3A_101 = arith.constant 0 : i32
      %dma_wait3A_102 = tpu.memref_slice %arg3[%mul3A_31, %dma_wait3A_101] : memref<10000x128xf32, #tpu.memory_space<hbm>> -> memref<624x128xf32, #tpu.memory_space<hbm>>
      tpu.wait_dma2 semaphore(%run_scoped3A : memref<!tpu.dma_semaphore, #tpu.memory_space<semaphore_mem>>) src(%dma_wait3A_102 : memref<624x128xf32, #tpu.memory_space<hbm>>) dst(%dma_wait3A_100 : memref<624x128xf32, #tpu.memory_space<vmem_shared>>)
      tpu.yield
    }) : () -> ()
    %eq3A_34 = arith.constant 0 : i32
    %eq3A_35 = arith.cmpi eq, %arg1, %eq3A_34 : i32
    %convert_element_type3A_36 = arith.extui %eq3A_35 : i1 to i32
    %cond3A_37 = arith.constant 0 : i32
    %cond3A_38 = arith.cmpi ne, %convert_element_type3A_36, %cond3A_37 : i32
    scf.if %cond3A_38 {
      "tpu.region"() ({
        %run_scoped3A = tpu.sem_alloc : memref<!tpu.dma_semaphore, #tpu.memory_space<semaphore_mem>>
        %dma_start3A_95 = arith.constant 9984 : i32
        %dma_start3A_96 = arith.constant 0 : i32
        %dma_start3A_97 = tpu.memref_slice %arg7[%dma_start3A_95, %dma_start3A_96] : memref<10000x128xf32, #tpu.memory_space<vmem_shared>> -> memref<16x128xf32, #tpu.memory_space<vmem_shared>>
        %dma_start3A_98 = arith.constant 9984 : i32
        %dma_start3A_99 = arith.constant 0 : i32
        %dma_start3A_100 = tpu.memref_slice %arg3[%dma_start3A_98, %dma_start3A_99] : memref<10000x128xf32, #tpu.memory_space<hbm>> -> memref<16x128xf32, #tpu.memory_space<hbm>>
        tpu.enqueue_dma source(%dma_start3A_100 : memref<16x128xf32, #tpu.memory_space<hbm>>) target(%dma_start3A_97 : memref<16x128xf32, #tpu.memory_space<vmem_shared>>) target_semaphore(%run_scoped3A : memref<!tpu.dma_semaphore, #tpu.memory_space<semaphore_mem>>)
        %dma_wait3A_101 = arith.constant 9984 : i32
        %dma_wait3A_102 = arith.constant 0 : i32
        %dma_wait3A_103 = tpu.memref_slice %arg7[%dma_wait3A_101, %dma_wait3A_102] : memref<10000x128xf32, #tpu.memory_space<vmem_shared>> -> memref<16x128xf32, #tpu.memory_space<vmem_shared>>
        %dma_wait3A_104 = arith.constant 9984 : i32
        %dma_wait3A_105 = arith.constant 0 : i32
        %dma_wait3A_106 = tpu.memref_slice %arg3[%dma_wait3A_104, %dma_wait3A_105] : memref<10000x128xf32, #tpu.memory_space<hbm>> -> memref<16x128xf32, #tpu.memory_space<hbm>>
        tpu.wait_dma2 semaphore(%run_scoped3A : memref<!tpu.dma_semaphore, #tpu.memory_space<semaphore_mem>>) src(%dma_wait3A_106 : memref<16x128xf32, #tpu.memory_space<hbm>>) dst(%dma_wait3A_103 : memref<16x128xf32, #tpu.memory_space<vmem_shared>>)
        tpu.yield
      }) : () -> ()
    } else {
    }
    %barrier3A = arith.constant 0 : index
    tpu.barrier barrier_id(%barrier3A)
    %dma_start3A = arith.constant 0 : i32
    %dma_start3A_39 = arith.constant 0 : i32
    %dma_start3A_40 = tpu.memref_slice %arg5[%dma_start3A, %dma_start3A_39] : memref<24x128xi32, #tpu.memory_space<vmem>> -> memref<1x128xi32, #tpu.memory_space<vmem>>
    %dma_start3A_41 = tpu.memref_squeeze %dma_start3A_40 : memref<1x128xi32, #tpu.memory_space<vmem>> -> memref<128xi32, #tpu.memory_space<vmem>>
    %dma_start3A_42 = arith.constant 0 : i32
    %dma_start3A_43 = arith.constant 0 : i32
    %dma_start3A_44 = tpu.memref_slice %arg7[%dma_start3A_42, %dma_start3A_43] : memref<10000x128xf32, #tpu.memory_space<vmem_shared>> -> memref<10000x128xf32, #tpu.memory_space<vmem_shared>>
    tpu.enqueue_indirect_dma source(%dma_start3A_44 : memref<10000x128xf32, #tpu.memory_space<vmem_shared>>) target(%arg8 : memref<128x128xf32, #tpu.memory_space<vmem>>) offsets(%dma_start3A_41 : memref<128xi32, #tpu.memory_space<vmem>>) semaphore(%arg12 : memref<!tpu.dma_semaphore, #tpu.memory_space<semaphore_mem>>)
    %dma_start3A_45 = arith.constant 1 : i32
    %dma_start3A_46 = arith.constant 0 : i32
    %dma_start3A_47 = tpu.memref_slice %arg5[%dma_start3A_45, %dma_start3A_46] : memref<24x128xi32, #tpu.memory_space<vmem>> -> memref<1x128xi32, #tpu.memory_space<vmem>>
    %dma_start3A_48 = tpu.memref_squeeze %dma_start3A_47 : memref<1x128xi32, #tpu.memory_space<vmem>> -> memref<128xi32, #tpu.memory_space<vmem>>
    %dma_start3A_49 = arith.constant 0 : i32
    %dma_start3A_50 = arith.constant 0 : i32
    %dma_start3A_51 = tpu.memref_slice %arg7[%dma_start3A_49, %dma_start3A_50] : memref<10000x128xf32, #tpu.memory_space<vmem_shared>> -> memref<10000x128xf32, #tpu.memory_space<vmem_shared>>
    tpu.enqueue_indirect_dma source(%dma_start3A_51 : memref<10000x128xf32, #tpu.memory_space<vmem_shared>>) target(%arg9 : memref<128x128xf32, #tpu.memory_space<vmem>>) offsets(%dma_start3A_48 : memref<128xi32, #tpu.memory_space<vmem>>) semaphore(%arg13 : memref<!tpu.dma_semaphore, #tpu.memory_space<semaphore_mem>>)
    %jit3A_52 = arith.constant 2 : i32
    %div3A = arith.divsi %select_n3A_6, %jit3A_52 : i32
    %sign3A = arith.constant 0 : i32
    %sign3A_53 = arith.cmpi sgt, %select_n3A_6, %sign3A : i32
    %sign3A_54 = arith.extui %sign3A_53 : i1 to i32
    %sign3A_55 = arith.constant 0 : i32
    %sign3A_56 = arith.cmpi slt, %select_n3A_6, %sign3A_55 : i32
    %sign3A_57 = arith.extui %sign3A_56 : i1 to i32
    %sign3A_58 = arith.subi %sign3A_54, %sign3A_57 : i32
    %sign3A_59 = arith.constant 0 : i32
    %sign3A_60 = arith.cmpi sgt, %jit3A_52, %sign3A_59 : i32
    %sign3A_61 = arith.extui %sign3A_60 : i1 to i32
    %sign3A_62 = arith.constant 0 : i32
    %sign3A_63 = arith.cmpi slt, %jit3A_52, %sign3A_62 : i32
    %sign3A_64 = arith.extui %sign3A_63 : i1 to i32
    %sign3A_65 = arith.subi %sign3A_61, %sign3A_64 : i32
    %ne3A_66 = arith.cmpi ne, %sign3A_58, %sign3A_65 : i32
    %rem3A = arith.remsi %select_n3A_6, %jit3A_52 : i32
    %ne3A_67 = arith.constant 0 : i32
    %ne3A_68 = arith.cmpi ne, %rem3A, %ne3A_67 : i32
    %and3A = arith.andi %ne3A_66, %ne3A_68 : i1
    %sub3A = arith.constant 1 : i32
    %sub3A_69 = arith.subi %div3A, %sub3A : i32
    %select_n3A_70 = arith.select %and3A, %sub3A_69, %div3A : i32
    %while3A = arith.constant 0 : i32
    %while3A_71 = arith.constant 0 : i32
    %while3A_72 = arith.subi %select_n3A_70, %while3A_71 : i32
    %while3A_73 = arith.addi %while3A_71, %while3A_72 : i32
    %while3A_74 = arith.constant 1 : i32
    %while3A_75 = arith.divsi %while3A_72, %while3A_74 : i32
    %while3A_76 = arith.muli %while3A_75, %while3A_74 : i32
    %while3A_77 = arith.addi %while3A_71, %while3A_76 : i32
    %while3A_78 = arith.constant 1 : i32
    scf.for %while3A_95 = %while3A_71 to %while3A_77 step %while3A_78  : i32 {
      %mul3A_96 = arith.constant 2 : i32
      %mul3A_97 = arith.muli %while3A_95, %mul3A_96 : i32
      %add3A_98 = arith.constant 0 : i32
      %add3A_99 = arith.addi %mul3A_97, %add3A_98 : i32
      %dma_wait3A_100 = arith.constant 0 : i32
      %dma_wait3A_101 = tpu.memref_slice %arg5[%add3A_99, %dma_wait3A_100] : memref<24x128xi32, #tpu.memory_space<vmem>> -> memref<1x128xi32, #tpu.memory_space<vmem>>
      %dma_wait3A_102 = tpu.memref_squeeze %dma_wait3A_101 : memref<1x128xi32, #tpu.memory_space<vmem>> -> memref<128xi32, #tpu.memory_space<vmem>>
      %dma_wait3A_103 = arith.constant 0 : i32
      %dma_wait3A_104 = arith.constant 0 : i32
      %dma_wait3A_105 = tpu.memref_slice %arg7[%dma_wait3A_103, %dma_wait3A_104] : memref<10000x128xf32, #tpu.memory_space<vmem_shared>> -> memref<10000x128xf32, #tpu.memory_space<vmem_shared>>
      tpu.wait_indirect_dma semaphore(%arg12 : memref<!tpu.dma_semaphore, #tpu.memory_space<semaphore_mem>>) src(%dma_wait3A_105 : memref<10000x128xf32, #tpu.memory_space<vmem_shared>>) dst(%arg8 : memref<128x128xf32, #tpu.memory_space<vmem>>)
      %mul3A_106 = arith.constant 4 : i32
      %mul3A_107 = arith.muli %add3A_99, %mul3A_106 : i32
      %add3A_108 = arith.constant 0 : i32
      %add3A_109 = arith.addi %mul3A_107, %add3A_108 : i32
      %broadcast_in_dim3A_110 = vector.broadcast %add3A_109 : i32 to vector<16xi32>
      %add3A_111 = vector.broadcast %mul3A : i32 to vector<16xi32>
      %add3A_112 = arith.addi %broadcast_in_dim3A_110, %add3A_111 : vector<16xi32>
      %swap3A = arith.constant 0 : index
      %swap3A_113 = tpu.vector_load %arg10[%swap3A] {strides = array<i32>} : memref<128xi32, #tpu.memory_space<vmem>>, vector<16xi32>,
      %swap3A_114 = vector.shape_cast %swap3A_113 : vector<16xi32> to vector<16xi32>
      %swap3A_115 = vector.shape_cast %add3A_112 : vector<16xi32> to vector<16xi32>
      tpu.vector_store %arg10[%swap3A], %swap3A_115 {strides = array<i32>} : memref<128xi32, #tpu.memory_space<vmem>>, vector<16xi32>,
      %mul3A_116 = arith.constant 4 : i32
      %mul3A_117 = arith.muli %add3A_99, %mul3A_116 : i32
      %add3A_118 = arith.constant 0 : i32
      %add3A_119 = arith.addi %mul3A_117, %add3A_118 : i32
      %broadcast_in_dim3A_120 = vector.broadcast %add3A_119 : i32 to vector<16xi32>
      %add3A_121 = vector.broadcast %mul3A : i32 to vector<16xi32>
      %add3A_122 = arith.addi %broadcast_in_dim3A_120, %add3A_121 : vector<16xi32>
      %swap3A_123 = arith.constant 16 : index
      %swap3A_124 = tpu.vector_load %arg10[%swap3A_123] {strides = array<i32>} : memref<128xi32, #tpu.memory_space<vmem>>, vector<16xi32>,
      %swap3A_125 = vector.shape_cast %swap3A_124 : vector<16xi32> to vector<16xi32>
      %swap3A_126 = vector.shape_cast %add3A_122 : vector<16xi32> to vector<16xi32>
      tpu.vector_store %arg10[%swap3A_123], %swap3A_126 {strides = array<i32>} : memref<128xi32, #tpu.memory_space<vmem>>, vector<16xi32>,
      %mul3A_127 = arith.constant 4 : i32
      %mul3A_128 = arith.muli %add3A_99, %mul3A_127 : i32
      %add3A_129 = arith.constant 1 : i32
      %add3A_130 = arith.addi %mul3A_128, %add3A_129 : i32
      %broadcast_in_dim3A_131 = vector.broadcast %add3A_130 : i32 to vector<16xi32>
      %add3A_132 = vector.broadcast %mul3A : i32 to vector<16xi32>
      %add3A_133 = arith.addi %broadcast_in_dim3A_131, %add3A_132 : vector<16xi32>
      %swap3A_134 = arith.constant 32 : index
      %swap3A_135 = tpu.vector_load %arg10[%swap3A_134] {strides = array<i32>} : memref<128xi32, #tpu.memory_space<vmem>>, vector<16xi32>,
      %swap3A_136 = vector.shape_cast %swap3A_135 : vector<16xi32> to vector<16xi32>
      %swap3A_137 = vector.shape_cast %add3A_133 : vector<16xi32> to vector<16xi32>
      tpu.vector_store %arg10[%swap3A_134], %swap3A_137 {strides = array<i32>} : memref<128xi32, #tpu.memory_space<vmem>>, vector<16xi32>,
      %mul3A_138 = arith.constant 4 : i32
      %mul3A_139 = arith.muli %add3A_99, %mul3A_138 : i32
      %add3A_140 = arith.constant 1 : i32
      %add3A_141 = arith.addi %mul3A_139, %add3A_140 : i32
      %broadcast_in_dim3A_142 = vector.broadcast %add3A_141 : i32 to vector<16xi32>
      %add3A_143 = vector.broadcast %mul3A : i32 to vector<16xi32>
      %add3A_144 = arith.addi %broadcast_in_dim3A_142, %add3A_143 : vector<16xi32>
      %swap3A_145 = arith.constant 48 : index
      %swap3A_146 = tpu.vector_load %arg10[%swap3A_145] {strides = array<i32>} : memref<128xi32, #tpu.memory_space<vmem>>, vector<16xi32>,
      %swap3A_147 = vector.shape_cast %swap3A_146 : vector<16xi32> to vector<16xi32>
      %swap3A_148 = vector.shape_cast %add3A_144 : vector<16xi32> to vector<16xi32>
      tpu.vector_store %arg10[%swap3A_145], %swap3A_148 {strides = array<i32>} : memref<128xi32, #tpu.memory_space<vmem>>, vector<16xi32>,
      %mul3A_149 = arith.constant 4 : i32
      %mul3A_150 = arith.muli %add3A_99, %mul3A_149 : i32
      %add3A_151 = arith.constant 2 : i32
      %add3A_152 = arith.addi %mul3A_150, %add3A_151 : i32
      %broadcast_in_dim3A_153 = vector.broadcast %add3A_152 : i32 to vector<16xi32>
      %add3A_154 = vector.broadcast %mul3A : i32 to vector<16xi32>
      %add3A_155 = arith.addi %broadcast_in_dim3A_153, %add3A_154 : vector<16xi32>
      %swap3A_156 = arith.constant 64 : index
      %swap3A_157 = tpu.vector_load %arg10[%swap3A_156] {strides = array<i32>} : memref<128xi32, #tpu.memory_space<vmem>>, vector<16xi32>,
      %swap3A_158 = vector.shape_cast %swap3A_157 : vector<16xi32> to vector<16xi32>
      %swap3A_159 = vector.shape_cast %add3A_155 : vector<16xi32> to vector<16xi32>
      tpu.vector_store %arg10[%swap3A_156], %swap3A_159 {strides = array<i32>} : memref<128xi32, #tpu.memory_space<vmem>>, vector<16xi32>,
      %mul3A_160 = arith.constant 4 : i32
      %mul3A_161 = arith.muli %add3A_99, %mul3A_160 : i32
      %add3A_162 = arith.constant 2 : i32
      %add3A_163 = arith.addi %mul3A_161, %add3A_162 : i32
      %broadcast_in_dim3A_164 = vector.broadcast %add3A_163 : i32 to vector<16xi32>
      %add3A_165 = vector.broadcast %mul3A : i32 to vector<16xi32>
      %add3A_166 = arith.addi %broadcast_in_dim3A_164, %add3A_165 : vector<16xi32>
      %swap3A_167 = arith.constant 80 : index
      %swap3A_168 = tpu.vector_load %arg10[%swap3A_167] {strides = array<i32>} : memref<128xi32, #tpu.memory_space<vmem>>, vector<16xi32>,
      %swap3A_169 = vector.shape_cast %swap3A_168 : vector<16xi32> to vector<16xi32>
      %swap3A_170 = vector.shape_cast %add3A_166 : vector<16xi32> to vector<16xi32>
      tpu.vector_store %arg10[%swap3A_167], %swap3A_170 {strides = array<i32>} : memref<128xi32, #tpu.memory_space<vmem>>, vector<16xi32>,
      %mul3A_171 = arith.constant 4 : i32
      %mul3A_172 = arith.muli %add3A_99, %mul3A_171 : i32
      %add3A_173 = arith.constant 3 : i32
      %add3A_174 = arith.addi %mul3A_172, %add3A_173 : i32
      %broadcast_in_dim3A_175 = vector.broadcast %add3A_174 : i32 to vector<16xi32>
      %add3A_176 = vector.broadcast %mul3A : i32 to vector<16xi32>
      %add3A_177 = arith.addi %broadcast_in_dim3A_175, %add3A_176 : vector<16xi32>
      %swap3A_178 = arith.constant 96 : index
      %swap3A_179 = tpu.vector_load %arg10[%swap3A_178] {strides = array<i32>} : memref<128xi32, #tpu.memory_space<vmem>>, vector<16xi32>,
      %swap3A_180 = vector.shape_cast %swap3A_179 : vector<16xi32> to vector<16xi32>
      %swap3A_181 = vector.shape_cast %add3A_177 : vector<16xi32> to vector<16xi32>
      tpu.vector_store %arg10[%swap3A_178], %swap3A_181 {strides = array<i32>} : memref<128xi32, #tpu.memory_space<vmem>>, vector<16xi32>,
      %mul3A_182 = arith.constant 4 : i32
      %mul3A_183 = arith.muli %add3A_99, %mul3A_182 : i32
      %add3A_184 = arith.constant 3 : i32
      %add3A_185 = arith.addi %mul3A_183, %add3A_184 : i32
      %broadcast_in_dim3A_186 = vector.broadcast %add3A_185 : i32 to vector<16xi32>
      %add3A_187 = vector.broadcast %mul3A : i32 to vector<16xi32>
      %add3A_188 = arith.addi %broadcast_in_dim3A_186, %add3A_187 : vector<16xi32>
      %swap3A_189 = arith.constant 112 : index
      %swap3A_190 = tpu.vector_load %arg10[%swap3A_189] {strides = array<i32>} : memref<128xi32, #tpu.memory_space<vmem>>, vector<16xi32>,
      %swap3A_191 = vector.shape_cast %swap3A_190 : vector<16xi32> to vector<16xi32>
      %swap3A_192 = vector.shape_cast %add3A_188 : vector<16xi32> to vector<16xi32>
      tpu.vector_store %arg10[%swap3A_189], %swap3A_192 {strides = array<i32>} : memref<128xi32, #tpu.memory_space<vmem>>, vector<16xi32>,
      %dma_start3A_193 = arith.constant 0 : i32
      %dma_start3A_194 = arith.constant 0 : i32
      %dma_start3A_195 = tpu.memref_slice %arg6[%dma_start3A_193, %dma_start3A_194] : memref<1536x128xf32, #tpu.memory_space<vmem_shared>> -> memref<1536x128xf32, #tpu.memory_space<vmem_shared>>
      tpu.enqueue_indirect_dma source(%arg8 : memref<128x128xf32, #tpu.memory_space<vmem>>) target(%dma_start3A_195 : memref<1536x128xf32, #tpu.memory_space<vmem_shared>>) offsets(%arg10 : memref<128xi32, #tpu.memory_space<vmem>>) semaphore(%arg14 : memref<!tpu.dma_semaphore, #tpu.memory_space<semaphore_mem>>) {add = true}
      %mul3A_196 = arith.constant 2 : i32
      %mul3A_197 = arith.muli %while3A_95, %mul3A_196 : i32
      %add3A_198 = arith.constant 1 : i32
      %add3A_199 = arith.addi %mul3A_197, %add3A_198 : i32
      %dma_wait3A_200 = arith.constant 0 : i32
      %dma_wait3A_201 = tpu.memref_slice %arg5[%add3A_199, %dma_wait3A_200] : memref<24x128xi32, #tpu.memory_space<vmem>> -> memref<1x128xi32, #tpu.memory_space<vmem>>
      %dma_wait3A_202 = tpu.memref_squeeze %dma_wait3A_201 : memref<1x128xi32, #tpu.memory_space<vmem>> -> memref<128xi32, #tpu.memory_space<vmem>>
      %dma_wait3A_203 = arith.constant 0 : i32
      %dma_wait3A_204 = arith.constant 0 : i32
      %dma_wait3A_205 = tpu.memref_slice %arg7[%dma_wait3A_203, %dma_wait3A_204] : memref<10000x128xf32, #tpu.memory_space<vmem_shared>> -> memref<10000x128xf32, #tpu.memory_space<vmem_shared>>
      tpu.wait_indirect_dma semaphore(%arg13 : memref<!tpu.dma_semaphore, #tpu.memory_space<semaphore_mem>>) src(%dma_wait3A_205 : memref<10000x128xf32, #tpu.memory_space<vmem_shared>>) dst(%arg9 : memref<128x128xf32, #tpu.memory_space<vmem>>)
      %mul3A_206 = arith.constant 4 : i32
      %mul3A_207 = arith.muli %add3A_199, %mul3A_206 : i32
      %add3A_208 = arith.constant 0 : i32
      %add3A_209 = arith.addi %mul3A_207, %add3A_208 : i32
      %broadcast_in_dim3A_210 = vector.broadcast %add3A_209 : i32 to vector<16xi32>
      %add3A_211 = vector.broadcast %mul3A : i32 to vector<16xi32>
      %add3A_212 = arith.addi %broadcast_in_dim3A_210, %add3A_211 : vector<16xi32>
      %swap3A_213 = arith.constant 0 : index
      %swap3A_214 = tpu.vector_load %arg11[%swap3A_213] {strides = array<i32>} : memref<128xi32, #tpu.memory_space<vmem>>, vector<16xi32>,
      %swap3A_215 = vector.shape_cast %swap3A_214 : vector<16xi32> to vector<16xi32>
      %swap3A_216 = vector.shape_cast %add3A_212 : vector<16xi32> to vector<16xi32>
      tpu.vector_store %arg11[%swap3A_213], %swap3A_216 {strides = array<i32>} : memref<128xi32, #tpu.memory_space<vmem>>, vector<16xi32>,
      %mul3A_217 = arith.constant 4 : i32
      %mul3A_218 = arith.muli %add3A_199, %mul3A_217 : i32
      %add3A_219 = arith.constant 0 : i32
      %add3A_220 = arith.addi %mul3A_218, %add3A_219 : i32
      %broadcast_in_dim3A_221 = vector.broadcast %add3A_220 : i32 to vector<16xi32>
      %add3A_222 = vector.broadcast %mul3A : i32 to vector<16xi32>
      %add3A_223 = arith.addi %broadcast_in_dim3A_221, %add3A_222 : vector<16xi32>
      %swap3A_224 = arith.constant 16 : index
      %swap3A_225 = tpu.vector_load %arg11[%swap3A_224] {strides = array<i32>} : memref<128xi32, #tpu.memory_space<vmem>>, vector<16xi32>,
      %swap3A_226 = vector.shape_cast %swap3A_225 : vector<16xi32> to vector<16xi32>
      %swap3A_227 = vector.shape_cast %add3A_223 : vector<16xi32> to vector<16xi32>
      tpu.vector_store %arg11[%swap3A_224], %swap3A_227 {strides = array<i32>} : memref<128xi32, #tpu.memory_space<vmem>>, vector<16xi32>,
      %mul3A_228 = arith.constant 4 : i32
      %mul3A_229 = arith.muli %add3A_199, %mul3A_228 : i32
      %add3A_230 = arith.constant 1 : i32
      %add3A_231 = arith.addi %mul3A_229, %add3A_230 : i32
      %broadcast_in_dim3A_232 = vector.broadcast %add3A_231 : i32 to vector<16xi32>
      %add3A_233 = vector.broadcast %mul3A : i32 to vector<16xi32>
      %add3A_234 = arith.addi %broadcast_in_dim3A_232, %add3A_233 : vector<16xi32>
      %swap3A_235 = arith.constant 32 : index
      %swap3A_236 = tpu.vector_load %arg11[%swap3A_235] {strides = array<i32>} : memref<128xi32, #tpu.memory_space<vmem>>, vector<16xi32>,
      %swap3A_237 = vector.shape_cast %swap3A_236 : vector<16xi32> to vector<16xi32>
      %swap3A_238 = vector.shape_cast %add3A_234 : vector<16xi32> to vector<16xi32>
      tpu.vector_store %arg11[%swap3A_235], %swap3A_238 {strides = array<i32>} : memref<128xi32, #tpu.memory_space<vmem>>, vector<16xi32>,
      %mul3A_239 = arith.constant 4 : i32
      %mul3A_240 = arith.muli %add3A_199, %mul3A_239 : i32
      %add3A_241 = arith.constant 1 : i32
      %add3A_242 = arith.addi %mul3A_240, %add3A_241 : i32
      %broadcast_in_dim3A_243 = vector.broadcast %add3A_242 : i32 to vector<16xi32>
      %add3A_244 = vector.broadcast %mul3A : i32 to vector<16xi32>
      %add3A_245 = arith.addi %broadcast_in_dim3A_243, %add3A_244 : vector<16xi32>
      %swap3A_246 = arith.constant 48 : index
      %swap3A_247 = tpu.vector_load %arg11[%swap3A_246] {strides = array<i32>} : memref<128xi32, #tpu.memory_space<vmem>>, vector<16xi32>,
      %swap3A_248 = vector.shape_cast %swap3A_247 : vector<16xi32> to vector<16xi32>
      %swap3A_249 = vector.shape_cast %add3A_245 : vector<16xi32> to vector<16xi32>
      tpu.vector_store %arg11[%swap3A_246], %swap3A_249 {strides = array<i32>} : memref<128xi32, #tpu.memory_space<vmem>>, vector<16xi32>,
      %mul3A_250 = arith.constant 4 : i32
      %mul3A_251 = arith.muli %add3A_199, %mul3A_250 : i32
      %add3A_252 = arith.constant 2 : i32
      %add3A_253 = arith.addi %mul3A_251, %add3A_252 : i32
      %broadcast_in_dim3A_254 = vector.broadcast %add3A_253 : i32 to vector<16xi32>
      %add3A_255 = vector.broadcast %mul3A : i32 to vector<16xi32>
      %add3A_256 = arith.addi %broadcast_in_dim3A_254, %add3A_255 : vector<16xi32>
      %swap3A_257 = arith.constant 64 : index
      %swap3A_258 = tpu.vector_load %arg11[%swap3A_257] {strides = array<i32>} : memref<128xi32, #tpu.memory_space<vmem>>, vector<16xi32>,
      %swap3A_259 = vector.shape_cast %swap3A_258 : vector<16xi32> to vector<16xi32>
      %swap3A_260 = vector.shape_cast %add3A_256 : vector<16xi32> to vector<16xi32>
      tpu.vector_store %arg11[%swap3A_257], %swap3A_260 {strides = array<i32>} : memref<128xi32, #tpu.memory_space<vmem>>, vector<16xi32>,
      %mul3A_261 = arith.constant 4 : i32
      %mul3A_262 = arith.muli %add3A_199, %mul3A_261 : i32
      %add3A_263 = arith.constant 2 : i32
      %add3A_264 = arith.addi %mul3A_262, %add3A_263 : i32
      %broadcast_in_dim3A_265 = vector.broadcast %add3A_264 : i32 to vector<16xi32>
      %add3A_266 = vector.broadcast %mul3A : i32 to vector<16xi32>
      %add3A_267 = arith.addi %broadcast_in_dim3A_265, %add3A_266 : vector<16xi32>
      %swap3A_268 = arith.constant 80 : index
      %swap3A_269 = tpu.vector_load %arg11[%swap3A_268] {strides = array<i32>} : memref<128xi32, #tpu.memory_space<vmem>>, vector<16xi32>,
      %swap3A_270 = vector.shape_cast %swap3A_269 : vector<16xi32> to vector<16xi32>
      %swap3A_271 = vector.shape_cast %add3A_267 : vector<16xi32> to vector<16xi32>
      tpu.vector_store %arg11[%swap3A_268], %swap3A_271 {strides = array<i32>} : memref<128xi32, #tpu.memory_space<vmem>>, vector<16xi32>,
      %mul3A_272 = arith.constant 4 : i32
      %mul3A_273 = arith.muli %add3A_199, %mul3A_272 : i32
      %add3A_274 = arith.constant 3 : i32
      %add3A_275 = arith.addi %mul3A_273, %add3A_274 : i32
      %broadcast_in_dim3A_276 = vector.broadcast %add3A_275 : i32 to vector<16xi32>
      %add3A_277 = vector.broadcast %mul3A : i32 to vector<16xi32>
      %add3A_278 = arith.addi %broadcast_in_dim3A_276, %add3A_277 : vector<16xi32>
      %swap3A_279 = arith.constant 96 : index
      %swap3A_280 = tpu.vector_load %arg11[%swap3A_279] {strides = array<i32>} : memref<128xi32, #tpu.memory_space<vmem>>, vector<16xi32>,
      %swap3A_281 = vector.shape_cast %swap3A_280 : vector<16xi32> to vector<16xi32>
      %swap3A_282 = vector.shape_cast %add3A_278 : vector<16xi32> to vector<16xi32>
      tpu.vector_store %arg11[%swap3A_279], %swap3A_282 {strides = array<i32>} : memref<128xi32, #tpu.memory_space<vmem>>, vector<16xi32>,
      %mul3A_283 = arith.constant 4 : i32
      %mul3A_284 = arith.muli %add3A_199, %mul3A_283 : i32
      %add3A_285 = arith.constant 3 : i32
      %add3A_286 = arith.addi %mul3A_284, %add3A_285 : i32
      %broadcast_in_dim3A_287 = vector.broadcast %add3A_286 : i32 to vector<16xi32>
      %add3A_288 = vector.broadcast %mul3A : i32 to vector<16xi32>
      %add3A_289 = arith.addi %broadcast_in_dim3A_287, %add3A_288 : vector<16xi32>
      %swap3A_290 = arith.constant 112 : index
      %swap3A_291 = tpu.vector_load %arg11[%swap3A_290] {strides = array<i32>} : memref<128xi32, #tpu.memory_space<vmem>>, vector<16xi32>,
      %swap3A_292 = vector.shape_cast %swap3A_291 : vector<16xi32> to vector<16xi32>
      %swap3A_293 = vector.shape_cast %add3A_289 : vector<16xi32> to vector<16xi32>
      tpu.vector_store %arg11[%swap3A_290], %swap3A_293 {strides = array<i32>} : memref<128xi32, #tpu.memory_space<vmem>>, vector<16xi32>,
      %dma_start3A_294 = arith.constant 0 : i32
      %dma_start3A_295 = arith.constant 0 : i32
      %dma_start3A_296 = tpu.memref_slice %arg6[%dma_start3A_294, %dma_start3A_295] : memref<1536x128xf32, #tpu.memory_space<vmem_shared>> -> memref<1536x128xf32, #tpu.memory_space<vmem_shared>>
      tpu.enqueue_indirect_dma source(%arg9 : memref<128x128xf32, #tpu.memory_space<vmem>>) target(%dma_start3A_296 : memref<1536x128xf32, #tpu.memory_space<vmem_shared>>) offsets(%arg11 : memref<128xi32, #tpu.memory_space<vmem>>) semaphore(%arg15 : memref<!tpu.dma_semaphore, #tpu.memory_space<semaphore_mem>>) {add = true}
      %mul3A_297 = arith.constant 2 : i32
      %mul3A_298 = arith.muli %while3A_95, %mul3A_297 : i32
      %add3A_299 = arith.constant 0 : i32
      %add3A_300 = arith.addi %mul3A_298, %add3A_299 : i32
      %add3A_301 = arith.constant 2 : i32
      %add3A_302 = arith.addi %add3A_300, %add3A_301 : i32
      %lt3A = arith.cmpi slt, %add3A_302, %select_n3A_6 : i32
      %convert_element_type3A_303 = arith.extui %lt3A : i1 to i32
      %cond3A_304 = arith.constant 0 : i32
      %cond3A_305 = arith.cmpi ne, %convert_element_type3A_303, %cond3A_304 : i32
      scf.if %cond3A_305 {
        %mul3A_316 = arith.constant 2 : i32
        %mul3A_317 = arith.muli %while3A_95, %mul3A_316 : i32
        %add3A_318 = arith.constant 0 : i32
        %add3A_319 = arith.addi %mul3A_317, %add3A_318 : i32
        %dma_wait3A_320 = arith.constant 0 : i32
        %dma_wait3A_321 = arith.constant 0 : i32
        %dma_wait3A_322 = tpu.memref_slice %arg6[%dma_wait3A_320, %dma_wait3A_321] : memref<1536x128xf32, #tpu.memory_space<vmem_shared>> -> memref<1536x128xf32, #tpu.memory_space<vmem_shared>>
        tpu.wait_indirect_dma semaphore(%arg14 : memref<!tpu.dma_semaphore, #tpu.memory_space<semaphore_mem>>) src(%arg8 : memref<128x128xf32, #tpu.memory_space<vmem>>) dst(%dma_wait3A_322 : memref<1536x128xf32, #tpu.memory_space<vmem_shared>>)
        %add3A_323 = arith.constant 2 : i32
        %add3A_324 = arith.addi %add3A_319, %add3A_323 : i32
        %dma_start3A_325 = arith.constant 0 : i32
        %dma_start3A_326 = tpu.memref_slice %arg5[%add3A_324, %dma_start3A_325] : memref<24x128xi32, #tpu.memory_space<vmem>> -> memref<1x128xi32, #tpu.memory_space<vmem>>
        %dma_start3A_327 = tpu.memref_squeeze %dma_start3A_326 : memref<1x128xi32, #tpu.memory_space<vmem>> -> memref<128xi32, #tpu.memory_space<vmem>>
        %dma_start3A_328 = arith.constant 0 : i32
        %dma_start3A_329 = arith.constant 0 : i32
        %dma_start3A_330 = tpu.memref_slice %arg7[%dma_start3A_328, %dma_start3A_329] : memref<10000x128xf32, #tpu.memory_space<vmem_shared>> -> memref<10000x128xf32, #tpu.memory_space<vmem_shared>>
        tpu.enqueue_indirect_dma source(%dma_start3A_330 : memref<10000x128xf32, #tpu.memory_space<vmem_shared>>) target(%arg8 : memref<128x128xf32, #tpu.memory_space<vmem>>) offsets(%dma_start3A_327 : memref<128xi32, #tpu.memory_space<vmem>>) semaphore(%arg12 : memref<!tpu.dma_semaphore, #tpu.memory_space<semaphore_mem>>)
      } else {
      }
      %mul3A_306 = arith.constant 2 : i32
      %mul3A_307 = arith.muli %while3A_95, %mul3A_306 : i32
      %add3A_308 = arith.constant 1 : i32
      %add3A_309 = arith.addi %mul3A_307, %add3A_308 : i32
      %add3A_310 = arith.constant 2 : i32
      %add3A_311 = arith.addi %add3A_309, %add3A_310 : i32
      %lt3A_312 = arith.cmpi slt, %add3A_311, %select_n3A_6 : i32
      %convert_element_type3A_313 = arith.extui %lt3A_312 : i1 to i32
      %cond3A_314 = arith.constant 0 : i32
      %cond3A_315 = arith.cmpi ne, %convert_element_type3A_313, %cond3A_314 : i32
      scf.if %cond3A_315 {
        %mul3A_316 = arith.constant 2 : i32
        %mul3A_317 = arith.muli %while3A_95, %mul3A_316 : i32
        %add3A_318 = arith.constant 1 : i32
        %add3A_319 = arith.addi %mul3A_317, %add3A_318 : i32
        %dma_wait3A_320 = arith.constant 0 : i32
        %dma_wait3A_321 = arith.constant 0 : i32
        %dma_wait3A_322 = tpu.memref_slice %arg6[%dma_wait3A_320, %dma_wait3A_321] : memref<1536x128xf32, #tpu.memory_space<vmem_shared>> -> memref<1536x128xf32, #tpu.memory_space<vmem_shared>>
        tpu.wait_indirect_dma semaphore(%arg15 : memref<!tpu.dma_semaphore, #tpu.memory_space<semaphore_mem>>) src(%arg9 : memref<128x128xf32, #tpu.memory_space<vmem>>) dst(%dma_wait3A_322 : memref<1536x128xf32, #tpu.memory_space<vmem_shared>>)
        %add3A_323 = arith.constant 2 : i32
        %add3A_324 = arith.addi %add3A_319, %add3A_323 : i32
        %dma_start3A_325 = arith.constant 0 : i32
        %dma_start3A_326 = tpu.memref_slice %arg5[%add3A_324, %dma_start3A_325] : memref<24x128xi32, #tpu.memory_space<vmem>> -> memref<1x128xi32, #tpu.memory_space<vmem>>
        %dma_start3A_327 = tpu.memref_squeeze %dma_start3A_326 : memref<1x128xi32, #tpu.memory_space<vmem>> -> memref<128xi32, #tpu.memory_space<vmem>>
        %dma_start3A_328 = arith.constant 0 : i32
        %dma_start3A_329 = arith.constant 0 : i32
        %dma_start3A_330 = tpu.memref_slice %arg7[%dma_start3A_328, %dma_start3A_329] : memref<10000x128xf32, #tpu.memory_space<vmem_shared>> -> memref<10000x128xf32, #tpu.memory_space<vmem_shared>>
        tpu.enqueue_indirect_dma source(%dma_start3A_330 : memref<10000x128xf32, #tpu.memory_space<vmem_shared>>) target(%arg9 : memref<128x128xf32, #tpu.memory_space<vmem>>) offsets(%dma_start3A_327 : memref<128xi32, #tpu.memory_space<vmem>>) semaphore(%arg13 : memref<!tpu.dma_semaphore, #tpu.memory_space<semaphore_mem>>)
      } else {
      }
    }
    %while3A_79 = arith.constant 1 : i32
    scf.for %while3A_95 = %while3A_77 to %while3A_73 step %while3A_79  : i32 {
      %mul3A_96 = arith.constant 2 : i32
      %mul3A_97 = arith.muli %while3A_95, %mul3A_96 : i32
      %add3A_98 = arith.constant 0 : i32
      %add3A_99 = arith.addi %mul3A_97, %add3A_98 : i32
      %dma_wait3A_100 = arith.constant 0 : i32
      %dma_wait3A_101 = tpu.memref_slice %arg5[%add3A_99, %dma_wait3A_100] : memref<24x128xi32, #tpu.memory_space<vmem>> -> memref<1x128xi32, #tpu.memory_space<vmem>>
      %dma_wait3A_102 = tpu.memref_squeeze %dma_wait3A_101 : memref<1x128xi32, #tpu.memory_space<vmem>> -> memref<128xi32, #tpu.memory_space<vmem>>
      %dma_wait3A_103 = arith.constant 0 : i32
      %dma_wait3A_104 = arith.constant 0 : i32
      %dma_wait3A_105 = tpu.memref_slice %arg7[%dma_wait3A_103, %dma_wait3A_104] : memref<10000x128xf32, #tpu.memory_space<vmem_shared>> -> memref<10000x128xf32, #tpu.memory_space<vmem_shared>>
      tpu.wait_indirect_dma semaphore(%arg12 : memref<!tpu.dma_semaphore, #tpu.memory_space<semaphore_mem>>) src(%dma_wait3A_105 : memref<10000x128xf32, #tpu.memory_space<vmem_shared>>) dst(%arg8 : memref<128x128xf32, #tpu.memory_space<vmem>>)
      %mul3A_106 = arith.constant 4 : i32
      %mul3A_107 = arith.muli %add3A_99, %mul3A_106 : i32
      %add3A_108 = arith.constant 0 : i32
      %add3A_109 = arith.addi %mul3A_107, %add3A_108 : i32
      %broadcast_in_dim3A_110 = vector.broadcast %add3A_109 : i32 to vector<16xi32>
      %add3A_111 = vector.broadcast %mul3A : i32 to vector<16xi32>
      %add3A_112 = arith.addi %broadcast_in_dim3A_110, %add3A_111 : vector<16xi32>
      %swap3A = arith.constant 0 : index
      %swap3A_113 = tpu.vector_load %arg10[%swap3A] {strides = array<i32>} : memref<128xi32, #tpu.memory_space<vmem>>, vector<16xi32>,
      %swap3A_114 = vector.shape_cast %swap3A_113 : vector<16xi32> to vector<16xi32>
      %swap3A_115 = vector.shape_cast %add3A_112 : vector<16xi32> to vector<16xi32>
      tpu.vector_store %arg10[%swap3A], %swap3A_115 {strides = array<i32>} : memref<128xi32, #tpu.memory_space<vmem>>, vector<16xi32>,
      %mul3A_116 = arith.constant 4 : i32
      %mul3A_117 = arith.muli %add3A_99, %mul3A_116 : i32
      %add3A_118 = arith.constant 0 : i32
      %add3A_119 = arith.addi %mul3A_117, %add3A_118 : i32
      %broadcast_in_dim3A_120 = vector.broadcast %add3A_119 : i32 to vector<16xi32>
      %add3A_121 = vector.broadcast %mul3A : i32 to vector<16xi32>
      %add3A_122 = arith.addi %broadcast_in_dim3A_120, %add3A_121 : vector<16xi32>
      %swap3A_123 = arith.constant 16 : index
      %swap3A_124 = tpu.vector_load %arg10[%swap3A_123] {strides = array<i32>} : memref<128xi32, #tpu.memory_space<vmem>>, vector<16xi32>,
      %swap3A_125 = vector.shape_cast %swap3A_124 : vector<16xi32> to vector<16xi32>
      %swap3A_126 = vector.shape_cast %add3A_122 : vector<16xi32> to vector<16xi32>
      tpu.vector_store %arg10[%swap3A_123], %swap3A_126 {strides = array<i32>} : memref<128xi32, #tpu.memory_space<vmem>>, vector<16xi32>,
      %mul3A_127 = arith.constant 4 : i32
      %mul3A_128 = arith.muli %add3A_99, %mul3A_127 : i32
      %add3A_129 = arith.constant 1 : i32
      %add3A_130 = arith.addi %mul3A_128, %add3A_129 : i32
      %broadcast_in_dim3A_131 = vector.broadcast %add3A_130 : i32 to vector<16xi32>
      %add3A_132 = vector.broadcast %mul3A : i32 to vector<16xi32>
      %add3A_133 = arith.addi %broadcast_in_dim3A_131, %add3A_132 : vector<16xi32>
      %swap3A_134 = arith.constant 32 : index
      %swap3A_135 = tpu.vector_load %arg10[%swap3A_134] {strides = array<i32>} : memref<128xi32, #tpu.memory_space<vmem>>, vector<16xi32>,
      %swap3A_136 = vector.shape_cast %swap3A_135 : vector<16xi32> to vector<16xi32>
      %swap3A_137 = vector.shape_cast %add3A_133 : vector<16xi32> to vector<16xi32>
      tpu.vector_store %arg10[%swap3A_134], %swap3A_137 {strides = array<i32>} : memref<128xi32, #tpu.memory_space<vmem>>, vector<16xi32>,
      %mul3A_138 = arith.constant 4 : i32
      %mul3A_139 = arith.muli %add3A_99, %mul3A_138 : i32
      %add3A_140 = arith.constant 1 : i32
      %add3A_141 = arith.addi %mul3A_139, %add3A_140 : i32
      %broadcast_in_dim3A_142 = vector.broadcast %add3A_141 : i32 to vector<16xi32>
      %add3A_143 = vector.broadcast %mul3A : i32 to vector<16xi32>
      %add3A_144 = arith.addi %broadcast_in_dim3A_142, %add3A_143 : vector<16xi32>
      %swap3A_145 = arith.constant 48 : index
      %swap3A_146 = tpu.vector_load %arg10[%swap3A_145] {strides = array<i32>} : memref<128xi32, #tpu.memory_space<vmem>>, vector<16xi32>,
      %swap3A_147 = vector.shape_cast %swap3A_146 : vector<16xi32> to vector<16xi32>
      %swap3A_148 = vector.shape_cast %add3A_144 : vector<16xi32> to vector<16xi32>
      tpu.vector_store %arg10[%swap3A_145], %swap3A_148 {strides = array<i32>} : memref<128xi32, #tpu.memory_space<vmem>>, vector<16xi32>,
      %mul3A_149 = arith.constant 4 : i32
      %mul3A_150 = arith.muli %add3A_99, %mul3A_149 : i32
      %add3A_151 = arith.constant 2 : i32
      %add3A_152 = arith.addi %mul3A_150, %add3A_151 : i32
      %broadcast_in_dim3A_153 = vector.broadcast %add3A_152 : i32 to vector<16xi32>
      %add3A_154 = vector.broadcast %mul3A : i32 to vector<16xi32>
      %add3A_155 = arith.addi %broadcast_in_dim3A_153, %add3A_154 : vector<16xi32>
      %swap3A_156 = arith.constant 64 : index
      %swap3A_157 = tpu.vector_load %arg10[%swap3A_156] {strides = array<i32>} : memref<128xi32, #tpu.memory_space<vmem>>, vector<16xi32>,
      %swap3A_158 = vector.shape_cast %swap3A_157 : vector<16xi32> to vector<16xi32>
      %swap3A_159 = vector.shape_cast %add3A_155 : vector<16xi32> to vector<16xi32>
      tpu.vector_store %arg10[%swap3A_156], %swap3A_159 {strides = array<i32>} : memref<128xi32, #tpu.memory_space<vmem>>, vector<16xi32>,
      %mul3A_160 = arith.constant 4 : i32
      %mul3A_161 = arith.muli %add3A_99, %mul3A_160 : i32
      %add3A_162 = arith.constant 2 : i32
      %add3A_163 = arith.addi %mul3A_161, %add3A_162 : i32
      %broadcast_in_dim3A_164 = vector.broadcast %add3A_163 : i32 to vector<16xi32>
      %add3A_165 = vector.broadcast %mul3A : i32 to vector<16xi32>
      %add3A_166 = arith.addi %broadcast_in_dim3A_164, %add3A_165 : vector<16xi32>
      %swap3A_167 = arith.constant 80 : index
      %swap3A_168 = tpu.vector_load %arg10[%swap3A_167] {strides = array<i32>} : memref<128xi32, #tpu.memory_space<vmem>>, vector<16xi32>,
      %swap3A_169 = vector.shape_cast %swap3A_168 : vector<16xi32> to vector<16xi32>
      %swap3A_170 = vector.shape_cast %add3A_166 : vector<16xi32> to vector<16xi32>
      tpu.vector_store %arg10[%swap3A_167], %swap3A_170 {strides = array<i32>} : memref<128xi32, #tpu.memory_space<vmem>>, vector<16xi32>,
      %mul3A_171 = arith.constant 4 : i32
      %mul3A_172 = arith.muli %add3A_99, %mul3A_171 : i32
      %add3A_173 = arith.constant 3 : i32
      %add3A_174 = arith.addi %mul3A_172, %add3A_173 : i32
      %broadcast_in_dim3A_175 = vector.broadcast %add3A_174 : i32 to vector<16xi32>
      %add3A_176 = vector.broadcast %mul3A : i32 to vector<16xi32>
      %add3A_177 = arith.addi %broadcast_in_dim3A_175, %add3A_176 : vector<16xi32>
      %swap3A_178 = arith.constant 96 : index
      %swap3A_179 = tpu.vector_load %arg10[%swap3A_178] {strides = array<i32>} : memref<128xi32, #tpu.memory_space<vmem>>, vector<16xi32>,
      %swap3A_180 = vector.shape_cast %swap3A_179 : vector<16xi32> to vector<16xi32>
      %swap3A_181 = vector.shape_cast %add3A_177 : vector<16xi32> to vector<16xi32>
      tpu.vector_store %arg10[%swap3A_178], %swap3A_181 {strides = array<i32>} : memref<128xi32, #tpu.memory_space<vmem>>, vector<16xi32>,
      %mul3A_182 = arith.constant 4 : i32
      %mul3A_183 = arith.muli %add3A_99, %mul3A_182 : i32
      %add3A_184 = arith.constant 3 : i32
      %add3A_185 = arith.addi %mul3A_183, %add3A_184 : i32
      %broadcast_in_dim3A_186 = vector.broadcast %add3A_185 : i32 to vector<16xi32>
      %add3A_187 = vector.broadcast %mul3A : i32 to vector<16xi32>
      %add3A_188 = arith.addi %broadcast_in_dim3A_186, %add3A_187 : vector<16xi32>
      %swap3A_189 = arith.constant 112 : index
      %swap3A_190 = tpu.vector_load %arg10[%swap3A_189] {strides = array<i32>} : memref<128xi32, #tpu.memory_space<vmem>>, vector<16xi32>,
      %swap3A_191 = vector.shape_cast %swap3A_190 : vector<16xi32> to vector<16xi32>
      %swap3A_192 = vector.shape_cast %add3A_188 : vector<16xi32> to vector<16xi32>
      tpu.vector_store %arg10[%swap3A_189], %swap3A_192 {strides = array<i32>} : memref<128xi32, #tpu.memory_space<vmem>>, vector<16xi32>,
      %dma_start3A_193 = arith.constant 0 : i32
      %dma_start3A_194 = arith.constant 0 : i32
      %dma_start3A_195 = tpu.memref_slice %arg6[%dma_start3A_193, %dma_start3A_194] : memref<1536x128xf32, #tpu.memory_space<vmem_shared>> -> memref<1536x128xf32, #tpu.memory_space<vmem_shared>>
      tpu.enqueue_indirect_dma source(%arg8 : memref<128x128xf32, #tpu.memory_space<vmem>>) target(%dma_start3A_195 : memref<1536x128xf32, #tpu.memory_space<vmem_shared>>) offsets(%arg10 : memref<128xi32, #tpu.memory_space<vmem>>) semaphore(%arg14 : memref<!tpu.dma_semaphore, #tpu.memory_space<semaphore_mem>>) {add = true}
      %mul3A_196 = arith.constant 2 : i32
      %mul3A_197 = arith.muli %while3A_95, %mul3A_196 : i32
      %add3A_198 = arith.constant 1 : i32
      %add3A_199 = arith.addi %mul3A_197, %add3A_198 : i32
      %dma_wait3A_200 = arith.constant 0 : i32
      %dma_wait3A_201 = tpu.memref_slice %arg5[%add3A_199, %dma_wait3A_200] : memref<24x128xi32, #tpu.memory_space<vmem>> -> memref<1x128xi32, #tpu.memory_space<vmem>>
      %dma_wait3A_202 = tpu.memref_squeeze %dma_wait3A_201 : memref<1x128xi32, #tpu.memory_space<vmem>> -> memref<128xi32, #tpu.memory_space<vmem>>
      %dma_wait3A_203 = arith.constant 0 : i32
      %dma_wait3A_204 = arith.constant 0 : i32
      %dma_wait3A_205 = tpu.memref_slice %arg7[%dma_wait3A_203, %dma_wait3A_204] : memref<10000x128xf32, #tpu.memory_space<vmem_shared>> -> memref<10000x128xf32, #tpu.memory_space<vmem_shared>>
      tpu.wait_indirect_dma semaphore(%arg13 : memref<!tpu.dma_semaphore, #tpu.memory_space<semaphore_mem>>) src(%dma_wait3A_205 : memref<10000x128xf32, #tpu.memory_space<vmem_shared>>) dst(%arg9 : memref<128x128xf32, #tpu.memory_space<vmem>>)
      %mul3A_206 = arith.constant 4 : i32
      %mul3A_207 = arith.muli %add3A_199, %mul3A_206 : i32
      %add3A_208 = arith.constant 0 : i32
      %add3A_209 = arith.addi %mul3A_207, %add3A_208 : i32
      %broadcast_in_dim3A_210 = vector.broadcast %add3A_209 : i32 to vector<16xi32>
      %add3A_211 = vector.broadcast %mul3A : i32 to vector<16xi32>
      %add3A_212 = arith.addi %broadcast_in_dim3A_210, %add3A_211 : vector<16xi32>
      %swap3A_213 = arith.constant 0 : index
      %swap3A_214 = tpu.vector_load %arg11[%swap3A_213] {strides = array<i32>} : memref<128xi32, #tpu.memory_space<vmem>>, vector<16xi32>,
      %swap3A_215 = vector.shape_cast %swap3A_214 : vector<16xi32> to vector<16xi32>
      %swap3A_216 = vector.shape_cast %add3A_212 : vector<16xi32> to vector<16xi32>
      tpu.vector_store %arg11[%swap3A_213], %swap3A_216 {strides = array<i32>} : memref<128xi32, #tpu.memory_space<vmem>>, vector<16xi32>,
      %mul3A_217 = arith.constant 4 : i32
      %mul3A_218 = arith.muli %add3A_199, %mul3A_217 : i32
      %add3A_219 = arith.constant 0 : i32
      %add3A_220 = arith.addi %mul3A_218, %add3A_219 : i32
      %broadcast_in_dim3A_221 = vector.broadcast %add3A_220 : i32 to vector<16xi32>
      %add3A_222 = vector.broadcast %mul3A : i32 to vector<16xi32>
      %add3A_223 = arith.addi %broadcast_in_dim3A_221, %add3A_222 : vector<16xi32>
      %swap3A_224 = arith.constant 16 : index
      %swap3A_225 = tpu.vector_load %arg11[%swap3A_224] {strides = array<i32>} : memref<128xi32, #tpu.memory_space<vmem>>, vector<16xi32>,
      %swap3A_226 = vector.shape_cast %swap3A_225 : vector<16xi32> to vector<16xi32>
      %swap3A_227 = vector.shape_cast %add3A_223 : vector<16xi32> to vector<16xi32>
      tpu.vector_store %arg11[%swap3A_224], %swap3A_227 {strides = array<i32>} : memref<128xi32, #tpu.memory_space<vmem>>, vector<16xi32>,
      %mul3A_228 = arith.constant 4 : i32
      %mul3A_229 = arith.muli %add3A_199, %mul3A_228 : i32
      %add3A_230 = arith.constant 1 : i32
      %add3A_231 = arith.addi %mul3A_229, %add3A_230 : i32
      %broadcast_in_dim3A_232 = vector.broadcast %add3A_231 : i32 to vector<16xi32>
      %add3A_233 = vector.broadcast %mul3A : i32 to vector<16xi32>
      %add3A_234 = arith.addi %broadcast_in_dim3A_232, %add3A_233 : vector<16xi32>
      %swap3A_235 = arith.constant 32 : index
      %swap3A_236 = tpu.vector_load %arg11[%swap3A_235] {strides = array<i32>} : memref<128xi32, #tpu.memory_space<vmem>>, vector<16xi32>,
      %swap3A_237 = vector.shape_cast %swap3A_236 : vector<16xi32> to vector<16xi32>
      %swap3A_238 = vector.shape_cast %add3A_234 : vector<16xi32> to vector<16xi32>
      tpu.vector_store %arg11[%swap3A_235], %swap3A_238 {strides = array<i32>} : memref<128xi32, #tpu.memory_space<vmem>>, vector<16xi32>,
      %mul3A_239 = arith.constant 4 : i32
      %mul3A_240 = arith.muli %add3A_199, %mul3A_239 : i32
      %add3A_241 = arith.constant 1 : i32
      %add3A_242 = arith.addi %mul3A_240, %add3A_241 : i32
      %broadcast_in_dim3A_243 = vector.broadcast %add3A_242 : i32 to vector<16xi32>
      %add3A_244 = vector.broadcast %mul3A : i32 to vector<16xi32>
      %add3A_245 = arith.addi %broadcast_in_dim3A_243, %add3A_244 : vector<16xi32>
      %swap3A_246 = arith.constant 48 : index
      %swap3A_247 = tpu.vector_load %arg11[%swap3A_246] {strides = array<i32>} : memref<128xi32, #tpu.memory_space<vmem>>, vector<16xi32>,
      %swap3A_248 = vector.shape_cast %swap3A_247 : vector<16xi32> to vector<16xi32>
      %swap3A_249 = vector.shape_cast %add3A_245 : vector<16xi32> to vector<16xi32>
      tpu.vector_store %arg11[%swap3A_246], %swap3A_249 {strides = array<i32>} : memref<128xi32, #tpu.memory_space<vmem>>, vector<16xi32>,
      %mul3A_250 = arith.constant 4 : i32
      %mul3A_251 = arith.muli %add3A_199, %mul3A_250 : i32
      %add3A_252 = arith.constant 2 : i32
      %add3A_253 = arith.addi %mul3A_251, %add3A_252 : i32
      %broadcast_in_dim3A_254 = vector.broadcast %add3A_253 : i32 to vector<16xi32>
      %add3A_255 = vector.broadcast %mul3A : i32 to vector<16xi32>
      %add3A_256 = arith.addi %broadcast_in_dim3A_254, %add3A_255 : vector<16xi32>
      %swap3A_257 = arith.constant 64 : index
      %swap3A_258 = tpu.vector_load %arg11[%swap3A_257] {strides = array<i32>} : memref<128xi32, #tpu.memory_space<vmem>>, vector<16xi32>,
      %swap3A_259 = vector.shape_cast %swap3A_258 : vector<16xi32> to vector<16xi32>
      %swap3A_260 = vector.shape_cast %add3A_256 : vector<16xi32> to vector<16xi32>
      tpu.vector_store %arg11[%swap3A_257], %swap3A_260 {strides = array<i32>} : memref<128xi32, #tpu.memory_space<vmem>>, vector<16xi32>,
      %mul3A_261 = arith.constant 4 : i32
      %mul3A_262 = arith.muli %add3A_199, %mul3A_261 : i32
      %add3A_263 = arith.constant 2 : i32
      %add3A_264 = arith.addi %mul3A_262, %add3A_263 : i32
      %broadcast_in_dim3A_265 = vector.broadcast %add3A_264 : i32 to vector<16xi32>
      %add3A_266 = vector.broadcast %mul3A : i32 to vector<16xi32>
      %add3A_267 = arith.addi %broadcast_in_dim3A_265, %add3A_266 : vector<16xi32>
      %swap3A_268 = arith.constant 80 : index
      %swap3A_269 = tpu.vector_load %arg11[%swap3A_268] {strides = array<i32>} : memref<128xi32, #tpu.memory_space<vmem>>, vector<16xi32>,
      %swap3A_270 = vector.shape_cast %swap3A_269 : vector<16xi32> to vector<16xi32>
      %swap3A_271 = vector.shape_cast %add3A_267 : vector<16xi32> to vector<16xi32>
      tpu.vector_store %arg11[%swap3A_268], %swap3A_271 {strides = array<i32>} : memref<128xi32, #tpu.memory_space<vmem>>, vector<16xi32>,
      %mul3A_272 = arith.constant 4 : i32
      %mul3A_273 = arith.muli %add3A_199, %mul3A_272 : i32
      %add3A_274 = arith.constant 3 : i32
      %add3A_275 = arith.addi %mul3A_273, %add3A_274 : i32
      %broadcast_in_dim3A_276 = vector.broadcast %add3A_275 : i32 to vector<16xi32>
      %add3A_277 = vector.broadcast %mul3A : i32 to vector<16xi32>
      %add3A_278 = arith.addi %broadcast_in_dim3A_276, %add3A_277 : vector<16xi32>
      %swap3A_279 = arith.constant 96 : index
      %swap3A_280 = tpu.vector_load %arg11[%swap3A_279] {strides = array<i32>} : memref<128xi32, #tpu.memory_space<vmem>>, vector<16xi32>,
      %swap3A_281 = vector.shape_cast %swap3A_280 : vector<16xi32> to vector<16xi32>
      %swap3A_282 = vector.shape_cast %add3A_278 : vector<16xi32> to vector<16xi32>
      tpu.vector_store %arg11[%swap3A_279], %swap3A_282 {strides = array<i32>} : memref<128xi32, #tpu.memory_space<vmem>>, vector<16xi32>,
      %mul3A_283 = arith.constant 4 : i32
      %mul3A_284 = arith.muli %add3A_199, %mul3A_283 : i32
      %add3A_285 = arith.constant 3 : i32
      %add3A_286 = arith.addi %mul3A_284, %add3A_285 : i32
      %broadcast_in_dim3A_287 = vector.broadcast %add3A_286 : i32 to vector<16xi32>
      %add3A_288 = vector.broadcast %mul3A : i32 to vector<16xi32>
      %add3A_289 = arith.addi %broadcast_in_dim3A_287, %add3A_288 : vector<16xi32>
      %swap3A_290 = arith.constant 112 : index
      %swap3A_291 = tpu.vector_load %arg11[%swap3A_290] {strides = array<i32>} : memref<128xi32, #tpu.memory_space<vmem>>, vector<16xi32>,
      %swap3A_292 = vector.shape_cast %swap3A_291 : vector<16xi32> to vector<16xi32>
      %swap3A_293 = vector.shape_cast %add3A_289 : vector<16xi32> to vector<16xi32>
      tpu.vector_store %arg11[%swap3A_290], %swap3A_293 {strides = array<i32>} : memref<128xi32, #tpu.memory_space<vmem>>, vector<16xi32>,
      %dma_start3A_294 = arith.constant 0 : i32
      %dma_start3A_295 = arith.constant 0 : i32
      %dma_start3A_296 = tpu.memref_slice %arg6[%dma_start3A_294, %dma_start3A_295] : memref<1536x128xf32, #tpu.memory_space<vmem_shared>> -> memref<1536x128xf32, #tpu.memory_space<vmem_shared>>
      tpu.enqueue_indirect_dma source(%arg9 : memref<128x128xf32, #tpu.memory_space<vmem>>) target(%dma_start3A_296 : memref<1536x128xf32, #tpu.memory_space<vmem_shared>>) offsets(%arg11 : memref<128xi32, #tpu.memory_space<vmem>>) semaphore(%arg15 : memref<!tpu.dma_semaphore, #tpu.memory_space<semaphore_mem>>) {add = true}
      %mul3A_297 = arith.constant 2 : i32
      %mul3A_298 = arith.muli %while3A_95, %mul3A_297 : i32
      %add3A_299 = arith.constant 0 : i32
      %add3A_300 = arith.addi %mul3A_298, %add3A_299 : i32
      %add3A_301 = arith.constant 2 : i32
      %add3A_302 = arith.addi %add3A_300, %add3A_301 : i32
      %lt3A = arith.cmpi slt, %add3A_302, %select_n3A_6 : i32
      %convert_element_type3A_303 = arith.extui %lt3A : i1 to i32
      %cond3A_304 = arith.constant 0 : i32
      %cond3A_305 = arith.cmpi ne, %convert_element_type3A_303, %cond3A_304 : i32
      scf.if %cond3A_305 {
        %mul3A_316 = arith.constant 2 : i32
        %mul3A_317 = arith.muli %while3A_95, %mul3A_316 : i32
        %add3A_318 = arith.constant 0 : i32
        %add3A_319 = arith.addi %mul3A_317, %add3A_318 : i32
        %dma_wait3A_320 = arith.constant 0 : i32
        %dma_wait3A_321 = arith.constant 0 : i32
        %dma_wait3A_322 = tpu.memref_slice %arg6[%dma_wait3A_320, %dma_wait3A_321] : memref<1536x128xf32, #tpu.memory_space<vmem_shared>> -> memref<1536x128xf32, #tpu.memory_space<vmem_shared>>
        tpu.wait_indirect_dma semaphore(%arg14 : memref<!tpu.dma_semaphore, #tpu.memory_space<semaphore_mem>>) src(%arg8 : memref<128x128xf32, #tpu.memory_space<vmem>>) dst(%dma_wait3A_322 : memref<1536x128xf32, #tpu.memory_space<vmem_shared>>)
        %add3A_323 = arith.constant 2 : i32
        %add3A_324 = arith.addi %add3A_319, %add3A_323 : i32
        %dma_start3A_325 = arith.constant 0 : i32
        %dma_start3A_326 = tpu.memref_slice %arg5[%add3A_324, %dma_start3A_325] : memref<24x128xi32, #tpu.memory_space<vmem>> -> memref<1x128xi32, #tpu.memory_space<vmem>>
        %dma_start3A_327 = tpu.memref_squeeze %dma_start3A_326 : memref<1x128xi32, #tpu.memory_space<vmem>> -> memref<128xi32, #tpu.memory_space<vmem>>
        %dma_start3A_328 = arith.constant 0 : i32
        %dma_start3A_329 = arith.constant 0 : i32
        %dma_start3A_330 = tpu.memref_slice %arg7[%dma_start3A_328, %dma_start3A_329] : memref<10000x128xf32, #tpu.memory_space<vmem_shared>> -> memref<10000x128xf32, #tpu.memory_space<vmem_shared>>
        tpu.enqueue_indirect_dma source(%dma_start3A_330 : memref<10000x128xf32, #tpu.memory_space<vmem_shared>>) target(%arg8 : memref<128x128xf32, #tpu.memory_space<vmem>>) offsets(%dma_start3A_327 : memref<128xi32, #tpu.memory_space<vmem>>) semaphore(%arg12 : memref<!tpu.dma_semaphore, #tpu.memory_space<semaphore_mem>>)
      } else {
      }
      %mul3A_306 = arith.constant 2 : i32
      %mul3A_307 = arith.muli %while3A_95, %mul3A_306 : i32
      %add3A_308 = arith.constant 1 : i32
      %add3A_309 = arith.addi %mul3A_307, %add3A_308 : i32
      %add3A_310 = arith.constant 2 : i32
      %add3A_311 = arith.addi %add3A_309, %add3A_310 : i32
      %lt3A_312 = arith.cmpi slt, %add3A_311, %select_n3A_6 : i32
      %convert_element_type3A_313 = arith.extui %lt3A_312 : i1 to i32
      %cond3A_314 = arith.constant 0 : i32
      %cond3A_315 = arith.cmpi ne, %convert_element_type3A_313, %cond3A_314 : i32
      scf.if %cond3A_315 {
        %mul3A_316 = arith.constant 2 : i32
        %mul3A_317 = arith.muli %while3A_95, %mul3A_316 : i32
        %add3A_318 = arith.constant 1 : i32
        %add3A_319 = arith.addi %mul3A_317, %add3A_318 : i32
        %dma_wait3A_320 = arith.constant 0 : i32
        %dma_wait3A_321 = arith.constant 0 : i32
        %dma_wait3A_322 = tpu.memref_slice %arg6[%dma_wait3A_320, %dma_wait3A_321] : memref<1536x128xf32, #tpu.memory_space<vmem_shared>> -> memref<1536x128xf32, #tpu.memory_space<vmem_shared>>
        tpu.wait_indirect_dma semaphore(%arg15 : memref<!tpu.dma_semaphore, #tpu.memory_space<semaphore_mem>>) src(%arg9 : memref<128x128xf32, #tpu.memory_space<vmem>>) dst(%dma_wait3A_322 : memref<1536x128xf32, #tpu.memory_space<vmem_shared>>)
        %add3A_323 = arith.constant 2 : i32
        %add3A_324 = arith.addi %add3A_319, %add3A_323 : i32
        %dma_start3A_325 = arith.constant 0 : i32
        %dma_start3A_326 = tpu.memref_slice %arg5[%add3A_324, %dma_start3A_325] : memref<24x128xi32, #tpu.memory_space<vmem>> -> memref<1x128xi32, #tpu.memory_space<vmem>>
        %dma_start3A_327 = tpu.memref_squeeze %dma_start3A_326 : memref<1x128xi32, #tpu.memory_space<vmem>> -> memref<128xi32, #tpu.memory_space<vmem>>
        %dma_start3A_328 = arith.constant 0 : i32
        %dma_start3A_329 = arith.constant 0 : i32
        %dma_start3A_330 = tpu.memref_slice %arg7[%dma_start3A_328, %dma_start3A_329] : memref<10000x128xf32, #tpu.memory_space<vmem_shared>> -> memref<10000x128xf32, #tpu.memory_space<vmem_shared>>
        tpu.enqueue_indirect_dma source(%dma_start3A_330 : memref<10000x128xf32, #tpu.memory_space<vmem_shared>>) target(%arg9 : memref<128x128xf32, #tpu.memory_space<vmem>>) offsets(%dma_start3A_327 : memref<128xi32, #tpu.memory_space<vmem>>) semaphore(%arg13 : memref<!tpu.dma_semaphore, #tpu.memory_space<semaphore_mem>>)
      } else {
      }
    }
    %dma_wait3A = arith.constant 0 : i32
    %dma_wait3A_80 = arith.constant 0 : i32
    %dma_wait3A_81 = tpu.memref_slice %arg6[%dma_wait3A, %dma_wait3A_80] : memref<1536x128xf32, #tpu.memory_space<vmem_shared>> -> memref<1536x128xf32, #tpu.memory_space<vmem_shared>>
    tpu.wait_indirect_dma semaphore(%arg14 : memref<!tpu.dma_semaphore, #tpu.memory_space<semaphore_mem>>) src(%arg8 : memref<128x128xf32, #tpu.memory_space<vmem>>) dst(%dma_wait3A_81 : memref<1536x128xf32, #tpu.memory_space<vmem_shared>>)
    %dma_wait3A_82 = arith.constant 0 : i32
    %dma_wait3A_83 = arith.constant 0 : i32
    %dma_wait3A_84 = tpu.memref_slice %arg6[%dma_wait3A_82, %dma_wait3A_83] : memref<1536x128xf32, #tpu.memory_space<vmem_shared>> -> memref<1536x128xf32, #tpu.memory_space<vmem_shared>>
    tpu.wait_indirect_dma semaphore(%arg15 : memref<!tpu.dma_semaphore, #tpu.memory_space<semaphore_mem>>) src(%arg9 : memref<128x128xf32, #tpu.memory_space<vmem>>) dst(%dma_wait3A_84 : memref<1536x128xf32, #tpu.memory_space<vmem_shared>>)
    %eq3A_85 = arith.constant 0 : i32
    %eq3A_86 = arith.cmpi eq, %arg0, %eq3A_85 : i32
    %convert_element_type3A_87 = arith.extui %eq3A_86 : i1 to i32
    %cond3A_88 = arith.constant 0 : i32
    %cond3A_89 = arith.cmpi ne, %convert_element_type3A_87, %cond3A_88 : i32
    scf.if %cond3A_89 {
      %mul3A_95 = arith.constant 96 : i32
      %mul3A_96 = arith.muli %arg1, %mul3A_95 : i32
      %mul3A_97 = arith.constant 96 : i32
      %mul3A_98 = arith.muli %arg1, %mul3A_97 : i32
      "tpu.region"() ({
        %run_scoped3A = tpu.sem_alloc : memref<!tpu.dma_semaphore, #tpu.memory_space<semaphore_mem>>
        %dma_start3A_99 = arith.constant 0 : i32
        %dma_start3A_100 = tpu.memref_slice %arg4[%mul3A_98, %dma_start3A_99] : memref<3072x128xf32, #tpu.memory_space<hbm>> -> memref<96x128xf32, #tpu.memory_space<hbm>>
        %dma_start3A_101 = arith.constant 0 : i32
        %dma_start3A_102 = tpu.memref_slice %arg6[%mul3A_96, %dma_start3A_101] : memref<1536x128xf32, #tpu.memory_space<vmem_shared>> -> memref<96x128xf32, #tpu.memory_space<vmem_shared>>
        tpu.enqueue_dma source(%dma_start3A_102 : memref<96x128xf32, #tpu.memory_space<vmem_shared>>) target(%dma_start3A_100 : memref<96x128xf32, #tpu.memory_space<hbm>>) target_semaphore(%run_scoped3A : memref<!tpu.dma_semaphore, #tpu.memory_space<semaphore_mem>>)
        %dma_wait3A_103 = arith.constant 0 : i32
        %dma_wait3A_104 = tpu.memref_slice %arg4[%mul3A_98, %dma_wait3A_103] : memref<3072x128xf32, #tpu.memory_space<hbm>> -> memref<96x128xf32, #tpu.memory_space<hbm>>
        %dma_wait3A_105 = arith.constant 0 : i32
        %dma_wait3A_106 = tpu.memref_slice %arg6[%mul3A_96, %dma_wait3A_105] : memref<1536x128xf32, #tpu.memory_space<vmem_shared>> -> memref<96x128xf32, #tpu.memory_space<vmem_shared>>
        tpu.wait_dma2 semaphore(%run_scoped3A : memref<!tpu.dma_semaphore, #tpu.memory_space<semaphore_mem>>) src(%dma_wait3A_106 : memref<96x128xf32, #tpu.memory_space<vmem_shared>>) dst(%dma_wait3A_104 : memref<96x128xf32, #tpu.memory_space<hbm>>)
        tpu.yield
      }) : () -> ()
    } else {
    }
    %ne3A_90 = arith.constant 0 : i32
    %ne3A_91 = arith.cmpi ne, %arg0, %ne3A_90 : i32
    %convert_element_type3A_92 = arith.extui %ne3A_91 : i1 to i32
    %cond3A_93 = arith.constant 0 : i32
    %cond3A_94 = arith.cmpi ne, %convert_element_type3A_92, %cond3A_93 : i32
    scf.if %cond3A_94 {
      %mul3A_95 = arith.constant 96 : i32
      %mul3A_96 = arith.muli %arg1, %mul3A_95 : i32
      %mul3A_97 = arith.constant 96 : i32
      %mul3A_98 = arith.muli %arg1, %mul3A_97 : i32
      %add3A_99 = arith.constant 1536 : i32
      %add3A_100 = arith.addi %add3A_99, %mul3A_98 : i32
      "tpu.region"() ({
        %run_scoped3A = tpu.sem_alloc : memref<!tpu.dma_semaphore, #tpu.memory_space<semaphore_mem>>
        %dma_start3A_101 = arith.constant 0 : i32
        %dma_start3A_102 = tpu.memref_slice %arg4[%add3A_100, %dma_start3A_101] : memref<3072x128xf32, #tpu.memory_space<hbm>> -> memref<96x128xf32, #tpu.memory_space<hbm>>
        %dma_start3A_103 = arith.constant 0 : i32
        %dma_start3A_104 = tpu.memref_slice %arg6[%mul3A_96, %dma_start3A_103] : memref<1536x128xf32, #tpu.memory_space<vmem_shared>> -> memref<96x128xf32, #tpu.memory_space<vmem_shared>>
        tpu.enqueue_dma source(%dma_start3A_104 : memref<96x128xf32, #tpu.memory_space<vmem_shared>>) target(%dma_start3A_102 : memref<96x128xf32, #tpu.memory_space<hbm>>) target_semaphore(%run_scoped3A : memref<!tpu.dma_semaphore, #tpu.memory_space<semaphore_mem>>)
        %dma_wait3A_105 = arith.constant 0 : i32
        %dma_wait3A_106 = tpu.memref_slice %arg4[%add3A_100, %dma_wait3A_105] : memref<3072x128xf32, #tpu.memory_space<hbm>> -> memref<96x128xf32, #tpu.memory_space<hbm>>
        %dma_wait3A_107 = arith.constant 0 : i32
        %dma_wait3A_108 = tpu.memref_slice %arg6[%mul3A_96, %dma_wait3A_107] : memref<1536x128xf32, #tpu.memory_space<vmem_shared>> -> memref<96x128xf32, #tpu.memory_space<vmem_shared>>
        tpu.wait_dma2 semaphore(%run_scoped3A : memref<!tpu.dma_semaphore, #tpu.memory_space<semaphore_mem>>) src(%dma_wait3A_108 : memref<96x128xf32, #tpu.memory_space<vmem_shared>>) dst(%dma_wait3A_106 : memref<96x128xf32, #tpu.memory_space<hbm>>)
        tpu.yield
      }) : () -> ()
    } else {
    }
    return
  }
}

#map = affine_map<(d0, d1) -> (0, 0)>
module attributes {stable_mosaic.version = 14 : i64} {
  func.func @k(%arg0: i32, %arg1: i32, %arg2: memref<3200x128xi32, #tpu.memory_space<hbm>>, %arg3: memref<10000x128xf32, #tpu.memory_space<hbm>>, %arg4: memref<3072x128xf32, #tpu.memory_space<hbm>>, %arg5: memref<24x128xi32, #tpu.memory_space<vmem>>, %arg6: memref<1536x128xf32, #tpu.memory_space<vmem_shared>>, %arg7: memref<10000x128xf32, #tpu.memory_space<vmem_shared>>, %arg8: memref<128x128xf32, #tpu.memory_space<vmem>>, %arg9: memref<128x128xf32, #tpu.memory_space<vmem>>, %arg10: memref<128xi32, #tpu.memory_space<vmem>>, %arg11: memref<128xi32, #tpu.memory_space<vmem>>, %arg12: memref<!tpu.dma_semaphore, #tpu.memory_space<semaphore_mem>>, %arg13: memref<!tpu.dma_semaphore, #tpu.memory_space<semaphore_mem>>, %arg14: memref<!tpu.dma_semaphore, #tpu.memory_space<semaphore_mem>>, %arg15: memref<!tpu.dma_semaphore, #tpu.memory_space<semaphore_mem>>) attributes {dimension_semantics = [#tpu.dimension_semantics<core_parallel>, #tpu.dimension_semantics<subcore_parallel>], iteration_bounds = array<i64: 2, 16>, scalar_prefetch = 0 : i64, scratch_operands = 11 : i64, tpu.core_type = #tpu.core_type<sc_vector_subcore>, window_params = [{transform_indices = #map}, {transform_indices = #map}, {transform_indices = #map}]} {
    %eq3A = arith.constant 0 : i32
    %eq3A_0 = arith.cmpi eq, %arg0, %eq3A : i32
    %jit3A = arith.constant 96 : i32
    %jit3A_1 = arith.constant 96 : i32
    %select_n3A = arith.select %eq3A_0, %jit3A, %jit3A_1 : i32
    %eq3A_2 = arith.constant 0 : i32
    %eq3A_3 = arith.cmpi eq, %arg0, %eq3A_2 : i32
    %jit3A_4 = arith.constant 24 : i32
    %jit3A_5 = arith.constant 24 : i32
    %select_n3A_6 = arith.select %eq3A_3, %jit3A_4, %jit3A_5 : i32
    %mul3A = arith.muli %arg1, %select_n3A : i32
    %eq3A_7 = arith.constant 0 : i32
    %eq3A_8 = arith.cmpi eq, %arg0, %eq3A_7 : i32
    %mul3A_9 = arith.constant 24 : i32
    %mul3A_10 = arith.muli %arg1, %mul3A_9 : i32
    %mul3A_11 = arith.constant 24 : i32
    %mul3A_12 = arith.muli %arg1, %mul3A_11 : i32
    %add3A = arith.constant 384 : i32
    %add3A_13 = arith.addi %add3A, %mul3A_12 : i32
    %select_n3A_14 = arith.select %eq3A_8, %mul3A_10, %add3A_13 : i32
    %add3A_15 = arith.constant 1200 : i32
    %add3A_16 = arith.addi %add3A_15, %select_n3A_14 : i32
    "tpu.region"() ({
      %run_scoped3A = tpu.sem_alloc : memref<!tpu.dma_semaphore, #tpu.memory_space<semaphore_mem>>
      %dma_start3A_95 = arith.constant 0 : i32
      %dma_start3A_96 = tpu.memref_slice %arg2[%add3A_16, %dma_start3A_95] : memref<3200x128xi32, #tpu.memory_space<hbm>> -> memref<24x128xi32, #tpu.memory_space<hbm>>
      %dma_start3A_97 = arith.constant 0 : i32
      %dma_start3A_98 = tpu.memref_slice %arg2[%add3A_16, %dma_start3A_97] : memref<3200x128xi32, #tpu.memory_space<hbm>> -> memref<24x128xi32, #tpu.memory_space<hbm>>
      tpu.enqueue_dma source(%dma_start3A_98 : memref<24x128xi32, #tpu.memory_space<hbm>>) target(%arg5 : memref<24x128xi32, #tpu.memory_space<vmem>>) target_semaphore(%run_scoped3A : memref<!tpu.dma_semaphore, #tpu.memory_space<semaphore_mem>>)
      %dma_wait3A_99 = arith.constant 0 : i32
      %dma_wait3A_100 = tpu.memref_slice %arg2[%add3A_16, %dma_wait3A_99] : memref<3200x128xi32, #tpu.memory_space<hbm>> -> memref<24x128xi32, #tpu.memory_space<hbm>>
      %dma_wait3A_101 = arith.constant 0 : i32
      %dma_wait3A_102 = tpu.memref_slice %arg2[%add3A_16, %dma_wait3A_101] : memref<3200x128xi32, #tpu.memory_space<hbm>> -> memref<24x128xi32, #tpu.memory_space<hbm>>
      tpu.wait_dma2 semaphore(%run_scoped3A : memref<!tpu.dma_semaphore, #tpu.memory_space<semaphore_mem>>) src(%dma_wait3A_102 : memref<24x128xi32, #tpu.memory_space<hbm>>) dst(%arg5 : memref<24x128xi32, #tpu.memory_space<vmem>>)
      tpu.yield
    }) : () -> ()
    %broadcast_in_dim3A = arith.constant 0.000000e+00 : f32
    %broadcast_in_dim3A_17 = vector.broadcast %broadcast_in_dim3A : f32 to vector<16xf32>
    %scan3A = arith.constant 0 : i32
    %scan3A_18 = arith.constant 0 : i32
    %scan3A_19 = arith.constant 128 : i32
    %scan3A_20 = arith.addi %scan3A_18, %scan3A_19 : i32
    %scan3A_21 = arith.constant 1 : i32
    scf.for %scan3A_95 = %scan3A_18 to %scan3A_20 step %scan3A_21  : i32 {
      %swap3A = arith.index_cast %scan3A_95 : i32 to index
      %swap3A_96 = arith.constant 0 : index
      %swap3A_97 = tpu.vector_load %arg8[%swap3A, %swap3A_96] {strides = array<i32>} : memref<128x128xf32, #tpu.memory_space<vmem>>, vector<1x16xf32>,
      %swap3A_98 = vector.shape_cast %swap3A_97 : vector<1x16xf32> to vector<16xf32>
      %swap3A_99 = vector.shape_cast %broadcast_in_dim3A_17 : vector<16xf32> to vector<1x16xf32>
      tpu.vector_store %arg8[%swap3A, %swap3A_96], %swap3A_99 {strides = array<i32>} : memref<128x128xf32, #tpu.memory_space<vmem>>, vector<1x16xf32>,
      %swap3A_100 = arith.index_cast %scan3A_95 : i32 to index
      %swap3A_101 = arith.constant 16 : index
      %swap3A_102 = tpu.vector_load %arg8[%swap3A_100, %swap3A_101] {strides = array<i32>} : memref<128x128xf32, #tpu.memory_space<vmem>>, vector<1x16xf32>,
      %swap3A_103 = vector.shape_cast %swap3A_102 : vector<1x16xf32> to vector<16xf32>
      %swap3A_104 = vector.shape_cast %broadcast_in_dim3A_17 : vector<16xf32> to vector<1x16xf32>
      tpu.vector_store %arg8[%swap3A_100, %swap3A_101], %swap3A_104 {strides = array<i32>} : memref<128x128xf32, #tpu.memory_space<vmem>>, vector<1x16xf32>,
      %swap3A_105 = arith.index_cast %scan3A_95 : i32 to index
      %swap3A_106 = arith.constant 32 : index
      %swap3A_107 = tpu.vector_load %arg8[%swap3A_105, %swap3A_106] {strides = array<i32>} : memref<128x128xf32, #tpu.memory_space<vmem>>, vector<1x16xf32>,
      %swap3A_108 = vector.shape_cast %swap3A_107 : vector<1x16xf32> to vector<16xf32>
      %swap3A_109 = vector.shape_cast %broadcast_in_dim3A_17 : vector<16xf32> to vector<1x16xf32>
      tpu.vector_store %arg8[%swap3A_105, %swap3A_106], %swap3A_109 {strides = array<i32>} : memref<128x128xf32, #tpu.memory_space<vmem>>, vector<1x16xf32>,
      %swap3A_110 = arith.index_cast %scan3A_95 : i32 to index
      %swap3A_111 = arith.constant 48 : index
      %swap3A_112 = tpu.vector_load %arg8[%swap3A_110, %swap3A_111] {strides = array<i32>} : memref<128x128xf32, #tpu.memory_space<vmem>>, vector<1x16xf32>,
      %swap3A_113 = vector.shape_cast %swap3A_112 : vector<1x16xf32> to vector<16xf32>
      %swap3A_114 = vector.shape_cast %broadcast_in_dim3A_17 : vector<16xf32> to vector<1x16xf32>
      tpu.vector_store %arg8[%swap3A_110, %swap3A_111], %swap3A_114 {strides = array<i32>} : memref<128x128xf32, #tpu.memory_space<vmem>>, vector<1x16xf32>,
      %swap3A_115 = arith.index_cast %scan3A_95 : i32 to index
      %swap3A_116 = arith.constant 64 : index
      %swap3A_117 = tpu.vector_load %arg8[%swap3A_115, %swap3A_116] {strides = array<i32>} : memref<128x128xf32, #tpu.memory_space<vmem>>, vector<1x16xf32>,
      %swap3A_118 = vector.shape_cast %swap3A_117 : vector<1x16xf32> to vector<16xf32>
      %swap3A_119 = vector.shape_cast %broadcast_in_dim3A_17 : vector<16xf32> to vector<1x16xf32>
      tpu.vector_store %arg8[%swap3A_115, %swap3A_116], %swap3A_119 {strides = array<i32>} : memref<128x128xf32, #tpu.memory_space<vmem>>, vector<1x16xf32>,
      %swap3A_120 = arith.index_cast %scan3A_95 : i32 to index
      %swap3A_121 = arith.constant 80 : index
      %swap3A_122 = tpu.vector_load %arg8[%swap3A_120, %swap3A_121] {strides = array<i32>} : memref<128x128xf32, #tpu.memory_space<vmem>>, vector<1x16xf32>,
      %swap3A_123 = vector.shape_cast %swap3A_122 : vector<1x16xf32> to vector<16xf32>
      %swap3A_124 = vector.shape_cast %broadcast_in_dim3A_17 : vector<16xf32> to vector<1x16xf32>
      tpu.vector_store %arg8[%swap3A_120, %swap3A_121], %swap3A_124 {strides = array<i32>} : memref<128x128xf32, #tpu.memory_space<vmem>>, vector<1x16xf32>,
      %swap3A_125 = arith.index_cast %scan3A_95 : i32 to index
      %swap3A_126 = arith.constant 96 : index
      %swap3A_127 = tpu.vector_load %arg8[%swap3A_125, %swap3A_126] {strides = array<i32>} : memref<128x128xf32, #tpu.memory_space<vmem>>, vector<1x16xf32>,
      %swap3A_128 = vector.shape_cast %swap3A_127 : vector<1x16xf32> to vector<16xf32>
      %swap3A_129 = vector.shape_cast %broadcast_in_dim3A_17 : vector<16xf32> to vector<1x16xf32>
      tpu.vector_store %arg8[%swap3A_125, %swap3A_126], %swap3A_129 {strides = array<i32>} : memref<128x128xf32, #tpu.memory_space<vmem>>, vector<1x16xf32>,
      %swap3A_130 = arith.index_cast %scan3A_95 : i32 to index
      %swap3A_131 = arith.constant 112 : index
      %swap3A_132 = tpu.vector_load %arg8[%swap3A_130, %swap3A_131] {strides = array<i32>} : memref<128x128xf32, #tpu.memory_space<vmem>>, vector<1x16xf32>,
      %swap3A_133 = vector.shape_cast %swap3A_132 : vector<1x16xf32> to vector<16xf32>
      %swap3A_134 = vector.shape_cast %broadcast_in_dim3A_17 : vector<16xf32> to vector<1x16xf32>
      tpu.vector_store %arg8[%swap3A_130, %swap3A_131], %swap3A_134 {strides = array<i32>} : memref<128x128xf32, #tpu.memory_space<vmem>>, vector<1x16xf32>,
    }
    %scan3A_22 = arith.constant 128 : i32
    %eq3A_23 = arith.constant 0 : i32
    %eq3A_24 = arith.cmpi eq, %arg0, %eq3A_23 : i32
    %convert_element_type3A = arith.extui %eq3A_24 : i1 to i32
    %cond3A = arith.constant 0 : i32
    %cond3A_25 = arith.cmpi ne, %convert_element_type3A, %cond3A : i32
    scf.if %cond3A_25 {
      %mul3A_95 = arith.constant 96 : i32
      %mul3A_96 = arith.muli %arg1, %mul3A_95 : i32
      %add3A_97 = arith.constant 0 : i32
      %add3A_98 = arith.addi %mul3A_96, %add3A_97 : i32
      "tpu.region"() ({
        %run_scoped3A = tpu.sem_alloc : memref<!tpu.dma_semaphore, #tpu.memory_space<semaphore_mem>>
        %dma_start3A_99 = arith.constant 0 : i32
        %dma_start3A_100 = arith.constant 0 : i32
        %dma_start3A_101 = tpu.memref_slice %arg8[%dma_start3A_99, %dma_start3A_100] : memref<128x128xf32, #tpu.memory_space<vmem>> -> memref<96x128xf32, #tpu.memory_space<vmem>>
        %dma_start3A_102 = arith.constant 0 : i32
        %dma_start3A_103 = tpu.memref_slice %arg6[%add3A_98, %dma_start3A_102] : memref<1536x128xf32, #tpu.memory_space<vmem_shared>> -> memref<96x128xf32, #tpu.memory_space<vmem_shared>>
        %dma_start3A_104 = arith.constant 0 : i32
        %dma_start3A_105 = tpu.memref_slice %arg6[%add3A_98, %dma_start3A_104] : memref<1536x128xf32, #tpu.memory_space<vmem_shared>> -> memref<96x128xf32, #tpu.memory_space<vmem_shared>>
        %dma_start3A_106 = arith.constant 0 : i32
        %dma_start3A_107 = arith.constant 0 : i32
        %dma_start3A_108 = tpu.memref_slice %arg8[%dma_start3A_106, %dma_start3A_107] : memref<128x128xf32, #tpu.memory_space<vmem>> -> memref<96x128xf32, #tpu.memory_space<vmem>>
        tpu.enqueue_dma source(%dma_start3A_108 : memref<96x128xf32, #tpu.memory_space<vmem>>) target(%dma_start3A_105 : memref<96x128xf32, #tpu.memory_space<vmem_shared>>) target_semaphore(%run_scoped3A : memref<!tpu.dma_semaphore, #tpu.memory_space<semaphore_mem>>)
        %dma_wait3A_109 = arith.constant 0 : i32
        %dma_wait3A_110 = arith.constant 0 : i32
        %dma_wait3A_111 = tpu.memref_slice %arg8[%dma_wait3A_109, %dma_wait3A_110] : memref<128x128xf32, #tpu.memory_space<vmem>> -> memref<96x128xf32, #tpu.memory_space<vmem>>
        %dma_wait3A_112 = arith.constant 0 : i32
        %dma_wait3A_113 = tpu.memref_slice %arg6[%add3A_98, %dma_wait3A_112] : memref<1536x128xf32, #tpu.memory_space<vmem_shared>> -> memref<96x128xf32, #tpu.memory_space<vmem_shared>>
        %dma_wait3A_114 = arith.constant 0 : i32
        %dma_wait3A_115 = tpu.memref_slice %arg6[%add3A_98, %dma_wait3A_114] : memref<1536x128xf32, #tpu.memory_space<vmem_shared>> -> memref<96x128xf32, #tpu.memory_space<vmem_shared>>
        %dma_wait3A_116 = arith.constant 0 : i32
        %dma_wait3A_117 = arith.constant 0 : i32
        %dma_wait3A_118 = tpu.memref_slice %arg8[%dma_wait3A_116, %dma_wait3A_117] : memref<128x128xf32, #tpu.memory_space<vmem>> -> memref<96x128xf32, #tpu.memory_space<vmem>>
        tpu.wait_dma2 semaphore(%run_scoped3A : memref<!tpu.dma_semaphore, #tpu.memory_space<semaphore_mem>>) src(%dma_wait3A_118 : memref<96x128xf32, #tpu.memory_space<vmem>>) dst(%dma_wait3A_115 : memref<96x128xf32, #tpu.memory_space<vmem_shared>>)
        tpu.yield
      }) : () -> ()
    } else {
    }
    %ne3A = arith.constant 0 : i32
    %ne3A_26 = arith.cmpi ne, %arg0, %ne3A : i32
    %convert_element_type3A_27 = arith.extui %ne3A_26 : i1 to i32
    %cond3A_28 = arith.constant 0 : i32
    %cond3A_29 = arith.cmpi ne, %convert_element_type3A_27, %cond3A_28 : i32
    scf.if %cond3A_29 {
      %mul3A_95 = arith.constant 96 : i32
      %mul3A_96 = arith.muli %arg1, %mul3A_95 : i32
      %add3A_97 = arith.constant 0 : i32
      %add3A_98 = arith.addi %mul3A_96, %add3A_97 : i32
      "tpu.region"() ({
        %run_scoped3A = tpu.sem_alloc : memref<!tpu.dma_semaphore, #tpu.memory_space<semaphore_mem>>
        %dma_start3A_99 = arith.constant 0 : i32
        %dma_start3A_100 = arith.constant 0 : i32
        %dma_start3A_101 = tpu.memref_slice %arg8[%dma_start3A_99, %dma_start3A_100] : memref<128x128xf32, #tpu.memory_space<vmem>> -> memref<96x128xf32, #tpu.memory_space<vmem>>
        %dma_start3A_102 = arith.constant 0 : i32
        %dma_start3A_103 = tpu.memref_slice %arg6[%add3A_98, %dma_start3A_102] : memref<1536x128xf32, #tpu.memory_space<vmem_shared>> -> memref<96x128xf32, #tpu.memory_space<vmem_shared>>
        %dma_start3A_104 = arith.constant 0 : i32
        %dma_start3A_105 = tpu.memref_slice %arg6[%add3A_98, %dma_start3A_104] : memref<1536x128xf32, #tpu.memory_space<vmem_shared>> -> memref<96x128xf32, #tpu.memory_space<vmem_shared>>
        %dma_start3A_106 = arith.constant 0 : i32
        %dma_start3A_107 = arith.constant 0 : i32
        %dma_start3A_108 = tpu.memref_slice %arg8[%dma_start3A_106, %dma_start3A_107] : memref<128x128xf32, #tpu.memory_space<vmem>> -> memref<96x128xf32, #tpu.memory_space<vmem>>
        tpu.enqueue_dma source(%dma_start3A_108 : memref<96x128xf32, #tpu.memory_space<vmem>>) target(%dma_start3A_105 : memref<96x128xf32, #tpu.memory_space<vmem_shared>>) target_semaphore(%run_scoped3A : memref<!tpu.dma_semaphore, #tpu.memory_space<semaphore_mem>>)
        %dma_wait3A_109 = arith.constant 0 : i32
        %dma_wait3A_110 = arith.constant 0 : i32
        %dma_wait3A_111 = tpu.memref_slice %arg8[%dma_wait3A_109, %dma_wait3A_110] : memref<128x128xf32, #tpu.memory_space<vmem>> -> memref<96x128xf32, #tpu.memory_space<vmem>>
        %dma_wait3A_112 = arith.constant 0 : i32
        %dma_wait3A_113 = tpu.memref_slice %arg6[%add3A_98, %dma_wait3A_112] : memref<1536x128xf32, #tpu.memory_space<vmem_shared>> -> memref<96x128xf32, #tpu.memory_space<vmem_shared>>
        %dma_wait3A_114 = arith.constant 0 : i32
        %dma_wait3A_115 = tpu.memref_slice %arg6[%add3A_98, %dma_wait3A_114] : memref<1536x128xf32, #tpu.memory_space<vmem_shared>> -> memref<96x128xf32, #tpu.memory_space<vmem_shared>>
        %dma_wait3A_116 = arith.constant 0 : i32
        %dma_wait3A_117 = arith.constant 0 : i32
        %dma_wait3A_118 = tpu.memref_slice %arg8[%dma_wait3A_116, %dma_wait3A_117] : memref<128x128xf32, #tpu.memory_space<vmem>> -> memref<96x128xf32, #tpu.memory_space<vmem>>
        tpu.wait_dma2 semaphore(%run_scoped3A : memref<!tpu.dma_semaphore, #tpu.memory_space<semaphore_mem>>) src(%dma_wait3A_118 : memref<96x128xf32, #tpu.memory_space<vmem>>) dst(%dma_wait3A_115 : memref<96x128xf32, #tpu.memory_space<vmem_shared>>)
        tpu.yield
      }) : () -> ()
    } else {
    }
    %mul3A_30 = arith.constant 624 : i32
    %mul3A_31 = arith.muli %arg1, %mul3A_30 : i32
    %mul3A_32 = arith.constant 624 : i32
    %mul3A_33 = arith.muli %arg1, %mul3A_32 : i32
    "tpu.region"() ({
      %run_scoped3A = tpu.sem_alloc : memref<!tpu.dma_semaphore, #tpu.memory_space<semaphore_mem>>
      %dma_start3A_95 = arith.constant 0 : i32
      %dma_start3A_96 = tpu.memref_slice %arg7[%mul3A_33, %dma_start3A_95] : memref<10000x128xf32, #tpu.memory_space<vmem_shared>> -> memref<624x128xf32, #tpu.memory_space<vmem_shared>>
      %dma_start3A_97 = arith.constant 0 : i32
      %dma_start3A_98 = tpu.memref_slice %arg3[%mul3A_31, %dma_start3A_97] : memref<10000x128xf32, #tpu.memory_space<hbm>> -> memref<624x128xf32, #tpu.memory_space<hbm>>
      tpu.enqueue_dma source(%dma_start3A_98 : memref<624x128xf32, #tpu.memory_space<hbm>>) target(%dma_start3A_96 : memref<624x128xf32, #tpu.memory_space<vmem_shared>>) target_semaphore(%run_scoped3A : memref<!tpu.dma_semaphore, #tpu.memory_space<semaphore_mem>>)
      %dma_wait3A_99 = arith.constant 0 : i32
      %dma_wait3A_100 = tpu.memref_slice %arg7[%mul3A_33, %dma_wait3A_99] : memref<10000x128xf32, #tpu.memory_space<vmem_shared>> -> memref<624x128xf32, #tpu.memory_space<vmem_shared>>
      %dma_wait3A_101 = arith.constant 0 : i32
      %dma_wait3A_102 = tpu.memref_slice %arg3[%mul3A_31, %dma_wait3A_101] : memref<10000x128xf32, #tpu.memory_space<hbm>> -> memref<624x128xf32, #tpu.memory_space<hbm>>
      tpu.wait_dma2 semaphore(%run_scoped3A : memref<!tpu.dma_semaphore, #tpu.memory_space<semaphore_mem>>) src(%dma_wait3A_102 : memref<624x128xf32, #tpu.memory_space<hbm>>) dst(%dma_wait3A_100 : memref<624x128xf32, #tpu.memory_space<vmem_shared>>)
      tpu.yield
    }) : () -> ()
    %eq3A_34 = arith.constant 0 : i32
    %eq3A_35 = arith.cmpi eq, %arg1, %eq3A_34 : i32
    %convert_element_type3A_36 = arith.extui %eq3A_35 : i1 to i32
    %cond3A_37 = arith.constant 0 : i32
    %cond3A_38 = arith.cmpi ne, %convert_element_type3A_36, %cond3A_37 : i32
    scf.if %cond3A_38 {
      "tpu.region"() ({
        %run_scoped3A = tpu.sem_alloc : memref<!tpu.dma_semaphore, #tpu.memory_space<semaphore_mem>>
        %dma_start3A_95 = arith.constant 9984 : i32
        %dma_start3A_96 = arith.constant 0 : i32
        %dma_start3A_97 = tpu.memref_slice %arg7[%dma_start3A_95, %dma_start3A_96] : memref<10000x128xf32, #tpu.memory_space<vmem_shared>> -> memref<16x128xf32, #tpu.memory_space<vmem_shared>>
        %dma_start3A_98 = arith.constant 9984 : i32
        %dma_start3A_99 = arith.constant 0 : i32
        %dma_start3A_100 = tpu.memref_slice %arg3[%dma_start3A_98, %dma_start3A_99] : memref<10000x128xf32, #tpu.memory_space<hbm>> -> memref<16x128xf32, #tpu.memory_space<hbm>>
        tpu.enqueue_dma source(%dma_start3A_100 : memref<16x128xf32, #tpu.memory_space<hbm>>) target(%dma_start3A_97 : memref<16x128xf32, #tpu.memory_space<vmem_shared>>) target_semaphore(%run_scoped3A : memref<!tpu.dma_semaphore, #tpu.memory_space<semaphore_mem>>)
        %dma_wait3A_101 = arith.constant 9984 : i32
        %dma_wait3A_102 = arith.constant 0 : i32
        %dma_wait3A_103 = tpu.memref_slice %arg7[%dma_wait3A_101, %dma_wait3A_102] : memref<10000x128xf32, #tpu.memory_space<vmem_shared>> -> memref<16x128xf32, #tpu.memory_space<vmem_shared>>
        %dma_wait3A_104 = arith.constant 9984 : i32
        %dma_wait3A_105 = arith.constant 0 : i32
        %dma_wait3A_106 = tpu.memref_slice %arg3[%dma_wait3A_104, %dma_wait3A_105] : memref<10000x128xf32, #tpu.memory_space<hbm>> -> memref<16x128xf32, #tpu.memory_space<hbm>>
        tpu.wait_dma2 semaphore(%run_scoped3A : memref<!tpu.dma_semaphore, #tpu.memory_space<semaphore_mem>>) src(%dma_wait3A_106 : memref<16x128xf32, #tpu.memory_space<hbm>>) dst(%dma_wait3A_103 : memref<16x128xf32, #tpu.memory_space<vmem_shared>>)
        tpu.yield
      }) : () -> ()
    } else {
    }
    %barrier3A = arith.constant 0 : index
    tpu.barrier barrier_id(%barrier3A)
    %dma_start3A = arith.constant 0 : i32
    %dma_start3A_39 = arith.constant 0 : i32
    %dma_start3A_40 = tpu.memref_slice %arg5[%dma_start3A, %dma_start3A_39] : memref<24x128xi32, #tpu.memory_space<vmem>> -> memref<1x128xi32, #tpu.memory_space<vmem>>
    %dma_start3A_41 = tpu.memref_squeeze %dma_start3A_40 : memref<1x128xi32, #tpu.memory_space<vmem>> -> memref<128xi32, #tpu.memory_space<vmem>>
    %dma_start3A_42 = arith.constant 0 : i32
    %dma_start3A_43 = arith.constant 0 : i32
    %dma_start3A_44 = tpu.memref_slice %arg7[%dma_start3A_42, %dma_start3A_43] : memref<10000x128xf32, #tpu.memory_space<vmem_shared>> -> memref<10000x128xf32, #tpu.memory_space<vmem_shared>>
    tpu.enqueue_indirect_dma source(%dma_start3A_44 : memref<10000x128xf32, #tpu.memory_space<vmem_shared>>) target(%arg8 : memref<128x128xf32, #tpu.memory_space<vmem>>) offsets(%dma_start3A_41 : memref<128xi32, #tpu.memory_space<vmem>>) semaphore(%arg12 : memref<!tpu.dma_semaphore, #tpu.memory_space<semaphore_mem>>)
    %dma_start3A_45 = arith.constant 1 : i32
    %dma_start3A_46 = arith.constant 0 : i32
    %dma_start3A_47 = tpu.memref_slice %arg5[%dma_start3A_45, %dma_start3A_46] : memref<24x128xi32, #tpu.memory_space<vmem>> -> memref<1x128xi32, #tpu.memory_space<vmem>>
    %dma_start3A_48 = tpu.memref_squeeze %dma_start3A_47 : memref<1x128xi32, #tpu.memory_space<vmem>> -> memref<128xi32, #tpu.memory_space<vmem>>
    %dma_start3A_49 = arith.constant 0 : i32
    %dma_start3A_50 = arith.constant 0 : i32
    %dma_start3A_51 = tpu.memref_slice %arg7[%dma_start3A_49, %dma_start3A_50] : memref<10000x128xf32, #tpu.memory_space<vmem_shared>> -> memref<10000x128xf32, #tpu.memory_space<vmem_shared>>
    tpu.enqueue_indirect_dma source(%dma_start3A_51 : memref<10000x128xf32, #tpu.memory_space<vmem_shared>>) target(%arg9 : memref<128x128xf32, #tpu.memory_space<vmem>>) offsets(%dma_start3A_48 : memref<128xi32, #tpu.memory_space<vmem>>) semaphore(%arg13 : memref<!tpu.dma_semaphore, #tpu.memory_space<semaphore_mem>>)
    %jit3A_52 = arith.constant 2 : i32
    %div3A = arith.divsi %select_n3A_6, %jit3A_52 : i32
    %sign3A = arith.constant 0 : i32
    %sign3A_53 = arith.cmpi sgt, %select_n3A_6, %sign3A : i32
    %sign3A_54 = arith.extui %sign3A_53 : i1 to i32
    %sign3A_55 = arith.constant 0 : i32
    %sign3A_56 = arith.cmpi slt, %select_n3A_6, %sign3A_55 : i32
    %sign3A_57 = arith.extui %sign3A_56 : i1 to i32
    %sign3A_58 = arith.subi %sign3A_54, %sign3A_57 : i32
    %sign3A_59 = arith.constant 0 : i32
    %sign3A_60 = arith.cmpi sgt, %jit3A_52, %sign3A_59 : i32
    %sign3A_61 = arith.extui %sign3A_60 : i1 to i32
    %sign3A_62 = arith.constant 0 : i32
    %sign3A_63 = arith.cmpi slt, %jit3A_52, %sign3A_62 : i32
    %sign3A_64 = arith.extui %sign3A_63 : i1 to i32
    %sign3A_65 = arith.subi %sign3A_61, %sign3A_64 : i32
    %ne3A_66 = arith.cmpi ne, %sign3A_58, %sign3A_65 : i32
    %rem3A = arith.remsi %select_n3A_6, %jit3A_52 : i32
    %ne3A_67 = arith.constant 0 : i32
    %ne3A_68 = arith.cmpi ne, %rem3A, %ne3A_67 : i32
    %and3A = arith.andi %ne3A_66, %ne3A_68 : i1
    %sub3A = arith.constant 1 : i32
    %sub3A_69 = arith.subi %div3A, %sub3A : i32
    %select_n3A_70 = arith.select %and3A, %sub3A_69, %div3A : i32
    %while3A = arith.constant 0 : i32
    %while3A_71 = arith.constant 0 : i32
    %while3A_72 = arith.subi %select_n3A_70, %while3A_71 : i32
    %while3A_73 = arith.addi %while3A_71, %while3A_72 : i32
    %while3A_74 = arith.constant 1 : i32
    %while3A_75 = arith.divsi %while3A_72, %while3A_74 : i32
    %while3A_76 = arith.muli %while3A_75, %while3A_74 : i32
    %while3A_77 = arith.addi %while3A_71, %while3A_76 : i32
    %while3A_78 = arith.constant 1 : i32
    scf.for %while3A_95 = %while3A_71 to %while3A_77 step %while3A_78  : i32 {
      %mul3A_96 = arith.constant 2 : i32
      %mul3A_97 = arith.muli %while3A_95, %mul3A_96 : i32
      %add3A_98 = arith.constant 0 : i32
      %add3A_99 = arith.addi %mul3A_97, %add3A_98 : i32
      %dma_wait3A_100 = arith.constant 0 : i32
      %dma_wait3A_101 = tpu.memref_slice %arg5[%add3A_99, %dma_wait3A_100] : memref<24x128xi32, #tpu.memory_space<vmem>> -> memref<1x128xi32, #tpu.memory_space<vmem>>
      %dma_wait3A_102 = tpu.memref_squeeze %dma_wait3A_101 : memref<1x128xi32, #tpu.memory_space<vmem>> -> memref<128xi32, #tpu.memory_space<vmem>>
      %dma_wait3A_103 = arith.constant 0 : i32
      %dma_wait3A_104 = arith.constant 0 : i32
      %dma_wait3A_105 = tpu.memref_slice %arg7[%dma_wait3A_103, %dma_wait3A_104] : memref<10000x128xf32, #tpu.memory_space<vmem_shared>> -> memref<10000x128xf32, #tpu.memory_space<vmem_shared>>
      tpu.wait_indirect_dma semaphore(%arg12 : memref<!tpu.dma_semaphore, #tpu.memory_space<semaphore_mem>>) src(%dma_wait3A_105 : memref<10000x128xf32, #tpu.memory_space<vmem_shared>>) dst(%arg8 : memref<128x128xf32, #tpu.memory_space<vmem>>)
      %mul3A_106 = arith.constant 4 : i32
      %mul3A_107 = arith.muli %add3A_99, %mul3A_106 : i32
      %add3A_108 = arith.constant 0 : i32
      %add3A_109 = arith.addi %mul3A_107, %add3A_108 : i32
      %broadcast_in_dim3A_110 = vector.broadcast %add3A_109 : i32 to vector<16xi32>
      %add3A_111 = vector.broadcast %mul3A : i32 to vector<16xi32>
      %add3A_112 = arith.addi %broadcast_in_dim3A_110, %add3A_111 : vector<16xi32>
      %swap3A = arith.constant 0 : index
      %swap3A_113 = tpu.vector_load %arg10[%swap3A] {strides = array<i32>} : memref<128xi32, #tpu.memory_space<vmem>>, vector<16xi32>,
      %swap3A_114 = vector.shape_cast %swap3A_113 : vector<16xi32> to vector<16xi32>
      %swap3A_115 = vector.shape_cast %add3A_112 : vector<16xi32> to vector<16xi32>
      tpu.vector_store %arg10[%swap3A], %swap3A_115 {strides = array<i32>} : memref<128xi32, #tpu.memory_space<vmem>>, vector<16xi32>,
      %mul3A_116 = arith.constant 4 : i32
      %mul3A_117 = arith.muli %add3A_99, %mul3A_116 : i32
      %add3A_118 = arith.constant 0 : i32
      %add3A_119 = arith.addi %mul3A_117, %add3A_118 : i32
      %broadcast_in_dim3A_120 = vector.broadcast %add3A_119 : i32 to vector<16xi32>
      %add3A_121 = vector.broadcast %mul3A : i32 to vector<16xi32>
      %add3A_122 = arith.addi %broadcast_in_dim3A_120, %add3A_121 : vector<16xi32>
      %swap3A_123 = arith.constant 16 : index
      %swap3A_124 = tpu.vector_load %arg10[%swap3A_123] {strides = array<i32>} : memref<128xi32, #tpu.memory_space<vmem>>, vector<16xi32>,
      %swap3A_125 = vector.shape_cast %swap3A_124 : vector<16xi32> to vector<16xi32>
      %swap3A_126 = vector.shape_cast %add3A_122 : vector<16xi32> to vector<16xi32>
      tpu.vector_store %arg10[%swap3A_123], %swap3A_126 {strides = array<i32>} : memref<128xi32, #tpu.memory_space<vmem>>, vector<16xi32>,
      %mul3A_127 = arith.constant 4 : i32
      %mul3A_128 = arith.muli %add3A_99, %mul3A_127 : i32
      %add3A_129 = arith.constant 1 : i32
      %add3A_130 = arith.addi %mul3A_128, %add3A_129 : i32
      %broadcast_in_dim3A_131 = vector.broadcast %add3A_130 : i32 to vector<16xi32>
      %add3A_132 = vector.broadcast %mul3A : i32 to vector<16xi32>
      %add3A_133 = arith.addi %broadcast_in_dim3A_131, %add3A_132 : vector<16xi32>
      %swap3A_134 = arith.constant 32 : index
      %swap3A_135 = tpu.vector_load %arg10[%swap3A_134] {strides = array<i32>} : memref<128xi32, #tpu.memory_space<vmem>>, vector<16xi32>,
      %swap3A_136 = vector.shape_cast %swap3A_135 : vector<16xi32> to vector<16xi32>
      %swap3A_137 = vector.shape_cast %add3A_133 : vector<16xi32> to vector<16xi32>
      tpu.vector_store %arg10[%swap3A_134], %swap3A_137 {strides = array<i32>} : memref<128xi32, #tpu.memory_space<vmem>>, vector<16xi32>,
      %mul3A_138 = arith.constant 4 : i32
      %mul3A_139 = arith.muli %add3A_99, %mul3A_138 : i32
      %add3A_140 = arith.constant 1 : i32
      %add3A_141 = arith.addi %mul3A_139, %add3A_140 : i32
      %broadcast_in_dim3A_142 = vector.broadcast %add3A_141 : i32 to vector<16xi32>
      %add3A_143 = vector.broadcast %mul3A : i32 to vector<16xi32>
      %add3A_144 = arith.addi %broadcast_in_dim3A_142, %add3A_143 : vector<16xi32>
      %swap3A_145 = arith.constant 48 : index
      %swap3A_146 = tpu.vector_load %arg10[%swap3A_145] {strides = array<i32>} : memref<128xi32, #tpu.memory_space<vmem>>, vector<16xi32>,
      %swap3A_147 = vector.shape_cast %swap3A_146 : vector<16xi32> to vector<16xi32>
      %swap3A_148 = vector.shape_cast %add3A_144 : vector<16xi32> to vector<16xi32>
      tpu.vector_store %arg10[%swap3A_145], %swap3A_148 {strides = array<i32>} : memref<128xi32, #tpu.memory_space<vmem>>, vector<16xi32>,
      %mul3A_149 = arith.constant 4 : i32
      %mul3A_150 = arith.muli %add3A_99, %mul3A_149 : i32
      %add3A_151 = arith.constant 2 : i32
      %add3A_152 = arith.addi %mul3A_150, %add3A_151 : i32
      %broadcast_in_dim3A_153 = vector.broadcast %add3A_152 : i32 to vector<16xi32>
      %add3A_154 = vector.broadcast %mul3A : i32 to vector<16xi32>
      %add3A_155 = arith.addi %broadcast_in_dim3A_153, %add3A_154 : vector<16xi32>
      %swap3A_156 = arith.constant 64 : index
      %swap3A_157 = tpu.vector_load %arg10[%swap3A_156] {strides = array<i32>} : memref<128xi32, #tpu.memory_space<vmem>>, vector<16xi32>,
      %swap3A_158 = vector.shape_cast %swap3A_157 : vector<16xi32> to vector<16xi32>
      %swap3A_159 = vector.shape_cast %add3A_155 : vector<16xi32> to vector<16xi32>
      tpu.vector_store %arg10[%swap3A_156], %swap3A_159 {strides = array<i32>} : memref<128xi32, #tpu.memory_space<vmem>>, vector<16xi32>,
      %mul3A_160 = arith.constant 4 : i32
      %mul3A_161 = arith.muli %add3A_99, %mul3A_160 : i32
      %add3A_162 = arith.constant 2 : i32
      %add3A_163 = arith.addi %mul3A_161, %add3A_162 : i32
      %broadcast_in_dim3A_164 = vector.broadcast %add3A_163 : i32 to vector<16xi32>
      %add3A_165 = vector.broadcast %mul3A : i32 to vector<16xi32>
      %add3A_166 = arith.addi %broadcast_in_dim3A_164, %add3A_165 : vector<16xi32>
      %swap3A_167 = arith.constant 80 : index
      %swap3A_168 = tpu.vector_load %arg10[%swap3A_167] {strides = array<i32>} : memref<128xi32, #tpu.memory_space<vmem>>, vector<16xi32>,
      %swap3A_169 = vector.shape_cast %swap3A_168 : vector<16xi32> to vector<16xi32>
      %swap3A_170 = vector.shape_cast %add3A_166 : vector<16xi32> to vector<16xi32>
      tpu.vector_store %arg10[%swap3A_167], %swap3A_170 {strides = array<i32>} : memref<128xi32, #tpu.memory_space<vmem>>, vector<16xi32>,
      %mul3A_171 = arith.constant 4 : i32
      %mul3A_172 = arith.muli %add3A_99, %mul3A_171 : i32
      %add3A_173 = arith.constant 3 : i32
      %add3A_174 = arith.addi %mul3A_172, %add3A_173 : i32
      %broadcast_in_dim3A_175 = vector.broadcast %add3A_174 : i32 to vector<16xi32>
      %add3A_176 = vector.broadcast %mul3A : i32 to vector<16xi32>
      %add3A_177 = arith.addi %broadcast_in_dim3A_175, %add3A_176 : vector<16xi32>
      %swap3A_178 = arith.constant 96 : index
      %swap3A_179 = tpu.vector_load %arg10[%swap3A_178] {strides = array<i32>} : memref<128xi32, #tpu.memory_space<vmem>>, vector<16xi32>,
      %swap3A_180 = vector.shape_cast %swap3A_179 : vector<16xi32> to vector<16xi32>
      %swap3A_181 = vector.shape_cast %add3A_177 : vector<16xi32> to vector<16xi32>
      tpu.vector_store %arg10[%swap3A_178], %swap3A_181 {strides = array<i32>} : memref<128xi32, #tpu.memory_space<vmem>>, vector<16xi32>,
      %mul3A_182 = arith.constant 4 : i32
      %mul3A_183 = arith.muli %add3A_99, %mul3A_182 : i32
      %add3A_184 = arith.constant 3 : i32
      %add3A_185 = arith.addi %mul3A_183, %add3A_184 : i32
      %broadcast_in_dim3A_186 = vector.broadcast %add3A_185 : i32 to vector<16xi32>
      %add3A_187 = vector.broadcast %mul3A : i32 to vector<16xi32>
      %add3A_188 = arith.addi %broadcast_in_dim3A_186, %add3A_187 : vector<16xi32>
      %swap3A_189 = arith.constant 112 : index
      %swap3A_190 = tpu.vector_load %arg10[%swap3A_189] {strides = array<i32>} : memref<128xi32, #tpu.memory_space<vmem>>, vector<16xi32>,
      %swap3A_191 = vector.shape_cast %swap3A_190 : vector<16xi32> to vector<16xi32>
      %swap3A_192 = vector.shape_cast %add3A_188 : vector<16xi32> to vector<16xi32>
      tpu.vector_store %arg10[%swap3A_189], %swap3A_192 {strides = array<i32>} : memref<128xi32, #tpu.memory_space<vmem>>, vector<16xi32>,
      %dma_start3A_193 = arith.constant 0 : i32
      %dma_start3A_194 = arith.constant 0 : i32
      %dma_start3A_195 = tpu.memref_slice %arg6[%dma_start3A_193, %dma_start3A_194] : memref<1536x128xf32, #tpu.memory_space<vmem_shared>> -> memref<1536x128xf32, #tpu.memory_space<vmem_shared>>
      tpu.enqueue_indirect_dma source(%arg8 : memref<128x128xf32, #tpu.memory_space<vmem>>) target(%dma_start3A_195 : memref<1536x128xf32, #tpu.memory_space<vmem_shared>>) offsets(%arg10 : memref<128xi32, #tpu.memory_space<vmem>>) semaphore(%arg14 : memref<!tpu.dma_semaphore, #tpu.memory_space<semaphore_mem>>) {add = true}
      %mul3A_196 = arith.constant 2 : i32
      %mul3A_197 = arith.muli %while3A_95, %mul3A_196 : i32
      %add3A_198 = arith.constant 1 : i32
      %add3A_199 = arith.addi %mul3A_197, %add3A_198 : i32
      %dma_wait3A_200 = arith.constant 0 : i32
      %dma_wait3A_201 = tpu.memref_slice %arg5[%add3A_199, %dma_wait3A_200] : memref<24x128xi32, #tpu.memory_space<vmem>> -> memref<1x128xi32, #tpu.memory_space<vmem>>
      %dma_wait3A_202 = tpu.memref_squeeze %dma_wait3A_201 : memref<1x128xi32, #tpu.memory_space<vmem>> -> memref<128xi32, #tpu.memory_space<vmem>>
      %dma_wait3A_203 = arith.constant 0 : i32
      %dma_wait3A_204 = arith.constant 0 : i32
      %dma_wait3A_205 = tpu.memref_slice %arg7[%dma_wait3A_203, %dma_wait3A_204] : memref<10000x128xf32, #tpu.memory_space<vmem_shared>> -> memref<10000x128xf32, #tpu.memory_space<vmem_shared>>
      tpu.wait_indirect_dma semaphore(%arg13 : memref<!tpu.dma_semaphore, #tpu.memory_space<semaphore_mem>>) src(%dma_wait3A_205 : memref<10000x128xf32, #tpu.memory_space<vmem_shared>>) dst(%arg9 : memref<128x128xf32, #tpu.memory_space<vmem>>)
      %mul3A_206 = arith.constant 4 : i32
      %mul3A_207 = arith.muli %add3A_199, %mul3A_206 : i32
      %add3A_208 = arith.constant 0 : i32
      %add3A_209 = arith.addi %mul3A_207, %add3A_208 : i32
      %broadcast_in_dim3A_210 = vector.broadcast %add3A_209 : i32 to vector<16xi32>
      %add3A_211 = vector.broadcast %mul3A : i32 to vector<16xi32>
      %add3A_212 = arith.addi %broadcast_in_dim3A_210, %add3A_211 : vector<16xi32>
      %swap3A_213 = arith.constant 0 : index
      %swap3A_214 = tpu.vector_load %arg11[%swap3A_213] {strides = array<i32>} : memref<128xi32, #tpu.memory_space<vmem>>, vector<16xi32>,
      %swap3A_215 = vector.shape_cast %swap3A_214 : vector<16xi32> to vector<16xi32>
      %swap3A_216 = vector.shape_cast %add3A_212 : vector<16xi32> to vector<16xi32>
      tpu.vector_store %arg11[%swap3A_213], %swap3A_216 {strides = array<i32>} : memref<128xi32, #tpu.memory_space<vmem>>, vector<16xi32>,
      %mul3A_217 = arith.constant 4 : i32
      %mul3A_218 = arith.muli %add3A_199, %mul3A_217 : i32
      %add3A_219 = arith.constant 0 : i32
      %add3A_220 = arith.addi %mul3A_218, %add3A_219 : i32
      %broadcast_in_dim3A_221 = vector.broadcast %add3A_220 : i32 to vector<16xi32>
      %add3A_222 = vector.broadcast %mul3A : i32 to vector<16xi32>
      %add3A_223 = arith.addi %broadcast_in_dim3A_221, %add3A_222 : vector<16xi32>
      %swap3A_224 = arith.constant 16 : index
      %swap3A_225 = tpu.vector_load %arg11[%swap3A_224] {strides = array<i32>} : memref<128xi32, #tpu.memory_space<vmem>>, vector<16xi32>,
      %swap3A_226 = vector.shape_cast %swap3A_225 : vector<16xi32> to vector<16xi32>
      %swap3A_227 = vector.shape_cast %add3A_223 : vector<16xi32> to vector<16xi32>
      tpu.vector_store %arg11[%swap3A_224], %swap3A_227 {strides = array<i32>} : memref<128xi32, #tpu.memory_space<vmem>>, vector<16xi32>,
      %mul3A_228 = arith.constant 4 : i32
      %mul3A_229 = arith.muli %add3A_199, %mul3A_228 : i32
      %add3A_230 = arith.constant 1 : i32
      %add3A_231 = arith.addi %mul3A_229, %add3A_230 : i32
      %broadcast_in_dim3A_232 = vector.broadcast %add3A_231 : i32 to vector<16xi32>
      %add3A_233 = vector.broadcast %mul3A : i32 to vector<16xi32>
      %add3A_234 = arith.addi %broadcast_in_dim3A_232, %add3A_233 : vector<16xi32>
      %swap3A_235 = arith.constant 32 : index
      %swap3A_236 = tpu.vector_load %arg11[%swap3A_235] {strides = array<i32>} : memref<128xi32, #tpu.memory_space<vmem>>, vector<16xi32>,
      %swap3A_237 = vector.shape_cast %swap3A_236 : vector<16xi32> to vector<16xi32>
      %swap3A_238 = vector.shape_cast %add3A_234 : vector<16xi32> to vector<16xi32>
      tpu.vector_store %arg11[%swap3A_235], %swap3A_238 {strides = array<i32>} : memref<128xi32, #tpu.memory_space<vmem>>, vector<16xi32>,
      %mul3A_239 = arith.constant 4 : i32
      %mul3A_240 = arith.muli %add3A_199, %mul3A_239 : i32
      %add3A_241 = arith.constant 1 : i32
      %add3A_242 = arith.addi %mul3A_240, %add3A_241 : i32
      %broadcast_in_dim3A_243 = vector.broadcast %add3A_242 : i32 to vector<16xi32>
      %add3A_244 = vector.broadcast %mul3A : i32 to vector<16xi32>
      %add3A_245 = arith.addi %broadcast_in_dim3A_243, %add3A_244 : vector<16xi32>
      %swap3A_246 = arith.constant 48 : index
      %swap3A_247 = tpu.vector_load %arg11[%swap3A_246] {strides = array<i32>} : memref<128xi32, #tpu.memory_space<vmem>>, vector<16xi32>,
      %swap3A_248 = vector.shape_cast %swap3A_247 : vector<16xi32> to vector<16xi32>
      %swap3A_249 = vector.shape_cast %add3A_245 : vector<16xi32> to vector<16xi32>
      tpu.vector_store %arg11[%swap3A_246], %swap3A_249 {strides = array<i32>} : memref<128xi32, #tpu.memory_space<vmem>>, vector<16xi32>,
      %mul3A_250 = arith.constant 4 : i32
      %mul3A_251 = arith.muli %add3A_199, %mul3A_250 : i32
      %add3A_252 = arith.constant 2 : i32
      %add3A_253 = arith.addi %mul3A_251, %add3A_252 : i32
      %broadcast_in_dim3A_254 = vector.broadcast %add3A_253 : i32 to vector<16xi32>
      %add3A_255 = vector.broadcast %mul3A : i32 to vector<16xi32>
      %add3A_256 = arith.addi %broadcast_in_dim3A_254, %add3A_255 : vector<16xi32>
      %swap3A_257 = arith.constant 64 : index
      %swap3A_258 = tpu.vector_load %arg11[%swap3A_257] {strides = array<i32>} : memref<128xi32, #tpu.memory_space<vmem>>, vector<16xi32>,
      %swap3A_259 = vector.shape_cast %swap3A_258 : vector<16xi32> to vector<16xi32>
      %swap3A_260 = vector.shape_cast %add3A_256 : vector<16xi32> to vector<16xi32>
      tpu.vector_store %arg11[%swap3A_257], %swap3A_260 {strides = array<i32>} : memref<128xi32, #tpu.memory_space<vmem>>, vector<16xi32>,
      %mul3A_261 = arith.constant 4 : i32
      %mul3A_262 = arith.muli %add3A_199, %mul3A_261 : i32
      %add3A_263 = arith.constant 2 : i32
      %add3A_264 = arith.addi %mul3A_262, %add3A_263 : i32
      %broadcast_in_dim3A_265 = vector.broadcast %add3A_264 : i32 to vector<16xi32>
      %add3A_266 = vector.broadcast %mul3A : i32 to vector<16xi32>
      %add3A_267 = arith.addi %broadcast_in_dim3A_265, %add3A_266 : vector<16xi32>
      %swap3A_268 = arith.constant 80 : index
      %swap3A_269 = tpu.vector_load %arg11[%swap3A_268] {strides = array<i32>} : memref<128xi32, #tpu.memory_space<vmem>>, vector<16xi32>,
      %swap3A_270 = vector.shape_cast %swap3A_269 : vector<16xi32> to vector<16xi32>
      %swap3A_271 = vector.shape_cast %add3A_267 : vector<16xi32> to vector<16xi32>
      tpu.vector_store %arg11[%swap3A_268], %swap3A_271 {strides = array<i32>} : memref<128xi32, #tpu.memory_space<vmem>>, vector<16xi32>,
      %mul3A_272 = arith.constant 4 : i32
      %mul3A_273 = arith.muli %add3A_199, %mul3A_272 : i32
      %add3A_274 = arith.constant 3 : i32
      %add3A_275 = arith.addi %mul3A_273, %add3A_274 : i32
      %broadcast_in_dim3A_276 = vector.broadcast %add3A_275 : i32 to vector<16xi32>
      %add3A_277 = vector.broadcast %mul3A : i32 to vector<16xi32>
      %add3A_278 = arith.addi %broadcast_in_dim3A_276, %add3A_277 : vector<16xi32>
      %swap3A_279 = arith.constant 96 : index
      %swap3A_280 = tpu.vector_load %arg11[%swap3A_279] {strides = array<i32>} : memref<128xi32, #tpu.memory_space<vmem>>, vector<16xi32>,
      %swap3A_281 = vector.shape_cast %swap3A_280 : vector<16xi32> to vector<16xi32>
      %swap3A_282 = vector.shape_cast %add3A_278 : vector<16xi32> to vector<16xi32>
      tpu.vector_store %arg11[%swap3A_279], %swap3A_282 {strides = array<i32>} : memref<128xi32, #tpu.memory_space<vmem>>, vector<16xi32>,
      %mul3A_283 = arith.constant 4 : i32
      %mul3A_284 = arith.muli %add3A_199, %mul3A_283 : i32
      %add3A_285 = arith.constant 3 : i32
      %add3A_286 = arith.addi %mul3A_284, %add3A_285 : i32
      %broadcast_in_dim3A_287 = vector.broadcast %add3A_286 : i32 to vector<16xi32>
      %add3A_288 = vector.broadcast %mul3A : i32 to vector<16xi32>
      %add3A_289 = arith.addi %broadcast_in_dim3A_287, %add3A_288 : vector<16xi32>
      %swap3A_290 = arith.constant 112 : index
      %swap3A_291 = tpu.vector_load %arg11[%swap3A_290] {strides = array<i32>} : memref<128xi32, #tpu.memory_space<vmem>>, vector<16xi32>,
      %swap3A_292 = vector.shape_cast %swap3A_291 : vector<16xi32> to vector<16xi32>
      %swap3A_293 = vector.shape_cast %add3A_289 : vector<16xi32> to vector<16xi32>
      tpu.vector_store %arg11[%swap3A_290], %swap3A_293 {strides = array<i32>} : memref<128xi32, #tpu.memory_space<vmem>>, vector<16xi32>,
      %dma_start3A_294 = arith.constant 0 : i32
      %dma_start3A_295 = arith.constant 0 : i32
      %dma_start3A_296 = tpu.memref_slice %arg6[%dma_start3A_294, %dma_start3A_295] : memref<1536x128xf32, #tpu.memory_space<vmem_shared>> -> memref<1536x128xf32, #tpu.memory_space<vmem_shared>>
      tpu.enqueue_indirect_dma source(%arg9 : memref<128x128xf32, #tpu.memory_space<vmem>>) target(%dma_start3A_296 : memref<1536x128xf32, #tpu.memory_space<vmem_shared>>) offsets(%arg11 : memref<128xi32, #tpu.memory_space<vmem>>) semaphore(%arg15 : memref<!tpu.dma_semaphore, #tpu.memory_space<semaphore_mem>>) {add = true}
      %mul3A_297 = arith.constant 2 : i32
      %mul3A_298 = arith.muli %while3A_95, %mul3A_297 : i32
      %add3A_299 = arith.constant 0 : i32
      %add3A_300 = arith.addi %mul3A_298, %add3A_299 : i32
      %add3A_301 = arith.constant 2 : i32
      %add3A_302 = arith.addi %add3A_300, %add3A_301 : i32
      %lt3A = arith.cmpi slt, %add3A_302, %select_n3A_6 : i32
      %convert_element_type3A_303 = arith.extui %lt3A : i1 to i32
      %cond3A_304 = arith.constant 0 : i32
      %cond3A_305 = arith.cmpi ne, %convert_element_type3A_303, %cond3A_304 : i32
      scf.if %cond3A_305 {
        %mul3A_316 = arith.constant 2 : i32
        %mul3A_317 = arith.muli %while3A_95, %mul3A_316 : i32
        %add3A_318 = arith.constant 0 : i32
        %add3A_319 = arith.addi %mul3A_317, %add3A_318 : i32
        %dma_wait3A_320 = arith.constant 0 : i32
        %dma_wait3A_321 = arith.constant 0 : i32
        %dma_wait3A_322 = tpu.memref_slice %arg6[%dma_wait3A_320, %dma_wait3A_321] : memref<1536x128xf32, #tpu.memory_space<vmem_shared>> -> memref<1536x128xf32, #tpu.memory_space<vmem_shared>>
        tpu.wait_indirect_dma semaphore(%arg14 : memref<!tpu.dma_semaphore, #tpu.memory_space<semaphore_mem>>) src(%arg8 : memref<128x128xf32, #tpu.memory_space<vmem>>) dst(%dma_wait3A_322 : memref<1536x128xf32, #tpu.memory_space<vmem_shared>>)
        %add3A_323 = arith.constant 2 : i32
        %add3A_324 = arith.addi %add3A_319, %add3A_323 : i32
        %dma_start3A_325 = arith.constant 0 : i32
        %dma_start3A_326 = tpu.memref_slice %arg5[%add3A_324, %dma_start3A_325] : memref<24x128xi32, #tpu.memory_space<vmem>> -> memref<1x128xi32, #tpu.memory_space<vmem>>
        %dma_start3A_327 = tpu.memref_squeeze %dma_start3A_326 : memref<1x128xi32, #tpu.memory_space<vmem>> -> memref<128xi32, #tpu.memory_space<vmem>>
        %dma_start3A_328 = arith.constant 0 : i32
        %dma_start3A_329 = arith.constant 0 : i32
        %dma_start3A_330 = tpu.memref_slice %arg7[%dma_start3A_328, %dma_start3A_329] : memref<10000x128xf32, #tpu.memory_space<vmem_shared>> -> memref<10000x128xf32, #tpu.memory_space<vmem_shared>>
        tpu.enqueue_indirect_dma source(%dma_start3A_330 : memref<10000x128xf32, #tpu.memory_space<vmem_shared>>) target(%arg8 : memref<128x128xf32, #tpu.memory_space<vmem>>) offsets(%dma_start3A_327 : memref<128xi32, #tpu.memory_space<vmem>>) semaphore(%arg12 : memref<!tpu.dma_semaphore, #tpu.memory_space<semaphore_mem>>)
      } else {
      }
      %mul3A_306 = arith.constant 2 : i32
      %mul3A_307 = arith.muli %while3A_95, %mul3A_306 : i32
      %add3A_308 = arith.constant 1 : i32
      %add3A_309 = arith.addi %mul3A_307, %add3A_308 : i32
      %add3A_310 = arith.constant 2 : i32
      %add3A_311 = arith.addi %add3A_309, %add3A_310 : i32
      %lt3A_312 = arith.cmpi slt, %add3A_311, %select_n3A_6 : i32
      %convert_element_type3A_313 = arith.extui %lt3A_312 : i1 to i32
      %cond3A_314 = arith.constant 0 : i32
      %cond3A_315 = arith.cmpi ne, %convert_element_type3A_313, %cond3A_314 : i32
      scf.if %cond3A_315 {
        %mul3A_316 = arith.constant 2 : i32
        %mul3A_317 = arith.muli %while3A_95, %mul3A_316 : i32
        %add3A_318 = arith.constant 1 : i32
        %add3A_319 = arith.addi %mul3A_317, %add3A_318 : i32
        %dma_wait3A_320 = arith.constant 0 : i32
        %dma_wait3A_321 = arith.constant 0 : i32
        %dma_wait3A_322 = tpu.memref_slice %arg6[%dma_wait3A_320, %dma_wait3A_321] : memref<1536x128xf32, #tpu.memory_space<vmem_shared>> -> memref<1536x128xf32, #tpu.memory_space<vmem_shared>>
        tpu.wait_indirect_dma semaphore(%arg15 : memref<!tpu.dma_semaphore, #tpu.memory_space<semaphore_mem>>) src(%arg9 : memref<128x128xf32, #tpu.memory_space<vmem>>) dst(%dma_wait3A_322 : memref<1536x128xf32, #tpu.memory_space<vmem_shared>>)
        %add3A_323 = arith.constant 2 : i32
        %add3A_324 = arith.addi %add3A_319, %add3A_323 : i32
        %dma_start3A_325 = arith.constant 0 : i32
        %dma_start3A_326 = tpu.memref_slice %arg5[%add3A_324, %dma_start3A_325] : memref<24x128xi32, #tpu.memory_space<vmem>> -> memref<1x128xi32, #tpu.memory_space<vmem>>
        %dma_start3A_327 = tpu.memref_squeeze %dma_start3A_326 : memref<1x128xi32, #tpu.memory_space<vmem>> -> memref<128xi32, #tpu.memory_space<vmem>>
        %dma_start3A_328 = arith.constant 0 : i32
        %dma_start3A_329 = arith.constant 0 : i32
        %dma_start3A_330 = tpu.memref_slice %arg7[%dma_start3A_328, %dma_start3A_329] : memref<10000x128xf32, #tpu.memory_space<vmem_shared>> -> memref<10000x128xf32, #tpu.memory_space<vmem_shared>>
        tpu.enqueue_indirect_dma source(%dma_start3A_330 : memref<10000x128xf32, #tpu.memory_space<vmem_shared>>) target(%arg9 : memref<128x128xf32, #tpu.memory_space<vmem>>) offsets(%dma_start3A_327 : memref<128xi32, #tpu.memory_space<vmem>>) semaphore(%arg13 : memref<!tpu.dma_semaphore, #tpu.memory_space<semaphore_mem>>)
      } else {
      }
    }
    %while3A_79 = arith.constant 1 : i32
    scf.for %while3A_95 = %while3A_77 to %while3A_73 step %while3A_79  : i32 {
      %mul3A_96 = arith.constant 2 : i32
      %mul3A_97 = arith.muli %while3A_95, %mul3A_96 : i32
      %add3A_98 = arith.constant 0 : i32
      %add3A_99 = arith.addi %mul3A_97, %add3A_98 : i32
      %dma_wait3A_100 = arith.constant 0 : i32
      %dma_wait3A_101 = tpu.memref_slice %arg5[%add3A_99, %dma_wait3A_100] : memref<24x128xi32, #tpu.memory_space<vmem>> -> memref<1x128xi32, #tpu.memory_space<vmem>>
      %dma_wait3A_102 = tpu.memref_squeeze %dma_wait3A_101 : memref<1x128xi32, #tpu.memory_space<vmem>> -> memref<128xi32, #tpu.memory_space<vmem>>
      %dma_wait3A_103 = arith.constant 0 : i32
      %dma_wait3A_104 = arith.constant 0 : i32
      %dma_wait3A_105 = tpu.memref_slice %arg7[%dma_wait3A_103, %dma_wait3A_104] : memref<10000x128xf32, #tpu.memory_space<vmem_shared>> -> memref<10000x128xf32, #tpu.memory_space<vmem_shared>>
      tpu.wait_indirect_dma semaphore(%arg12 : memref<!tpu.dma_semaphore, #tpu.memory_space<semaphore_mem>>) src(%dma_wait3A_105 : memref<10000x128xf32, #tpu.memory_space<vmem_shared>>) dst(%arg8 : memref<128x128xf32, #tpu.memory_space<vmem>>)
      %mul3A_106 = arith.constant 4 : i32
      %mul3A_107 = arith.muli %add3A_99, %mul3A_106 : i32
      %add3A_108 = arith.constant 0 : i32
      %add3A_109 = arith.addi %mul3A_107, %add3A_108 : i32
      %broadcast_in_dim3A_110 = vector.broadcast %add3A_109 : i32 to vector<16xi32>
      %add3A_111 = vector.broadcast %mul3A : i32 to vector<16xi32>
      %add3A_112 = arith.addi %broadcast_in_dim3A_110, %add3A_111 : vector<16xi32>
      %swap3A = arith.constant 0 : index
      %swap3A_113 = tpu.vector_load %arg10[%swap3A] {strides = array<i32>} : memref<128xi32, #tpu.memory_space<vmem>>, vector<16xi32>,
      %swap3A_114 = vector.shape_cast %swap3A_113 : vector<16xi32> to vector<16xi32>
      %swap3A_115 = vector.shape_cast %add3A_112 : vector<16xi32> to vector<16xi32>
      tpu.vector_store %arg10[%swap3A], %swap3A_115 {strides = array<i32>} : memref<128xi32, #tpu.memory_space<vmem>>, vector<16xi32>,
      %mul3A_116 = arith.constant 4 : i32
      %mul3A_117 = arith.muli %add3A_99, %mul3A_116 : i32
      %add3A_118 = arith.constant 0 : i32
      %add3A_119 = arith.addi %mul3A_117, %add3A_118 : i32
      %broadcast_in_dim3A_120 = vector.broadcast %add3A_119 : i32 to vector<16xi32>
      %add3A_121 = vector.broadcast %mul3A : i32 to vector<16xi32>
      %add3A_122 = arith.addi %broadcast_in_dim3A_120, %add3A_121 : vector<16xi32>
      %swap3A_123 = arith.constant 16 : index
      %swap3A_124 = tpu.vector_load %arg10[%swap3A_123] {strides = array<i32>} : memref<128xi32, #tpu.memory_space<vmem>>, vector<16xi32>,
      %swap3A_125 = vector.shape_cast %swap3A_124 : vector<16xi32> to vector<16xi32>
      %swap3A_126 = vector.shape_cast %add3A_122 : vector<16xi32> to vector<16xi32>
      tpu.vector_store %arg10[%swap3A_123], %swap3A_126 {strides = array<i32>} : memref<128xi32, #tpu.memory_space<vmem>>, vector<16xi32>,
      %mul3A_127 = arith.constant 4 : i32
      %mul3A_128 = arith.muli %add3A_99, %mul3A_127 : i32
      %add3A_129 = arith.constant 1 : i32
      %add3A_130 = arith.addi %mul3A_128, %add3A_129 : i32
      %broadcast_in_dim3A_131 = vector.broadcast %add3A_130 : i32 to vector<16xi32>
      %add3A_132 = vector.broadcast %mul3A : i32 to vector<16xi32>
      %add3A_133 = arith.addi %broadcast_in_dim3A_131, %add3A_132 : vector<16xi32>
      %swap3A_134 = arith.constant 32 : index
      %swap3A_135 = tpu.vector_load %arg10[%swap3A_134] {strides = array<i32>} : memref<128xi32, #tpu.memory_space<vmem>>, vector<16xi32>,
      %swap3A_136 = vector.shape_cast %swap3A_135 : vector<16xi32> to vector<16xi32>
      %swap3A_137 = vector.shape_cast %add3A_133 : vector<16xi32> to vector<16xi32>
      tpu.vector_store %arg10[%swap3A_134], %swap3A_137 {strides = array<i32>} : memref<128xi32, #tpu.memory_space<vmem>>, vector<16xi32>,
      %mul3A_138 = arith.constant 4 : i32
      %mul3A_139 = arith.muli %add3A_99, %mul3A_138 : i32
      %add3A_140 = arith.constant 1 : i32
      %add3A_141 = arith.addi %mul3A_139, %add3A_140 : i32
      %broadcast_in_dim3A_142 = vector.broadcast %add3A_141 : i32 to vector<16xi32>
      %add3A_143 = vector.broadcast %mul3A : i32 to vector<16xi32>
      %add3A_144 = arith.addi %broadcast_in_dim3A_142, %add3A_143 : vector<16xi32>
      %swap3A_145 = arith.constant 48 : index
      %swap3A_146 = tpu.vector_load %arg10[%swap3A_145] {strides = array<i32>} : memref<128xi32, #tpu.memory_space<vmem>>, vector<16xi32>,
      %swap3A_147 = vector.shape_cast %swap3A_146 : vector<16xi32> to vector<16xi32>
      %swap3A_148 = vector.shape_cast %add3A_144 : vector<16xi32> to vector<16xi32>
      tpu.vector_store %arg10[%swap3A_145], %swap3A_148 {strides = array<i32>} : memref<128xi32, #tpu.memory_space<vmem>>, vector<16xi32>,
      %mul3A_149 = arith.constant 4 : i32
      %mul3A_150 = arith.muli %add3A_99, %mul3A_149 : i32
      %add3A_151 = arith.constant 2 : i32
      %add3A_152 = arith.addi %mul3A_150, %add3A_151 : i32
      %broadcast_in_dim3A_153 = vector.broadcast %add3A_152 : i32 to vector<16xi32>
      %add3A_154 = vector.broadcast %mul3A : i32 to vector<16xi32>
      %add3A_155 = arith.addi %broadcast_in_dim3A_153, %add3A_154 : vector<16xi32>
      %swap3A_156 = arith.constant 64 : index
      %swap3A_157 = tpu.vector_load %arg10[%swap3A_156] {strides = array<i32>} : memref<128xi32, #tpu.memory_space<vmem>>, vector<16xi32>,
      %swap3A_158 = vector.shape_cast %swap3A_157 : vector<16xi32> to vector<16xi32>
      %swap3A_159 = vector.shape_cast %add3A_155 : vector<16xi32> to vector<16xi32>
      tpu.vector_store %arg10[%swap3A_156], %swap3A_159 {strides = array<i32>} : memref<128xi32, #tpu.memory_space<vmem>>, vector<16xi32>,
      %mul3A_160 = arith.constant 4 : i32
      %mul3A_161 = arith.muli %add3A_99, %mul3A_160 : i32
      %add3A_162 = arith.constant 2 : i32
      %add3A_163 = arith.addi %mul3A_161, %add3A_162 : i32
      %broadcast_in_dim3A_164 = vector.broadcast %add3A_163 : i32 to vector<16xi32>
      %add3A_165 = vector.broadcast %mul3A : i32 to vector<16xi32>
      %add3A_166 = arith.addi %broadcast_in_dim3A_164, %add3A_165 : vector<16xi32>
      %swap3A_167 = arith.constant 80 : index
      %swap3A_168 = tpu.vector_load %arg10[%swap3A_167] {strides = array<i32>} : memref<128xi32, #tpu.memory_space<vmem>>, vector<16xi32>,
      %swap3A_169 = vector.shape_cast %swap3A_168 : vector<16xi32> to vector<16xi32>
      %swap3A_170 = vector.shape_cast %add3A_166 : vector<16xi32> to vector<16xi32>
      tpu.vector_store %arg10[%swap3A_167], %swap3A_170 {strides = array<i32>} : memref<128xi32, #tpu.memory_space<vmem>>, vector<16xi32>,
      %mul3A_171 = arith.constant 4 : i32
      %mul3A_172 = arith.muli %add3A_99, %mul3A_171 : i32
      %add3A_173 = arith.constant 3 : i32
      %add3A_174 = arith.addi %mul3A_172, %add3A_173 : i32
      %broadcast_in_dim3A_175 = vector.broadcast %add3A_174 : i32 to vector<16xi32>
      %add3A_176 = vector.broadcast %mul3A : i32 to vector<16xi32>
      %add3A_177 = arith.addi %broadcast_in_dim3A_175, %add3A_176 : vector<16xi32>
      %swap3A_178 = arith.constant 96 : index
      %swap3A_179 = tpu.vector_load %arg10[%swap3A_178] {strides = array<i32>} : memref<128xi32, #tpu.memory_space<vmem>>, vector<16xi32>,
      %swap3A_180 = vector.shape_cast %swap3A_179 : vector<16xi32> to vector<16xi32>
      %swap3A_181 = vector.shape_cast %add3A_177 : vector<16xi32> to vector<16xi32>
      tpu.vector_store %arg10[%swap3A_178], %swap3A_181 {strides = array<i32>} : memref<128xi32, #tpu.memory_space<vmem>>, vector<16xi32>,
      %mul3A_182 = arith.constant 4 : i32
      %mul3A_183 = arith.muli %add3A_99, %mul3A_182 : i32
      %add3A_184 = arith.constant 3 : i32
      %add3A_185 = arith.addi %mul3A_183, %add3A_184 : i32
      %broadcast_in_dim3A_186 = vector.broadcast %add3A_185 : i32 to vector<16xi32>
      %add3A_187 = vector.broadcast %mul3A : i32 to vector<16xi32>
      %add3A_188 = arith.addi %broadcast_in_dim3A_186, %add3A_187 : vector<16xi32>
      %swap3A_189 = arith.constant 112 : index
      %swap3A_190 = tpu.vector_load %arg10[%swap3A_189] {strides = array<i32>} : memref<128xi32, #tpu.memory_space<vmem>>, vector<16xi32>,
      %swap3A_191 = vector.shape_cast %swap3A_190 : vector<16xi32> to vector<16xi32>
      %swap3A_192 = vector.shape_cast %add3A_188 : vector<16xi32> to vector<16xi32>
      tpu.vector_store %arg10[%swap3A_189], %swap3A_192 {strides = array<i32>} : memref<128xi32, #tpu.memory_space<vmem>>, vector<16xi32>,
      %dma_start3A_193 = arith.constant 0 : i32
      %dma_start3A_194 = arith.constant 0 : i32
      %dma_start3A_195 = tpu.memref_slice %arg6[%dma_start3A_193, %dma_start3A_194] : memref<1536x128xf32, #tpu.memory_space<vmem_shared>> -> memref<1536x128xf32, #tpu.memory_space<vmem_shared>>
      tpu.enqueue_indirect_dma source(%arg8 : memref<128x128xf32, #tpu.memory_space<vmem>>) target(%dma_start3A_195 : memref<1536x128xf32, #tpu.memory_space<vmem_shared>>) offsets(%arg10 : memref<128xi32, #tpu.memory_space<vmem>>) semaphore(%arg14 : memref<!tpu.dma_semaphore, #tpu.memory_space<semaphore_mem>>) {add = true}
      %mul3A_196 = arith.constant 2 : i32
      %mul3A_197 = arith.muli %while3A_95, %mul3A_196 : i32
      %add3A_198 = arith.constant 1 : i32
      %add3A_199 = arith.addi %mul3A_197, %add3A_198 : i32
      %dma_wait3A_200 = arith.constant 0 : i32
      %dma_wait3A_201 = tpu.memref_slice %arg5[%add3A_199, %dma_wait3A_200] : memref<24x128xi32, #tpu.memory_space<vmem>> -> memref<1x128xi32, #tpu.memory_space<vmem>>
      %dma_wait3A_202 = tpu.memref_squeeze %dma_wait3A_201 : memref<1x128xi32, #tpu.memory_space<vmem>> -> memref<128xi32, #tpu.memory_space<vmem>>
      %dma_wait3A_203 = arith.constant 0 : i32
      %dma_wait3A_204 = arith.constant 0 : i32
      %dma_wait3A_205 = tpu.memref_slice %arg7[%dma_wait3A_203, %dma_wait3A_204] : memref<10000x128xf32, #tpu.memory_space<vmem_shared>> -> memref<10000x128xf32, #tpu.memory_space<vmem_shared>>
      tpu.wait_indirect_dma semaphore(%arg13 : memref<!tpu.dma_semaphore, #tpu.memory_space<semaphore_mem>>) src(%dma_wait3A_205 : memref<10000x128xf32, #tpu.memory_space<vmem_shared>>) dst(%arg9 : memref<128x128xf32, #tpu.memory_space<vmem>>)
      %mul3A_206 = arith.constant 4 : i32
      %mul3A_207 = arith.muli %add3A_199, %mul3A_206 : i32
      %add3A_208 = arith.constant 0 : i32
      %add3A_209 = arith.addi %mul3A_207, %add3A_208 : i32
      %broadcast_in_dim3A_210 = vector.broadcast %add3A_209 : i32 to vector<16xi32>
      %add3A_211 = vector.broadcast %mul3A : i32 to vector<16xi32>
      %add3A_212 = arith.addi %broadcast_in_dim3A_210, %add3A_211 : vector<16xi32>
      %swap3A_213 = arith.constant 0 : index
      %swap3A_214 = tpu.vector_load %arg11[%swap3A_213] {strides = array<i32>} : memref<128xi32, #tpu.memory_space<vmem>>, vector<16xi32>,
      %swap3A_215 = vector.shape_cast %swap3A_214 : vector<16xi32> to vector<16xi32>
      %swap3A_216 = vector.shape_cast %add3A_212 : vector<16xi32> to vector<16xi32>
      tpu.vector_store %arg11[%swap3A_213], %swap3A_216 {strides = array<i32>} : memref<128xi32, #tpu.memory_space<vmem>>, vector<16xi32>,
      %mul3A_217 = arith.constant 4 : i32
      %mul3A_218 = arith.muli %add3A_199, %mul3A_217 : i32
      %add3A_219 = arith.constant 0 : i32
      %add3A_220 = arith.addi %mul3A_218, %add3A_219 : i32
      %broadcast_in_dim3A_221 = vector.broadcast %add3A_220 : i32 to vector<16xi32>
      %add3A_222 = vector.broadcast %mul3A : i32 to vector<16xi32>
      %add3A_223 = arith.addi %broadcast_in_dim3A_221, %add3A_222 : vector<16xi32>
      %swap3A_224 = arith.constant 16 : index
      %swap3A_225 = tpu.vector_load %arg11[%swap3A_224] {strides = array<i32>} : memref<128xi32, #tpu.memory_space<vmem>>, vector<16xi32>,
      %swap3A_226 = vector.shape_cast %swap3A_225 : vector<16xi32> to vector<16xi32>
      %swap3A_227 = vector.shape_cast %add3A_223 : vector<16xi32> to vector<16xi32>
      tpu.vector_store %arg11[%swap3A_224], %swap3A_227 {strides = array<i32>} : memref<128xi32, #tpu.memory_space<vmem>>, vector<16xi32>,
      %mul3A_228 = arith.constant 4 : i32
      %mul3A_229 = arith.muli %add3A_199, %mul3A_228 : i32
      %add3A_230 = arith.constant 1 : i32
      %add3A_231 = arith.addi %mul3A_229, %add3A_230 : i32
      %broadcast_in_dim3A_232 = vector.broadcast %add3A_231 : i32 to vector<16xi32>
      %add3A_233 = vector.broadcast %mul3A : i32 to vector<16xi32>
      %add3A_234 = arith.addi %broadcast_in_dim3A_232, %add3A_233 : vector<16xi32>
      %swap3A_235 = arith.constant 32 : index
      %swap3A_236 = tpu.vector_load %arg11[%swap3A_235] {strides = array<i32>} : memref<128xi32, #tpu.memory_space<vmem>>, vector<16xi32>,
      %swap3A_237 = vector.shape_cast %swap3A_236 : vector<16xi32> to vector<16xi32>
      %swap3A_238 = vector.shape_cast %add3A_234 : vector<16xi32> to vector<16xi32>
      tpu.vector_store %arg11[%swap3A_235], %swap3A_238 {strides = array<i32>} : memref<128xi32, #tpu.memory_space<vmem>>, vector<16xi32>,
      %mul3A_239 = arith.constant 4 : i32
      %mul3A_240 = arith.muli %add3A_199, %mul3A_239 : i32
      %add3A_241 = arith.constant 1 : i32
      %add3A_242 = arith.addi %mul3A_240, %add3A_241 : i32
      %broadcast_in_dim3A_243 = vector.broadcast %add3A_242 : i32 to vector<16xi32>
      %add3A_244 = vector.broadcast %mul3A : i32 to vector<16xi32>
      %add3A_245 = arith.addi %broadcast_in_dim3A_243, %add3A_244 : vector<16xi32>
      %swap3A_246 = arith.constant 48 : index
      %swap3A_247 = tpu.vector_load %arg11[%swap3A_246] {strides = array<i32>} : memref<128xi32, #tpu.memory_space<vmem>>, vector<16xi32>,
      %swap3A_248 = vector.shape_cast %swap3A_247 : vector<16xi32> to vector<16xi32>
      %swap3A_249 = vector.shape_cast %add3A_245 : vector<16xi32> to vector<16xi32>
      tpu.vector_store %arg11[%swap3A_246], %swap3A_249 {strides = array<i32>} : memref<128xi32, #tpu.memory_space<vmem>>, vector<16xi32>,
      %mul3A_250 = arith.constant 4 : i32
      %mul3A_251 = arith.muli %add3A_199, %mul3A_250 : i32
      %add3A_252 = arith.constant 2 : i32
      %add3A_253 = arith.addi %mul3A_251, %add3A_252 : i32
      %broadcast_in_dim3A_254 = vector.broadcast %add3A_253 : i32 to vector<16xi32>
      %add3A_255 = vector.broadcast %mul3A : i32 to vector<16xi32>
      %add3A_256 = arith.addi %broadcast_in_dim3A_254, %add3A_255 : vector<16xi32>
      %swap3A_257 = arith.constant 64 : index
      %swap3A_258 = tpu.vector_load %arg11[%swap3A_257] {strides = array<i32>} : memref<128xi32, #tpu.memory_space<vmem>>, vector<16xi32>,
      %swap3A_259 = vector.shape_cast %swap3A_258 : vector<16xi32> to vector<16xi32>
      %swap3A_260 = vector.shape_cast %add3A_256 : vector<16xi32> to vector<16xi32>
      tpu.vector_store %arg11[%swap3A_257], %swap3A_260 {strides = array<i32>} : memref<128xi32, #tpu.memory_space<vmem>>, vector<16xi32>,
      %mul3A_261 = arith.constant 4 : i32
      %mul3A_262 = arith.muli %add3A_199, %mul3A_261 : i32
      %add3A_263 = arith.constant 2 : i32
      %add3A_264 = arith.addi %mul3A_262, %add3A_263 : i32
      %broadcast_in_dim3A_265 = vector.broadcast %add3A_264 : i32 to vector<16xi32>
      %add3A_266 = vector.broadcast %mul3A : i32 to vector<16xi32>
      %add3A_267 = arith.addi %broadcast_in_dim3A_265, %add3A_266 : vector<16xi32>
      %swap3A_268 = arith.constant 80 : index
      %swap3A_269 = tpu.vector_load %arg11[%swap3A_268] {strides = array<i32>} : memref<128xi32, #tpu.memory_space<vmem>>, vector<16xi32>,
      %swap3A_270 = vector.shape_cast %swap3A_269 : vector<16xi32> to vector<16xi32>
      %swap3A_271 = vector.shape_cast %add3A_267 : vector<16xi32> to vector<16xi32>
      tpu.vector_store %arg11[%swap3A_268], %swap3A_271 {strides = array<i32>} : memref<128xi32, #tpu.memory_space<vmem>>, vector<16xi32>,
      %mul3A_272 = arith.constant 4 : i32
      %mul3A_273 = arith.muli %add3A_199, %mul3A_272 : i32
      %add3A_274 = arith.constant 3 : i32
      %add3A_275 = arith.addi %mul3A_273, %add3A_274 : i32
      %broadcast_in_dim3A_276 = vector.broadcast %add3A_275 : i32 to vector<16xi32>
      %add3A_277 = vector.broadcast %mul3A : i32 to vector<16xi32>
      %add3A_278 = arith.addi %broadcast_in_dim3A_276, %add3A_277 : vector<16xi32>
      %swap3A_279 = arith.constant 96 : index
      %swap3A_280 = tpu.vector_load %arg11[%swap3A_279] {strides = array<i32>} : memref<128xi32, #tpu.memory_space<vmem>>, vector<16xi32>,
      %swap3A_281 = vector.shape_cast %swap3A_280 : vector<16xi32> to vector<16xi32>
      %swap3A_282 = vector.shape_cast %add3A_278 : vector<16xi32> to vector<16xi32>
      tpu.vector_store %arg11[%swap3A_279], %swap3A_282 {strides = array<i32>} : memref<128xi32, #tpu.memory_space<vmem>>, vector<16xi32>,
      %mul3A_283 = arith.constant 4 : i32
      %mul3A_284 = arith.muli %add3A_199, %mul3A_283 : i32
      %add3A_285 = arith.constant 3 : i32
      %add3A_286 = arith.addi %mul3A_284, %add3A_285 : i32
      %broadcast_in_dim3A_287 = vector.broadcast %add3A_286 : i32 to vector<16xi32>
      %add3A_288 = vector.broadcast %mul3A : i32 to vector<16xi32>
      %add3A_289 = arith.addi %broadcast_in_dim3A_287, %add3A_288 : vector<16xi32>
      %swap3A_290 = arith.constant 112 : index
      %swap3A_291 = tpu.vector_load %arg11[%swap3A_290] {strides = array<i32>} : memref<128xi32, #tpu.memory_space<vmem>>, vector<16xi32>,
      %swap3A_292 = vector.shape_cast %swap3A_291 : vector<16xi32> to vector<16xi32>
      %swap3A_293 = vector.shape_cast %add3A_289 : vector<16xi32> to vector<16xi32>
      tpu.vector_store %arg11[%swap3A_290], %swap3A_293 {strides = array<i32>} : memref<128xi32, #tpu.memory_space<vmem>>, vector<16xi32>,
      %dma_start3A_294 = arith.constant 0 : i32
      %dma_start3A_295 = arith.constant 0 : i32
      %dma_start3A_296 = tpu.memref_slice %arg6[%dma_start3A_294, %dma_start3A_295] : memref<1536x128xf32, #tpu.memory_space<vmem_shared>> -> memref<1536x128xf32, #tpu.memory_space<vmem_shared>>
      tpu.enqueue_indirect_dma source(%arg9 : memref<128x128xf32, #tpu.memory_space<vmem>>) target(%dma_start3A_296 : memref<1536x128xf32, #tpu.memory_space<vmem_shared>>) offsets(%arg11 : memref<128xi32, #tpu.memory_space<vmem>>) semaphore(%arg15 : memref<!tpu.dma_semaphore, #tpu.memory_space<semaphore_mem>>) {add = true}
      %mul3A_297 = arith.constant 2 : i32
      %mul3A_298 = arith.muli %while3A_95, %mul3A_297 : i32
      %add3A_299 = arith.constant 0 : i32
      %add3A_300 = arith.addi %mul3A_298, %add3A_299 : i32
      %add3A_301 = arith.constant 2 : i32
      %add3A_302 = arith.addi %add3A_300, %add3A_301 : i32
      %lt3A = arith.cmpi slt, %add3A_302, %select_n3A_6 : i32
      %convert_element_type3A_303 = arith.extui %lt3A : i1 to i32
      %cond3A_304 = arith.constant 0 : i32
      %cond3A_305 = arith.cmpi ne, %convert_element_type3A_303, %cond3A_304 : i32
      scf.if %cond3A_305 {
        %mul3A_316 = arith.constant 2 : i32
        %mul3A_317 = arith.muli %while3A_95, %mul3A_316 : i32
        %add3A_318 = arith.constant 0 : i32
        %add3A_319 = arith.addi %mul3A_317, %add3A_318 : i32
        %dma_wait3A_320 = arith.constant 0 : i32
        %dma_wait3A_321 = arith.constant 0 : i32
        %dma_wait3A_322 = tpu.memref_slice %arg6[%dma_wait3A_320, %dma_wait3A_321] : memref<1536x128xf32, #tpu.memory_space<vmem_shared>> -> memref<1536x128xf32, #tpu.memory_space<vmem_shared>>
        tpu.wait_indirect_dma semaphore(%arg14 : memref<!tpu.dma_semaphore, #tpu.memory_space<semaphore_mem>>) src(%arg8 : memref<128x128xf32, #tpu.memory_space<vmem>>) dst(%dma_wait3A_322 : memref<1536x128xf32, #tpu.memory_space<vmem_shared>>)
        %add3A_323 = arith.constant 2 : i32
        %add3A_324 = arith.addi %add3A_319, %add3A_323 : i32
        %dma_start3A_325 = arith.constant 0 : i32
        %dma_start3A_326 = tpu.memref_slice %arg5[%add3A_324, %dma_start3A_325] : memref<24x128xi32, #tpu.memory_space<vmem>> -> memref<1x128xi32, #tpu.memory_space<vmem>>
        %dma_start3A_327 = tpu.memref_squeeze %dma_start3A_326 : memref<1x128xi32, #tpu.memory_space<vmem>> -> memref<128xi32, #tpu.memory_space<vmem>>
        %dma_start3A_328 = arith.constant 0 : i32
        %dma_start3A_329 = arith.constant 0 : i32
        %dma_start3A_330 = tpu.memref_slice %arg7[%dma_start3A_328, %dma_start3A_329] : memref<10000x128xf32, #tpu.memory_space<vmem_shared>> -> memref<10000x128xf32, #tpu.memory_space<vmem_shared>>
        tpu.enqueue_indirect_dma source(%dma_start3A_330 : memref<10000x128xf32, #tpu.memory_space<vmem_shared>>) target(%arg8 : memref<128x128xf32, #tpu.memory_space<vmem>>) offsets(%dma_start3A_327 : memref<128xi32, #tpu.memory_space<vmem>>) semaphore(%arg12 : memref<!tpu.dma_semaphore, #tpu.memory_space<semaphore_mem>>)
      } else {
      }
      %mul3A_306 = arith.constant 2 : i32
      %mul3A_307 = arith.muli %while3A_95, %mul3A_306 : i32
      %add3A_308 = arith.constant 1 : i32
      %add3A_309 = arith.addi %mul3A_307, %add3A_308 : i32
      %add3A_310 = arith.constant 2 : i32
      %add3A_311 = arith.addi %add3A_309, %add3A_310 : i32
      %lt3A_312 = arith.cmpi slt, %add3A_311, %select_n3A_6 : i32
      %convert_element_type3A_313 = arith.extui %lt3A_312 : i1 to i32
      %cond3A_314 = arith.constant 0 : i32
      %cond3A_315 = arith.cmpi ne, %convert_element_type3A_313, %cond3A_314 : i32
      scf.if %cond3A_315 {
        %mul3A_316 = arith.constant 2 : i32
        %mul3A_317 = arith.muli %while3A_95, %mul3A_316 : i32
        %add3A_318 = arith.constant 1 : i32
        %add3A_319 = arith.addi %mul3A_317, %add3A_318 : i32
        %dma_wait3A_320 = arith.constant 0 : i32
        %dma_wait3A_321 = arith.constant 0 : i32
        %dma_wait3A_322 = tpu.memref_slice %arg6[%dma_wait3A_320, %dma_wait3A_321] : memref<1536x128xf32, #tpu.memory_space<vmem_shared>> -> memref<1536x128xf32, #tpu.memory_space<vmem_shared>>
        tpu.wait_indirect_dma semaphore(%arg15 : memref<!tpu.dma_semaphore, #tpu.memory_space<semaphore_mem>>) src(%arg9 : memref<128x128xf32, #tpu.memory_space<vmem>>) dst(%dma_wait3A_322 : memref<1536x128xf32, #tpu.memory_space<vmem_shared>>)
        %add3A_323 = arith.constant 2 : i32
        %add3A_324 = arith.addi %add3A_319, %add3A_323 : i32
        %dma_start3A_325 = arith.constant 0 : i32
        %dma_start3A_326 = tpu.memref_slice %arg5[%add3A_324, %dma_start3A_325] : memref<24x128xi32, #tpu.memory_space<vmem>> -> memref<1x128xi32, #tpu.memory_space<vmem>>
        %dma_start3A_327 = tpu.memref_squeeze %dma_start3A_326 : memref<1x128xi32, #tpu.memory_space<vmem>> -> memref<128xi32, #tpu.memory_space<vmem>>
        %dma_start3A_328 = arith.constant 0 : i32
        %dma_start3A_329 = arith.constant 0 : i32
        %dma_start3A_330 = tpu.memref_slice %arg7[%dma_start3A_328, %dma_start3A_329] : memref<10000x128xf32, #tpu.memory_space<vmem_shared>> -> memref<10000x128xf32, #tpu.memory_space<vmem_shared>>
        tpu.enqueue_indirect_dma source(%dma_start3A_330 : memref<10000x128xf32, #tpu.memory_space<vmem_shared>>) target(%arg9 : memref<128x128xf32, #tpu.memory_space<vmem>>) offsets(%dma_start3A_327 : memref<128xi32, #tpu.memory_space<vmem>>) semaphore(%arg13 : memref<!tpu.dma_semaphore, #tpu.memory_space<semaphore_mem>>)
      } else {
      }
    }
    %dma_wait3A = arith.constant 0 : i32
    %dma_wait3A_80 = arith.constant 0 : i32
    %dma_wait3A_81 = tpu.memref_slice %arg6[%dma_wait3A, %dma_wait3A_80] : memref<1536x128xf32, #tpu.memory_space<vmem_shared>> -> memref<1536x128xf32, #tpu.memory_space<vmem_shared>>
    tpu.wait_indirect_dma semaphore(%arg14 : memref<!tpu.dma_semaphore, #tpu.memory_space<semaphore_mem>>) src(%arg8 : memref<128x128xf32, #tpu.memory_space<vmem>>) dst(%dma_wait3A_81 : memref<1536x128xf32, #tpu.memory_space<vmem_shared>>)
    %dma_wait3A_82 = arith.constant 0 : i32
    %dma_wait3A_83 = arith.constant 0 : i32
    %dma_wait3A_84 = tpu.memref_slice %arg6[%dma_wait3A_82, %dma_wait3A_83] : memref<1536x128xf32, #tpu.memory_space<vmem_shared>> -> memref<1536x128xf32, #tpu.memory_space<vmem_shared>>
    tpu.wait_indirect_dma semaphore(%arg15 : memref<!tpu.dma_semaphore, #tpu.memory_space<semaphore_mem>>) src(%arg9 : memref<128x128xf32, #tpu.memory_space<vmem>>) dst(%dma_wait3A_84 : memref<1536x128xf32, #tpu.memory_space<vmem_shared>>)
    %eq3A_85 = arith.constant 0 : i32
    %eq3A_86 = arith.cmpi eq, %arg0, %eq3A_85 : i32
    %convert_element_type3A_87 = arith.extui %eq3A_86 : i1 to i32
    %cond3A_88 = arith.constant 0 : i32
    %cond3A_89 = arith.cmpi ne, %convert_element_type3A_87, %cond3A_88 : i32
    scf.if %cond3A_89 {
      %mul3A_95 = arith.constant 96 : i32
      %mul3A_96 = arith.muli %arg1, %mul3A_95 : i32
      %mul3A_97 = arith.constant 96 : i32
      %mul3A_98 = arith.muli %arg1, %mul3A_97 : i32
      "tpu.region"() ({
        %run_scoped3A = tpu.sem_alloc : memref<!tpu.dma_semaphore, #tpu.memory_space<semaphore_mem>>
        %dma_start3A_99 = arith.constant 0 : i32
        %dma_start3A_100 = tpu.memref_slice %arg4[%mul3A_98, %dma_start3A_99] : memref<3072x128xf32, #tpu.memory_space<hbm>> -> memref<96x128xf32, #tpu.memory_space<hbm>>
        %dma_start3A_101 = arith.constant 0 : i32
        %dma_start3A_102 = tpu.memref_slice %arg6[%mul3A_96, %dma_start3A_101] : memref<1536x128xf32, #tpu.memory_space<vmem_shared>> -> memref<96x128xf32, #tpu.memory_space<vmem_shared>>
        tpu.enqueue_dma source(%dma_start3A_102 : memref<96x128xf32, #tpu.memory_space<vmem_shared>>) target(%dma_start3A_100 : memref<96x128xf32, #tpu.memory_space<hbm>>) target_semaphore(%run_scoped3A : memref<!tpu.dma_semaphore, #tpu.memory_space<semaphore_mem>>)
        %dma_wait3A_103 = arith.constant 0 : i32
        %dma_wait3A_104 = tpu.memref_slice %arg4[%mul3A_98, %dma_wait3A_103] : memref<3072x128xf32, #tpu.memory_space<hbm>> -> memref<96x128xf32, #tpu.memory_space<hbm>>
        %dma_wait3A_105 = arith.constant 0 : i32
        %dma_wait3A_106 = tpu.memref_slice %arg6[%mul3A_96, %dma_wait3A_105] : memref<1536x128xf32, #tpu.memory_space<vmem_shared>> -> memref<96x128xf32, #tpu.memory_space<vmem_shared>>
        tpu.wait_dma2 semaphore(%run_scoped3A : memref<!tpu.dma_semaphore, #tpu.memory_space<semaphore_mem>>) src(%dma_wait3A_106 : memref<96x128xf32, #tpu.memory_space<vmem_shared>>) dst(%dma_wait3A_104 : memref<96x128xf32, #tpu.memory_space<hbm>>)
        tpu.yield
      }) : () -> ()
    } else {
    }
    %ne3A_90 = arith.constant 0 : i32
    %ne3A_91 = arith.cmpi ne, %arg0, %ne3A_90 : i32
    %convert_element_type3A_92 = arith.extui %ne3A_91 : i1 to i32
    %cond3A_93 = arith.constant 0 : i32
    %cond3A_94 = arith.cmpi ne, %convert_element_type3A_92, %cond3A_93 : i32
    scf.if %cond3A_94 {
      %mul3A_95 = arith.constant 96 : i32
      %mul3A_96 = arith.muli %arg1, %mul3A_95 : i32
      %mul3A_97 = arith.constant 96 : i32
      %mul3A_98 = arith.muli %arg1, %mul3A_97 : i32
      %add3A_99 = arith.constant 1536 : i32
      %add3A_100 = arith.addi %add3A_99, %mul3A_98 : i32
      "tpu.region"() ({
        %run_scoped3A = tpu.sem_alloc : memref<!tpu.dma_semaphore, #tpu.memory_space<semaphore_mem>>
        %dma_start3A_101 = arith.constant 0 : i32
        %dma_start3A_102 = tpu.memref_slice %arg4[%add3A_100, %dma_start3A_101] : memref<3072x128xf32, #tpu.memory_space<hbm>> -> memref<96x128xf32, #tpu.memory_space<hbm>>
        %dma_start3A_103 = arith.constant 0 : i32
        %dma_start3A_104 = tpu.memref_slice %arg6[%mul3A_96, %dma_start3A_103] : memref<1536x128xf32, #tpu.memory_space<vmem_shared>> -> memref<96x128xf32, #tpu.memory_space<vmem_shared>>
        tpu.enqueue_dma source(%dma_start3A_104 : memref<96x128xf32, #tpu.memory_space<vmem_shared>>) target(%dma_start3A_102 : memref<96x128xf32, #tpu.memory_space<hbm>>) target_semaphore(%run_scoped3A : memref<!tpu.dma_semaphore, #tpu.memory_space<semaphore_mem>>)
        %dma_wait3A_105 = arith.constant 0 : i32
        %dma_wait3A_106 = tpu.memref_slice %arg4[%add3A_100, %dma_wait3A_105] : memref<3072x128xf32, #tpu.memory_space<hbm>> -> memref<96x128xf32, #tpu.memory_space<hbm>>
        %dma_wait3A_107 = arith.constant 0 : i32
        %dma_wait3A_108 = tpu.memref_slice %arg6[%mul3A_96, %dma_wait3A_107] : memref<1536x128xf32, #tpu.memory_space<vmem_shared>> -> memref<96x128xf32, #tpu.memory_space<vmem_shared>>
        tpu.wait_dma2 semaphore(%run_scoped3A : memref<!tpu.dma_semaphore, #tpu.memory_space<semaphore_mem>>) src(%dma_wait3A_108 : memref<96x128xf32, #tpu.memory_space<vmem_shared>>) dst(%dma_wait3A_106 : memref<96x128xf32, #tpu.memory_space<hbm>>)
        tpu.yield
      }) : () -> ()
    } else {
    }
    return
  }
}

#map = affine_map<(d0, d1) -> (0, 0)>
module attributes {stable_mosaic.version = 14 : i64} {
  func.func @k(%arg0: i32, %arg1: i32, %arg2: memref<3200x128xi32, #tpu.memory_space<hbm>>, %arg3: memref<10000x128xf32, #tpu.memory_space<hbm>>, %arg4: memref<3072x128xf32, #tpu.memory_space<hbm>>, %arg5: memref<24x128xi32, #tpu.memory_space<vmem>>, %arg6: memref<1536x128xf32, #tpu.memory_space<vmem_shared>>, %arg7: memref<10000x128xf32, #tpu.memory_space<vmem_shared>>, %arg8: memref<128x128xf32, #tpu.memory_space<vmem>>, %arg9: memref<128x128xf32, #tpu.memory_space<vmem>>, %arg10: memref<128xi32, #tpu.memory_space<vmem>>, %arg11: memref<128xi32, #tpu.memory_space<vmem>>, %arg12: memref<!tpu.dma_semaphore, #tpu.memory_space<semaphore_mem>>, %arg13: memref<!tpu.dma_semaphore, #tpu.memory_space<semaphore_mem>>, %arg14: memref<!tpu.dma_semaphore, #tpu.memory_space<semaphore_mem>>, %arg15: memref<!tpu.dma_semaphore, #tpu.memory_space<semaphore_mem>>) attributes {dimension_semantics = [#tpu.dimension_semantics<core_parallel>, #tpu.dimension_semantics<subcore_parallel>], iteration_bounds = array<i64: 2, 16>, scalar_prefetch = 0 : i64, scratch_operands = 11 : i64, tpu.core_type = #tpu.core_type<sc_vector_subcore>, window_params = [{transform_indices = #map}, {transform_indices = #map}, {transform_indices = #map}]} {
    %eq3A = arith.constant 0 : i32
    %eq3A_0 = arith.cmpi eq, %arg0, %eq3A : i32
    %jit3A = arith.constant 96 : i32
    %jit3A_1 = arith.constant 96 : i32
    %select_n3A = arith.select %eq3A_0, %jit3A, %jit3A_1 : i32
    %eq3A_2 = arith.constant 0 : i32
    %eq3A_3 = arith.cmpi eq, %arg0, %eq3A_2 : i32
    %jit3A_4 = arith.constant 24 : i32
    %jit3A_5 = arith.constant 24 : i32
    %select_n3A_6 = arith.select %eq3A_3, %jit3A_4, %jit3A_5 : i32
    %mul3A = arith.muli %arg1, %select_n3A : i32
    %eq3A_7 = arith.constant 0 : i32
    %eq3A_8 = arith.cmpi eq, %arg0, %eq3A_7 : i32
    %mul3A_9 = arith.constant 24 : i32
    %mul3A_10 = arith.muli %arg1, %mul3A_9 : i32
    %mul3A_11 = arith.constant 24 : i32
    %mul3A_12 = arith.muli %arg1, %mul3A_11 : i32
    %add3A = arith.constant 384 : i32
    %add3A_13 = arith.addi %add3A, %mul3A_12 : i32
    %select_n3A_14 = arith.select %eq3A_8, %mul3A_10, %add3A_13 : i32
    %add3A_15 = arith.constant 1800 : i32
    %add3A_16 = arith.addi %add3A_15, %select_n3A_14 : i32
    "tpu.region"() ({
      %run_scoped3A = tpu.sem_alloc : memref<!tpu.dma_semaphore, #tpu.memory_space<semaphore_mem>>
      %dma_start3A_95 = arith.constant 0 : i32
      %dma_start3A_96 = tpu.memref_slice %arg2[%add3A_16, %dma_start3A_95] : memref<3200x128xi32, #tpu.memory_space<hbm>> -> memref<24x128xi32, #tpu.memory_space<hbm>>
      %dma_start3A_97 = arith.constant 0 : i32
      %dma_start3A_98 = tpu.memref_slice %arg2[%add3A_16, %dma_start3A_97] : memref<3200x128xi32, #tpu.memory_space<hbm>> -> memref<24x128xi32, #tpu.memory_space<hbm>>
      tpu.enqueue_dma source(%dma_start3A_98 : memref<24x128xi32, #tpu.memory_space<hbm>>) target(%arg5 : memref<24x128xi32, #tpu.memory_space<vmem>>) target_semaphore(%run_scoped3A : memref<!tpu.dma_semaphore, #tpu.memory_space<semaphore_mem>>)
      %dma_wait3A_99 = arith.constant 0 : i32
      %dma_wait3A_100 = tpu.memref_slice %arg2[%add3A_16, %dma_wait3A_99] : memref<3200x128xi32, #tpu.memory_space<hbm>> -> memref<24x128xi32, #tpu.memory_space<hbm>>
      %dma_wait3A_101 = arith.constant 0 : i32
      %dma_wait3A_102 = tpu.memref_slice %arg2[%add3A_16, %dma_wait3A_101] : memref<3200x128xi32, #tpu.memory_space<hbm>> -> memref<24x128xi32, #tpu.memory_space<hbm>>
      tpu.wait_dma2 semaphore(%run_scoped3A : memref<!tpu.dma_semaphore, #tpu.memory_space<semaphore_mem>>) src(%dma_wait3A_102 : memref<24x128xi32, #tpu.memory_space<hbm>>) dst(%arg5 : memref<24x128xi32, #tpu.memory_space<vmem>>)
      tpu.yield
    }) : () -> ()
    %broadcast_in_dim3A = arith.constant 0.000000e+00 : f32
    %broadcast_in_dim3A_17 = vector.broadcast %broadcast_in_dim3A : f32 to vector<16xf32>
    %scan3A = arith.constant 0 : i32
    %scan3A_18 = arith.constant 0 : i32
    %scan3A_19 = arith.constant 128 : i32
    %scan3A_20 = arith.addi %scan3A_18, %scan3A_19 : i32
    %scan3A_21 = arith.constant 1 : i32
    scf.for %scan3A_95 = %scan3A_18 to %scan3A_20 step %scan3A_21  : i32 {
      %swap3A = arith.index_cast %scan3A_95 : i32 to index
      %swap3A_96 = arith.constant 0 : index
      %swap3A_97 = tpu.vector_load %arg8[%swap3A, %swap3A_96] {strides = array<i32>} : memref<128x128xf32, #tpu.memory_space<vmem>>, vector<1x16xf32>,
      %swap3A_98 = vector.shape_cast %swap3A_97 : vector<1x16xf32> to vector<16xf32>
      %swap3A_99 = vector.shape_cast %broadcast_in_dim3A_17 : vector<16xf32> to vector<1x16xf32>
      tpu.vector_store %arg8[%swap3A, %swap3A_96], %swap3A_99 {strides = array<i32>} : memref<128x128xf32, #tpu.memory_space<vmem>>, vector<1x16xf32>,
      %swap3A_100 = arith.index_cast %scan3A_95 : i32 to index
      %swap3A_101 = arith.constant 16 : index
      %swap3A_102 = tpu.vector_load %arg8[%swap3A_100, %swap3A_101] {strides = array<i32>} : memref<128x128xf32, #tpu.memory_space<vmem>>, vector<1x16xf32>,
      %swap3A_103 = vector.shape_cast %swap3A_102 : vector<1x16xf32> to vector<16xf32>
      %swap3A_104 = vector.shape_cast %broadcast_in_dim3A_17 : vector<16xf32> to vector<1x16xf32>
      tpu.vector_store %arg8[%swap3A_100, %swap3A_101], %swap3A_104 {strides = array<i32>} : memref<128x128xf32, #tpu.memory_space<vmem>>, vector<1x16xf32>,
      %swap3A_105 = arith.index_cast %scan3A_95 : i32 to index
      %swap3A_106 = arith.constant 32 : index
      %swap3A_107 = tpu.vector_load %arg8[%swap3A_105, %swap3A_106] {strides = array<i32>} : memref<128x128xf32, #tpu.memory_space<vmem>>, vector<1x16xf32>,
      %swap3A_108 = vector.shape_cast %swap3A_107 : vector<1x16xf32> to vector<16xf32>
      %swap3A_109 = vector.shape_cast %broadcast_in_dim3A_17 : vector<16xf32> to vector<1x16xf32>
      tpu.vector_store %arg8[%swap3A_105, %swap3A_106], %swap3A_109 {strides = array<i32>} : memref<128x128xf32, #tpu.memory_space<vmem>>, vector<1x16xf32>,
      %swap3A_110 = arith.index_cast %scan3A_95 : i32 to index
      %swap3A_111 = arith.constant 48 : index
      %swap3A_112 = tpu.vector_load %arg8[%swap3A_110, %swap3A_111] {strides = array<i32>} : memref<128x128xf32, #tpu.memory_space<vmem>>, vector<1x16xf32>,
      %swap3A_113 = vector.shape_cast %swap3A_112 : vector<1x16xf32> to vector<16xf32>
      %swap3A_114 = vector.shape_cast %broadcast_in_dim3A_17 : vector<16xf32> to vector<1x16xf32>
      tpu.vector_store %arg8[%swap3A_110, %swap3A_111], %swap3A_114 {strides = array<i32>} : memref<128x128xf32, #tpu.memory_space<vmem>>, vector<1x16xf32>,
      %swap3A_115 = arith.index_cast %scan3A_95 : i32 to index
      %swap3A_116 = arith.constant 64 : index
      %swap3A_117 = tpu.vector_load %arg8[%swap3A_115, %swap3A_116] {strides = array<i32>} : memref<128x128xf32, #tpu.memory_space<vmem>>, vector<1x16xf32>,
      %swap3A_118 = vector.shape_cast %swap3A_117 : vector<1x16xf32> to vector<16xf32>
      %swap3A_119 = vector.shape_cast %broadcast_in_dim3A_17 : vector<16xf32> to vector<1x16xf32>
      tpu.vector_store %arg8[%swap3A_115, %swap3A_116], %swap3A_119 {strides = array<i32>} : memref<128x128xf32, #tpu.memory_space<vmem>>, vector<1x16xf32>,
      %swap3A_120 = arith.index_cast %scan3A_95 : i32 to index
      %swap3A_121 = arith.constant 80 : index
      %swap3A_122 = tpu.vector_load %arg8[%swap3A_120, %swap3A_121] {strides = array<i32>} : memref<128x128xf32, #tpu.memory_space<vmem>>, vector<1x16xf32>,
      %swap3A_123 = vector.shape_cast %swap3A_122 : vector<1x16xf32> to vector<16xf32>
      %swap3A_124 = vector.shape_cast %broadcast_in_dim3A_17 : vector<16xf32> to vector<1x16xf32>
      tpu.vector_store %arg8[%swap3A_120, %swap3A_121], %swap3A_124 {strides = array<i32>} : memref<128x128xf32, #tpu.memory_space<vmem>>, vector<1x16xf32>,
      %swap3A_125 = arith.index_cast %scan3A_95 : i32 to index
      %swap3A_126 = arith.constant 96 : index
      %swap3A_127 = tpu.vector_load %arg8[%swap3A_125, %swap3A_126] {strides = array<i32>} : memref<128x128xf32, #tpu.memory_space<vmem>>, vector<1x16xf32>,
      %swap3A_128 = vector.shape_cast %swap3A_127 : vector<1x16xf32> to vector<16xf32>
      %swap3A_129 = vector.shape_cast %broadcast_in_dim3A_17 : vector<16xf32> to vector<1x16xf32>
      tpu.vector_store %arg8[%swap3A_125, %swap3A_126], %swap3A_129 {strides = array<i32>} : memref<128x128xf32, #tpu.memory_space<vmem>>, vector<1x16xf32>,
      %swap3A_130 = arith.index_cast %scan3A_95 : i32 to index
      %swap3A_131 = arith.constant 112 : index
      %swap3A_132 = tpu.vector_load %arg8[%swap3A_130, %swap3A_131] {strides = array<i32>} : memref<128x128xf32, #tpu.memory_space<vmem>>, vector<1x16xf32>,
      %swap3A_133 = vector.shape_cast %swap3A_132 : vector<1x16xf32> to vector<16xf32>
      %swap3A_134 = vector.shape_cast %broadcast_in_dim3A_17 : vector<16xf32> to vector<1x16xf32>
      tpu.vector_store %arg8[%swap3A_130, %swap3A_131], %swap3A_134 {strides = array<i32>} : memref<128x128xf32, #tpu.memory_space<vmem>>, vector<1x16xf32>,
    }
    %scan3A_22 = arith.constant 128 : i32
    %eq3A_23 = arith.constant 0 : i32
    %eq3A_24 = arith.cmpi eq, %arg0, %eq3A_23 : i32
    %convert_element_type3A = arith.extui %eq3A_24 : i1 to i32
    %cond3A = arith.constant 0 : i32
    %cond3A_25 = arith.cmpi ne, %convert_element_type3A, %cond3A : i32
    scf.if %cond3A_25 {
      %mul3A_95 = arith.constant 96 : i32
      %mul3A_96 = arith.muli %arg1, %mul3A_95 : i32
      %add3A_97 = arith.constant 0 : i32
      %add3A_98 = arith.addi %mul3A_96, %add3A_97 : i32
      "tpu.region"() ({
        %run_scoped3A = tpu.sem_alloc : memref<!tpu.dma_semaphore, #tpu.memory_space<semaphore_mem>>
        %dma_start3A_99 = arith.constant 0 : i32
        %dma_start3A_100 = arith.constant 0 : i32
        %dma_start3A_101 = tpu.memref_slice %arg8[%dma_start3A_99, %dma_start3A_100] : memref<128x128xf32, #tpu.memory_space<vmem>> -> memref<96x128xf32, #tpu.memory_space<vmem>>
        %dma_start3A_102 = arith.constant 0 : i32
        %dma_start3A_103 = tpu.memref_slice %arg6[%add3A_98, %dma_start3A_102] : memref<1536x128xf32, #tpu.memory_space<vmem_shared>> -> memref<96x128xf32, #tpu.memory_space<vmem_shared>>
        %dma_start3A_104 = arith.constant 0 : i32
        %dma_start3A_105 = tpu.memref_slice %arg6[%add3A_98, %dma_start3A_104] : memref<1536x128xf32, #tpu.memory_space<vmem_shared>> -> memref<96x128xf32, #tpu.memory_space<vmem_shared>>
        %dma_start3A_106 = arith.constant 0 : i32
        %dma_start3A_107 = arith.constant 0 : i32
        %dma_start3A_108 = tpu.memref_slice %arg8[%dma_start3A_106, %dma_start3A_107] : memref<128x128xf32, #tpu.memory_space<vmem>> -> memref<96x128xf32, #tpu.memory_space<vmem>>
        tpu.enqueue_dma source(%dma_start3A_108 : memref<96x128xf32, #tpu.memory_space<vmem>>) target(%dma_start3A_105 : memref<96x128xf32, #tpu.memory_space<vmem_shared>>) target_semaphore(%run_scoped3A : memref<!tpu.dma_semaphore, #tpu.memory_space<semaphore_mem>>)
        %dma_wait3A_109 = arith.constant 0 : i32
        %dma_wait3A_110 = arith.constant 0 : i32
        %dma_wait3A_111 = tpu.memref_slice %arg8[%dma_wait3A_109, %dma_wait3A_110] : memref<128x128xf32, #tpu.memory_space<vmem>> -> memref<96x128xf32, #tpu.memory_space<vmem>>
        %dma_wait3A_112 = arith.constant 0 : i32
        %dma_wait3A_113 = tpu.memref_slice %arg6[%add3A_98, %dma_wait3A_112] : memref<1536x128xf32, #tpu.memory_space<vmem_shared>> -> memref<96x128xf32, #tpu.memory_space<vmem_shared>>
        %dma_wait3A_114 = arith.constant 0 : i32
        %dma_wait3A_115 = tpu.memref_slice %arg6[%add3A_98, %dma_wait3A_114] : memref<1536x128xf32, #tpu.memory_space<vmem_shared>> -> memref<96x128xf32, #tpu.memory_space<vmem_shared>>
        %dma_wait3A_116 = arith.constant 0 : i32
        %dma_wait3A_117 = arith.constant 0 : i32
        %dma_wait3A_118 = tpu.memref_slice %arg8[%dma_wait3A_116, %dma_wait3A_117] : memref<128x128xf32, #tpu.memory_space<vmem>> -> memref<96x128xf32, #tpu.memory_space<vmem>>
        tpu.wait_dma2 semaphore(%run_scoped3A : memref<!tpu.dma_semaphore, #tpu.memory_space<semaphore_mem>>) src(%dma_wait3A_118 : memref<96x128xf32, #tpu.memory_space<vmem>>) dst(%dma_wait3A_115 : memref<96x128xf32, #tpu.memory_space<vmem_shared>>)
        tpu.yield
      }) : () -> ()
    } else {
    }
    %ne3A = arith.constant 0 : i32
    %ne3A_26 = arith.cmpi ne, %arg0, %ne3A : i32
    %convert_element_type3A_27 = arith.extui %ne3A_26 : i1 to i32
    %cond3A_28 = arith.constant 0 : i32
    %cond3A_29 = arith.cmpi ne, %convert_element_type3A_27, %cond3A_28 : i32
    scf.if %cond3A_29 {
      %mul3A_95 = arith.constant 96 : i32
      %mul3A_96 = arith.muli %arg1, %mul3A_95 : i32
      %add3A_97 = arith.constant 0 : i32
      %add3A_98 = arith.addi %mul3A_96, %add3A_97 : i32
      "tpu.region"() ({
        %run_scoped3A = tpu.sem_alloc : memref<!tpu.dma_semaphore, #tpu.memory_space<semaphore_mem>>
        %dma_start3A_99 = arith.constant 0 : i32
        %dma_start3A_100 = arith.constant 0 : i32
        %dma_start3A_101 = tpu.memref_slice %arg8[%dma_start3A_99, %dma_start3A_100] : memref<128x128xf32, #tpu.memory_space<vmem>> -> memref<96x128xf32, #tpu.memory_space<vmem>>
        %dma_start3A_102 = arith.constant 0 : i32
        %dma_start3A_103 = tpu.memref_slice %arg6[%add3A_98, %dma_start3A_102] : memref<1536x128xf32, #tpu.memory_space<vmem_shared>> -> memref<96x128xf32, #tpu.memory_space<vmem_shared>>
        %dma_start3A_104 = arith.constant 0 : i32
        %dma_start3A_105 = tpu.memref_slice %arg6[%add3A_98, %dma_start3A_104] : memref<1536x128xf32, #tpu.memory_space<vmem_shared>> -> memref<96x128xf32, #tpu.memory_space<vmem_shared>>
        %dma_start3A_106 = arith.constant 0 : i32
        %dma_start3A_107 = arith.constant 0 : i32
        %dma_start3A_108 = tpu.memref_slice %arg8[%dma_start3A_106, %dma_start3A_107] : memref<128x128xf32, #tpu.memory_space<vmem>> -> memref<96x128xf32, #tpu.memory_space<vmem>>
        tpu.enqueue_dma source(%dma_start3A_108 : memref<96x128xf32, #tpu.memory_space<vmem>>) target(%dma_start3A_105 : memref<96x128xf32, #tpu.memory_space<vmem_shared>>) target_semaphore(%run_scoped3A : memref<!tpu.dma_semaphore, #tpu.memory_space<semaphore_mem>>)
        %dma_wait3A_109 = arith.constant 0 : i32
        %dma_wait3A_110 = arith.constant 0 : i32
        %dma_wait3A_111 = tpu.memref_slice %arg8[%dma_wait3A_109, %dma_wait3A_110] : memref<128x128xf32, #tpu.memory_space<vmem>> -> memref<96x128xf32, #tpu.memory_space<vmem>>
        %dma_wait3A_112 = arith.constant 0 : i32
        %dma_wait3A_113 = tpu.memref_slice %arg6[%add3A_98, %dma_wait3A_112] : memref<1536x128xf32, #tpu.memory_space<vmem_shared>> -> memref<96x128xf32, #tpu.memory_space<vmem_shared>>
        %dma_wait3A_114 = arith.constant 0 : i32
        %dma_wait3A_115 = tpu.memref_slice %arg6[%add3A_98, %dma_wait3A_114] : memref<1536x128xf32, #tpu.memory_space<vmem_shared>> -> memref<96x128xf32, #tpu.memory_space<vmem_shared>>
        %dma_wait3A_116 = arith.constant 0 : i32
        %dma_wait3A_117 = arith.constant 0 : i32
        %dma_wait3A_118 = tpu.memref_slice %arg8[%dma_wait3A_116, %dma_wait3A_117] : memref<128x128xf32, #tpu.memory_space<vmem>> -> memref<96x128xf32, #tpu.memory_space<vmem>>
        tpu.wait_dma2 semaphore(%run_scoped3A : memref<!tpu.dma_semaphore, #tpu.memory_space<semaphore_mem>>) src(%dma_wait3A_118 : memref<96x128xf32, #tpu.memory_space<vmem>>) dst(%dma_wait3A_115 : memref<96x128xf32, #tpu.memory_space<vmem_shared>>)
        tpu.yield
      }) : () -> ()
    } else {
    }
    %mul3A_30 = arith.constant 624 : i32
    %mul3A_31 = arith.muli %arg1, %mul3A_30 : i32
    %mul3A_32 = arith.constant 624 : i32
    %mul3A_33 = arith.muli %arg1, %mul3A_32 : i32
    "tpu.region"() ({
      %run_scoped3A = tpu.sem_alloc : memref<!tpu.dma_semaphore, #tpu.memory_space<semaphore_mem>>
      %dma_start3A_95 = arith.constant 0 : i32
      %dma_start3A_96 = tpu.memref_slice %arg7[%mul3A_33, %dma_start3A_95] : memref<10000x128xf32, #tpu.memory_space<vmem_shared>> -> memref<624x128xf32, #tpu.memory_space<vmem_shared>>
      %dma_start3A_97 = arith.constant 0 : i32
      %dma_start3A_98 = tpu.memref_slice %arg3[%mul3A_31, %dma_start3A_97] : memref<10000x128xf32, #tpu.memory_space<hbm>> -> memref<624x128xf32, #tpu.memory_space<hbm>>
      tpu.enqueue_dma source(%dma_start3A_98 : memref<624x128xf32, #tpu.memory_space<hbm>>) target(%dma_start3A_96 : memref<624x128xf32, #tpu.memory_space<vmem_shared>>) target_semaphore(%run_scoped3A : memref<!tpu.dma_semaphore, #tpu.memory_space<semaphore_mem>>)
      %dma_wait3A_99 = arith.constant 0 : i32
      %dma_wait3A_100 = tpu.memref_slice %arg7[%mul3A_33, %dma_wait3A_99] : memref<10000x128xf32, #tpu.memory_space<vmem_shared>> -> memref<624x128xf32, #tpu.memory_space<vmem_shared>>
      %dma_wait3A_101 = arith.constant 0 : i32
      %dma_wait3A_102 = tpu.memref_slice %arg3[%mul3A_31, %dma_wait3A_101] : memref<10000x128xf32, #tpu.memory_space<hbm>> -> memref<624x128xf32, #tpu.memory_space<hbm>>
      tpu.wait_dma2 semaphore(%run_scoped3A : memref<!tpu.dma_semaphore, #tpu.memory_space<semaphore_mem>>) src(%dma_wait3A_102 : memref<624x128xf32, #tpu.memory_space<hbm>>) dst(%dma_wait3A_100 : memref<624x128xf32, #tpu.memory_space<vmem_shared>>)
      tpu.yield
    }) : () -> ()
    %eq3A_34 = arith.constant 0 : i32
    %eq3A_35 = arith.cmpi eq, %arg1, %eq3A_34 : i32
    %convert_element_type3A_36 = arith.extui %eq3A_35 : i1 to i32
    %cond3A_37 = arith.constant 0 : i32
    %cond3A_38 = arith.cmpi ne, %convert_element_type3A_36, %cond3A_37 : i32
    scf.if %cond3A_38 {
      "tpu.region"() ({
        %run_scoped3A = tpu.sem_alloc : memref<!tpu.dma_semaphore, #tpu.memory_space<semaphore_mem>>
        %dma_start3A_95 = arith.constant 9984 : i32
        %dma_start3A_96 = arith.constant 0 : i32
        %dma_start3A_97 = tpu.memref_slice %arg7[%dma_start3A_95, %dma_start3A_96] : memref<10000x128xf32, #tpu.memory_space<vmem_shared>> -> memref<16x128xf32, #tpu.memory_space<vmem_shared>>
        %dma_start3A_98 = arith.constant 9984 : i32
        %dma_start3A_99 = arith.constant 0 : i32
        %dma_start3A_100 = tpu.memref_slice %arg3[%dma_start3A_98, %dma_start3A_99] : memref<10000x128xf32, #tpu.memory_space<hbm>> -> memref<16x128xf32, #tpu.memory_space<hbm>>
        tpu.enqueue_dma source(%dma_start3A_100 : memref<16x128xf32, #tpu.memory_space<hbm>>) target(%dma_start3A_97 : memref<16x128xf32, #tpu.memory_space<vmem_shared>>) target_semaphore(%run_scoped3A : memref<!tpu.dma_semaphore, #tpu.memory_space<semaphore_mem>>)
        %dma_wait3A_101 = arith.constant 9984 : i32
        %dma_wait3A_102 = arith.constant 0 : i32
        %dma_wait3A_103 = tpu.memref_slice %arg7[%dma_wait3A_101, %dma_wait3A_102] : memref<10000x128xf32, #tpu.memory_space<vmem_shared>> -> memref<16x128xf32, #tpu.memory_space<vmem_shared>>
        %dma_wait3A_104 = arith.constant 9984 : i32
        %dma_wait3A_105 = arith.constant 0 : i32
        %dma_wait3A_106 = tpu.memref_slice %arg3[%dma_wait3A_104, %dma_wait3A_105] : memref<10000x128xf32, #tpu.memory_space<hbm>> -> memref<16x128xf32, #tpu.memory_space<hbm>>
        tpu.wait_dma2 semaphore(%run_scoped3A : memref<!tpu.dma_semaphore, #tpu.memory_space<semaphore_mem>>) src(%dma_wait3A_106 : memref<16x128xf32, #tpu.memory_space<hbm>>) dst(%dma_wait3A_103 : memref<16x128xf32, #tpu.memory_space<vmem_shared>>)
        tpu.yield
      }) : () -> ()
    } else {
    }
    %barrier3A = arith.constant 0 : index
    tpu.barrier barrier_id(%barrier3A)
    %dma_start3A = arith.constant 0 : i32
    %dma_start3A_39 = arith.constant 0 : i32
    %dma_start3A_40 = tpu.memref_slice %arg5[%dma_start3A, %dma_start3A_39] : memref<24x128xi32, #tpu.memory_space<vmem>> -> memref<1x128xi32, #tpu.memory_space<vmem>>
    %dma_start3A_41 = tpu.memref_squeeze %dma_start3A_40 : memref<1x128xi32, #tpu.memory_space<vmem>> -> memref<128xi32, #tpu.memory_space<vmem>>
    %dma_start3A_42 = arith.constant 0 : i32
    %dma_start3A_43 = arith.constant 0 : i32
    %dma_start3A_44 = tpu.memref_slice %arg7[%dma_start3A_42, %dma_start3A_43] : memref<10000x128xf32, #tpu.memory_space<vmem_shared>> -> memref<10000x128xf32, #tpu.memory_space<vmem_shared>>
    tpu.enqueue_indirect_dma source(%dma_start3A_44 : memref<10000x128xf32, #tpu.memory_space<vmem_shared>>) target(%arg8 : memref<128x128xf32, #tpu.memory_space<vmem>>) offsets(%dma_start3A_41 : memref<128xi32, #tpu.memory_space<vmem>>) semaphore(%arg12 : memref<!tpu.dma_semaphore, #tpu.memory_space<semaphore_mem>>)
    %dma_start3A_45 = arith.constant 1 : i32
    %dma_start3A_46 = arith.constant 0 : i32
    %dma_start3A_47 = tpu.memref_slice %arg5[%dma_start3A_45, %dma_start3A_46] : memref<24x128xi32, #tpu.memory_space<vmem>> -> memref<1x128xi32, #tpu.memory_space<vmem>>
    %dma_start3A_48 = tpu.memref_squeeze %dma_start3A_47 : memref<1x128xi32, #tpu.memory_space<vmem>> -> memref<128xi32, #tpu.memory_space<vmem>>
    %dma_start3A_49 = arith.constant 0 : i32
    %dma_start3A_50 = arith.constant 0 : i32
    %dma_start3A_51 = tpu.memref_slice %arg7[%dma_start3A_49, %dma_start3A_50] : memref<10000x128xf32, #tpu.memory_space<vmem_shared>> -> memref<10000x128xf32, #tpu.memory_space<vmem_shared>>
    tpu.enqueue_indirect_dma source(%dma_start3A_51 : memref<10000x128xf32, #tpu.memory_space<vmem_shared>>) target(%arg9 : memref<128x128xf32, #tpu.memory_space<vmem>>) offsets(%dma_start3A_48 : memref<128xi32, #tpu.memory_space<vmem>>) semaphore(%arg13 : memref<!tpu.dma_semaphore, #tpu.memory_space<semaphore_mem>>)
    %jit3A_52 = arith.constant 2 : i32
    %div3A = arith.divsi %select_n3A_6, %jit3A_52 : i32
    %sign3A = arith.constant 0 : i32
    %sign3A_53 = arith.cmpi sgt, %select_n3A_6, %sign3A : i32
    %sign3A_54 = arith.extui %sign3A_53 : i1 to i32
    %sign3A_55 = arith.constant 0 : i32
    %sign3A_56 = arith.cmpi slt, %select_n3A_6, %sign3A_55 : i32
    %sign3A_57 = arith.extui %sign3A_56 : i1 to i32
    %sign3A_58 = arith.subi %sign3A_54, %sign3A_57 : i32
    %sign3A_59 = arith.constant 0 : i32
    %sign3A_60 = arith.cmpi sgt, %jit3A_52, %sign3A_59 : i32
    %sign3A_61 = arith.extui %sign3A_60 : i1 to i32
    %sign3A_62 = arith.constant 0 : i32
    %sign3A_63 = arith.cmpi slt, %jit3A_52, %sign3A_62 : i32
    %sign3A_64 = arith.extui %sign3A_63 : i1 to i32
    %sign3A_65 = arith.subi %sign3A_61, %sign3A_64 : i32
    %ne3A_66 = arith.cmpi ne, %sign3A_58, %sign3A_65 : i32
    %rem3A = arith.remsi %select_n3A_6, %jit3A_52 : i32
    %ne3A_67 = arith.constant 0 : i32
    %ne3A_68 = arith.cmpi ne, %rem3A, %ne3A_67 : i32
    %and3A = arith.andi %ne3A_66, %ne3A_68 : i1
    %sub3A = arith.constant 1 : i32
    %sub3A_69 = arith.subi %div3A, %sub3A : i32
    %select_n3A_70 = arith.select %and3A, %sub3A_69, %div3A : i32
    %while3A = arith.constant 0 : i32
    %while3A_71 = arith.constant 0 : i32
    %while3A_72 = arith.subi %select_n3A_70, %while3A_71 : i32
    %while3A_73 = arith.addi %while3A_71, %while3A_72 : i32
    %while3A_74 = arith.constant 1 : i32
    %while3A_75 = arith.divsi %while3A_72, %while3A_74 : i32
    %while3A_76 = arith.muli %while3A_75, %while3A_74 : i32
    %while3A_77 = arith.addi %while3A_71, %while3A_76 : i32
    %while3A_78 = arith.constant 1 : i32
    scf.for %while3A_95 = %while3A_71 to %while3A_77 step %while3A_78  : i32 {
      %mul3A_96 = arith.constant 2 : i32
      %mul3A_97 = arith.muli %while3A_95, %mul3A_96 : i32
      %add3A_98 = arith.constant 0 : i32
      %add3A_99 = arith.addi %mul3A_97, %add3A_98 : i32
      %dma_wait3A_100 = arith.constant 0 : i32
      %dma_wait3A_101 = tpu.memref_slice %arg5[%add3A_99, %dma_wait3A_100] : memref<24x128xi32, #tpu.memory_space<vmem>> -> memref<1x128xi32, #tpu.memory_space<vmem>>
      %dma_wait3A_102 = tpu.memref_squeeze %dma_wait3A_101 : memref<1x128xi32, #tpu.memory_space<vmem>> -> memref<128xi32, #tpu.memory_space<vmem>>
      %dma_wait3A_103 = arith.constant 0 : i32
      %dma_wait3A_104 = arith.constant 0 : i32
      %dma_wait3A_105 = tpu.memref_slice %arg7[%dma_wait3A_103, %dma_wait3A_104] : memref<10000x128xf32, #tpu.memory_space<vmem_shared>> -> memref<10000x128xf32, #tpu.memory_space<vmem_shared>>
      tpu.wait_indirect_dma semaphore(%arg12 : memref<!tpu.dma_semaphore, #tpu.memory_space<semaphore_mem>>) src(%dma_wait3A_105 : memref<10000x128xf32, #tpu.memory_space<vmem_shared>>) dst(%arg8 : memref<128x128xf32, #tpu.memory_space<vmem>>)
      %mul3A_106 = arith.constant 4 : i32
      %mul3A_107 = arith.muli %add3A_99, %mul3A_106 : i32
      %add3A_108 = arith.constant 0 : i32
      %add3A_109 = arith.addi %mul3A_107, %add3A_108 : i32
      %broadcast_in_dim3A_110 = vector.broadcast %add3A_109 : i32 to vector<16xi32>
      %add3A_111 = vector.broadcast %mul3A : i32 to vector<16xi32>
      %add3A_112 = arith.addi %broadcast_in_dim3A_110, %add3A_111 : vector<16xi32>
      %swap3A = arith.constant 0 : index
      %swap3A_113 = tpu.vector_load %arg10[%swap3A] {strides = array<i32>} : memref<128xi32, #tpu.memory_space<vmem>>, vector<16xi32>,
      %swap3A_114 = vector.shape_cast %swap3A_113 : vector<16xi32> to vector<16xi32>
      %swap3A_115 = vector.shape_cast %add3A_112 : vector<16xi32> to vector<16xi32>
      tpu.vector_store %arg10[%swap3A], %swap3A_115 {strides = array<i32>} : memref<128xi32, #tpu.memory_space<vmem>>, vector<16xi32>,
      %mul3A_116 = arith.constant 4 : i32
      %mul3A_117 = arith.muli %add3A_99, %mul3A_116 : i32
      %add3A_118 = arith.constant 0 : i32
      %add3A_119 = arith.addi %mul3A_117, %add3A_118 : i32
      %broadcast_in_dim3A_120 = vector.broadcast %add3A_119 : i32 to vector<16xi32>
      %add3A_121 = vector.broadcast %mul3A : i32 to vector<16xi32>
      %add3A_122 = arith.addi %broadcast_in_dim3A_120, %add3A_121 : vector<16xi32>
      %swap3A_123 = arith.constant 16 : index
      %swap3A_124 = tpu.vector_load %arg10[%swap3A_123] {strides = array<i32>} : memref<128xi32, #tpu.memory_space<vmem>>, vector<16xi32>,
      %swap3A_125 = vector.shape_cast %swap3A_124 : vector<16xi32> to vector<16xi32>
      %swap3A_126 = vector.shape_cast %add3A_122 : vector<16xi32> to vector<16xi32>
      tpu.vector_store %arg10[%swap3A_123], %swap3A_126 {strides = array<i32>} : memref<128xi32, #tpu.memory_space<vmem>>, vector<16xi32>,
      %mul3A_127 = arith.constant 4 : i32
      %mul3A_128 = arith.muli %add3A_99, %mul3A_127 : i32
      %add3A_129 = arith.constant 1 : i32
      %add3A_130 = arith.addi %mul3A_128, %add3A_129 : i32
      %broadcast_in_dim3A_131 = vector.broadcast %add3A_130 : i32 to vector<16xi32>
      %add3A_132 = vector.broadcast %mul3A : i32 to vector<16xi32>
      %add3A_133 = arith.addi %broadcast_in_dim3A_131, %add3A_132 : vector<16xi32>
      %swap3A_134 = arith.constant 32 : index
      %swap3A_135 = tpu.vector_load %arg10[%swap3A_134] {strides = array<i32>} : memref<128xi32, #tpu.memory_space<vmem>>, vector<16xi32>,
      %swap3A_136 = vector.shape_cast %swap3A_135 : vector<16xi32> to vector<16xi32>
      %swap3A_137 = vector.shape_cast %add3A_133 : vector<16xi32> to vector<16xi32>
      tpu.vector_store %arg10[%swap3A_134], %swap3A_137 {strides = array<i32>} : memref<128xi32, #tpu.memory_space<vmem>>, vector<16xi32>,
      %mul3A_138 = arith.constant 4 : i32
      %mul3A_139 = arith.muli %add3A_99, %mul3A_138 : i32
      %add3A_140 = arith.constant 1 : i32
      %add3A_141 = arith.addi %mul3A_139, %add3A_140 : i32
      %broadcast_in_dim3A_142 = vector.broadcast %add3A_141 : i32 to vector<16xi32>
      %add3A_143 = vector.broadcast %mul3A : i32 to vector<16xi32>
      %add3A_144 = arith.addi %broadcast_in_dim3A_142, %add3A_143 : vector<16xi32>
      %swap3A_145 = arith.constant 48 : index
      %swap3A_146 = tpu.vector_load %arg10[%swap3A_145] {strides = array<i32>} : memref<128xi32, #tpu.memory_space<vmem>>, vector<16xi32>,
      %swap3A_147 = vector.shape_cast %swap3A_146 : vector<16xi32> to vector<16xi32>
      %swap3A_148 = vector.shape_cast %add3A_144 : vector<16xi32> to vector<16xi32>
      tpu.vector_store %arg10[%swap3A_145], %swap3A_148 {strides = array<i32>} : memref<128xi32, #tpu.memory_space<vmem>>, vector<16xi32>,
      %mul3A_149 = arith.constant 4 : i32
      %mul3A_150 = arith.muli %add3A_99, %mul3A_149 : i32
      %add3A_151 = arith.constant 2 : i32
      %add3A_152 = arith.addi %mul3A_150, %add3A_151 : i32
      %broadcast_in_dim3A_153 = vector.broadcast %add3A_152 : i32 to vector<16xi32>
      %add3A_154 = vector.broadcast %mul3A : i32 to vector<16xi32>
      %add3A_155 = arith.addi %broadcast_in_dim3A_153, %add3A_154 : vector<16xi32>
      %swap3A_156 = arith.constant 64 : index
      %swap3A_157 = tpu.vector_load %arg10[%swap3A_156] {strides = array<i32>} : memref<128xi32, #tpu.memory_space<vmem>>, vector<16xi32>,
      %swap3A_158 = vector.shape_cast %swap3A_157 : vector<16xi32> to vector<16xi32>
      %swap3A_159 = vector.shape_cast %add3A_155 : vector<16xi32> to vector<16xi32>
      tpu.vector_store %arg10[%swap3A_156], %swap3A_159 {strides = array<i32>} : memref<128xi32, #tpu.memory_space<vmem>>, vector<16xi32>,
      %mul3A_160 = arith.constant 4 : i32
      %mul3A_161 = arith.muli %add3A_99, %mul3A_160 : i32
      %add3A_162 = arith.constant 2 : i32
      %add3A_163 = arith.addi %mul3A_161, %add3A_162 : i32
      %broadcast_in_dim3A_164 = vector.broadcast %add3A_163 : i32 to vector<16xi32>
      %add3A_165 = vector.broadcast %mul3A : i32 to vector<16xi32>
      %add3A_166 = arith.addi %broadcast_in_dim3A_164, %add3A_165 : vector<16xi32>
      %swap3A_167 = arith.constant 80 : index
      %swap3A_168 = tpu.vector_load %arg10[%swap3A_167] {strides = array<i32>} : memref<128xi32, #tpu.memory_space<vmem>>, vector<16xi32>,
      %swap3A_169 = vector.shape_cast %swap3A_168 : vector<16xi32> to vector<16xi32>
      %swap3A_170 = vector.shape_cast %add3A_166 : vector<16xi32> to vector<16xi32>
      tpu.vector_store %arg10[%swap3A_167], %swap3A_170 {strides = array<i32>} : memref<128xi32, #tpu.memory_space<vmem>>, vector<16xi32>,
      %mul3A_171 = arith.constant 4 : i32
      %mul3A_172 = arith.muli %add3A_99, %mul3A_171 : i32
      %add3A_173 = arith.constant 3 : i32
      %add3A_174 = arith.addi %mul3A_172, %add3A_173 : i32
      %broadcast_in_dim3A_175 = vector.broadcast %add3A_174 : i32 to vector<16xi32>
      %add3A_176 = vector.broadcast %mul3A : i32 to vector<16xi32>
      %add3A_177 = arith.addi %broadcast_in_dim3A_175, %add3A_176 : vector<16xi32>
      %swap3A_178 = arith.constant 96 : index
      %swap3A_179 = tpu.vector_load %arg10[%swap3A_178] {strides = array<i32>} : memref<128xi32, #tpu.memory_space<vmem>>, vector<16xi32>,
      %swap3A_180 = vector.shape_cast %swap3A_179 : vector<16xi32> to vector<16xi32>
      %swap3A_181 = vector.shape_cast %add3A_177 : vector<16xi32> to vector<16xi32>
      tpu.vector_store %arg10[%swap3A_178], %swap3A_181 {strides = array<i32>} : memref<128xi32, #tpu.memory_space<vmem>>, vector<16xi32>,
      %mul3A_182 = arith.constant 4 : i32
      %mul3A_183 = arith.muli %add3A_99, %mul3A_182 : i32
      %add3A_184 = arith.constant 3 : i32
      %add3A_185 = arith.addi %mul3A_183, %add3A_184 : i32
      %broadcast_in_dim3A_186 = vector.broadcast %add3A_185 : i32 to vector<16xi32>
      %add3A_187 = vector.broadcast %mul3A : i32 to vector<16xi32>
      %add3A_188 = arith.addi %broadcast_in_dim3A_186, %add3A_187 : vector<16xi32>
      %swap3A_189 = arith.constant 112 : index
      %swap3A_190 = tpu.vector_load %arg10[%swap3A_189] {strides = array<i32>} : memref<128xi32, #tpu.memory_space<vmem>>, vector<16xi32>,
      %swap3A_191 = vector.shape_cast %swap3A_190 : vector<16xi32> to vector<16xi32>
      %swap3A_192 = vector.shape_cast %add3A_188 : vector<16xi32> to vector<16xi32>
      tpu.vector_store %arg10[%swap3A_189], %swap3A_192 {strides = array<i32>} : memref<128xi32, #tpu.memory_space<vmem>>, vector<16xi32>,
      %dma_start3A_193 = arith.constant 0 : i32
      %dma_start3A_194 = arith.constant 0 : i32
      %dma_start3A_195 = tpu.memref_slice %arg6[%dma_start3A_193, %dma_start3A_194] : memref<1536x128xf32, #tpu.memory_space<vmem_shared>> -> memref<1536x128xf32, #tpu.memory_space<vmem_shared>>
      tpu.enqueue_indirect_dma source(%arg8 : memref<128x128xf32, #tpu.memory_space<vmem>>) target(%dma_start3A_195 : memref<1536x128xf32, #tpu.memory_space<vmem_shared>>) offsets(%arg10 : memref<128xi32, #tpu.memory_space<vmem>>) semaphore(%arg14 : memref<!tpu.dma_semaphore, #tpu.memory_space<semaphore_mem>>) {add = true}
      %mul3A_196 = arith.constant 2 : i32
      %mul3A_197 = arith.muli %while3A_95, %mul3A_196 : i32
      %add3A_198 = arith.constant 1 : i32
      %add3A_199 = arith.addi %mul3A_197, %add3A_198 : i32
      %dma_wait3A_200 = arith.constant 0 : i32
      %dma_wait3A_201 = tpu.memref_slice %arg5[%add3A_199, %dma_wait3A_200] : memref<24x128xi32, #tpu.memory_space<vmem>> -> memref<1x128xi32, #tpu.memory_space<vmem>>
      %dma_wait3A_202 = tpu.memref_squeeze %dma_wait3A_201 : memref<1x128xi32, #tpu.memory_space<vmem>> -> memref<128xi32, #tpu.memory_space<vmem>>
      %dma_wait3A_203 = arith.constant 0 : i32
      %dma_wait3A_204 = arith.constant 0 : i32
      %dma_wait3A_205 = tpu.memref_slice %arg7[%dma_wait3A_203, %dma_wait3A_204] : memref<10000x128xf32, #tpu.memory_space<vmem_shared>> -> memref<10000x128xf32, #tpu.memory_space<vmem_shared>>
      tpu.wait_indirect_dma semaphore(%arg13 : memref<!tpu.dma_semaphore, #tpu.memory_space<semaphore_mem>>) src(%dma_wait3A_205 : memref<10000x128xf32, #tpu.memory_space<vmem_shared>>) dst(%arg9 : memref<128x128xf32, #tpu.memory_space<vmem>>)
      %mul3A_206 = arith.constant 4 : i32
      %mul3A_207 = arith.muli %add3A_199, %mul3A_206 : i32
      %add3A_208 = arith.constant 0 : i32
      %add3A_209 = arith.addi %mul3A_207, %add3A_208 : i32
      %broadcast_in_dim3A_210 = vector.broadcast %add3A_209 : i32 to vector<16xi32>
      %add3A_211 = vector.broadcast %mul3A : i32 to vector<16xi32>
      %add3A_212 = arith.addi %broadcast_in_dim3A_210, %add3A_211 : vector<16xi32>
      %swap3A_213 = arith.constant 0 : index
      %swap3A_214 = tpu.vector_load %arg11[%swap3A_213] {strides = array<i32>} : memref<128xi32, #tpu.memory_space<vmem>>, vector<16xi32>,
      %swap3A_215 = vector.shape_cast %swap3A_214 : vector<16xi32> to vector<16xi32>
      %swap3A_216 = vector.shape_cast %add3A_212 : vector<16xi32> to vector<16xi32>
      tpu.vector_store %arg11[%swap3A_213], %swap3A_216 {strides = array<i32>} : memref<128xi32, #tpu.memory_space<vmem>>, vector<16xi32>,
      %mul3A_217 = arith.constant 4 : i32
      %mul3A_218 = arith.muli %add3A_199, %mul3A_217 : i32
      %add3A_219 = arith.constant 0 : i32
      %add3A_220 = arith.addi %mul3A_218, %add3A_219 : i32
      %broadcast_in_dim3A_221 = vector.broadcast %add3A_220 : i32 to vector<16xi32>
      %add3A_222 = vector.broadcast %mul3A : i32 to vector<16xi32>
      %add3A_223 = arith.addi %broadcast_in_dim3A_221, %add3A_222 : vector<16xi32>
      %swap3A_224 = arith.constant 16 : index
      %swap3A_225 = tpu.vector_load %arg11[%swap3A_224] {strides = array<i32>} : memref<128xi32, #tpu.memory_space<vmem>>, vector<16xi32>,
      %swap3A_226 = vector.shape_cast %swap3A_225 : vector<16xi32> to vector<16xi32>
      %swap3A_227 = vector.shape_cast %add3A_223 : vector<16xi32> to vector<16xi32>
      tpu.vector_store %arg11[%swap3A_224], %swap3A_227 {strides = array<i32>} : memref<128xi32, #tpu.memory_space<vmem>>, vector<16xi32>,
      %mul3A_228 = arith.constant 4 : i32
      %mul3A_229 = arith.muli %add3A_199, %mul3A_228 : i32
      %add3A_230 = arith.constant 1 : i32
      %add3A_231 = arith.addi %mul3A_229, %add3A_230 : i32
      %broadcast_in_dim3A_232 = vector.broadcast %add3A_231 : i32 to vector<16xi32>
      %add3A_233 = vector.broadcast %mul3A : i32 to vector<16xi32>
      %add3A_234 = arith.addi %broadcast_in_dim3A_232, %add3A_233 : vector<16xi32>
      %swap3A_235 = arith.constant 32 : index
      %swap3A_236 = tpu.vector_load %arg11[%swap3A_235] {strides = array<i32>} : memref<128xi32, #tpu.memory_space<vmem>>, vector<16xi32>,
      %swap3A_237 = vector.shape_cast %swap3A_236 : vector<16xi32> to vector<16xi32>
      %swap3A_238 = vector.shape_cast %add3A_234 : vector<16xi32> to vector<16xi32>
      tpu.vector_store %arg11[%swap3A_235], %swap3A_238 {strides = array<i32>} : memref<128xi32, #tpu.memory_space<vmem>>, vector<16xi32>,
      %mul3A_239 = arith.constant 4 : i32
      %mul3A_240 = arith.muli %add3A_199, %mul3A_239 : i32
      %add3A_241 = arith.constant 1 : i32
      %add3A_242 = arith.addi %mul3A_240, %add3A_241 : i32
      %broadcast_in_dim3A_243 = vector.broadcast %add3A_242 : i32 to vector<16xi32>
      %add3A_244 = vector.broadcast %mul3A : i32 to vector<16xi32>
      %add3A_245 = arith.addi %broadcast_in_dim3A_243, %add3A_244 : vector<16xi32>
      %swap3A_246 = arith.constant 48 : index
      %swap3A_247 = tpu.vector_load %arg11[%swap3A_246] {strides = array<i32>} : memref<128xi32, #tpu.memory_space<vmem>>, vector<16xi32>,
      %swap3A_248 = vector.shape_cast %swap3A_247 : vector<16xi32> to vector<16xi32>
      %swap3A_249 = vector.shape_cast %add3A_245 : vector<16xi32> to vector<16xi32>
      tpu.vector_store %arg11[%swap3A_246], %swap3A_249 {strides = array<i32>} : memref<128xi32, #tpu.memory_space<vmem>>, vector<16xi32>,
      %mul3A_250 = arith.constant 4 : i32
      %mul3A_251 = arith.muli %add3A_199, %mul3A_250 : i32
      %add3A_252 = arith.constant 2 : i32
      %add3A_253 = arith.addi %mul3A_251, %add3A_252 : i32
      %broadcast_in_dim3A_254 = vector.broadcast %add3A_253 : i32 to vector<16xi32>
      %add3A_255 = vector.broadcast %mul3A : i32 to vector<16xi32>
      %add3A_256 = arith.addi %broadcast_in_dim3A_254, %add3A_255 : vector<16xi32>
      %swap3A_257 = arith.constant 64 : index
      %swap3A_258 = tpu.vector_load %arg11[%swap3A_257] {strides = array<i32>} : memref<128xi32, #tpu.memory_space<vmem>>, vector<16xi32>,
      %swap3A_259 = vector.shape_cast %swap3A_258 : vector<16xi32> to vector<16xi32>
      %swap3A_260 = vector.shape_cast %add3A_256 : vector<16xi32> to vector<16xi32>
      tpu.vector_store %arg11[%swap3A_257], %swap3A_260 {strides = array<i32>} : memref<128xi32, #tpu.memory_space<vmem>>, vector<16xi32>,
      %mul3A_261 = arith.constant 4 : i32
      %mul3A_262 = arith.muli %add3A_199, %mul3A_261 : i32
      %add3A_263 = arith.constant 2 : i32
      %add3A_264 = arith.addi %mul3A_262, %add3A_263 : i32
      %broadcast_in_dim3A_265 = vector.broadcast %add3A_264 : i32 to vector<16xi32>
      %add3A_266 = vector.broadcast %mul3A : i32 to vector<16xi32>
      %add3A_267 = arith.addi %broadcast_in_dim3A_265, %add3A_266 : vector<16xi32>
      %swap3A_268 = arith.constant 80 : index
      %swap3A_269 = tpu.vector_load %arg11[%swap3A_268] {strides = array<i32>} : memref<128xi32, #tpu.memory_space<vmem>>, vector<16xi32>,
      %swap3A_270 = vector.shape_cast %swap3A_269 : vector<16xi32> to vector<16xi32>
      %swap3A_271 = vector.shape_cast %add3A_267 : vector<16xi32> to vector<16xi32>
      tpu.vector_store %arg11[%swap3A_268], %swap3A_271 {strides = array<i32>} : memref<128xi32, #tpu.memory_space<vmem>>, vector<16xi32>,
      %mul3A_272 = arith.constant 4 : i32
      %mul3A_273 = arith.muli %add3A_199, %mul3A_272 : i32
      %add3A_274 = arith.constant 3 : i32
      %add3A_275 = arith.addi %mul3A_273, %add3A_274 : i32
      %broadcast_in_dim3A_276 = vector.broadcast %add3A_275 : i32 to vector<16xi32>
      %add3A_277 = vector.broadcast %mul3A : i32 to vector<16xi32>
      %add3A_278 = arith.addi %broadcast_in_dim3A_276, %add3A_277 : vector<16xi32>
      %swap3A_279 = arith.constant 96 : index
      %swap3A_280 = tpu.vector_load %arg11[%swap3A_279] {strides = array<i32>} : memref<128xi32, #tpu.memory_space<vmem>>, vector<16xi32>,
      %swap3A_281 = vector.shape_cast %swap3A_280 : vector<16xi32> to vector<16xi32>
      %swap3A_282 = vector.shape_cast %add3A_278 : vector<16xi32> to vector<16xi32>
      tpu.vector_store %arg11[%swap3A_279], %swap3A_282 {strides = array<i32>} : memref<128xi32, #tpu.memory_space<vmem>>, vector<16xi32>,
      %mul3A_283 = arith.constant 4 : i32
      %mul3A_284 = arith.muli %add3A_199, %mul3A_283 : i32
      %add3A_285 = arith.constant 3 : i32
      %add3A_286 = arith.addi %mul3A_284, %add3A_285 : i32
      %broadcast_in_dim3A_287 = vector.broadcast %add3A_286 : i32 to vector<16xi32>
      %add3A_288 = vector.broadcast %mul3A : i32 to vector<16xi32>
      %add3A_289 = arith.addi %broadcast_in_dim3A_287, %add3A_288 : vector<16xi32>
      %swap3A_290 = arith.constant 112 : index
      %swap3A_291 = tpu.vector_load %arg11[%swap3A_290] {strides = array<i32>} : memref<128xi32, #tpu.memory_space<vmem>>, vector<16xi32>,
      %swap3A_292 = vector.shape_cast %swap3A_291 : vector<16xi32> to vector<16xi32>
      %swap3A_293 = vector.shape_cast %add3A_289 : vector<16xi32> to vector<16xi32>
      tpu.vector_store %arg11[%swap3A_290], %swap3A_293 {strides = array<i32>} : memref<128xi32, #tpu.memory_space<vmem>>, vector<16xi32>,
      %dma_start3A_294 = arith.constant 0 : i32
      %dma_start3A_295 = arith.constant 0 : i32
      %dma_start3A_296 = tpu.memref_slice %arg6[%dma_start3A_294, %dma_start3A_295] : memref<1536x128xf32, #tpu.memory_space<vmem_shared>> -> memref<1536x128xf32, #tpu.memory_space<vmem_shared>>
      tpu.enqueue_indirect_dma source(%arg9 : memref<128x128xf32, #tpu.memory_space<vmem>>) target(%dma_start3A_296 : memref<1536x128xf32, #tpu.memory_space<vmem_shared>>) offsets(%arg11 : memref<128xi32, #tpu.memory_space<vmem>>) semaphore(%arg15 : memref<!tpu.dma_semaphore, #tpu.memory_space<semaphore_mem>>) {add = true}
      %mul3A_297 = arith.constant 2 : i32
      %mul3A_298 = arith.muli %while3A_95, %mul3A_297 : i32
      %add3A_299 = arith.constant 0 : i32
      %add3A_300 = arith.addi %mul3A_298, %add3A_299 : i32
      %add3A_301 = arith.constant 2 : i32
      %add3A_302 = arith.addi %add3A_300, %add3A_301 : i32
      %lt3A = arith.cmpi slt, %add3A_302, %select_n3A_6 : i32
      %convert_element_type3A_303 = arith.extui %lt3A : i1 to i32
      %cond3A_304 = arith.constant 0 : i32
      %cond3A_305 = arith.cmpi ne, %convert_element_type3A_303, %cond3A_304 : i32
      scf.if %cond3A_305 {
        %mul3A_316 = arith.constant 2 : i32
        %mul3A_317 = arith.muli %while3A_95, %mul3A_316 : i32
        %add3A_318 = arith.constant 0 : i32
        %add3A_319 = arith.addi %mul3A_317, %add3A_318 : i32
        %dma_wait3A_320 = arith.constant 0 : i32
        %dma_wait3A_321 = arith.constant 0 : i32
        %dma_wait3A_322 = tpu.memref_slice %arg6[%dma_wait3A_320, %dma_wait3A_321] : memref<1536x128xf32, #tpu.memory_space<vmem_shared>> -> memref<1536x128xf32, #tpu.memory_space<vmem_shared>>
        tpu.wait_indirect_dma semaphore(%arg14 : memref<!tpu.dma_semaphore, #tpu.memory_space<semaphore_mem>>) src(%arg8 : memref<128x128xf32, #tpu.memory_space<vmem>>) dst(%dma_wait3A_322 : memref<1536x128xf32, #tpu.memory_space<vmem_shared>>)
        %add3A_323 = arith.constant 2 : i32
        %add3A_324 = arith.addi %add3A_319, %add3A_323 : i32
        %dma_start3A_325 = arith.constant 0 : i32
        %dma_start3A_326 = tpu.memref_slice %arg5[%add3A_324, %dma_start3A_325] : memref<24x128xi32, #tpu.memory_space<vmem>> -> memref<1x128xi32, #tpu.memory_space<vmem>>
        %dma_start3A_327 = tpu.memref_squeeze %dma_start3A_326 : memref<1x128xi32, #tpu.memory_space<vmem>> -> memref<128xi32, #tpu.memory_space<vmem>>
        %dma_start3A_328 = arith.constant 0 : i32
        %dma_start3A_329 = arith.constant 0 : i32
        %dma_start3A_330 = tpu.memref_slice %arg7[%dma_start3A_328, %dma_start3A_329] : memref<10000x128xf32, #tpu.memory_space<vmem_shared>> -> memref<10000x128xf32, #tpu.memory_space<vmem_shared>>
        tpu.enqueue_indirect_dma source(%dma_start3A_330 : memref<10000x128xf32, #tpu.memory_space<vmem_shared>>) target(%arg8 : memref<128x128xf32, #tpu.memory_space<vmem>>) offsets(%dma_start3A_327 : memref<128xi32, #tpu.memory_space<vmem>>) semaphore(%arg12 : memref<!tpu.dma_semaphore, #tpu.memory_space<semaphore_mem>>)
      } else {
      }
      %mul3A_306 = arith.constant 2 : i32
      %mul3A_307 = arith.muli %while3A_95, %mul3A_306 : i32
      %add3A_308 = arith.constant 1 : i32
      %add3A_309 = arith.addi %mul3A_307, %add3A_308 : i32
      %add3A_310 = arith.constant 2 : i32
      %add3A_311 = arith.addi %add3A_309, %add3A_310 : i32
      %lt3A_312 = arith.cmpi slt, %add3A_311, %select_n3A_6 : i32
      %convert_element_type3A_313 = arith.extui %lt3A_312 : i1 to i32
      %cond3A_314 = arith.constant 0 : i32
      %cond3A_315 = arith.cmpi ne, %convert_element_type3A_313, %cond3A_314 : i32
      scf.if %cond3A_315 {
        %mul3A_316 = arith.constant 2 : i32
        %mul3A_317 = arith.muli %while3A_95, %mul3A_316 : i32
        %add3A_318 = arith.constant 1 : i32
        %add3A_319 = arith.addi %mul3A_317, %add3A_318 : i32
        %dma_wait3A_320 = arith.constant 0 : i32
        %dma_wait3A_321 = arith.constant 0 : i32
        %dma_wait3A_322 = tpu.memref_slice %arg6[%dma_wait3A_320, %dma_wait3A_321] : memref<1536x128xf32, #tpu.memory_space<vmem_shared>> -> memref<1536x128xf32, #tpu.memory_space<vmem_shared>>
        tpu.wait_indirect_dma semaphore(%arg15 : memref<!tpu.dma_semaphore, #tpu.memory_space<semaphore_mem>>) src(%arg9 : memref<128x128xf32, #tpu.memory_space<vmem>>) dst(%dma_wait3A_322 : memref<1536x128xf32, #tpu.memory_space<vmem_shared>>)
        %add3A_323 = arith.constant 2 : i32
        %add3A_324 = arith.addi %add3A_319, %add3A_323 : i32
        %dma_start3A_325 = arith.constant 0 : i32
        %dma_start3A_326 = tpu.memref_slice %arg5[%add3A_324, %dma_start3A_325] : memref<24x128xi32, #tpu.memory_space<vmem>> -> memref<1x128xi32, #tpu.memory_space<vmem>>
        %dma_start3A_327 = tpu.memref_squeeze %dma_start3A_326 : memref<1x128xi32, #tpu.memory_space<vmem>> -> memref<128xi32, #tpu.memory_space<vmem>>
        %dma_start3A_328 = arith.constant 0 : i32
        %dma_start3A_329 = arith.constant 0 : i32
        %dma_start3A_330 = tpu.memref_slice %arg7[%dma_start3A_328, %dma_start3A_329] : memref<10000x128xf32, #tpu.memory_space<vmem_shared>> -> memref<10000x128xf32, #tpu.memory_space<vmem_shared>>
        tpu.enqueue_indirect_dma source(%dma_start3A_330 : memref<10000x128xf32, #tpu.memory_space<vmem_shared>>) target(%arg9 : memref<128x128xf32, #tpu.memory_space<vmem>>) offsets(%dma_start3A_327 : memref<128xi32, #tpu.memory_space<vmem>>) semaphore(%arg13 : memref<!tpu.dma_semaphore, #tpu.memory_space<semaphore_mem>>)
      } else {
      }
    }
    %while3A_79 = arith.constant 1 : i32
    scf.for %while3A_95 = %while3A_77 to %while3A_73 step %while3A_79  : i32 {
      %mul3A_96 = arith.constant 2 : i32
      %mul3A_97 = arith.muli %while3A_95, %mul3A_96 : i32
      %add3A_98 = arith.constant 0 : i32
      %add3A_99 = arith.addi %mul3A_97, %add3A_98 : i32
      %dma_wait3A_100 = arith.constant 0 : i32
      %dma_wait3A_101 = tpu.memref_slice %arg5[%add3A_99, %dma_wait3A_100] : memref<24x128xi32, #tpu.memory_space<vmem>> -> memref<1x128xi32, #tpu.memory_space<vmem>>
      %dma_wait3A_102 = tpu.memref_squeeze %dma_wait3A_101 : memref<1x128xi32, #tpu.memory_space<vmem>> -> memref<128xi32, #tpu.memory_space<vmem>>
      %dma_wait3A_103 = arith.constant 0 : i32
      %dma_wait3A_104 = arith.constant 0 : i32
      %dma_wait3A_105 = tpu.memref_slice %arg7[%dma_wait3A_103, %dma_wait3A_104] : memref<10000x128xf32, #tpu.memory_space<vmem_shared>> -> memref<10000x128xf32, #tpu.memory_space<vmem_shared>>
      tpu.wait_indirect_dma semaphore(%arg12 : memref<!tpu.dma_semaphore, #tpu.memory_space<semaphore_mem>>) src(%dma_wait3A_105 : memref<10000x128xf32, #tpu.memory_space<vmem_shared>>) dst(%arg8 : memref<128x128xf32, #tpu.memory_space<vmem>>)
      %mul3A_106 = arith.constant 4 : i32
      %mul3A_107 = arith.muli %add3A_99, %mul3A_106 : i32
      %add3A_108 = arith.constant 0 : i32
      %add3A_109 = arith.addi %mul3A_107, %add3A_108 : i32
      %broadcast_in_dim3A_110 = vector.broadcast %add3A_109 : i32 to vector<16xi32>
      %add3A_111 = vector.broadcast %mul3A : i32 to vector<16xi32>
      %add3A_112 = arith.addi %broadcast_in_dim3A_110, %add3A_111 : vector<16xi32>
      %swap3A = arith.constant 0 : index
      %swap3A_113 = tpu.vector_load %arg10[%swap3A] {strides = array<i32>} : memref<128xi32, #tpu.memory_space<vmem>>, vector<16xi32>,
      %swap3A_114 = vector.shape_cast %swap3A_113 : vector<16xi32> to vector<16xi32>
      %swap3A_115 = vector.shape_cast %add3A_112 : vector<16xi32> to vector<16xi32>
      tpu.vector_store %arg10[%swap3A], %swap3A_115 {strides = array<i32>} : memref<128xi32, #tpu.memory_space<vmem>>, vector<16xi32>,
      %mul3A_116 = arith.constant 4 : i32
      %mul3A_117 = arith.muli %add3A_99, %mul3A_116 : i32
      %add3A_118 = arith.constant 0 : i32
      %add3A_119 = arith.addi %mul3A_117, %add3A_118 : i32
      %broadcast_in_dim3A_120 = vector.broadcast %add3A_119 : i32 to vector<16xi32>
      %add3A_121 = vector.broadcast %mul3A : i32 to vector<16xi32>
      %add3A_122 = arith.addi %broadcast_in_dim3A_120, %add3A_121 : vector<16xi32>
      %swap3A_123 = arith.constant 16 : index
      %swap3A_124 = tpu.vector_load %arg10[%swap3A_123] {strides = array<i32>} : memref<128xi32, #tpu.memory_space<vmem>>, vector<16xi32>,
      %swap3A_125 = vector.shape_cast %swap3A_124 : vector<16xi32> to vector<16xi32>
      %swap3A_126 = vector.shape_cast %add3A_122 : vector<16xi32> to vector<16xi32>
      tpu.vector_store %arg10[%swap3A_123], %swap3A_126 {strides = array<i32>} : memref<128xi32, #tpu.memory_space<vmem>>, vector<16xi32>,
      %mul3A_127 = arith.constant 4 : i32
      %mul3A_128 = arith.muli %add3A_99, %mul3A_127 : i32
      %add3A_129 = arith.constant 1 : i32
      %add3A_130 = arith.addi %mul3A_128, %add3A_129 : i32
      %broadcast_in_dim3A_131 = vector.broadcast %add3A_130 : i32 to vector<16xi32>
      %add3A_132 = vector.broadcast %mul3A : i32 to vector<16xi32>
      %add3A_133 = arith.addi %broadcast_in_dim3A_131, %add3A_132 : vector<16xi32>
      %swap3A_134 = arith.constant 32 : index
      %swap3A_135 = tpu.vector_load %arg10[%swap3A_134] {strides = array<i32>} : memref<128xi32, #tpu.memory_space<vmem>>, vector<16xi32>,
      %swap3A_136 = vector.shape_cast %swap3A_135 : vector<16xi32> to vector<16xi32>
      %swap3A_137 = vector.shape_cast %add3A_133 : vector<16xi32> to vector<16xi32>
      tpu.vector_store %arg10[%swap3A_134], %swap3A_137 {strides = array<i32>} : memref<128xi32, #tpu.memory_space<vmem>>, vector<16xi32>,
      %mul3A_138 = arith.constant 4 : i32
      %mul3A_139 = arith.muli %add3A_99, %mul3A_138 : i32
      %add3A_140 = arith.constant 1 : i32
      %add3A_141 = arith.addi %mul3A_139, %add3A_140 : i32
      %broadcast_in_dim3A_142 = vector.broadcast %add3A_141 : i32 to vector<16xi32>
      %add3A_143 = vector.broadcast %mul3A : i32 to vector<16xi32>
      %add3A_144 = arith.addi %broadcast_in_dim3A_142, %add3A_143 : vector<16xi32>
      %swap3A_145 = arith.constant 48 : index
      %swap3A_146 = tpu.vector_load %arg10[%swap3A_145] {strides = array<i32>} : memref<128xi32, #tpu.memory_space<vmem>>, vector<16xi32>,
      %swap3A_147 = vector.shape_cast %swap3A_146 : vector<16xi32> to vector<16xi32>
      %swap3A_148 = vector.shape_cast %add3A_144 : vector<16xi32> to vector<16xi32>
      tpu.vector_store %arg10[%swap3A_145], %swap3A_148 {strides = array<i32>} : memref<128xi32, #tpu.memory_space<vmem>>, vector<16xi32>,
      %mul3A_149 = arith.constant 4 : i32
      %mul3A_150 = arith.muli %add3A_99, %mul3A_149 : i32
      %add3A_151 = arith.constant 2 : i32
      %add3A_152 = arith.addi %mul3A_150, %add3A_151 : i32
      %broadcast_in_dim3A_153 = vector.broadcast %add3A_152 : i32 to vector<16xi32>
      %add3A_154 = vector.broadcast %mul3A : i32 to vector<16xi32>
      %add3A_155 = arith.addi %broadcast_in_dim3A_153, %add3A_154 : vector<16xi32>
      %swap3A_156 = arith.constant 64 : index
      %swap3A_157 = tpu.vector_load %arg10[%swap3A_156] {strides = array<i32>} : memref<128xi32, #tpu.memory_space<vmem>>, vector<16xi32>,
      %swap3A_158 = vector.shape_cast %swap3A_157 : vector<16xi32> to vector<16xi32>
      %swap3A_159 = vector.shape_cast %add3A_155 : vector<16xi32> to vector<16xi32>
      tpu.vector_store %arg10[%swap3A_156], %swap3A_159 {strides = array<i32>} : memref<128xi32, #tpu.memory_space<vmem>>, vector<16xi32>,
      %mul3A_160 = arith.constant 4 : i32
      %mul3A_161 = arith.muli %add3A_99, %mul3A_160 : i32
      %add3A_162 = arith.constant 2 : i32
      %add3A_163 = arith.addi %mul3A_161, %add3A_162 : i32
      %broadcast_in_dim3A_164 = vector.broadcast %add3A_163 : i32 to vector<16xi32>
      %add3A_165 = vector.broadcast %mul3A : i32 to vector<16xi32>
      %add3A_166 = arith.addi %broadcast_in_dim3A_164, %add3A_165 : vector<16xi32>
      %swap3A_167 = arith.constant 80 : index
      %swap3A_168 = tpu.vector_load %arg10[%swap3A_167] {strides = array<i32>} : memref<128xi32, #tpu.memory_space<vmem>>, vector<16xi32>,
      %swap3A_169 = vector.shape_cast %swap3A_168 : vector<16xi32> to vector<16xi32>
      %swap3A_170 = vector.shape_cast %add3A_166 : vector<16xi32> to vector<16xi32>
      tpu.vector_store %arg10[%swap3A_167], %swap3A_170 {strides = array<i32>} : memref<128xi32, #tpu.memory_space<vmem>>, vector<16xi32>,
      %mul3A_171 = arith.constant 4 : i32
      %mul3A_172 = arith.muli %add3A_99, %mul3A_171 : i32
      %add3A_173 = arith.constant 3 : i32
      %add3A_174 = arith.addi %mul3A_172, %add3A_173 : i32
      %broadcast_in_dim3A_175 = vector.broadcast %add3A_174 : i32 to vector<16xi32>
      %add3A_176 = vector.broadcast %mul3A : i32 to vector<16xi32>
      %add3A_177 = arith.addi %broadcast_in_dim3A_175, %add3A_176 : vector<16xi32>
      %swap3A_178 = arith.constant 96 : index
      %swap3A_179 = tpu.vector_load %arg10[%swap3A_178] {strides = array<i32>} : memref<128xi32, #tpu.memory_space<vmem>>, vector<16xi32>,
      %swap3A_180 = vector.shape_cast %swap3A_179 : vector<16xi32> to vector<16xi32>
      %swap3A_181 = vector.shape_cast %add3A_177 : vector<16xi32> to vector<16xi32>
      tpu.vector_store %arg10[%swap3A_178], %swap3A_181 {strides = array<i32>} : memref<128xi32, #tpu.memory_space<vmem>>, vector<16xi32>,
      %mul3A_182 = arith.constant 4 : i32
      %mul3A_183 = arith.muli %add3A_99, %mul3A_182 : i32
      %add3A_184 = arith.constant 3 : i32
      %add3A_185 = arith.addi %mul3A_183, %add3A_184 : i32
      %broadcast_in_dim3A_186 = vector.broadcast %add3A_185 : i32 to vector<16xi32>
      %add3A_187 = vector.broadcast %mul3A : i32 to vector<16xi32>
      %add3A_188 = arith.addi %broadcast_in_dim3A_186, %add3A_187 : vector<16xi32>
      %swap3A_189 = arith.constant 112 : index
      %swap3A_190 = tpu.vector_load %arg10[%swap3A_189] {strides = array<i32>} : memref<128xi32, #tpu.memory_space<vmem>>, vector<16xi32>,
      %swap3A_191 = vector.shape_cast %swap3A_190 : vector<16xi32> to vector<16xi32>
      %swap3A_192 = vector.shape_cast %add3A_188 : vector<16xi32> to vector<16xi32>
      tpu.vector_store %arg10[%swap3A_189], %swap3A_192 {strides = array<i32>} : memref<128xi32, #tpu.memory_space<vmem>>, vector<16xi32>,
      %dma_start3A_193 = arith.constant 0 : i32
      %dma_start3A_194 = arith.constant 0 : i32
      %dma_start3A_195 = tpu.memref_slice %arg6[%dma_start3A_193, %dma_start3A_194] : memref<1536x128xf32, #tpu.memory_space<vmem_shared>> -> memref<1536x128xf32, #tpu.memory_space<vmem_shared>>
      tpu.enqueue_indirect_dma source(%arg8 : memref<128x128xf32, #tpu.memory_space<vmem>>) target(%dma_start3A_195 : memref<1536x128xf32, #tpu.memory_space<vmem_shared>>) offsets(%arg10 : memref<128xi32, #tpu.memory_space<vmem>>) semaphore(%arg14 : memref<!tpu.dma_semaphore, #tpu.memory_space<semaphore_mem>>) {add = true}
      %mul3A_196 = arith.constant 2 : i32
      %mul3A_197 = arith.muli %while3A_95, %mul3A_196 : i32
      %add3A_198 = arith.constant 1 : i32
      %add3A_199 = arith.addi %mul3A_197, %add3A_198 : i32
      %dma_wait3A_200 = arith.constant 0 : i32
      %dma_wait3A_201 = tpu.memref_slice %arg5[%add3A_199, %dma_wait3A_200] : memref<24x128xi32, #tpu.memory_space<vmem>> -> memref<1x128xi32, #tpu.memory_space<vmem>>
      %dma_wait3A_202 = tpu.memref_squeeze %dma_wait3A_201 : memref<1x128xi32, #tpu.memory_space<vmem>> -> memref<128xi32, #tpu.memory_space<vmem>>
      %dma_wait3A_203 = arith.constant 0 : i32
      %dma_wait3A_204 = arith.constant 0 : i32
      %dma_wait3A_205 = tpu.memref_slice %arg7[%dma_wait3A_203, %dma_wait3A_204] : memref<10000x128xf32, #tpu.memory_space<vmem_shared>> -> memref<10000x128xf32, #tpu.memory_space<vmem_shared>>
      tpu.wait_indirect_dma semaphore(%arg13 : memref<!tpu.dma_semaphore, #tpu.memory_space<semaphore_mem>>) src(%dma_wait3A_205 : memref<10000x128xf32, #tpu.memory_space<vmem_shared>>) dst(%arg9 : memref<128x128xf32, #tpu.memory_space<vmem>>)
      %mul3A_206 = arith.constant 4 : i32
      %mul3A_207 = arith.muli %add3A_199, %mul3A_206 : i32
      %add3A_208 = arith.constant 0 : i32
      %add3A_209 = arith.addi %mul3A_207, %add3A_208 : i32
      %broadcast_in_dim3A_210 = vector.broadcast %add3A_209 : i32 to vector<16xi32>
      %add3A_211 = vector.broadcast %mul3A : i32 to vector<16xi32>
      %add3A_212 = arith.addi %broadcast_in_dim3A_210, %add3A_211 : vector<16xi32>
      %swap3A_213 = arith.constant 0 : index
      %swap3A_214 = tpu.vector_load %arg11[%swap3A_213] {strides = array<i32>} : memref<128xi32, #tpu.memory_space<vmem>>, vector<16xi32>,
      %swap3A_215 = vector.shape_cast %swap3A_214 : vector<16xi32> to vector<16xi32>
      %swap3A_216 = vector.shape_cast %add3A_212 : vector<16xi32> to vector<16xi32>
      tpu.vector_store %arg11[%swap3A_213], %swap3A_216 {strides = array<i32>} : memref<128xi32, #tpu.memory_space<vmem>>, vector<16xi32>,
      %mul3A_217 = arith.constant 4 : i32
      %mul3A_218 = arith.muli %add3A_199, %mul3A_217 : i32
      %add3A_219 = arith.constant 0 : i32
      %add3A_220 = arith.addi %mul3A_218, %add3A_219 : i32
      %broadcast_in_dim3A_221 = vector.broadcast %add3A_220 : i32 to vector<16xi32>
      %add3A_222 = vector.broadcast %mul3A : i32 to vector<16xi32>
      %add3A_223 = arith.addi %broadcast_in_dim3A_221, %add3A_222 : vector<16xi32>
      %swap3A_224 = arith.constant 16 : index
      %swap3A_225 = tpu.vector_load %arg11[%swap3A_224] {strides = array<i32>} : memref<128xi32, #tpu.memory_space<vmem>>, vector<16xi32>,
      %swap3A_226 = vector.shape_cast %swap3A_225 : vector<16xi32> to vector<16xi32>
      %swap3A_227 = vector.shape_cast %add3A_223 : vector<16xi32> to vector<16xi32>
      tpu.vector_store %arg11[%swap3A_224], %swap3A_227 {strides = array<i32>} : memref<128xi32, #tpu.memory_space<vmem>>, vector<16xi32>,
      %mul3A_228 = arith.constant 4 : i32
      %mul3A_229 = arith.muli %add3A_199, %mul3A_228 : i32
      %add3A_230 = arith.constant 1 : i32
      %add3A_231 = arith.addi %mul3A_229, %add3A_230 : i32
      %broadcast_in_dim3A_232 = vector.broadcast %add3A_231 : i32 to vector<16xi32>
      %add3A_233 = vector.broadcast %mul3A : i32 to vector<16xi32>
      %add3A_234 = arith.addi %broadcast_in_dim3A_232, %add3A_233 : vector<16xi32>
      %swap3A_235 = arith.constant 32 : index
      %swap3A_236 = tpu.vector_load %arg11[%swap3A_235] {strides = array<i32>} : memref<128xi32, #tpu.memory_space<vmem>>, vector<16xi32>,
      %swap3A_237 = vector.shape_cast %swap3A_236 : vector<16xi32> to vector<16xi32>
      %swap3A_238 = vector.shape_cast %add3A_234 : vector<16xi32> to vector<16xi32>
      tpu.vector_store %arg11[%swap3A_235], %swap3A_238 {strides = array<i32>} : memref<128xi32, #tpu.memory_space<vmem>>, vector<16xi32>,
      %mul3A_239 = arith.constant 4 : i32
      %mul3A_240 = arith.muli %add3A_199, %mul3A_239 : i32
      %add3A_241 = arith.constant 1 : i32
      %add3A_242 = arith.addi %mul3A_240, %add3A_241 : i32
      %broadcast_in_dim3A_243 = vector.broadcast %add3A_242 : i32 to vector<16xi32>
      %add3A_244 = vector.broadcast %mul3A : i32 to vector<16xi32>
      %add3A_245 = arith.addi %broadcast_in_dim3A_243, %add3A_244 : vector<16xi32>
      %swap3A_246 = arith.constant 48 : index
      %swap3A_247 = tpu.vector_load %arg11[%swap3A_246] {strides = array<i32>} : memref<128xi32, #tpu.memory_space<vmem>>, vector<16xi32>,
      %swap3A_248 = vector.shape_cast %swap3A_247 : vector<16xi32> to vector<16xi32>
      %swap3A_249 = vector.shape_cast %add3A_245 : vector<16xi32> to vector<16xi32>
      tpu.vector_store %arg11[%swap3A_246], %swap3A_249 {strides = array<i32>} : memref<128xi32, #tpu.memory_space<vmem>>, vector<16xi32>,
      %mul3A_250 = arith.constant 4 : i32
      %mul3A_251 = arith.muli %add3A_199, %mul3A_250 : i32
      %add3A_252 = arith.constant 2 : i32
      %add3A_253 = arith.addi %mul3A_251, %add3A_252 : i32
      %broadcast_in_dim3A_254 = vector.broadcast %add3A_253 : i32 to vector<16xi32>
      %add3A_255 = vector.broadcast %mul3A : i32 to vector<16xi32>
      %add3A_256 = arith.addi %broadcast_in_dim3A_254, %add3A_255 : vector<16xi32>
      %swap3A_257 = arith.constant 64 : index
      %swap3A_258 = tpu.vector_load %arg11[%swap3A_257] {strides = array<i32>} : memref<128xi32, #tpu.memory_space<vmem>>, vector<16xi32>,
      %swap3A_259 = vector.shape_cast %swap3A_258 : vector<16xi32> to vector<16xi32>
      %swap3A_260 = vector.shape_cast %add3A_256 : vector<16xi32> to vector<16xi32>
      tpu.vector_store %arg11[%swap3A_257], %swap3A_260 {strides = array<i32>} : memref<128xi32, #tpu.memory_space<vmem>>, vector<16xi32>,
      %mul3A_261 = arith.constant 4 : i32
      %mul3A_262 = arith.muli %add3A_199, %mul3A_261 : i32
      %add3A_263 = arith.constant 2 : i32
      %add3A_264 = arith.addi %mul3A_262, %add3A_263 : i32
      %broadcast_in_dim3A_265 = vector.broadcast %add3A_264 : i32 to vector<16xi32>
      %add3A_266 = vector.broadcast %mul3A : i32 to vector<16xi32>
      %add3A_267 = arith.addi %broadcast_in_dim3A_265, %add3A_266 : vector<16xi32>
      %swap3A_268 = arith.constant 80 : index
      %swap3A_269 = tpu.vector_load %arg11[%swap3A_268] {strides = array<i32>} : memref<128xi32, #tpu.memory_space<vmem>>, vector<16xi32>,
      %swap3A_270 = vector.shape_cast %swap3A_269 : vector<16xi32> to vector<16xi32>
      %swap3A_271 = vector.shape_cast %add3A_267 : vector<16xi32> to vector<16xi32>
      tpu.vector_store %arg11[%swap3A_268], %swap3A_271 {strides = array<i32>} : memref<128xi32, #tpu.memory_space<vmem>>, vector<16xi32>,
      %mul3A_272 = arith.constant 4 : i32
      %mul3A_273 = arith.muli %add3A_199, %mul3A_272 : i32
      %add3A_274 = arith.constant 3 : i32
      %add3A_275 = arith.addi %mul3A_273, %add3A_274 : i32
      %broadcast_in_dim3A_276 = vector.broadcast %add3A_275 : i32 to vector<16xi32>
      %add3A_277 = vector.broadcast %mul3A : i32 to vector<16xi32>
      %add3A_278 = arith.addi %broadcast_in_dim3A_276, %add3A_277 : vector<16xi32>
      %swap3A_279 = arith.constant 96 : index
      %swap3A_280 = tpu.vector_load %arg11[%swap3A_279] {strides = array<i32>} : memref<128xi32, #tpu.memory_space<vmem>>, vector<16xi32>,
      %swap3A_281 = vector.shape_cast %swap3A_280 : vector<16xi32> to vector<16xi32>
      %swap3A_282 = vector.shape_cast %add3A_278 : vector<16xi32> to vector<16xi32>
      tpu.vector_store %arg11[%swap3A_279], %swap3A_282 {strides = array<i32>} : memref<128xi32, #tpu.memory_space<vmem>>, vector<16xi32>,
      %mul3A_283 = arith.constant 4 : i32
      %mul3A_284 = arith.muli %add3A_199, %mul3A_283 : i32
      %add3A_285 = arith.constant 3 : i32
      %add3A_286 = arith.addi %mul3A_284, %add3A_285 : i32
      %broadcast_in_dim3A_287 = vector.broadcast %add3A_286 : i32 to vector<16xi32>
      %add3A_288 = vector.broadcast %mul3A : i32 to vector<16xi32>
      %add3A_289 = arith.addi %broadcast_in_dim3A_287, %add3A_288 : vector<16xi32>
      %swap3A_290 = arith.constant 112 : index
      %swap3A_291 = tpu.vector_load %arg11[%swap3A_290] {strides = array<i32>} : memref<128xi32, #tpu.memory_space<vmem>>, vector<16xi32>,
      %swap3A_292 = vector.shape_cast %swap3A_291 : vector<16xi32> to vector<16xi32>
      %swap3A_293 = vector.shape_cast %add3A_289 : vector<16xi32> to vector<16xi32>
      tpu.vector_store %arg11[%swap3A_290], %swap3A_293 {strides = array<i32>} : memref<128xi32, #tpu.memory_space<vmem>>, vector<16xi32>,
      %dma_start3A_294 = arith.constant 0 : i32
      %dma_start3A_295 = arith.constant 0 : i32
      %dma_start3A_296 = tpu.memref_slice %arg6[%dma_start3A_294, %dma_start3A_295] : memref<1536x128xf32, #tpu.memory_space<vmem_shared>> -> memref<1536x128xf32, #tpu.memory_space<vmem_shared>>
      tpu.enqueue_indirect_dma source(%arg9 : memref<128x128xf32, #tpu.memory_space<vmem>>) target(%dma_start3A_296 : memref<1536x128xf32, #tpu.memory_space<vmem_shared>>) offsets(%arg11 : memref<128xi32, #tpu.memory_space<vmem>>) semaphore(%arg15 : memref<!tpu.dma_semaphore, #tpu.memory_space<semaphore_mem>>) {add = true}
      %mul3A_297 = arith.constant 2 : i32
      %mul3A_298 = arith.muli %while3A_95, %mul3A_297 : i32
      %add3A_299 = arith.constant 0 : i32
      %add3A_300 = arith.addi %mul3A_298, %add3A_299 : i32
      %add3A_301 = arith.constant 2 : i32
      %add3A_302 = arith.addi %add3A_300, %add3A_301 : i32
      %lt3A = arith.cmpi slt, %add3A_302, %select_n3A_6 : i32
      %convert_element_type3A_303 = arith.extui %lt3A : i1 to i32
      %cond3A_304 = arith.constant 0 : i32
      %cond3A_305 = arith.cmpi ne, %convert_element_type3A_303, %cond3A_304 : i32
      scf.if %cond3A_305 {
        %mul3A_316 = arith.constant 2 : i32
        %mul3A_317 = arith.muli %while3A_95, %mul3A_316 : i32
        %add3A_318 = arith.constant 0 : i32
        %add3A_319 = arith.addi %mul3A_317, %add3A_318 : i32
        %dma_wait3A_320 = arith.constant 0 : i32
        %dma_wait3A_321 = arith.constant 0 : i32
        %dma_wait3A_322 = tpu.memref_slice %arg6[%dma_wait3A_320, %dma_wait3A_321] : memref<1536x128xf32, #tpu.memory_space<vmem_shared>> -> memref<1536x128xf32, #tpu.memory_space<vmem_shared>>
        tpu.wait_indirect_dma semaphore(%arg14 : memref<!tpu.dma_semaphore, #tpu.memory_space<semaphore_mem>>) src(%arg8 : memref<128x128xf32, #tpu.memory_space<vmem>>) dst(%dma_wait3A_322 : memref<1536x128xf32, #tpu.memory_space<vmem_shared>>)
        %add3A_323 = arith.constant 2 : i32
        %add3A_324 = arith.addi %add3A_319, %add3A_323 : i32
        %dma_start3A_325 = arith.constant 0 : i32
        %dma_start3A_326 = tpu.memref_slice %arg5[%add3A_324, %dma_start3A_325] : memref<24x128xi32, #tpu.memory_space<vmem>> -> memref<1x128xi32, #tpu.memory_space<vmem>>
        %dma_start3A_327 = tpu.memref_squeeze %dma_start3A_326 : memref<1x128xi32, #tpu.memory_space<vmem>> -> memref<128xi32, #tpu.memory_space<vmem>>
        %dma_start3A_328 = arith.constant 0 : i32
        %dma_start3A_329 = arith.constant 0 : i32
        %dma_start3A_330 = tpu.memref_slice %arg7[%dma_start3A_328, %dma_start3A_329] : memref<10000x128xf32, #tpu.memory_space<vmem_shared>> -> memref<10000x128xf32, #tpu.memory_space<vmem_shared>>
        tpu.enqueue_indirect_dma source(%dma_start3A_330 : memref<10000x128xf32, #tpu.memory_space<vmem_shared>>) target(%arg8 : memref<128x128xf32, #tpu.memory_space<vmem>>) offsets(%dma_start3A_327 : memref<128xi32, #tpu.memory_space<vmem>>) semaphore(%arg12 : memref<!tpu.dma_semaphore, #tpu.memory_space<semaphore_mem>>)
      } else {
      }
      %mul3A_306 = arith.constant 2 : i32
      %mul3A_307 = arith.muli %while3A_95, %mul3A_306 : i32
      %add3A_308 = arith.constant 1 : i32
      %add3A_309 = arith.addi %mul3A_307, %add3A_308 : i32
      %add3A_310 = arith.constant 2 : i32
      %add3A_311 = arith.addi %add3A_309, %add3A_310 : i32
      %lt3A_312 = arith.cmpi slt, %add3A_311, %select_n3A_6 : i32
      %convert_element_type3A_313 = arith.extui %lt3A_312 : i1 to i32
      %cond3A_314 = arith.constant 0 : i32
      %cond3A_315 = arith.cmpi ne, %convert_element_type3A_313, %cond3A_314 : i32
      scf.if %cond3A_315 {
        %mul3A_316 = arith.constant 2 : i32
        %mul3A_317 = arith.muli %while3A_95, %mul3A_316 : i32
        %add3A_318 = arith.constant 1 : i32
        %add3A_319 = arith.addi %mul3A_317, %add3A_318 : i32
        %dma_wait3A_320 = arith.constant 0 : i32
        %dma_wait3A_321 = arith.constant 0 : i32
        %dma_wait3A_322 = tpu.memref_slice %arg6[%dma_wait3A_320, %dma_wait3A_321] : memref<1536x128xf32, #tpu.memory_space<vmem_shared>> -> memref<1536x128xf32, #tpu.memory_space<vmem_shared>>
        tpu.wait_indirect_dma semaphore(%arg15 : memref<!tpu.dma_semaphore, #tpu.memory_space<semaphore_mem>>) src(%arg9 : memref<128x128xf32, #tpu.memory_space<vmem>>) dst(%dma_wait3A_322 : memref<1536x128xf32, #tpu.memory_space<vmem_shared>>)
        %add3A_323 = arith.constant 2 : i32
        %add3A_324 = arith.addi %add3A_319, %add3A_323 : i32
        %dma_start3A_325 = arith.constant 0 : i32
        %dma_start3A_326 = tpu.memref_slice %arg5[%add3A_324, %dma_start3A_325] : memref<24x128xi32, #tpu.memory_space<vmem>> -> memref<1x128xi32, #tpu.memory_space<vmem>>
        %dma_start3A_327 = tpu.memref_squeeze %dma_start3A_326 : memref<1x128xi32, #tpu.memory_space<vmem>> -> memref<128xi32, #tpu.memory_space<vmem>>
        %dma_start3A_328 = arith.constant 0 : i32
        %dma_start3A_329 = arith.constant 0 : i32
        %dma_start3A_330 = tpu.memref_slice %arg7[%dma_start3A_328, %dma_start3A_329] : memref<10000x128xf32, #tpu.memory_space<vmem_shared>> -> memref<10000x128xf32, #tpu.memory_space<vmem_shared>>
        tpu.enqueue_indirect_dma source(%dma_start3A_330 : memref<10000x128xf32, #tpu.memory_space<vmem_shared>>) target(%arg9 : memref<128x128xf32, #tpu.memory_space<vmem>>) offsets(%dma_start3A_327 : memref<128xi32, #tpu.memory_space<vmem>>) semaphore(%arg13 : memref<!tpu.dma_semaphore, #tpu.memory_space<semaphore_mem>>)
      } else {
      }
    }
    %dma_wait3A = arith.constant 0 : i32
    %dma_wait3A_80 = arith.constant 0 : i32
    %dma_wait3A_81 = tpu.memref_slice %arg6[%dma_wait3A, %dma_wait3A_80] : memref<1536x128xf32, #tpu.memory_space<vmem_shared>> -> memref<1536x128xf32, #tpu.memory_space<vmem_shared>>
    tpu.wait_indirect_dma semaphore(%arg14 : memref<!tpu.dma_semaphore, #tpu.memory_space<semaphore_mem>>) src(%arg8 : memref<128x128xf32, #tpu.memory_space<vmem>>) dst(%dma_wait3A_81 : memref<1536x128xf32, #tpu.memory_space<vmem_shared>>)
    %dma_wait3A_82 = arith.constant 0 : i32
    %dma_wait3A_83 = arith.constant 0 : i32
    %dma_wait3A_84 = tpu.memref_slice %arg6[%dma_wait3A_82, %dma_wait3A_83] : memref<1536x128xf32, #tpu.memory_space<vmem_shared>> -> memref<1536x128xf32, #tpu.memory_space<vmem_shared>>
    tpu.wait_indirect_dma semaphore(%arg15 : memref<!tpu.dma_semaphore, #tpu.memory_space<semaphore_mem>>) src(%arg9 : memref<128x128xf32, #tpu.memory_space<vmem>>) dst(%dma_wait3A_84 : memref<1536x128xf32, #tpu.memory_space<vmem_shared>>)
    %eq3A_85 = arith.constant 0 : i32
    %eq3A_86 = arith.cmpi eq, %arg0, %eq3A_85 : i32
    %convert_element_type3A_87 = arith.extui %eq3A_86 : i1 to i32
    %cond3A_88 = arith.constant 0 : i32
    %cond3A_89 = arith.cmpi ne, %convert_element_type3A_87, %cond3A_88 : i32
    scf.if %cond3A_89 {
      %mul3A_95 = arith.constant 96 : i32
      %mul3A_96 = arith.muli %arg1, %mul3A_95 : i32
      %mul3A_97 = arith.constant 96 : i32
      %mul3A_98 = arith.muli %arg1, %mul3A_97 : i32
      "tpu.region"() ({
        %run_scoped3A = tpu.sem_alloc : memref<!tpu.dma_semaphore, #tpu.memory_space<semaphore_mem>>
        %dma_start3A_99 = arith.constant 0 : i32
        %dma_start3A_100 = tpu.memref_slice %arg4[%mul3A_98, %dma_start3A_99] : memref<3072x128xf32, #tpu.memory_space<hbm>> -> memref<96x128xf32, #tpu.memory_space<hbm>>
        %dma_start3A_101 = arith.constant 0 : i32
        %dma_start3A_102 = tpu.memref_slice %arg6[%mul3A_96, %dma_start3A_101] : memref<1536x128xf32, #tpu.memory_space<vmem_shared>> -> memref<96x128xf32, #tpu.memory_space<vmem_shared>>
        tpu.enqueue_dma source(%dma_start3A_102 : memref<96x128xf32, #tpu.memory_space<vmem_shared>>) target(%dma_start3A_100 : memref<96x128xf32, #tpu.memory_space<hbm>>) target_semaphore(%run_scoped3A : memref<!tpu.dma_semaphore, #tpu.memory_space<semaphore_mem>>)
        %dma_wait3A_103 = arith.constant 0 : i32
        %dma_wait3A_104 = tpu.memref_slice %arg4[%mul3A_98, %dma_wait3A_103] : memref<3072x128xf32, #tpu.memory_space<hbm>> -> memref<96x128xf32, #tpu.memory_space<hbm>>
        %dma_wait3A_105 = arith.constant 0 : i32
        %dma_wait3A_106 = tpu.memref_slice %arg6[%mul3A_96, %dma_wait3A_105] : memref<1536x128xf32, #tpu.memory_space<vmem_shared>> -> memref<96x128xf32, #tpu.memory_space<vmem_shared>>
        tpu.wait_dma2 semaphore(%run_scoped3A : memref<!tpu.dma_semaphore, #tpu.memory_space<semaphore_mem>>) src(%dma_wait3A_106 : memref<96x128xf32, #tpu.memory_space<vmem_shared>>) dst(%dma_wait3A_104 : memref<96x128xf32, #tpu.memory_space<hbm>>)
        tpu.yield
      }) : () -> ()
    } else {
    }
    %ne3A_90 = arith.constant 0 : i32
    %ne3A_91 = arith.cmpi ne, %arg0, %ne3A_90 : i32
    %convert_element_type3A_92 = arith.extui %ne3A_91 : i1 to i32
    %cond3A_93 = arith.constant 0 : i32
    %cond3A_94 = arith.cmpi ne, %convert_element_type3A_92, %cond3A_93 : i32
    scf.if %cond3A_94 {
      %mul3A_95 = arith.constant 96 : i32
      %mul3A_96 = arith.muli %arg1, %mul3A_95 : i32
      %mul3A_97 = arith.constant 96 : i32
      %mul3A_98 = arith.muli %arg1, %mul3A_97 : i32
      %add3A_99 = arith.constant 1536 : i32
      %add3A_100 = arith.addi %add3A_99, %mul3A_98 : i32
      "tpu.region"() ({
        %run_scoped3A = tpu.sem_alloc : memref<!tpu.dma_semaphore, #tpu.memory_space<semaphore_mem>>
        %dma_start3A_101 = arith.constant 0 : i32
        %dma_start3A_102 = tpu.memref_slice %arg4[%add3A_100, %dma_start3A_101] : memref<3072x128xf32, #tpu.memory_space<hbm>> -> memref<96x128xf32, #tpu.memory_space<hbm>>
        %dma_start3A_103 = arith.constant 0 : i32
        %dma_start3A_104 = tpu.memref_slice %arg6[%mul3A_96, %dma_start3A_103] : memref<1536x128xf32, #tpu.memory_space<vmem_shared>> -> memref<96x128xf32, #tpu.memory_space<vmem_shared>>
        tpu.enqueue_dma source(%dma_start3A_104 : memref<96x128xf32, #tpu.memory_space<vmem_shared>>) target(%dma_start3A_102 : memref<96x128xf32, #tpu.memory_space<hbm>>) target_semaphore(%run_scoped3A : memref<!tpu.dma_semaphore, #tpu.memory_space<semaphore_mem>>)
        %dma_wait3A_105 = arith.constant 0 : i32
        %dma_wait3A_106 = tpu.memref_slice %arg4[%add3A_100, %dma_wait3A_105] : memref<3072x128xf32, #tpu.memory_space<hbm>> -> memref<96x128xf32, #tpu.memory_space<hbm>>
        %dma_wait3A_107 = arith.constant 0 : i32
        %dma_wait3A_108 = tpu.memref_slice %arg6[%mul3A_96, %dma_wait3A_107] : memref<1536x128xf32, #tpu.memory_space<vmem_shared>> -> memref<96x128xf32, #tpu.memory_space<vmem_shared>>
        tpu.wait_dma2 semaphore(%run_scoped3A : memref<!tpu.dma_semaphore, #tpu.memory_space<semaphore_mem>>) src(%dma_wait3A_108 : memref<96x128xf32, #tpu.memory_space<vmem_shared>>) dst(%dma_wait3A_106 : memref<96x128xf32, #tpu.memory_space<hbm>>)
        tpu.yield
      }) : () -> ()
    } else {
    }
    return
  }
}

#map = affine_map<(d0, d1) -> (0, 0)>
module attributes {stable_mosaic.version = 14 : i64} {
  func.func @k(%arg0: i32, %arg1: i32, %arg2: memref<3200x128xi32, #tpu.memory_space<hbm>>, %arg3: memref<10000x128xf32, #tpu.memory_space<hbm>>, %arg4: memref<3072x128xf32, #tpu.memory_space<hbm>>, %arg5: memref<24x128xi32, #tpu.memory_space<vmem>>, %arg6: memref<1536x128xf32, #tpu.memory_space<vmem_shared>>, %arg7: memref<10000x128xf32, #tpu.memory_space<vmem_shared>>, %arg8: memref<128x128xf32, #tpu.memory_space<vmem>>, %arg9: memref<128x128xf32, #tpu.memory_space<vmem>>, %arg10: memref<128xi32, #tpu.memory_space<vmem>>, %arg11: memref<128xi32, #tpu.memory_space<vmem>>, %arg12: memref<!tpu.dma_semaphore, #tpu.memory_space<semaphore_mem>>, %arg13: memref<!tpu.dma_semaphore, #tpu.memory_space<semaphore_mem>>, %arg14: memref<!tpu.dma_semaphore, #tpu.memory_space<semaphore_mem>>, %arg15: memref<!tpu.dma_semaphore, #tpu.memory_space<semaphore_mem>>) attributes {dimension_semantics = [#tpu.dimension_semantics<core_parallel>, #tpu.dimension_semantics<subcore_parallel>], iteration_bounds = array<i64: 2, 16>, scalar_prefetch = 0 : i64, scratch_operands = 11 : i64, tpu.core_type = #tpu.core_type<sc_vector_subcore>, window_params = [{transform_indices = #map}, {transform_indices = #map}, {transform_indices = #map}]} {
    %eq3A = arith.constant 0 : i32
    %eq3A_0 = arith.cmpi eq, %arg0, %eq3A : i32
    %jit3A = arith.constant 96 : i32
    %jit3A_1 = arith.constant 96 : i32
    %select_n3A = arith.select %eq3A_0, %jit3A, %jit3A_1 : i32
    %eq3A_2 = arith.constant 0 : i32
    %eq3A_3 = arith.cmpi eq, %arg0, %eq3A_2 : i32
    %jit3A_4 = arith.constant 24 : i32
    %jit3A_5 = arith.constant 24 : i32
    %select_n3A_6 = arith.select %eq3A_3, %jit3A_4, %jit3A_5 : i32
    %mul3A = arith.muli %arg1, %select_n3A : i32
    %eq3A_7 = arith.constant 0 : i32
    %eq3A_8 = arith.cmpi eq, %arg0, %eq3A_7 : i32
    %mul3A_9 = arith.constant 24 : i32
    %mul3A_10 = arith.muli %arg1, %mul3A_9 : i32
    %mul3A_11 = arith.constant 24 : i32
    %mul3A_12 = arith.muli %arg1, %mul3A_11 : i32
    %add3A = arith.constant 384 : i32
    %add3A_13 = arith.addi %add3A, %mul3A_12 : i32
    %select_n3A_14 = arith.select %eq3A_8, %mul3A_10, %add3A_13 : i32
    %add3A_15 = arith.constant 600 : i32
    %add3A_16 = arith.addi %add3A_15, %select_n3A_14 : i32
    "tpu.region"() ({
      %run_scoped3A = tpu.sem_alloc : memref<!tpu.dma_semaphore, #tpu.memory_space<semaphore_mem>>
      %dma_start3A_95 = arith.constant 0 : i32
      %dma_start3A_96 = tpu.memref_slice %arg2[%add3A_16, %dma_start3A_95] : memref<3200x128xi32, #tpu.memory_space<hbm>> -> memref<24x128xi32, #tpu.memory_space<hbm>>
      %dma_start3A_97 = arith.constant 0 : i32
      %dma_start3A_98 = tpu.memref_slice %arg2[%add3A_16, %dma_start3A_97] : memref<3200x128xi32, #tpu.memory_space<hbm>> -> memref<24x128xi32, #tpu.memory_space<hbm>>
      tpu.enqueue_dma source(%dma_start3A_98 : memref<24x128xi32, #tpu.memory_space<hbm>>) target(%arg5 : memref<24x128xi32, #tpu.memory_space<vmem>>) target_semaphore(%run_scoped3A : memref<!tpu.dma_semaphore, #tpu.memory_space<semaphore_mem>>)
      %dma_wait3A_99 = arith.constant 0 : i32
      %dma_wait3A_100 = tpu.memref_slice %arg2[%add3A_16, %dma_wait3A_99] : memref<3200x128xi32, #tpu.memory_space<hbm>> -> memref<24x128xi32, #tpu.memory_space<hbm>>
      %dma_wait3A_101 = arith.constant 0 : i32
      %dma_wait3A_102 = tpu.memref_slice %arg2[%add3A_16, %dma_wait3A_101] : memref<3200x128xi32, #tpu.memory_space<hbm>> -> memref<24x128xi32, #tpu.memory_space<hbm>>
      tpu.wait_dma2 semaphore(%run_scoped3A : memref<!tpu.dma_semaphore, #tpu.memory_space<semaphore_mem>>) src(%dma_wait3A_102 : memref<24x128xi32, #tpu.memory_space<hbm>>) dst(%arg5 : memref<24x128xi32, #tpu.memory_space<vmem>>)
      tpu.yield
    }) : () -> ()
    %broadcast_in_dim3A = arith.constant 0.000000e+00 : f32
    %broadcast_in_dim3A_17 = vector.broadcast %broadcast_in_dim3A : f32 to vector<16xf32>
    %scan3A = arith.constant 0 : i32
    %scan3A_18 = arith.constant 0 : i32
    %scan3A_19 = arith.constant 128 : i32
    %scan3A_20 = arith.addi %scan3A_18, %scan3A_19 : i32
    %scan3A_21 = arith.constant 1 : i32
    scf.for %scan3A_95 = %scan3A_18 to %scan3A_20 step %scan3A_21  : i32 {
      %swap3A = arith.index_cast %scan3A_95 : i32 to index
      %swap3A_96 = arith.constant 0 : index
      %swap3A_97 = tpu.vector_load %arg8[%swap3A, %swap3A_96] {strides = array<i32>} : memref<128x128xf32, #tpu.memory_space<vmem>>, vector<1x16xf32>,
      %swap3A_98 = vector.shape_cast %swap3A_97 : vector<1x16xf32> to vector<16xf32>
      %swap3A_99 = vector.shape_cast %broadcast_in_dim3A_17 : vector<16xf32> to vector<1x16xf32>
      tpu.vector_store %arg8[%swap3A, %swap3A_96], %swap3A_99 {strides = array<i32>} : memref<128x128xf32, #tpu.memory_space<vmem>>, vector<1x16xf32>,
      %swap3A_100 = arith.index_cast %scan3A_95 : i32 to index
      %swap3A_101 = arith.constant 16 : index
      %swap3A_102 = tpu.vector_load %arg8[%swap3A_100, %swap3A_101] {strides = array<i32>} : memref<128x128xf32, #tpu.memory_space<vmem>>, vector<1x16xf32>,
      %swap3A_103 = vector.shape_cast %swap3A_102 : vector<1x16xf32> to vector<16xf32>
      %swap3A_104 = vector.shape_cast %broadcast_in_dim3A_17 : vector<16xf32> to vector<1x16xf32>
      tpu.vector_store %arg8[%swap3A_100, %swap3A_101], %swap3A_104 {strides = array<i32>} : memref<128x128xf32, #tpu.memory_space<vmem>>, vector<1x16xf32>,
      %swap3A_105 = arith.index_cast %scan3A_95 : i32 to index
      %swap3A_106 = arith.constant 32 : index
      %swap3A_107 = tpu.vector_load %arg8[%swap3A_105, %swap3A_106] {strides = array<i32>} : memref<128x128xf32, #tpu.memory_space<vmem>>, vector<1x16xf32>,
      %swap3A_108 = vector.shape_cast %swap3A_107 : vector<1x16xf32> to vector<16xf32>
      %swap3A_109 = vector.shape_cast %broadcast_in_dim3A_17 : vector<16xf32> to vector<1x16xf32>
      tpu.vector_store %arg8[%swap3A_105, %swap3A_106], %swap3A_109 {strides = array<i32>} : memref<128x128xf32, #tpu.memory_space<vmem>>, vector<1x16xf32>,
      %swap3A_110 = arith.index_cast %scan3A_95 : i32 to index
      %swap3A_111 = arith.constant 48 : index
      %swap3A_112 = tpu.vector_load %arg8[%swap3A_110, %swap3A_111] {strides = array<i32>} : memref<128x128xf32, #tpu.memory_space<vmem>>, vector<1x16xf32>,
      %swap3A_113 = vector.shape_cast %swap3A_112 : vector<1x16xf32> to vector<16xf32>
      %swap3A_114 = vector.shape_cast %broadcast_in_dim3A_17 : vector<16xf32> to vector<1x16xf32>
      tpu.vector_store %arg8[%swap3A_110, %swap3A_111], %swap3A_114 {strides = array<i32>} : memref<128x128xf32, #tpu.memory_space<vmem>>, vector<1x16xf32>,
      %swap3A_115 = arith.index_cast %scan3A_95 : i32 to index
      %swap3A_116 = arith.constant 64 : index
      %swap3A_117 = tpu.vector_load %arg8[%swap3A_115, %swap3A_116] {strides = array<i32>} : memref<128x128xf32, #tpu.memory_space<vmem>>, vector<1x16xf32>,
      %swap3A_118 = vector.shape_cast %swap3A_117 : vector<1x16xf32> to vector<16xf32>
      %swap3A_119 = vector.shape_cast %broadcast_in_dim3A_17 : vector<16xf32> to vector<1x16xf32>
      tpu.vector_store %arg8[%swap3A_115, %swap3A_116], %swap3A_119 {strides = array<i32>} : memref<128x128xf32, #tpu.memory_space<vmem>>, vector<1x16xf32>,
      %swap3A_120 = arith.index_cast %scan3A_95 : i32 to index
      %swap3A_121 = arith.constant 80 : index
      %swap3A_122 = tpu.vector_load %arg8[%swap3A_120, %swap3A_121] {strides = array<i32>} : memref<128x128xf32, #tpu.memory_space<vmem>>, vector<1x16xf32>,
      %swap3A_123 = vector.shape_cast %swap3A_122 : vector<1x16xf32> to vector<16xf32>
      %swap3A_124 = vector.shape_cast %broadcast_in_dim3A_17 : vector<16xf32> to vector<1x16xf32>
      tpu.vector_store %arg8[%swap3A_120, %swap3A_121], %swap3A_124 {strides = array<i32>} : memref<128x128xf32, #tpu.memory_space<vmem>>, vector<1x16xf32>,
      %swap3A_125 = arith.index_cast %scan3A_95 : i32 to index
      %swap3A_126 = arith.constant 96 : index
      %swap3A_127 = tpu.vector_load %arg8[%swap3A_125, %swap3A_126] {strides = array<i32>} : memref<128x128xf32, #tpu.memory_space<vmem>>, vector<1x16xf32>,
      %swap3A_128 = vector.shape_cast %swap3A_127 : vector<1x16xf32> to vector<16xf32>
      %swap3A_129 = vector.shape_cast %broadcast_in_dim3A_17 : vector<16xf32> to vector<1x16xf32>
      tpu.vector_store %arg8[%swap3A_125, %swap3A_126], %swap3A_129 {strides = array<i32>} : memref<128x128xf32, #tpu.memory_space<vmem>>, vector<1x16xf32>,
      %swap3A_130 = arith.index_cast %scan3A_95 : i32 to index
      %swap3A_131 = arith.constant 112 : index
      %swap3A_132 = tpu.vector_load %arg8[%swap3A_130, %swap3A_131] {strides = array<i32>} : memref<128x128xf32, #tpu.memory_space<vmem>>, vector<1x16xf32>,
      %swap3A_133 = vector.shape_cast %swap3A_132 : vector<1x16xf32> to vector<16xf32>
      %swap3A_134 = vector.shape_cast %broadcast_in_dim3A_17 : vector<16xf32> to vector<1x16xf32>
      tpu.vector_store %arg8[%swap3A_130, %swap3A_131], %swap3A_134 {strides = array<i32>} : memref<128x128xf32, #tpu.memory_space<vmem>>, vector<1x16xf32>,
    }
    %scan3A_22 = arith.constant 128 : i32
    %eq3A_23 = arith.constant 0 : i32
    %eq3A_24 = arith.cmpi eq, %arg0, %eq3A_23 : i32
    %convert_element_type3A = arith.extui %eq3A_24 : i1 to i32
    %cond3A = arith.constant 0 : i32
    %cond3A_25 = arith.cmpi ne, %convert_element_type3A, %cond3A : i32
    scf.if %cond3A_25 {
      %mul3A_95 = arith.constant 96 : i32
      %mul3A_96 = arith.muli %arg1, %mul3A_95 : i32
      %add3A_97 = arith.constant 0 : i32
      %add3A_98 = arith.addi %mul3A_96, %add3A_97 : i32
      "tpu.region"() ({
        %run_scoped3A = tpu.sem_alloc : memref<!tpu.dma_semaphore, #tpu.memory_space<semaphore_mem>>
        %dma_start3A_99 = arith.constant 0 : i32
        %dma_start3A_100 = arith.constant 0 : i32
        %dma_start3A_101 = tpu.memref_slice %arg8[%dma_start3A_99, %dma_start3A_100] : memref<128x128xf32, #tpu.memory_space<vmem>> -> memref<96x128xf32, #tpu.memory_space<vmem>>
        %dma_start3A_102 = arith.constant 0 : i32
        %dma_start3A_103 = tpu.memref_slice %arg6[%add3A_98, %dma_start3A_102] : memref<1536x128xf32, #tpu.memory_space<vmem_shared>> -> memref<96x128xf32, #tpu.memory_space<vmem_shared>>
        %dma_start3A_104 = arith.constant 0 : i32
        %dma_start3A_105 = tpu.memref_slice %arg6[%add3A_98, %dma_start3A_104] : memref<1536x128xf32, #tpu.memory_space<vmem_shared>> -> memref<96x128xf32, #tpu.memory_space<vmem_shared>>
        %dma_start3A_106 = arith.constant 0 : i32
        %dma_start3A_107 = arith.constant 0 : i32
        %dma_start3A_108 = tpu.memref_slice %arg8[%dma_start3A_106, %dma_start3A_107] : memref<128x128xf32, #tpu.memory_space<vmem>> -> memref<96x128xf32, #tpu.memory_space<vmem>>
        tpu.enqueue_dma source(%dma_start3A_108 : memref<96x128xf32, #tpu.memory_space<vmem>>) target(%dma_start3A_105 : memref<96x128xf32, #tpu.memory_space<vmem_shared>>) target_semaphore(%run_scoped3A : memref<!tpu.dma_semaphore, #tpu.memory_space<semaphore_mem>>)
        %dma_wait3A_109 = arith.constant 0 : i32
        %dma_wait3A_110 = arith.constant 0 : i32
        %dma_wait3A_111 = tpu.memref_slice %arg8[%dma_wait3A_109, %dma_wait3A_110] : memref<128x128xf32, #tpu.memory_space<vmem>> -> memref<96x128xf32, #tpu.memory_space<vmem>>
        %dma_wait3A_112 = arith.constant 0 : i32
        %dma_wait3A_113 = tpu.memref_slice %arg6[%add3A_98, %dma_wait3A_112] : memref<1536x128xf32, #tpu.memory_space<vmem_shared>> -> memref<96x128xf32, #tpu.memory_space<vmem_shared>>
        %dma_wait3A_114 = arith.constant 0 : i32
        %dma_wait3A_115 = tpu.memref_slice %arg6[%add3A_98, %dma_wait3A_114] : memref<1536x128xf32, #tpu.memory_space<vmem_shared>> -> memref<96x128xf32, #tpu.memory_space<vmem_shared>>
        %dma_wait3A_116 = arith.constant 0 : i32
        %dma_wait3A_117 = arith.constant 0 : i32
        %dma_wait3A_118 = tpu.memref_slice %arg8[%dma_wait3A_116, %dma_wait3A_117] : memref<128x128xf32, #tpu.memory_space<vmem>> -> memref<96x128xf32, #tpu.memory_space<vmem>>
        tpu.wait_dma2 semaphore(%run_scoped3A : memref<!tpu.dma_semaphore, #tpu.memory_space<semaphore_mem>>) src(%dma_wait3A_118 : memref<96x128xf32, #tpu.memory_space<vmem>>) dst(%dma_wait3A_115 : memref<96x128xf32, #tpu.memory_space<vmem_shared>>)
        tpu.yield
      }) : () -> ()
    } else {
    }
    %ne3A = arith.constant 0 : i32
    %ne3A_26 = arith.cmpi ne, %arg0, %ne3A : i32
    %convert_element_type3A_27 = arith.extui %ne3A_26 : i1 to i32
    %cond3A_28 = arith.constant 0 : i32
    %cond3A_29 = arith.cmpi ne, %convert_element_type3A_27, %cond3A_28 : i32
    scf.if %cond3A_29 {
      %mul3A_95 = arith.constant 96 : i32
      %mul3A_96 = arith.muli %arg1, %mul3A_95 : i32
      %add3A_97 = arith.constant 0 : i32
      %add3A_98 = arith.addi %mul3A_96, %add3A_97 : i32
      "tpu.region"() ({
        %run_scoped3A = tpu.sem_alloc : memref<!tpu.dma_semaphore, #tpu.memory_space<semaphore_mem>>
        %dma_start3A_99 = arith.constant 0 : i32
        %dma_start3A_100 = arith.constant 0 : i32
        %dma_start3A_101 = tpu.memref_slice %arg8[%dma_start3A_99, %dma_start3A_100] : memref<128x128xf32, #tpu.memory_space<vmem>> -> memref<96x128xf32, #tpu.memory_space<vmem>>
        %dma_start3A_102 = arith.constant 0 : i32
        %dma_start3A_103 = tpu.memref_slice %arg6[%add3A_98, %dma_start3A_102] : memref<1536x128xf32, #tpu.memory_space<vmem_shared>> -> memref<96x128xf32, #tpu.memory_space<vmem_shared>>
        %dma_start3A_104 = arith.constant 0 : i32
        %dma_start3A_105 = tpu.memref_slice %arg6[%add3A_98, %dma_start3A_104] : memref<1536x128xf32, #tpu.memory_space<vmem_shared>> -> memref<96x128xf32, #tpu.memory_space<vmem_shared>>
        %dma_start3A_106 = arith.constant 0 : i32
        %dma_start3A_107 = arith.constant 0 : i32
        %dma_start3A_108 = tpu.memref_slice %arg8[%dma_start3A_106, %dma_start3A_107] : memref<128x128xf32, #tpu.memory_space<vmem>> -> memref<96x128xf32, #tpu.memory_space<vmem>>
        tpu.enqueue_dma source(%dma_start3A_108 : memref<96x128xf32, #tpu.memory_space<vmem>>) target(%dma_start3A_105 : memref<96x128xf32, #tpu.memory_space<vmem_shared>>) target_semaphore(%run_scoped3A : memref<!tpu.dma_semaphore, #tpu.memory_space<semaphore_mem>>)
        %dma_wait3A_109 = arith.constant 0 : i32
        %dma_wait3A_110 = arith.constant 0 : i32
        %dma_wait3A_111 = tpu.memref_slice %arg8[%dma_wait3A_109, %dma_wait3A_110] : memref<128x128xf32, #tpu.memory_space<vmem>> -> memref<96x128xf32, #tpu.memory_space<vmem>>
        %dma_wait3A_112 = arith.constant 0 : i32
        %dma_wait3A_113 = tpu.memref_slice %arg6[%add3A_98, %dma_wait3A_112] : memref<1536x128xf32, #tpu.memory_space<vmem_shared>> -> memref<96x128xf32, #tpu.memory_space<vmem_shared>>
        %dma_wait3A_114 = arith.constant 0 : i32
        %dma_wait3A_115 = tpu.memref_slice %arg6[%add3A_98, %dma_wait3A_114] : memref<1536x128xf32, #tpu.memory_space<vmem_shared>> -> memref<96x128xf32, #tpu.memory_space<vmem_shared>>
        %dma_wait3A_116 = arith.constant 0 : i32
        %dma_wait3A_117 = arith.constant 0 : i32
        %dma_wait3A_118 = tpu.memref_slice %arg8[%dma_wait3A_116, %dma_wait3A_117] : memref<128x128xf32, #tpu.memory_space<vmem>> -> memref<96x128xf32, #tpu.memory_space<vmem>>
        tpu.wait_dma2 semaphore(%run_scoped3A : memref<!tpu.dma_semaphore, #tpu.memory_space<semaphore_mem>>) src(%dma_wait3A_118 : memref<96x128xf32, #tpu.memory_space<vmem>>) dst(%dma_wait3A_115 : memref<96x128xf32, #tpu.memory_space<vmem_shared>>)
        tpu.yield
      }) : () -> ()
    } else {
    }
    %mul3A_30 = arith.constant 624 : i32
    %mul3A_31 = arith.muli %arg1, %mul3A_30 : i32
    %mul3A_32 = arith.constant 624 : i32
    %mul3A_33 = arith.muli %arg1, %mul3A_32 : i32
    "tpu.region"() ({
      %run_scoped3A = tpu.sem_alloc : memref<!tpu.dma_semaphore, #tpu.memory_space<semaphore_mem>>
      %dma_start3A_95 = arith.constant 0 : i32
      %dma_start3A_96 = tpu.memref_slice %arg7[%mul3A_33, %dma_start3A_95] : memref<10000x128xf32, #tpu.memory_space<vmem_shared>> -> memref<624x128xf32, #tpu.memory_space<vmem_shared>>
      %dma_start3A_97 = arith.constant 0 : i32
      %dma_start3A_98 = tpu.memref_slice %arg3[%mul3A_31, %dma_start3A_97] : memref<10000x128xf32, #tpu.memory_space<hbm>> -> memref<624x128xf32, #tpu.memory_space<hbm>>
      tpu.enqueue_dma source(%dma_start3A_98 : memref<624x128xf32, #tpu.memory_space<hbm>>) target(%dma_start3A_96 : memref<624x128xf32, #tpu.memory_space<vmem_shared>>) target_semaphore(%run_scoped3A : memref<!tpu.dma_semaphore, #tpu.memory_space<semaphore_mem>>)
      %dma_wait3A_99 = arith.constant 0 : i32
      %dma_wait3A_100 = tpu.memref_slice %arg7[%mul3A_33, %dma_wait3A_99] : memref<10000x128xf32, #tpu.memory_space<vmem_shared>> -> memref<624x128xf32, #tpu.memory_space<vmem_shared>>
      %dma_wait3A_101 = arith.constant 0 : i32
      %dma_wait3A_102 = tpu.memref_slice %arg3[%mul3A_31, %dma_wait3A_101] : memref<10000x128xf32, #tpu.memory_space<hbm>> -> memref<624x128xf32, #tpu.memory_space<hbm>>
      tpu.wait_dma2 semaphore(%run_scoped3A : memref<!tpu.dma_semaphore, #tpu.memory_space<semaphore_mem>>) src(%dma_wait3A_102 : memref<624x128xf32, #tpu.memory_space<hbm>>) dst(%dma_wait3A_100 : memref<624x128xf32, #tpu.memory_space<vmem_shared>>)
      tpu.yield
    }) : () -> ()
    %eq3A_34 = arith.constant 0 : i32
    %eq3A_35 = arith.cmpi eq, %arg1, %eq3A_34 : i32
    %convert_element_type3A_36 = arith.extui %eq3A_35 : i1 to i32
    %cond3A_37 = arith.constant 0 : i32
    %cond3A_38 = arith.cmpi ne, %convert_element_type3A_36, %cond3A_37 : i32
    scf.if %cond3A_38 {
      "tpu.region"() ({
        %run_scoped3A = tpu.sem_alloc : memref<!tpu.dma_semaphore, #tpu.memory_space<semaphore_mem>>
        %dma_start3A_95 = arith.constant 9984 : i32
        %dma_start3A_96 = arith.constant 0 : i32
        %dma_start3A_97 = tpu.memref_slice %arg7[%dma_start3A_95, %dma_start3A_96] : memref<10000x128xf32, #tpu.memory_space<vmem_shared>> -> memref<16x128xf32, #tpu.memory_space<vmem_shared>>
        %dma_start3A_98 = arith.constant 9984 : i32
        %dma_start3A_99 = arith.constant 0 : i32
        %dma_start3A_100 = tpu.memref_slice %arg3[%dma_start3A_98, %dma_start3A_99] : memref<10000x128xf32, #tpu.memory_space<hbm>> -> memref<16x128xf32, #tpu.memory_space<hbm>>
        tpu.enqueue_dma source(%dma_start3A_100 : memref<16x128xf32, #tpu.memory_space<hbm>>) target(%dma_start3A_97 : memref<16x128xf32, #tpu.memory_space<vmem_shared>>) target_semaphore(%run_scoped3A : memref<!tpu.dma_semaphore, #tpu.memory_space<semaphore_mem>>)
        %dma_wait3A_101 = arith.constant 9984 : i32
        %dma_wait3A_102 = arith.constant 0 : i32
        %dma_wait3A_103 = tpu.memref_slice %arg7[%dma_wait3A_101, %dma_wait3A_102] : memref<10000x128xf32, #tpu.memory_space<vmem_shared>> -> memref<16x128xf32, #tpu.memory_space<vmem_shared>>
        %dma_wait3A_104 = arith.constant 9984 : i32
        %dma_wait3A_105 = arith.constant 0 : i32
        %dma_wait3A_106 = tpu.memref_slice %arg3[%dma_wait3A_104, %dma_wait3A_105] : memref<10000x128xf32, #tpu.memory_space<hbm>> -> memref<16x128xf32, #tpu.memory_space<hbm>>
        tpu.wait_dma2 semaphore(%run_scoped3A : memref<!tpu.dma_semaphore, #tpu.memory_space<semaphore_mem>>) src(%dma_wait3A_106 : memref<16x128xf32, #tpu.memory_space<hbm>>) dst(%dma_wait3A_103 : memref<16x128xf32, #tpu.memory_space<vmem_shared>>)
        tpu.yield
      }) : () -> ()
    } else {
    }
    %barrier3A = arith.constant 0 : index
    tpu.barrier barrier_id(%barrier3A)
    %dma_start3A = arith.constant 0 : i32
    %dma_start3A_39 = arith.constant 0 : i32
    %dma_start3A_40 = tpu.memref_slice %arg5[%dma_start3A, %dma_start3A_39] : memref<24x128xi32, #tpu.memory_space<vmem>> -> memref<1x128xi32, #tpu.memory_space<vmem>>
    %dma_start3A_41 = tpu.memref_squeeze %dma_start3A_40 : memref<1x128xi32, #tpu.memory_space<vmem>> -> memref<128xi32, #tpu.memory_space<vmem>>
    %dma_start3A_42 = arith.constant 0 : i32
    %dma_start3A_43 = arith.constant 0 : i32
    %dma_start3A_44 = tpu.memref_slice %arg7[%dma_start3A_42, %dma_start3A_43] : memref<10000x128xf32, #tpu.memory_space<vmem_shared>> -> memref<10000x128xf32, #tpu.memory_space<vmem_shared>>
    tpu.enqueue_indirect_dma source(%dma_start3A_44 : memref<10000x128xf32, #tpu.memory_space<vmem_shared>>) target(%arg8 : memref<128x128xf32, #tpu.memory_space<vmem>>) offsets(%dma_start3A_41 : memref<128xi32, #tpu.memory_space<vmem>>) semaphore(%arg12 : memref<!tpu.dma_semaphore, #tpu.memory_space<semaphore_mem>>)
    %dma_start3A_45 = arith.constant 1 : i32
    %dma_start3A_46 = arith.constant 0 : i32
    %dma_start3A_47 = tpu.memref_slice %arg5[%dma_start3A_45, %dma_start3A_46] : memref<24x128xi32, #tpu.memory_space<vmem>> -> memref<1x128xi32, #tpu.memory_space<vmem>>
    %dma_start3A_48 = tpu.memref_squeeze %dma_start3A_47 : memref<1x128xi32, #tpu.memory_space<vmem>> -> memref<128xi32, #tpu.memory_space<vmem>>
    %dma_start3A_49 = arith.constant 0 : i32
    %dma_start3A_50 = arith.constant 0 : i32
    %dma_start3A_51 = tpu.memref_slice %arg7[%dma_start3A_49, %dma_start3A_50] : memref<10000x128xf32, #tpu.memory_space<vmem_shared>> -> memref<10000x128xf32, #tpu.memory_space<vmem_shared>>
    tpu.enqueue_indirect_dma source(%dma_start3A_51 : memref<10000x128xf32, #tpu.memory_space<vmem_shared>>) target(%arg9 : memref<128x128xf32, #tpu.memory_space<vmem>>) offsets(%dma_start3A_48 : memref<128xi32, #tpu.memory_space<vmem>>) semaphore(%arg13 : memref<!tpu.dma_semaphore, #tpu.memory_space<semaphore_mem>>)
    %jit3A_52 = arith.constant 2 : i32
    %div3A = arith.divsi %select_n3A_6, %jit3A_52 : i32
    %sign3A = arith.constant 0 : i32
    %sign3A_53 = arith.cmpi sgt, %select_n3A_6, %sign3A : i32
    %sign3A_54 = arith.extui %sign3A_53 : i1 to i32
    %sign3A_55 = arith.constant 0 : i32
    %sign3A_56 = arith.cmpi slt, %select_n3A_6, %sign3A_55 : i32
    %sign3A_57 = arith.extui %sign3A_56 : i1 to i32
    %sign3A_58 = arith.subi %sign3A_54, %sign3A_57 : i32
    %sign3A_59 = arith.constant 0 : i32
    %sign3A_60 = arith.cmpi sgt, %jit3A_52, %sign3A_59 : i32
    %sign3A_61 = arith.extui %sign3A_60 : i1 to i32
    %sign3A_62 = arith.constant 0 : i32
    %sign3A_63 = arith.cmpi slt, %jit3A_52, %sign3A_62 : i32
    %sign3A_64 = arith.extui %sign3A_63 : i1 to i32
    %sign3A_65 = arith.subi %sign3A_61, %sign3A_64 : i32
    %ne3A_66 = arith.cmpi ne, %sign3A_58, %sign3A_65 : i32
    %rem3A = arith.remsi %select_n3A_6, %jit3A_52 : i32
    %ne3A_67 = arith.constant 0 : i32
    %ne3A_68 = arith.cmpi ne, %rem3A, %ne3A_67 : i32
    %and3A = arith.andi %ne3A_66, %ne3A_68 : i1
    %sub3A = arith.constant 1 : i32
    %sub3A_69 = arith.subi %div3A, %sub3A : i32
    %select_n3A_70 = arith.select %and3A, %sub3A_69, %div3A : i32
    %while3A = arith.constant 0 : i32
    %while3A_71 = arith.constant 0 : i32
    %while3A_72 = arith.subi %select_n3A_70, %while3A_71 : i32
    %while3A_73 = arith.addi %while3A_71, %while3A_72 : i32
    %while3A_74 = arith.constant 1 : i32
    %while3A_75 = arith.divsi %while3A_72, %while3A_74 : i32
    %while3A_76 = arith.muli %while3A_75, %while3A_74 : i32
    %while3A_77 = arith.addi %while3A_71, %while3A_76 : i32
    %while3A_78 = arith.constant 1 : i32
    scf.for %while3A_95 = %while3A_71 to %while3A_77 step %while3A_78  : i32 {
      %mul3A_96 = arith.constant 2 : i32
      %mul3A_97 = arith.muli %while3A_95, %mul3A_96 : i32
      %add3A_98 = arith.constant 0 : i32
      %add3A_99 = arith.addi %mul3A_97, %add3A_98 : i32
      %dma_wait3A_100 = arith.constant 0 : i32
      %dma_wait3A_101 = tpu.memref_slice %arg5[%add3A_99, %dma_wait3A_100] : memref<24x128xi32, #tpu.memory_space<vmem>> -> memref<1x128xi32, #tpu.memory_space<vmem>>
      %dma_wait3A_102 = tpu.memref_squeeze %dma_wait3A_101 : memref<1x128xi32, #tpu.memory_space<vmem>> -> memref<128xi32, #tpu.memory_space<vmem>>
      %dma_wait3A_103 = arith.constant 0 : i32
      %dma_wait3A_104 = arith.constant 0 : i32
      %dma_wait3A_105 = tpu.memref_slice %arg7[%dma_wait3A_103, %dma_wait3A_104] : memref<10000x128xf32, #tpu.memory_space<vmem_shared>> -> memref<10000x128xf32, #tpu.memory_space<vmem_shared>>
      tpu.wait_indirect_dma semaphore(%arg12 : memref<!tpu.dma_semaphore, #tpu.memory_space<semaphore_mem>>) src(%dma_wait3A_105 : memref<10000x128xf32, #tpu.memory_space<vmem_shared>>) dst(%arg8 : memref<128x128xf32, #tpu.memory_space<vmem>>)
      %mul3A_106 = arith.constant 4 : i32
      %mul3A_107 = arith.muli %add3A_99, %mul3A_106 : i32
      %add3A_108 = arith.constant 0 : i32
      %add3A_109 = arith.addi %mul3A_107, %add3A_108 : i32
      %broadcast_in_dim3A_110 = vector.broadcast %add3A_109 : i32 to vector<16xi32>
      %add3A_111 = vector.broadcast %mul3A : i32 to vector<16xi32>
      %add3A_112 = arith.addi %broadcast_in_dim3A_110, %add3A_111 : vector<16xi32>
      %swap3A = arith.constant 0 : index
      %swap3A_113 = tpu.vector_load %arg10[%swap3A] {strides = array<i32>} : memref<128xi32, #tpu.memory_space<vmem>>, vector<16xi32>,
      %swap3A_114 = vector.shape_cast %swap3A_113 : vector<16xi32> to vector<16xi32>
      %swap3A_115 = vector.shape_cast %add3A_112 : vector<16xi32> to vector<16xi32>
      tpu.vector_store %arg10[%swap3A], %swap3A_115 {strides = array<i32>} : memref<128xi32, #tpu.memory_space<vmem>>, vector<16xi32>,
      %mul3A_116 = arith.constant 4 : i32
      %mul3A_117 = arith.muli %add3A_99, %mul3A_116 : i32
      %add3A_118 = arith.constant 0 : i32
      %add3A_119 = arith.addi %mul3A_117, %add3A_118 : i32
      %broadcast_in_dim3A_120 = vector.broadcast %add3A_119 : i32 to vector<16xi32>
      %add3A_121 = vector.broadcast %mul3A : i32 to vector<16xi32>
      %add3A_122 = arith.addi %broadcast_in_dim3A_120, %add3A_121 : vector<16xi32>
      %swap3A_123 = arith.constant 16 : index
      %swap3A_124 = tpu.vector_load %arg10[%swap3A_123] {strides = array<i32>} : memref<128xi32, #tpu.memory_space<vmem>>, vector<16xi32>,
      %swap3A_125 = vector.shape_cast %swap3A_124 : vector<16xi32> to vector<16xi32>
      %swap3A_126 = vector.shape_cast %add3A_122 : vector<16xi32> to vector<16xi32>
      tpu.vector_store %arg10[%swap3A_123], %swap3A_126 {strides = array<i32>} : memref<128xi32, #tpu.memory_space<vmem>>, vector<16xi32>,
      %mul3A_127 = arith.constant 4 : i32
      %mul3A_128 = arith.muli %add3A_99, %mul3A_127 : i32
      %add3A_129 = arith.constant 1 : i32
      %add3A_130 = arith.addi %mul3A_128, %add3A_129 : i32
      %broadcast_in_dim3A_131 = vector.broadcast %add3A_130 : i32 to vector<16xi32>
      %add3A_132 = vector.broadcast %mul3A : i32 to vector<16xi32>
      %add3A_133 = arith.addi %broadcast_in_dim3A_131, %add3A_132 : vector<16xi32>
      %swap3A_134 = arith.constant 32 : index
      %swap3A_135 = tpu.vector_load %arg10[%swap3A_134] {strides = array<i32>} : memref<128xi32, #tpu.memory_space<vmem>>, vector<16xi32>,
      %swap3A_136 = vector.shape_cast %swap3A_135 : vector<16xi32> to vector<16xi32>
      %swap3A_137 = vector.shape_cast %add3A_133 : vector<16xi32> to vector<16xi32>
      tpu.vector_store %arg10[%swap3A_134], %swap3A_137 {strides = array<i32>} : memref<128xi32, #tpu.memory_space<vmem>>, vector<16xi32>,
      %mul3A_138 = arith.constant 4 : i32
      %mul3A_139 = arith.muli %add3A_99, %mul3A_138 : i32
      %add3A_140 = arith.constant 1 : i32
      %add3A_141 = arith.addi %mul3A_139, %add3A_140 : i32
      %broadcast_in_dim3A_142 = vector.broadcast %add3A_141 : i32 to vector<16xi32>
      %add3A_143 = vector.broadcast %mul3A : i32 to vector<16xi32>
      %add3A_144 = arith.addi %broadcast_in_dim3A_142, %add3A_143 : vector<16xi32>
      %swap3A_145 = arith.constant 48 : index
      %swap3A_146 = tpu.vector_load %arg10[%swap3A_145] {strides = array<i32>} : memref<128xi32, #tpu.memory_space<vmem>>, vector<16xi32>,
      %swap3A_147 = vector.shape_cast %swap3A_146 : vector<16xi32> to vector<16xi32>
      %swap3A_148 = vector.shape_cast %add3A_144 : vector<16xi32> to vector<16xi32>
      tpu.vector_store %arg10[%swap3A_145], %swap3A_148 {strides = array<i32>} : memref<128xi32, #tpu.memory_space<vmem>>, vector<16xi32>,
      %mul3A_149 = arith.constant 4 : i32
      %mul3A_150 = arith.muli %add3A_99, %mul3A_149 : i32
      %add3A_151 = arith.constant 2 : i32
      %add3A_152 = arith.addi %mul3A_150, %add3A_151 : i32
      %broadcast_in_dim3A_153 = vector.broadcast %add3A_152 : i32 to vector<16xi32>
      %add3A_154 = vector.broadcast %mul3A : i32 to vector<16xi32>
      %add3A_155 = arith.addi %broadcast_in_dim3A_153, %add3A_154 : vector<16xi32>
      %swap3A_156 = arith.constant 64 : index
      %swap3A_157 = tpu.vector_load %arg10[%swap3A_156] {strides = array<i32>} : memref<128xi32, #tpu.memory_space<vmem>>, vector<16xi32>,
      %swap3A_158 = vector.shape_cast %swap3A_157 : vector<16xi32> to vector<16xi32>
      %swap3A_159 = vector.shape_cast %add3A_155 : vector<16xi32> to vector<16xi32>
      tpu.vector_store %arg10[%swap3A_156], %swap3A_159 {strides = array<i32>} : memref<128xi32, #tpu.memory_space<vmem>>, vector<16xi32>,
      %mul3A_160 = arith.constant 4 : i32
      %mul3A_161 = arith.muli %add3A_99, %mul3A_160 : i32
      %add3A_162 = arith.constant 2 : i32
      %add3A_163 = arith.addi %mul3A_161, %add3A_162 : i32
      %broadcast_in_dim3A_164 = vector.broadcast %add3A_163 : i32 to vector<16xi32>
      %add3A_165 = vector.broadcast %mul3A : i32 to vector<16xi32>
      %add3A_166 = arith.addi %broadcast_in_dim3A_164, %add3A_165 : vector<16xi32>
      %swap3A_167 = arith.constant 80 : index
      %swap3A_168 = tpu.vector_load %arg10[%swap3A_167] {strides = array<i32>} : memref<128xi32, #tpu.memory_space<vmem>>, vector<16xi32>,
      %swap3A_169 = vector.shape_cast %swap3A_168 : vector<16xi32> to vector<16xi32>
      %swap3A_170 = vector.shape_cast %add3A_166 : vector<16xi32> to vector<16xi32>
      tpu.vector_store %arg10[%swap3A_167], %swap3A_170 {strides = array<i32>} : memref<128xi32, #tpu.memory_space<vmem>>, vector<16xi32>,
      %mul3A_171 = arith.constant 4 : i32
      %mul3A_172 = arith.muli %add3A_99, %mul3A_171 : i32
      %add3A_173 = arith.constant 3 : i32
      %add3A_174 = arith.addi %mul3A_172, %add3A_173 : i32
      %broadcast_in_dim3A_175 = vector.broadcast %add3A_174 : i32 to vector<16xi32>
      %add3A_176 = vector.broadcast %mul3A : i32 to vector<16xi32>
      %add3A_177 = arith.addi %broadcast_in_dim3A_175, %add3A_176 : vector<16xi32>
      %swap3A_178 = arith.constant 96 : index
      %swap3A_179 = tpu.vector_load %arg10[%swap3A_178] {strides = array<i32>} : memref<128xi32, #tpu.memory_space<vmem>>, vector<16xi32>,
      %swap3A_180 = vector.shape_cast %swap3A_179 : vector<16xi32> to vector<16xi32>
      %swap3A_181 = vector.shape_cast %add3A_177 : vector<16xi32> to vector<16xi32>
      tpu.vector_store %arg10[%swap3A_178], %swap3A_181 {strides = array<i32>} : memref<128xi32, #tpu.memory_space<vmem>>, vector<16xi32>,
      %mul3A_182 = arith.constant 4 : i32
      %mul3A_183 = arith.muli %add3A_99, %mul3A_182 : i32
      %add3A_184 = arith.constant 3 : i32
      %add3A_185 = arith.addi %mul3A_183, %add3A_184 : i32
      %broadcast_in_dim3A_186 = vector.broadcast %add3A_185 : i32 to vector<16xi32>
      %add3A_187 = vector.broadcast %mul3A : i32 to vector<16xi32>
      %add3A_188 = arith.addi %broadcast_in_dim3A_186, %add3A_187 : vector<16xi32>
      %swap3A_189 = arith.constant 112 : index
      %swap3A_190 = tpu.vector_load %arg10[%swap3A_189] {strides = array<i32>} : memref<128xi32, #tpu.memory_space<vmem>>, vector<16xi32>,
      %swap3A_191 = vector.shape_cast %swap3A_190 : vector<16xi32> to vector<16xi32>
      %swap3A_192 = vector.shape_cast %add3A_188 : vector<16xi32> to vector<16xi32>
      tpu.vector_store %arg10[%swap3A_189], %swap3A_192 {strides = array<i32>} : memref<128xi32, #tpu.memory_space<vmem>>, vector<16xi32>,
      %dma_start3A_193 = arith.constant 0 : i32
      %dma_start3A_194 = arith.constant 0 : i32
      %dma_start3A_195 = tpu.memref_slice %arg6[%dma_start3A_193, %dma_start3A_194] : memref<1536x128xf32, #tpu.memory_space<vmem_shared>> -> memref<1536x128xf32, #tpu.memory_space<vmem_shared>>
      tpu.enqueue_indirect_dma source(%arg8 : memref<128x128xf32, #tpu.memory_space<vmem>>) target(%dma_start3A_195 : memref<1536x128xf32, #tpu.memory_space<vmem_shared>>) offsets(%arg10 : memref<128xi32, #tpu.memory_space<vmem>>) semaphore(%arg14 : memref<!tpu.dma_semaphore, #tpu.memory_space<semaphore_mem>>) {add = true}
      %mul3A_196 = arith.constant 2 : i32
      %mul3A_197 = arith.muli %while3A_95, %mul3A_196 : i32
      %add3A_198 = arith.constant 1 : i32
      %add3A_199 = arith.addi %mul3A_197, %add3A_198 : i32
      %dma_wait3A_200 = arith.constant 0 : i32
      %dma_wait3A_201 = tpu.memref_slice %arg5[%add3A_199, %dma_wait3A_200] : memref<24x128xi32, #tpu.memory_space<vmem>> -> memref<1x128xi32, #tpu.memory_space<vmem>>
      %dma_wait3A_202 = tpu.memref_squeeze %dma_wait3A_201 : memref<1x128xi32, #tpu.memory_space<vmem>> -> memref<128xi32, #tpu.memory_space<vmem>>
      %dma_wait3A_203 = arith.constant 0 : i32
      %dma_wait3A_204 = arith.constant 0 : i32
      %dma_wait3A_205 = tpu.memref_slice %arg7[%dma_wait3A_203, %dma_wait3A_204] : memref<10000x128xf32, #tpu.memory_space<vmem_shared>> -> memref<10000x128xf32, #tpu.memory_space<vmem_shared>>
      tpu.wait_indirect_dma semaphore(%arg13 : memref<!tpu.dma_semaphore, #tpu.memory_space<semaphore_mem>>) src(%dma_wait3A_205 : memref<10000x128xf32, #tpu.memory_space<vmem_shared>>) dst(%arg9 : memref<128x128xf32, #tpu.memory_space<vmem>>)
      %mul3A_206 = arith.constant 4 : i32
      %mul3A_207 = arith.muli %add3A_199, %mul3A_206 : i32
      %add3A_208 = arith.constant 0 : i32
      %add3A_209 = arith.addi %mul3A_207, %add3A_208 : i32
      %broadcast_in_dim3A_210 = vector.broadcast %add3A_209 : i32 to vector<16xi32>
      %add3A_211 = vector.broadcast %mul3A : i32 to vector<16xi32>
      %add3A_212 = arith.addi %broadcast_in_dim3A_210, %add3A_211 : vector<16xi32>
      %swap3A_213 = arith.constant 0 : index
      %swap3A_214 = tpu.vector_load %arg11[%swap3A_213] {strides = array<i32>} : memref<128xi32, #tpu.memory_space<vmem>>, vector<16xi32>,
      %swap3A_215 = vector.shape_cast %swap3A_214 : vector<16xi32> to vector<16xi32>
      %swap3A_216 = vector.shape_cast %add3A_212 : vector<16xi32> to vector<16xi32>
      tpu.vector_store %arg11[%swap3A_213], %swap3A_216 {strides = array<i32>} : memref<128xi32, #tpu.memory_space<vmem>>, vector<16xi32>,
      %mul3A_217 = arith.constant 4 : i32
      %mul3A_218 = arith.muli %add3A_199, %mul3A_217 : i32
      %add3A_219 = arith.constant 0 : i32
      %add3A_220 = arith.addi %mul3A_218, %add3A_219 : i32
      %broadcast_in_dim3A_221 = vector.broadcast %add3A_220 : i32 to vector<16xi32>
      %add3A_222 = vector.broadcast %mul3A : i32 to vector<16xi32>
      %add3A_223 = arith.addi %broadcast_in_dim3A_221, %add3A_222 : vector<16xi32>
      %swap3A_224 = arith.constant 16 : index
      %swap3A_225 = tpu.vector_load %arg11[%swap3A_224] {strides = array<i32>} : memref<128xi32, #tpu.memory_space<vmem>>, vector<16xi32>,
      %swap3A_226 = vector.shape_cast %swap3A_225 : vector<16xi32> to vector<16xi32>
      %swap3A_227 = vector.shape_cast %add3A_223 : vector<16xi32> to vector<16xi32>
      tpu.vector_store %arg11[%swap3A_224], %swap3A_227 {strides = array<i32>} : memref<128xi32, #tpu.memory_space<vmem>>, vector<16xi32>,
      %mul3A_228 = arith.constant 4 : i32
      %mul3A_229 = arith.muli %add3A_199, %mul3A_228 : i32
      %add3A_230 = arith.constant 1 : i32
      %add3A_231 = arith.addi %mul3A_229, %add3A_230 : i32
      %broadcast_in_dim3A_232 = vector.broadcast %add3A_231 : i32 to vector<16xi32>
      %add3A_233 = vector.broadcast %mul3A : i32 to vector<16xi32>
      %add3A_234 = arith.addi %broadcast_in_dim3A_232, %add3A_233 : vector<16xi32>
      %swap3A_235 = arith.constant 32 : index
      %swap3A_236 = tpu.vector_load %arg11[%swap3A_235] {strides = array<i32>} : memref<128xi32, #tpu.memory_space<vmem>>, vector<16xi32>,
      %swap3A_237 = vector.shape_cast %swap3A_236 : vector<16xi32> to vector<16xi32>
      %swap3A_238 = vector.shape_cast %add3A_234 : vector<16xi32> to vector<16xi32>
      tpu.vector_store %arg11[%swap3A_235], %swap3A_238 {strides = array<i32>} : memref<128xi32, #tpu.memory_space<vmem>>, vector<16xi32>,
      %mul3A_239 = arith.constant 4 : i32
      %mul3A_240 = arith.muli %add3A_199, %mul3A_239 : i32
      %add3A_241 = arith.constant 1 : i32
      %add3A_242 = arith.addi %mul3A_240, %add3A_241 : i32
      %broadcast_in_dim3A_243 = vector.broadcast %add3A_242 : i32 to vector<16xi32>
      %add3A_244 = vector.broadcast %mul3A : i32 to vector<16xi32>
      %add3A_245 = arith.addi %broadcast_in_dim3A_243, %add3A_244 : vector<16xi32>
      %swap3A_246 = arith.constant 48 : index
      %swap3A_247 = tpu.vector_load %arg11[%swap3A_246] {strides = array<i32>} : memref<128xi32, #tpu.memory_space<vmem>>, vector<16xi32>,
      %swap3A_248 = vector.shape_cast %swap3A_247 : vector<16xi32> to vector<16xi32>
      %swap3A_249 = vector.shape_cast %add3A_245 : vector<16xi32> to vector<16xi32>
      tpu.vector_store %arg11[%swap3A_246], %swap3A_249 {strides = array<i32>} : memref<128xi32, #tpu.memory_space<vmem>>, vector<16xi32>,
      %mul3A_250 = arith.constant 4 : i32
      %mul3A_251 = arith.muli %add3A_199, %mul3A_250 : i32
      %add3A_252 = arith.constant 2 : i32
      %add3A_253 = arith.addi %mul3A_251, %add3A_252 : i32
      %broadcast_in_dim3A_254 = vector.broadcast %add3A_253 : i32 to vector<16xi32>
      %add3A_255 = vector.broadcast %mul3A : i32 to vector<16xi32>
      %add3A_256 = arith.addi %broadcast_in_dim3A_254, %add3A_255 : vector<16xi32>
      %swap3A_257 = arith.constant 64 : index
      %swap3A_258 = tpu.vector_load %arg11[%swap3A_257] {strides = array<i32>} : memref<128xi32, #tpu.memory_space<vmem>>, vector<16xi32>,
      %swap3A_259 = vector.shape_cast %swap3A_258 : vector<16xi32> to vector<16xi32>
      %swap3A_260 = vector.shape_cast %add3A_256 : vector<16xi32> to vector<16xi32>
      tpu.vector_store %arg11[%swap3A_257], %swap3A_260 {strides = array<i32>} : memref<128xi32, #tpu.memory_space<vmem>>, vector<16xi32>,
      %mul3A_261 = arith.constant 4 : i32
      %mul3A_262 = arith.muli %add3A_199, %mul3A_261 : i32
      %add3A_263 = arith.constant 2 : i32
      %add3A_264 = arith.addi %mul3A_262, %add3A_263 : i32
      %broadcast_in_dim3A_265 = vector.broadcast %add3A_264 : i32 to vector<16xi32>
      %add3A_266 = vector.broadcast %mul3A : i32 to vector<16xi32>
      %add3A_267 = arith.addi %broadcast_in_dim3A_265, %add3A_266 : vector<16xi32>
      %swap3A_268 = arith.constant 80 : index
      %swap3A_269 = tpu.vector_load %arg11[%swap3A_268] {strides = array<i32>} : memref<128xi32, #tpu.memory_space<vmem>>, vector<16xi32>,
      %swap3A_270 = vector.shape_cast %swap3A_269 : vector<16xi32> to vector<16xi32>
      %swap3A_271 = vector.shape_cast %add3A_267 : vector<16xi32> to vector<16xi32>
      tpu.vector_store %arg11[%swap3A_268], %swap3A_271 {strides = array<i32>} : memref<128xi32, #tpu.memory_space<vmem>>, vector<16xi32>,
      %mul3A_272 = arith.constant 4 : i32
      %mul3A_273 = arith.muli %add3A_199, %mul3A_272 : i32
      %add3A_274 = arith.constant 3 : i32
      %add3A_275 = arith.addi %mul3A_273, %add3A_274 : i32
      %broadcast_in_dim3A_276 = vector.broadcast %add3A_275 : i32 to vector<16xi32>
      %add3A_277 = vector.broadcast %mul3A : i32 to vector<16xi32>
      %add3A_278 = arith.addi %broadcast_in_dim3A_276, %add3A_277 : vector<16xi32>
      %swap3A_279 = arith.constant 96 : index
      %swap3A_280 = tpu.vector_load %arg11[%swap3A_279] {strides = array<i32>} : memref<128xi32, #tpu.memory_space<vmem>>, vector<16xi32>,
      %swap3A_281 = vector.shape_cast %swap3A_280 : vector<16xi32> to vector<16xi32>
      %swap3A_282 = vector.shape_cast %add3A_278 : vector<16xi32> to vector<16xi32>
      tpu.vector_store %arg11[%swap3A_279], %swap3A_282 {strides = array<i32>} : memref<128xi32, #tpu.memory_space<vmem>>, vector<16xi32>,
      %mul3A_283 = arith.constant 4 : i32
      %mul3A_284 = arith.muli %add3A_199, %mul3A_283 : i32
      %add3A_285 = arith.constant 3 : i32
      %add3A_286 = arith.addi %mul3A_284, %add3A_285 : i32
      %broadcast_in_dim3A_287 = vector.broadcast %add3A_286 : i32 to vector<16xi32>
      %add3A_288 = vector.broadcast %mul3A : i32 to vector<16xi32>
      %add3A_289 = arith.addi %broadcast_in_dim3A_287, %add3A_288 : vector<16xi32>
      %swap3A_290 = arith.constant 112 : index
      %swap3A_291 = tpu.vector_load %arg11[%swap3A_290] {strides = array<i32>} : memref<128xi32, #tpu.memory_space<vmem>>, vector<16xi32>,
      %swap3A_292 = vector.shape_cast %swap3A_291 : vector<16xi32> to vector<16xi32>
      %swap3A_293 = vector.shape_cast %add3A_289 : vector<16xi32> to vector<16xi32>
      tpu.vector_store %arg11[%swap3A_290], %swap3A_293 {strides = array<i32>} : memref<128xi32, #tpu.memory_space<vmem>>, vector<16xi32>,
      %dma_start3A_294 = arith.constant 0 : i32
      %dma_start3A_295 = arith.constant 0 : i32
      %dma_start3A_296 = tpu.memref_slice %arg6[%dma_start3A_294, %dma_start3A_295] : memref<1536x128xf32, #tpu.memory_space<vmem_shared>> -> memref<1536x128xf32, #tpu.memory_space<vmem_shared>>
      tpu.enqueue_indirect_dma source(%arg9 : memref<128x128xf32, #tpu.memory_space<vmem>>) target(%dma_start3A_296 : memref<1536x128xf32, #tpu.memory_space<vmem_shared>>) offsets(%arg11 : memref<128xi32, #tpu.memory_space<vmem>>) semaphore(%arg15 : memref<!tpu.dma_semaphore, #tpu.memory_space<semaphore_mem>>) {add = true}
      %mul3A_297 = arith.constant 2 : i32
      %mul3A_298 = arith.muli %while3A_95, %mul3A_297 : i32
      %add3A_299 = arith.constant 0 : i32
      %add3A_300 = arith.addi %mul3A_298, %add3A_299 : i32
      %add3A_301 = arith.constant 2 : i32
      %add3A_302 = arith.addi %add3A_300, %add3A_301 : i32
      %lt3A = arith.cmpi slt, %add3A_302, %select_n3A_6 : i32
      %convert_element_type3A_303 = arith.extui %lt3A : i1 to i32
      %cond3A_304 = arith.constant 0 : i32
      %cond3A_305 = arith.cmpi ne, %convert_element_type3A_303, %cond3A_304 : i32
      scf.if %cond3A_305 {
        %mul3A_316 = arith.constant 2 : i32
        %mul3A_317 = arith.muli %while3A_95, %mul3A_316 : i32
        %add3A_318 = arith.constant 0 : i32
        %add3A_319 = arith.addi %mul3A_317, %add3A_318 : i32
        %dma_wait3A_320 = arith.constant 0 : i32
        %dma_wait3A_321 = arith.constant 0 : i32
        %dma_wait3A_322 = tpu.memref_slice %arg6[%dma_wait3A_320, %dma_wait3A_321] : memref<1536x128xf32, #tpu.memory_space<vmem_shared>> -> memref<1536x128xf32, #tpu.memory_space<vmem_shared>>
        tpu.wait_indirect_dma semaphore(%arg14 : memref<!tpu.dma_semaphore, #tpu.memory_space<semaphore_mem>>) src(%arg8 : memref<128x128xf32, #tpu.memory_space<vmem>>) dst(%dma_wait3A_322 : memref<1536x128xf32, #tpu.memory_space<vmem_shared>>)
        %add3A_323 = arith.constant 2 : i32
        %add3A_324 = arith.addi %add3A_319, %add3A_323 : i32
        %dma_start3A_325 = arith.constant 0 : i32
        %dma_start3A_326 = tpu.memref_slice %arg5[%add3A_324, %dma_start3A_325] : memref<24x128xi32, #tpu.memory_space<vmem>> -> memref<1x128xi32, #tpu.memory_space<vmem>>
        %dma_start3A_327 = tpu.memref_squeeze %dma_start3A_326 : memref<1x128xi32, #tpu.memory_space<vmem>> -> memref<128xi32, #tpu.memory_space<vmem>>
        %dma_start3A_328 = arith.constant 0 : i32
        %dma_start3A_329 = arith.constant 0 : i32
        %dma_start3A_330 = tpu.memref_slice %arg7[%dma_start3A_328, %dma_start3A_329] : memref<10000x128xf32, #tpu.memory_space<vmem_shared>> -> memref<10000x128xf32, #tpu.memory_space<vmem_shared>>
        tpu.enqueue_indirect_dma source(%dma_start3A_330 : memref<10000x128xf32, #tpu.memory_space<vmem_shared>>) target(%arg8 : memref<128x128xf32, #tpu.memory_space<vmem>>) offsets(%dma_start3A_327 : memref<128xi32, #tpu.memory_space<vmem>>) semaphore(%arg12 : memref<!tpu.dma_semaphore, #tpu.memory_space<semaphore_mem>>)
      } else {
      }
      %mul3A_306 = arith.constant 2 : i32
      %mul3A_307 = arith.muli %while3A_95, %mul3A_306 : i32
      %add3A_308 = arith.constant 1 : i32
      %add3A_309 = arith.addi %mul3A_307, %add3A_308 : i32
      %add3A_310 = arith.constant 2 : i32
      %add3A_311 = arith.addi %add3A_309, %add3A_310 : i32
      %lt3A_312 = arith.cmpi slt, %add3A_311, %select_n3A_6 : i32
      %convert_element_type3A_313 = arith.extui %lt3A_312 : i1 to i32
      %cond3A_314 = arith.constant 0 : i32
      %cond3A_315 = arith.cmpi ne, %convert_element_type3A_313, %cond3A_314 : i32
      scf.if %cond3A_315 {
        %mul3A_316 = arith.constant 2 : i32
        %mul3A_317 = arith.muli %while3A_95, %mul3A_316 : i32
        %add3A_318 = arith.constant 1 : i32
        %add3A_319 = arith.addi %mul3A_317, %add3A_318 : i32
        %dma_wait3A_320 = arith.constant 0 : i32
        %dma_wait3A_321 = arith.constant 0 : i32
        %dma_wait3A_322 = tpu.memref_slice %arg6[%dma_wait3A_320, %dma_wait3A_321] : memref<1536x128xf32, #tpu.memory_space<vmem_shared>> -> memref<1536x128xf32, #tpu.memory_space<vmem_shared>>
        tpu.wait_indirect_dma semaphore(%arg15 : memref<!tpu.dma_semaphore, #tpu.memory_space<semaphore_mem>>) src(%arg9 : memref<128x128xf32, #tpu.memory_space<vmem>>) dst(%dma_wait3A_322 : memref<1536x128xf32, #tpu.memory_space<vmem_shared>>)
        %add3A_323 = arith.constant 2 : i32
        %add3A_324 = arith.addi %add3A_319, %add3A_323 : i32
        %dma_start3A_325 = arith.constant 0 : i32
        %dma_start3A_326 = tpu.memref_slice %arg5[%add3A_324, %dma_start3A_325] : memref<24x128xi32, #tpu.memory_space<vmem>> -> memref<1x128xi32, #tpu.memory_space<vmem>>
        %dma_start3A_327 = tpu.memref_squeeze %dma_start3A_326 : memref<1x128xi32, #tpu.memory_space<vmem>> -> memref<128xi32, #tpu.memory_space<vmem>>
        %dma_start3A_328 = arith.constant 0 : i32
        %dma_start3A_329 = arith.constant 0 : i32
        %dma_start3A_330 = tpu.memref_slice %arg7[%dma_start3A_328, %dma_start3A_329] : memref<10000x128xf32, #tpu.memory_space<vmem_shared>> -> memref<10000x128xf32, #tpu.memory_space<vmem_shared>>
        tpu.enqueue_indirect_dma source(%dma_start3A_330 : memref<10000x128xf32, #tpu.memory_space<vmem_shared>>) target(%arg9 : memref<128x128xf32, #tpu.memory_space<vmem>>) offsets(%dma_start3A_327 : memref<128xi32, #tpu.memory_space<vmem>>) semaphore(%arg13 : memref<!tpu.dma_semaphore, #tpu.memory_space<semaphore_mem>>)
      } else {
      }
    }
    %while3A_79 = arith.constant 1 : i32
    scf.for %while3A_95 = %while3A_77 to %while3A_73 step %while3A_79  : i32 {
      %mul3A_96 = arith.constant 2 : i32
      %mul3A_97 = arith.muli %while3A_95, %mul3A_96 : i32
      %add3A_98 = arith.constant 0 : i32
      %add3A_99 = arith.addi %mul3A_97, %add3A_98 : i32
      %dma_wait3A_100 = arith.constant 0 : i32
      %dma_wait3A_101 = tpu.memref_slice %arg5[%add3A_99, %dma_wait3A_100] : memref<24x128xi32, #tpu.memory_space<vmem>> -> memref<1x128xi32, #tpu.memory_space<vmem>>
      %dma_wait3A_102 = tpu.memref_squeeze %dma_wait3A_101 : memref<1x128xi32, #tpu.memory_space<vmem>> -> memref<128xi32, #tpu.memory_space<vmem>>
      %dma_wait3A_103 = arith.constant 0 : i32
      %dma_wait3A_104 = arith.constant 0 : i32
      %dma_wait3A_105 = tpu.memref_slice %arg7[%dma_wait3A_103, %dma_wait3A_104] : memref<10000x128xf32, #tpu.memory_space<vmem_shared>> -> memref<10000x128xf32, #tpu.memory_space<vmem_shared>>
      tpu.wait_indirect_dma semaphore(%arg12 : memref<!tpu.dma_semaphore, #tpu.memory_space<semaphore_mem>>) src(%dma_wait3A_105 : memref<10000x128xf32, #tpu.memory_space<vmem_shared>>) dst(%arg8 : memref<128x128xf32, #tpu.memory_space<vmem>>)
      %mul3A_106 = arith.constant 4 : i32
      %mul3A_107 = arith.muli %add3A_99, %mul3A_106 : i32
      %add3A_108 = arith.constant 0 : i32
      %add3A_109 = arith.addi %mul3A_107, %add3A_108 : i32
      %broadcast_in_dim3A_110 = vector.broadcast %add3A_109 : i32 to vector<16xi32>
      %add3A_111 = vector.broadcast %mul3A : i32 to vector<16xi32>
      %add3A_112 = arith.addi %broadcast_in_dim3A_110, %add3A_111 : vector<16xi32>
      %swap3A = arith.constant 0 : index
      %swap3A_113 = tpu.vector_load %arg10[%swap3A] {strides = array<i32>} : memref<128xi32, #tpu.memory_space<vmem>>, vector<16xi32>,
      %swap3A_114 = vector.shape_cast %swap3A_113 : vector<16xi32> to vector<16xi32>
      %swap3A_115 = vector.shape_cast %add3A_112 : vector<16xi32> to vector<16xi32>
      tpu.vector_store %arg10[%swap3A], %swap3A_115 {strides = array<i32>} : memref<128xi32, #tpu.memory_space<vmem>>, vector<16xi32>,
      %mul3A_116 = arith.constant 4 : i32
      %mul3A_117 = arith.muli %add3A_99, %mul3A_116 : i32
      %add3A_118 = arith.constant 0 : i32
      %add3A_119 = arith.addi %mul3A_117, %add3A_118 : i32
      %broadcast_in_dim3A_120 = vector.broadcast %add3A_119 : i32 to vector<16xi32>
      %add3A_121 = vector.broadcast %mul3A : i32 to vector<16xi32>
      %add3A_122 = arith.addi %broadcast_in_dim3A_120, %add3A_121 : vector<16xi32>
      %swap3A_123 = arith.constant 16 : index
      %swap3A_124 = tpu.vector_load %arg10[%swap3A_123] {strides = array<i32>} : memref<128xi32, #tpu.memory_space<vmem>>, vector<16xi32>,
      %swap3A_125 = vector.shape_cast %swap3A_124 : vector<16xi32> to vector<16xi32>
      %swap3A_126 = vector.shape_cast %add3A_122 : vector<16xi32> to vector<16xi32>
      tpu.vector_store %arg10[%swap3A_123], %swap3A_126 {strides = array<i32>} : memref<128xi32, #tpu.memory_space<vmem>>, vector<16xi32>,
      %mul3A_127 = arith.constant 4 : i32
      %mul3A_128 = arith.muli %add3A_99, %mul3A_127 : i32
      %add3A_129 = arith.constant 1 : i32
      %add3A_130 = arith.addi %mul3A_128, %add3A_129 : i32
      %broadcast_in_dim3A_131 = vector.broadcast %add3A_130 : i32 to vector<16xi32>
      %add3A_132 = vector.broadcast %mul3A : i32 to vector<16xi32>
      %add3A_133 = arith.addi %broadcast_in_dim3A_131, %add3A_132 : vector<16xi32>
      %swap3A_134 = arith.constant 32 : index
      %swap3A_135 = tpu.vector_load %arg10[%swap3A_134] {strides = array<i32>} : memref<128xi32, #tpu.memory_space<vmem>>, vector<16xi32>,
      %swap3A_136 = vector.shape_cast %swap3A_135 : vector<16xi32> to vector<16xi32>
      %swap3A_137 = vector.shape_cast %add3A_133 : vector<16xi32> to vector<16xi32>
      tpu.vector_store %arg10[%swap3A_134], %swap3A_137 {strides = array<i32>} : memref<128xi32, #tpu.memory_space<vmem>>, vector<16xi32>,
      %mul3A_138 = arith.constant 4 : i32
      %mul3A_139 = arith.muli %add3A_99, %mul3A_138 : i32
      %add3A_140 = arith.constant 1 : i32
      %add3A_141 = arith.addi %mul3A_139, %add3A_140 : i32
      %broadcast_in_dim3A_142 = vector.broadcast %add3A_141 : i32 to vector<16xi32>
      %add3A_143 = vector.broadcast %mul3A : i32 to vector<16xi32>
      %add3A_144 = arith.addi %broadcast_in_dim3A_142, %add3A_143 : vector<16xi32>
      %swap3A_145 = arith.constant 48 : index
      %swap3A_146 = tpu.vector_load %arg10[%swap3A_145] {strides = array<i32>} : memref<128xi32, #tpu.memory_space<vmem>>, vector<16xi32>,
      %swap3A_147 = vector.shape_cast %swap3A_146 : vector<16xi32> to vector<16xi32>
      %swap3A_148 = vector.shape_cast %add3A_144 : vector<16xi32> to vector<16xi32>
      tpu.vector_store %arg10[%swap3A_145], %swap3A_148 {strides = array<i32>} : memref<128xi32, #tpu.memory_space<vmem>>, vector<16xi32>,
      %mul3A_149 = arith.constant 4 : i32
      %mul3A_150 = arith.muli %add3A_99, %mul3A_149 : i32
      %add3A_151 = arith.constant 2 : i32
      %add3A_152 = arith.addi %mul3A_150, %add3A_151 : i32
      %broadcast_in_dim3A_153 = vector.broadcast %add3A_152 : i32 to vector<16xi32>
      %add3A_154 = vector.broadcast %mul3A : i32 to vector<16xi32>
      %add3A_155 = arith.addi %broadcast_in_dim3A_153, %add3A_154 : vector<16xi32>
      %swap3A_156 = arith.constant 64 : index
      %swap3A_157 = tpu.vector_load %arg10[%swap3A_156] {strides = array<i32>} : memref<128xi32, #tpu.memory_space<vmem>>, vector<16xi32>,
      %swap3A_158 = vector.shape_cast %swap3A_157 : vector<16xi32> to vector<16xi32>
      %swap3A_159 = vector.shape_cast %add3A_155 : vector<16xi32> to vector<16xi32>
      tpu.vector_store %arg10[%swap3A_156], %swap3A_159 {strides = array<i32>} : memref<128xi32, #tpu.memory_space<vmem>>, vector<16xi32>,
      %mul3A_160 = arith.constant 4 : i32
      %mul3A_161 = arith.muli %add3A_99, %mul3A_160 : i32
      %add3A_162 = arith.constant 2 : i32
      %add3A_163 = arith.addi %mul3A_161, %add3A_162 : i32
      %broadcast_in_dim3A_164 = vector.broadcast %add3A_163 : i32 to vector<16xi32>
      %add3A_165 = vector.broadcast %mul3A : i32 to vector<16xi32>
      %add3A_166 = arith.addi %broadcast_in_dim3A_164, %add3A_165 : vector<16xi32>
      %swap3A_167 = arith.constant 80 : index
      %swap3A_168 = tpu.vector_load %arg10[%swap3A_167] {strides = array<i32>} : memref<128xi32, #tpu.memory_space<vmem>>, vector<16xi32>,
      %swap3A_169 = vector.shape_cast %swap3A_168 : vector<16xi32> to vector<16xi32>
      %swap3A_170 = vector.shape_cast %add3A_166 : vector<16xi32> to vector<16xi32>
      tpu.vector_store %arg10[%swap3A_167], %swap3A_170 {strides = array<i32>} : memref<128xi32, #tpu.memory_space<vmem>>, vector<16xi32>,
      %mul3A_171 = arith.constant 4 : i32
      %mul3A_172 = arith.muli %add3A_99, %mul3A_171 : i32
      %add3A_173 = arith.constant 3 : i32
      %add3A_174 = arith.addi %mul3A_172, %add3A_173 : i32
      %broadcast_in_dim3A_175 = vector.broadcast %add3A_174 : i32 to vector<16xi32>
      %add3A_176 = vector.broadcast %mul3A : i32 to vector<16xi32>
      %add3A_177 = arith.addi %broadcast_in_dim3A_175, %add3A_176 : vector<16xi32>
      %swap3A_178 = arith.constant 96 : index
      %swap3A_179 = tpu.vector_load %arg10[%swap3A_178] {strides = array<i32>} : memref<128xi32, #tpu.memory_space<vmem>>, vector<16xi32>,
      %swap3A_180 = vector.shape_cast %swap3A_179 : vector<16xi32> to vector<16xi32>
      %swap3A_181 = vector.shape_cast %add3A_177 : vector<16xi32> to vector<16xi32>
      tpu.vector_store %arg10[%swap3A_178], %swap3A_181 {strides = array<i32>} : memref<128xi32, #tpu.memory_space<vmem>>, vector<16xi32>,
      %mul3A_182 = arith.constant 4 : i32
      %mul3A_183 = arith.muli %add3A_99, %mul3A_182 : i32
      %add3A_184 = arith.constant 3 : i32
      %add3A_185 = arith.addi %mul3A_183, %add3A_184 : i32
      %broadcast_in_dim3A_186 = vector.broadcast %add3A_185 : i32 to vector<16xi32>
      %add3A_187 = vector.broadcast %mul3A : i32 to vector<16xi32>
      %add3A_188 = arith.addi %broadcast_in_dim3A_186, %add3A_187 : vector<16xi32>
      %swap3A_189 = arith.constant 112 : index
      %swap3A_190 = tpu.vector_load %arg10[%swap3A_189] {strides = array<i32>} : memref<128xi32, #tpu.memory_space<vmem>>, vector<16xi32>,
      %swap3A_191 = vector.shape_cast %swap3A_190 : vector<16xi32> to vector<16xi32>
      %swap3A_192 = vector.shape_cast %add3A_188 : vector<16xi32> to vector<16xi32>
      tpu.vector_store %arg10[%swap3A_189], %swap3A_192 {strides = array<i32>} : memref<128xi32, #tpu.memory_space<vmem>>, vector<16xi32>,
      %dma_start3A_193 = arith.constant 0 : i32
      %dma_start3A_194 = arith.constant 0 : i32
      %dma_start3A_195 = tpu.memref_slice %arg6[%dma_start3A_193, %dma_start3A_194] : memref<1536x128xf32, #tpu.memory_space<vmem_shared>> -> memref<1536x128xf32, #tpu.memory_space<vmem_shared>>
      tpu.enqueue_indirect_dma source(%arg8 : memref<128x128xf32, #tpu.memory_space<vmem>>) target(%dma_start3A_195 : memref<1536x128xf32, #tpu.memory_space<vmem_shared>>) offsets(%arg10 : memref<128xi32, #tpu.memory_space<vmem>>) semaphore(%arg14 : memref<!tpu.dma_semaphore, #tpu.memory_space<semaphore_mem>>) {add = true}
      %mul3A_196 = arith.constant 2 : i32
      %mul3A_197 = arith.muli %while3A_95, %mul3A_196 : i32
      %add3A_198 = arith.constant 1 : i32
      %add3A_199 = arith.addi %mul3A_197, %add3A_198 : i32
      %dma_wait3A_200 = arith.constant 0 : i32
      %dma_wait3A_201 = tpu.memref_slice %arg5[%add3A_199, %dma_wait3A_200] : memref<24x128xi32, #tpu.memory_space<vmem>> -> memref<1x128xi32, #tpu.memory_space<vmem>>
      %dma_wait3A_202 = tpu.memref_squeeze %dma_wait3A_201 : memref<1x128xi32, #tpu.memory_space<vmem>> -> memref<128xi32, #tpu.memory_space<vmem>>
      %dma_wait3A_203 = arith.constant 0 : i32
      %dma_wait3A_204 = arith.constant 0 : i32
      %dma_wait3A_205 = tpu.memref_slice %arg7[%dma_wait3A_203, %dma_wait3A_204] : memref<10000x128xf32, #tpu.memory_space<vmem_shared>> -> memref<10000x128xf32, #tpu.memory_space<vmem_shared>>
      tpu.wait_indirect_dma semaphore(%arg13 : memref<!tpu.dma_semaphore, #tpu.memory_space<semaphore_mem>>) src(%dma_wait3A_205 : memref<10000x128xf32, #tpu.memory_space<vmem_shared>>) dst(%arg9 : memref<128x128xf32, #tpu.memory_space<vmem>>)
      %mul3A_206 = arith.constant 4 : i32
      %mul3A_207 = arith.muli %add3A_199, %mul3A_206 : i32
      %add3A_208 = arith.constant 0 : i32
      %add3A_209 = arith.addi %mul3A_207, %add3A_208 : i32
      %broadcast_in_dim3A_210 = vector.broadcast %add3A_209 : i32 to vector<16xi32>
      %add3A_211 = vector.broadcast %mul3A : i32 to vector<16xi32>
      %add3A_212 = arith.addi %broadcast_in_dim3A_210, %add3A_211 : vector<16xi32>
      %swap3A_213 = arith.constant 0 : index
      %swap3A_214 = tpu.vector_load %arg11[%swap3A_213] {strides = array<i32>} : memref<128xi32, #tpu.memory_space<vmem>>, vector<16xi32>,
      %swap3A_215 = vector.shape_cast %swap3A_214 : vector<16xi32> to vector<16xi32>
      %swap3A_216 = vector.shape_cast %add3A_212 : vector<16xi32> to vector<16xi32>
      tpu.vector_store %arg11[%swap3A_213], %swap3A_216 {strides = array<i32>} : memref<128xi32, #tpu.memory_space<vmem>>, vector<16xi32>,
      %mul3A_217 = arith.constant 4 : i32
      %mul3A_218 = arith.muli %add3A_199, %mul3A_217 : i32
      %add3A_219 = arith.constant 0 : i32
      %add3A_220 = arith.addi %mul3A_218, %add3A_219 : i32
      %broadcast_in_dim3A_221 = vector.broadcast %add3A_220 : i32 to vector<16xi32>
      %add3A_222 = vector.broadcast %mul3A : i32 to vector<16xi32>
      %add3A_223 = arith.addi %broadcast_in_dim3A_221, %add3A_222 : vector<16xi32>
      %swap3A_224 = arith.constant 16 : index
      %swap3A_225 = tpu.vector_load %arg11[%swap3A_224] {strides = array<i32>} : memref<128xi32, #tpu.memory_space<vmem>>, vector<16xi32>,
      %swap3A_226 = vector.shape_cast %swap3A_225 : vector<16xi32> to vector<16xi32>
      %swap3A_227 = vector.shape_cast %add3A_223 : vector<16xi32> to vector<16xi32>
      tpu.vector_store %arg11[%swap3A_224], %swap3A_227 {strides = array<i32>} : memref<128xi32, #tpu.memory_space<vmem>>, vector<16xi32>,
      %mul3A_228 = arith.constant 4 : i32
      %mul3A_229 = arith.muli %add3A_199, %mul3A_228 : i32
      %add3A_230 = arith.constant 1 : i32
      %add3A_231 = arith.addi %mul3A_229, %add3A_230 : i32
      %broadcast_in_dim3A_232 = vector.broadcast %add3A_231 : i32 to vector<16xi32>
      %add3A_233 = vector.broadcast %mul3A : i32 to vector<16xi32>
      %add3A_234 = arith.addi %broadcast_in_dim3A_232, %add3A_233 : vector<16xi32>
      %swap3A_235 = arith.constant 32 : index
      %swap3A_236 = tpu.vector_load %arg11[%swap3A_235] {strides = array<i32>} : memref<128xi32, #tpu.memory_space<vmem>>, vector<16xi32>,
      %swap3A_237 = vector.shape_cast %swap3A_236 : vector<16xi32> to vector<16xi32>
      %swap3A_238 = vector.shape_cast %add3A_234 : vector<16xi32> to vector<16xi32>
      tpu.vector_store %arg11[%swap3A_235], %swap3A_238 {strides = array<i32>} : memref<128xi32, #tpu.memory_space<vmem>>, vector<16xi32>,
      %mul3A_239 = arith.constant 4 : i32
      %mul3A_240 = arith.muli %add3A_199, %mul3A_239 : i32
      %add3A_241 = arith.constant 1 : i32
      %add3A_242 = arith.addi %mul3A_240, %add3A_241 : i32
      %broadcast_in_dim3A_243 = vector.broadcast %add3A_242 : i32 to vector<16xi32>
      %add3A_244 = vector.broadcast %mul3A : i32 to vector<16xi32>
      %add3A_245 = arith.addi %broadcast_in_dim3A_243, %add3A_244 : vector<16xi32>
      %swap3A_246 = arith.constant 48 : index
      %swap3A_247 = tpu.vector_load %arg11[%swap3A_246] {strides = array<i32>} : memref<128xi32, #tpu.memory_space<vmem>>, vector<16xi32>,
      %swap3A_248 = vector.shape_cast %swap3A_247 : vector<16xi32> to vector<16xi32>
      %swap3A_249 = vector.shape_cast %add3A_245 : vector<16xi32> to vector<16xi32>
      tpu.vector_store %arg11[%swap3A_246], %swap3A_249 {strides = array<i32>} : memref<128xi32, #tpu.memory_space<vmem>>, vector<16xi32>,
      %mul3A_250 = arith.constant 4 : i32
      %mul3A_251 = arith.muli %add3A_199, %mul3A_250 : i32
      %add3A_252 = arith.constant 2 : i32
      %add3A_253 = arith.addi %mul3A_251, %add3A_252 : i32
      %broadcast_in_dim3A_254 = vector.broadcast %add3A_253 : i32 to vector<16xi32>
      %add3A_255 = vector.broadcast %mul3A : i32 to vector<16xi32>
      %add3A_256 = arith.addi %broadcast_in_dim3A_254, %add3A_255 : vector<16xi32>
      %swap3A_257 = arith.constant 64 : index
      %swap3A_258 = tpu.vector_load %arg11[%swap3A_257] {strides = array<i32>} : memref<128xi32, #tpu.memory_space<vmem>>, vector<16xi32>,
      %swap3A_259 = vector.shape_cast %swap3A_258 : vector<16xi32> to vector<16xi32>
      %swap3A_260 = vector.shape_cast %add3A_256 : vector<16xi32> to vector<16xi32>
      tpu.vector_store %arg11[%swap3A_257], %swap3A_260 {strides = array<i32>} : memref<128xi32, #tpu.memory_space<vmem>>, vector<16xi32>,
      %mul3A_261 = arith.constant 4 : i32
      %mul3A_262 = arith.muli %add3A_199, %mul3A_261 : i32
      %add3A_263 = arith.constant 2 : i32
      %add3A_264 = arith.addi %mul3A_262, %add3A_263 : i32
      %broadcast_in_dim3A_265 = vector.broadcast %add3A_264 : i32 to vector<16xi32>
      %add3A_266 = vector.broadcast %mul3A : i32 to vector<16xi32>
      %add3A_267 = arith.addi %broadcast_in_dim3A_265, %add3A_266 : vector<16xi32>
      %swap3A_268 = arith.constant 80 : index
      %swap3A_269 = tpu.vector_load %arg11[%swap3A_268] {strides = array<i32>} : memref<128xi32, #tpu.memory_space<vmem>>, vector<16xi32>,
      %swap3A_270 = vector.shape_cast %swap3A_269 : vector<16xi32> to vector<16xi32>
      %swap3A_271 = vector.shape_cast %add3A_267 : vector<16xi32> to vector<16xi32>
      tpu.vector_store %arg11[%swap3A_268], %swap3A_271 {strides = array<i32>} : memref<128xi32, #tpu.memory_space<vmem>>, vector<16xi32>,
      %mul3A_272 = arith.constant 4 : i32
      %mul3A_273 = arith.muli %add3A_199, %mul3A_272 : i32
      %add3A_274 = arith.constant 3 : i32
      %add3A_275 = arith.addi %mul3A_273, %add3A_274 : i32
      %broadcast_in_dim3A_276 = vector.broadcast %add3A_275 : i32 to vector<16xi32>
      %add3A_277 = vector.broadcast %mul3A : i32 to vector<16xi32>
      %add3A_278 = arith.addi %broadcast_in_dim3A_276, %add3A_277 : vector<16xi32>
      %swap3A_279 = arith.constant 96 : index
      %swap3A_280 = tpu.vector_load %arg11[%swap3A_279] {strides = array<i32>} : memref<128xi32, #tpu.memory_space<vmem>>, vector<16xi32>,
      %swap3A_281 = vector.shape_cast %swap3A_280 : vector<16xi32> to vector<16xi32>
      %swap3A_282 = vector.shape_cast %add3A_278 : vector<16xi32> to vector<16xi32>
      tpu.vector_store %arg11[%swap3A_279], %swap3A_282 {strides = array<i32>} : memref<128xi32, #tpu.memory_space<vmem>>, vector<16xi32>,
      %mul3A_283 = arith.constant 4 : i32
      %mul3A_284 = arith.muli %add3A_199, %mul3A_283 : i32
      %add3A_285 = arith.constant 3 : i32
      %add3A_286 = arith.addi %mul3A_284, %add3A_285 : i32
      %broadcast_in_dim3A_287 = vector.broadcast %add3A_286 : i32 to vector<16xi32>
      %add3A_288 = vector.broadcast %mul3A : i32 to vector<16xi32>
      %add3A_289 = arith.addi %broadcast_in_dim3A_287, %add3A_288 : vector<16xi32>
      %swap3A_290 = arith.constant 112 : index
      %swap3A_291 = tpu.vector_load %arg11[%swap3A_290] {strides = array<i32>} : memref<128xi32, #tpu.memory_space<vmem>>, vector<16xi32>,
      %swap3A_292 = vector.shape_cast %swap3A_291 : vector<16xi32> to vector<16xi32>
      %swap3A_293 = vector.shape_cast %add3A_289 : vector<16xi32> to vector<16xi32>
      tpu.vector_store %arg11[%swap3A_290], %swap3A_293 {strides = array<i32>} : memref<128xi32, #tpu.memory_space<vmem>>, vector<16xi32>,
      %dma_start3A_294 = arith.constant 0 : i32
      %dma_start3A_295 = arith.constant 0 : i32
      %dma_start3A_296 = tpu.memref_slice %arg6[%dma_start3A_294, %dma_start3A_295] : memref<1536x128xf32, #tpu.memory_space<vmem_shared>> -> memref<1536x128xf32, #tpu.memory_space<vmem_shared>>
      tpu.enqueue_indirect_dma source(%arg9 : memref<128x128xf32, #tpu.memory_space<vmem>>) target(%dma_start3A_296 : memref<1536x128xf32, #tpu.memory_space<vmem_shared>>) offsets(%arg11 : memref<128xi32, #tpu.memory_space<vmem>>) semaphore(%arg15 : memref<!tpu.dma_semaphore, #tpu.memory_space<semaphore_mem>>) {add = true}
      %mul3A_297 = arith.constant 2 : i32
      %mul3A_298 = arith.muli %while3A_95, %mul3A_297 : i32
      %add3A_299 = arith.constant 0 : i32
      %add3A_300 = arith.addi %mul3A_298, %add3A_299 : i32
      %add3A_301 = arith.constant 2 : i32
      %add3A_302 = arith.addi %add3A_300, %add3A_301 : i32
      %lt3A = arith.cmpi slt, %add3A_302, %select_n3A_6 : i32
      %convert_element_type3A_303 = arith.extui %lt3A : i1 to i32
      %cond3A_304 = arith.constant 0 : i32
      %cond3A_305 = arith.cmpi ne, %convert_element_type3A_303, %cond3A_304 : i32
      scf.if %cond3A_305 {
        %mul3A_316 = arith.constant 2 : i32
        %mul3A_317 = arith.muli %while3A_95, %mul3A_316 : i32
        %add3A_318 = arith.constant 0 : i32
        %add3A_319 = arith.addi %mul3A_317, %add3A_318 : i32
        %dma_wait3A_320 = arith.constant 0 : i32
        %dma_wait3A_321 = arith.constant 0 : i32
        %dma_wait3A_322 = tpu.memref_slice %arg6[%dma_wait3A_320, %dma_wait3A_321] : memref<1536x128xf32, #tpu.memory_space<vmem_shared>> -> memref<1536x128xf32, #tpu.memory_space<vmem_shared>>
        tpu.wait_indirect_dma semaphore(%arg14 : memref<!tpu.dma_semaphore, #tpu.memory_space<semaphore_mem>>) src(%arg8 : memref<128x128xf32, #tpu.memory_space<vmem>>) dst(%dma_wait3A_322 : memref<1536x128xf32, #tpu.memory_space<vmem_shared>>)
        %add3A_323 = arith.constant 2 : i32
        %add3A_324 = arith.addi %add3A_319, %add3A_323 : i32
        %dma_start3A_325 = arith.constant 0 : i32
        %dma_start3A_326 = tpu.memref_slice %arg5[%add3A_324, %dma_start3A_325] : memref<24x128xi32, #tpu.memory_space<vmem>> -> memref<1x128xi32, #tpu.memory_space<vmem>>
        %dma_start3A_327 = tpu.memref_squeeze %dma_start3A_326 : memref<1x128xi32, #tpu.memory_space<vmem>> -> memref<128xi32, #tpu.memory_space<vmem>>
        %dma_start3A_328 = arith.constant 0 : i32
        %dma_start3A_329 = arith.constant 0 : i32
        %dma_start3A_330 = tpu.memref_slice %arg7[%dma_start3A_328, %dma_start3A_329] : memref<10000x128xf32, #tpu.memory_space<vmem_shared>> -> memref<10000x128xf32, #tpu.memory_space<vmem_shared>>
        tpu.enqueue_indirect_dma source(%dma_start3A_330 : memref<10000x128xf32, #tpu.memory_space<vmem_shared>>) target(%arg8 : memref<128x128xf32, #tpu.memory_space<vmem>>) offsets(%dma_start3A_327 : memref<128xi32, #tpu.memory_space<vmem>>) semaphore(%arg12 : memref<!tpu.dma_semaphore, #tpu.memory_space<semaphore_mem>>)
      } else {
      }
      %mul3A_306 = arith.constant 2 : i32
      %mul3A_307 = arith.muli %while3A_95, %mul3A_306 : i32
      %add3A_308 = arith.constant 1 : i32
      %add3A_309 = arith.addi %mul3A_307, %add3A_308 : i32
      %add3A_310 = arith.constant 2 : i32
      %add3A_311 = arith.addi %add3A_309, %add3A_310 : i32
      %lt3A_312 = arith.cmpi slt, %add3A_311, %select_n3A_6 : i32
      %convert_element_type3A_313 = arith.extui %lt3A_312 : i1 to i32
      %cond3A_314 = arith.constant 0 : i32
      %cond3A_315 = arith.cmpi ne, %convert_element_type3A_313, %cond3A_314 : i32
      scf.if %cond3A_315 {
        %mul3A_316 = arith.constant 2 : i32
        %mul3A_317 = arith.muli %while3A_95, %mul3A_316 : i32
        %add3A_318 = arith.constant 1 : i32
        %add3A_319 = arith.addi %mul3A_317, %add3A_318 : i32
        %dma_wait3A_320 = arith.constant 0 : i32
        %dma_wait3A_321 = arith.constant 0 : i32
        %dma_wait3A_322 = tpu.memref_slice %arg6[%dma_wait3A_320, %dma_wait3A_321] : memref<1536x128xf32, #tpu.memory_space<vmem_shared>> -> memref<1536x128xf32, #tpu.memory_space<vmem_shared>>
        tpu.wait_indirect_dma semaphore(%arg15 : memref<!tpu.dma_semaphore, #tpu.memory_space<semaphore_mem>>) src(%arg9 : memref<128x128xf32, #tpu.memory_space<vmem>>) dst(%dma_wait3A_322 : memref<1536x128xf32, #tpu.memory_space<vmem_shared>>)
        %add3A_323 = arith.constant 2 : i32
        %add3A_324 = arith.addi %add3A_319, %add3A_323 : i32
        %dma_start3A_325 = arith.constant 0 : i32
        %dma_start3A_326 = tpu.memref_slice %arg5[%add3A_324, %dma_start3A_325] : memref<24x128xi32, #tpu.memory_space<vmem>> -> memref<1x128xi32, #tpu.memory_space<vmem>>
        %dma_start3A_327 = tpu.memref_squeeze %dma_start3A_326 : memref<1x128xi32, #tpu.memory_space<vmem>> -> memref<128xi32, #tpu.memory_space<vmem>>
        %dma_start3A_328 = arith.constant 0 : i32
        %dma_start3A_329 = arith.constant 0 : i32
        %dma_start3A_330 = tpu.memref_slice %arg7[%dma_start3A_328, %dma_start3A_329] : memref<10000x128xf32, #tpu.memory_space<vmem_shared>> -> memref<10000x128xf32, #tpu.memory_space<vmem_shared>>
        tpu.enqueue_indirect_dma source(%dma_start3A_330 : memref<10000x128xf32, #tpu.memory_space<vmem_shared>>) target(%arg9 : memref<128x128xf32, #tpu.memory_space<vmem>>) offsets(%dma_start3A_327 : memref<128xi32, #tpu.memory_space<vmem>>) semaphore(%arg13 : memref<!tpu.dma_semaphore, #tpu.memory_space<semaphore_mem>>)
      } else {
      }
    }
    %dma_wait3A = arith.constant 0 : i32
    %dma_wait3A_80 = arith.constant 0 : i32
    %dma_wait3A_81 = tpu.memref_slice %arg6[%dma_wait3A, %dma_wait3A_80] : memref<1536x128xf32, #tpu.memory_space<vmem_shared>> -> memref<1536x128xf32, #tpu.memory_space<vmem_shared>>
    tpu.wait_indirect_dma semaphore(%arg14 : memref<!tpu.dma_semaphore, #tpu.memory_space<semaphore_mem>>) src(%arg8 : memref<128x128xf32, #tpu.memory_space<vmem>>) dst(%dma_wait3A_81 : memref<1536x128xf32, #tpu.memory_space<vmem_shared>>)
    %dma_wait3A_82 = arith.constant 0 : i32
    %dma_wait3A_83 = arith.constant 0 : i32
    %dma_wait3A_84 = tpu.memref_slice %arg6[%dma_wait3A_82, %dma_wait3A_83] : memref<1536x128xf32, #tpu.memory_space<vmem_shared>> -> memref<1536x128xf32, #tpu.memory_space<vmem_shared>>
    tpu.wait_indirect_dma semaphore(%arg15 : memref<!tpu.dma_semaphore, #tpu.memory_space<semaphore_mem>>) src(%arg9 : memref<128x128xf32, #tpu.memory_space<vmem>>) dst(%dma_wait3A_84 : memref<1536x128xf32, #tpu.memory_space<vmem_shared>>)
    %eq3A_85 = arith.constant 0 : i32
    %eq3A_86 = arith.cmpi eq, %arg0, %eq3A_85 : i32
    %convert_element_type3A_87 = arith.extui %eq3A_86 : i1 to i32
    %cond3A_88 = arith.constant 0 : i32
    %cond3A_89 = arith.cmpi ne, %convert_element_type3A_87, %cond3A_88 : i32
    scf.if %cond3A_89 {
      %mul3A_95 = arith.constant 96 : i32
      %mul3A_96 = arith.muli %arg1, %mul3A_95 : i32
      %mul3A_97 = arith.constant 96 : i32
      %mul3A_98 = arith.muli %arg1, %mul3A_97 : i32
      "tpu.region"() ({
        %run_scoped3A = tpu.sem_alloc : memref<!tpu.dma_semaphore, #tpu.memory_space<semaphore_mem>>
        %dma_start3A_99 = arith.constant 0 : i32
        %dma_start3A_100 = tpu.memref_slice %arg4[%mul3A_98, %dma_start3A_99] : memref<3072x128xf32, #tpu.memory_space<hbm>> -> memref<96x128xf32, #tpu.memory_space<hbm>>
        %dma_start3A_101 = arith.constant 0 : i32
        %dma_start3A_102 = tpu.memref_slice %arg6[%mul3A_96, %dma_start3A_101] : memref<1536x128xf32, #tpu.memory_space<vmem_shared>> -> memref<96x128xf32, #tpu.memory_space<vmem_shared>>
        tpu.enqueue_dma source(%dma_start3A_102 : memref<96x128xf32, #tpu.memory_space<vmem_shared>>) target(%dma_start3A_100 : memref<96x128xf32, #tpu.memory_space<hbm>>) target_semaphore(%run_scoped3A : memref<!tpu.dma_semaphore, #tpu.memory_space<semaphore_mem>>)
        %dma_wait3A_103 = arith.constant 0 : i32
        %dma_wait3A_104 = tpu.memref_slice %arg4[%mul3A_98, %dma_wait3A_103] : memref<3072x128xf32, #tpu.memory_space<hbm>> -> memref<96x128xf32, #tpu.memory_space<hbm>>
        %dma_wait3A_105 = arith.constant 0 : i32
        %dma_wait3A_106 = tpu.memref_slice %arg6[%mul3A_96, %dma_wait3A_105] : memref<1536x128xf32, #tpu.memory_space<vmem_shared>> -> memref<96x128xf32, #tpu.memory_space<vmem_shared>>
        tpu.wait_dma2 semaphore(%run_scoped3A : memref<!tpu.dma_semaphore, #tpu.memory_space<semaphore_mem>>) src(%dma_wait3A_106 : memref<96x128xf32, #tpu.memory_space<vmem_shared>>) dst(%dma_wait3A_104 : memref<96x128xf32, #tpu.memory_space<hbm>>)
        tpu.yield
      }) : () -> ()
    } else {
    }
    %ne3A_90 = arith.constant 0 : i32
    %ne3A_91 = arith.cmpi ne, %arg0, %ne3A_90 : i32
    %convert_element_type3A_92 = arith.extui %ne3A_91 : i1 to i32
    %cond3A_93 = arith.constant 0 : i32
    %cond3A_94 = arith.cmpi ne, %convert_element_type3A_92, %cond3A_93 : i32
    scf.if %cond3A_94 {
      %mul3A_95 = arith.constant 96 : i32
      %mul3A_96 = arith.muli %arg1, %mul3A_95 : i32
      %mul3A_97 = arith.constant 96 : i32
      %mul3A_98 = arith.muli %arg1, %mul3A_97 : i32
      %add3A_99 = arith.constant 1536 : i32
      %add3A_100 = arith.addi %add3A_99, %mul3A_98 : i32
      "tpu.region"() ({
        %run_scoped3A = tpu.sem_alloc : memref<!tpu.dma_semaphore, #tpu.memory_space<semaphore_mem>>
        %dma_start3A_101 = arith.constant 0 : i32
        %dma_start3A_102 = tpu.memref_slice %arg4[%add3A_100, %dma_start3A_101] : memref<3072x128xf32, #tpu.memory_space<hbm>> -> memref<96x128xf32, #tpu.memory_space<hbm>>
        %dma_start3A_103 = arith.constant 0 : i32
        %dma_start3A_104 = tpu.memref_slice %arg6[%mul3A_96, %dma_start3A_103] : memref<1536x128xf32, #tpu.memory_space<vmem_shared>> -> memref<96x128xf32, #tpu.memory_space<vmem_shared>>
        tpu.enqueue_dma source(%dma_start3A_104 : memref<96x128xf32, #tpu.memory_space<vmem_shared>>) target(%dma_start3A_102 : memref<96x128xf32, #tpu.memory_space<hbm>>) target_semaphore(%run_scoped3A : memref<!tpu.dma_semaphore, #tpu.memory_space<semaphore_mem>>)
        %dma_wait3A_105 = arith.constant 0 : i32
        %dma_wait3A_106 = tpu.memref_slice %arg4[%add3A_100, %dma_wait3A_105] : memref<3072x128xf32, #tpu.memory_space<hbm>> -> memref<96x128xf32, #tpu.memory_space<hbm>>
        %dma_wait3A_107 = arith.constant 0 : i32
        %dma_wait3A_108 = tpu.memref_slice %arg6[%mul3A_96, %dma_wait3A_107] : memref<1536x128xf32, #tpu.memory_space<vmem_shared>> -> memref<96x128xf32, #tpu.memory_space<vmem_shared>>
        tpu.wait_dma2 semaphore(%run_scoped3A : memref<!tpu.dma_semaphore, #tpu.memory_space<semaphore_mem>>) src(%dma_wait3A_108 : memref<96x128xf32, #tpu.memory_space<vmem_shared>>) dst(%dma_wait3A_106 : memref<96x128xf32, #tpu.memory_space<hbm>>)
        tpu.yield
      }) : () -> ()
    } else {
    }
    return
  }
}

module attributes {stable_mosaic.version = 14 : i64} {
  func.func @_tc_body(%arg0: i32, %arg1: memref<400x128xf32, #tpu.memory_space<vmem>>, %arg2: memref<400x128xf32, #tpu.memory_space<vmem>>, %arg3: memref<400x128xf32, #tpu.memory_space<vmem>>, %arg4: memref<400x128xf32, #tpu.memory_space<vmem>>, %arg5: memref<400x128xf32, #tpu.memory_space<vmem>>, %arg6: memref<128x512xf32, #tpu.memory_space<vmem>>, %arg7: memref<128x512xf32, #tpu.memory_space<vmem>>, %arg8: memref<1x512xf32, #tpu.memory_space<vmem>>, %arg9: memref<512x128xf32, #tpu.memory_space<vmem>>, %arg10: memref<1x128xf32, #tpu.memory_space<vmem>>, %arg11: memref<1x128xf32, #tpu.memory_space<vmem>>, %arg12: memref<1x128xf32, #tpu.memory_space<vmem>>, %arg13: memref<128x256xf32, #tpu.memory_space<vmem>>, %arg14: memref<1x256xf32, #tpu.memory_space<vmem>>, %arg15: memref<256x128xf32, #tpu.memory_space<vmem>>, %arg16: memref<1x128xf32, #tpu.memory_space<vmem>>, %arg17: memref<200x128xf32, #tpu.memory_space<vmem>>, %arg18: memref<200x128xf32, #tpu.memory_space<vmem>>) attributes {dimension_semantics = [#tpu.dimension_semantics<arbitrary>], iteration_bounds = array<i64: 25>, scalar_prefetch = 0 : i64, scratch_operands = 1 : i64, tpu.core_type = #tpu.core_type<tc>, window_params = [{transform_indices = @transform_0, window_bounds = array<i64: 400, 128>}, {transform_indices = @transform_1, window_bounds = array<i64: 400, 128>}, {transform_indices = @transform_2, window_bounds = array<i64: 400, 128>}, {transform_indices = @transform_3, window_bounds = array<i64: 400, 128>}, {transform_indices = @transform_4, window_bounds = array<i64: 400, 128>}, {pipeline_mode = #tpu.pipeline_mode<synchronous>, transform_indices = @transform_5, window_bounds = array<i64: 128, 512>}, {pipeline_mode = #tpu.pipeline_mode<synchronous>, transform_indices = @transform_6, window_bounds = array<i64: 128, 512>}, {pipeline_mode = #tpu.pipeline_mode<synchronous>, transform_indices = @transform_7, window_bounds = array<i64: 1, 512>}, {pipeline_mode = #tpu.pipeline_mode<synchronous>, transform_indices = @transform_8, window_bounds = array<i64: 512, 128>}, {pipeline_mode = #tpu.pipeline_mode<synchronous>, transform_indices = @transform_9, window_bounds = array<i64: 1, 128>}, {pipeline_mode = #tpu.pipeline_mode<synchronous>, transform_indices = @transform_10, window_bounds = array<i64: 1, 128>}, {pipeline_mode = #tpu.pipeline_mode<synchronous>, transform_indices = @transform_11, window_bounds = array<i64: 1, 128>}, {pipeline_mode = #tpu.pipeline_mode<synchronous>, transform_indices = @transform_12, window_bounds = array<i64: 128, 256>}, {pipeline_mode = #tpu.pipeline_mode<synchronous>, transform_indices = @transform_13, window_bounds = array<i64: 1, 256>}, {pipeline_mode = #tpu.pipeline_mode<synchronous>, transform_indices = @transform_14, window_bounds = array<i64: 256, 128>}, {pipeline_mode = #tpu.pipeline_mode<synchronous>, transform_indices = @transform_15, window_bounds = array<i64: 1, 128>}, {pipeline_mode = #tpu.pipeline_mode<synchronous>, transform_indices = @transform_16, window_bounds = array<i64: 200, 128>}]} {
    %lt3A = arith.constant 6 : i32
    %lt3A_0 = arith.cmpi slt, %arg0, %lt3A : i32
    %get3A = arith.constant 0 : index
    %get3A_1 = arith.constant 0 : index
    %get3A_2 = vector.load %arg2[%get3A, %get3A_1] : memref<400x128xf32, #tpu.memory_space<vmem>>, vector<400x128xf32>
    %lt3A_3 = arith.constant 12 : i32
    %lt3A_4 = arith.cmpi slt, %arg0, %lt3A_3 : i32
    %get3A_5 = arith.constant 0 : index
    %get3A_6 = arith.constant 0 : index
    %get3A_7 = vector.load %arg3[%get3A_5, %get3A_6] : memref<400x128xf32, #tpu.memory_space<vmem>>, vector<400x128xf32>
    %lt3A_8 = arith.constant 18 : i32
    %lt3A_9 = arith.cmpi slt, %arg0, %lt3A_8 : i32
    %get3A_10 = arith.constant 0 : index
    %get3A_11 = arith.constant 0 : index
    %get3A_12 = vector.load %arg4[%get3A_10, %get3A_11] : memref<400x128xf32, #tpu.memory_space<vmem>>, vector<400x128xf32>
    %get3A_13 = arith.constant 0 : index
    %get3A_14 = arith.constant 0 : index
    %get3A_15 = vector.load %arg5[%get3A_13, %get3A_14] : memref<400x128xf32, #tpu.memory_space<vmem>>, vector<400x128xf32>
    %select_n3A = arith.select %lt3A_9, %get3A_12, %get3A_15 : vector<400x128xf32>
    %select_n3A_16 = arith.select %lt3A_4, %get3A_7, %select_n3A : vector<400x128xf32>
    %select_n3A_17 = arith.select %lt3A_0, %get3A_2, %select_n3A_16 : vector<400x128xf32>
    %get3A_18 = arith.constant 0 : index
    %get3A_19 = arith.constant 0 : index
    %get3A_20 = vector.load %arg1[%get3A_18, %get3A_19] : memref<400x128xf32, #tpu.memory_space<vmem>>, vector<400x128xf32>
    %get3A_21 = arith.constant 0 : index
    %get3A_22 = arith.constant 0 : index
    %get3A_23 = vector.load %arg6[%get3A_21, %get3A_22] : memref<128x512xf32, #tpu.memory_space<vmem>>, vector<128x512xf32>
    %dot_general3A = arith.constant dense<0.000000e+00> : vector<400x512xf32>
    %dot_general3A_24 = tpu.matmul %get3A_20, %get3A_23, %dot_general3A {dimension_numbers = #tpu.dot_dimension_numbers<[1], [0], [0], [1], [0, 0, 1, 1], [], []>, transpose_lhs_hint = false} : vector<400x128xf32>, vector<128x512xf32>, vector<400x512xf32> -> vector<400x512xf32>
    %get3A_25 = arith.constant 0 : index
    %get3A_26 = arith.constant 0 : index
    %get3A_27 = vector.load %arg7[%get3A_25, %get3A_26] : memref<128x512xf32, #tpu.memory_space<vmem>>, vector<128x512xf32>
    %dot_general3A_28 = arith.constant dense<0.000000e+00> : vector<400x512xf32>
    %dot_general3A_29 = tpu.matmul %select_n3A_17, %get3A_27, %dot_general3A_28 {dimension_numbers = #tpu.dot_dimension_numbers<[1], [0], [0], [1], [0, 0, 1, 1], [], []>, transpose_lhs_hint = false} : vector<400x128xf32>, vector<128x512xf32>, vector<400x512xf32> -> vector<400x512xf32>
    %add3A = arith.addf %dot_general3A_24, %dot_general3A_29 : vector<400x512xf32>
    %get3A_30 = arith.constant 0 : index
    %get3A_31 = arith.constant 0 : index
    %get3A_32 = vector.load %arg8[%get3A_30, %get3A_31] : memref<1x512xf32, #tpu.memory_space<vmem>>, vector<1x512xf32>
    %add3A_33 = vector.broadcast %get3A_32 : vector<1x512xf32> to vector<400x512xf32>
    %add3A_34 = arith.addf %add3A, %add3A_33 : vector<400x512xf32>
    %max3A = arith.constant 0.000000e+00 : f32
    %max3A_35 = vector.broadcast %max3A : f32 to vector<400x512xf32>
    %max3A_36 = arith.maximumf %add3A_34, %max3A_35 : vector<400x512xf32>
    %get3A_37 = arith.constant 0 : index
    %get3A_38 = arith.constant 0 : index
    %get3A_39 = vector.load %arg9[%get3A_37, %get3A_38] : memref<512x128xf32, #tpu.memory_space<vmem>>, vector<512x128xf32>
    %dot_general3A_40 = arith.constant dense<0.000000e+00> : vector<400x128xf32>
    %dot_general3A_41 = tpu.matmul %max3A_36, %get3A_39, %dot_general3A_40 {dimension_numbers = #tpu.dot_dimension_numbers<[1], [0], [0], [1], [0, 0, 1, 1], [], []>, transpose_lhs_hint = false} : vector<400x512xf32>, vector<512x128xf32>, vector<400x128xf32> -> vector<400x128xf32>
    %get3A_42 = arith.constant 0 : index
    %get3A_43 = arith.constant 0 : index
    %get3A_44 = vector.load %arg10[%get3A_42, %get3A_43] : memref<1x128xf32, #tpu.memory_space<vmem>>, vector<1x128xf32>
    %add3A_45 = vector.broadcast %get3A_44 : vector<1x128xf32> to vector<400x128xf32>
    %add3A_46 = arith.addf %dot_general3A_41, %add3A_45 : vector<400x128xf32>
    %reduce_sum3A = arith.constant dense<0.000000e+00> : vector<400xf32>
    %reduce_sum3A_47 = vector.multi_reduction <add>, %add3A_46, %reduce_sum3A [1] : vector<400x128xf32> to vector<400xf32>
    %broadcast_in_dim3A = vector.shape_cast %reduce_sum3A_47 : vector<400xf32> to vector<400x1xf32>
    %div3A = arith.constant 1.280000e+02 : f32
    %div3A_48 = vector.broadcast %div3A : f32 to vector<400x1xf32>
    %div3A_49 = arith.divf %broadcast_in_dim3A, %div3A_48 : vector<400x1xf32>
    %sub3A = vector.broadcast %div3A_49 : vector<400x1xf32> to vector<400x128xf32>
    %sub3A_50 = arith.subf %add3A_46, %sub3A : vector<400x128xf32>
    %sub3A_51 = vector.broadcast %div3A_49 : vector<400x1xf32> to vector<400x128xf32>
    %sub3A_52 = arith.subf %add3A_46, %sub3A_51 : vector<400x128xf32>
    %mul3A = arith.mulf %sub3A_50, %sub3A_52 : vector<400x128xf32>
    %reduce_sum3A_53 = arith.constant dense<0.000000e+00> : vector<400xf32>
    %reduce_sum3A_54 = vector.multi_reduction <add>, %mul3A, %reduce_sum3A_53 [1] : vector<400x128xf32> to vector<400xf32>
    %broadcast_in_dim3A_55 = vector.shape_cast %reduce_sum3A_54 : vector<400xf32> to vector<400x1xf32>
    %div3A_56 = arith.constant 1.280000e+02 : f32
    %div3A_57 = vector.broadcast %div3A_56 : f32 to vector<400x1xf32>
    %div3A_58 = arith.divf %broadcast_in_dim3A_55, %div3A_57 : vector<400x1xf32>
    %sub3A_59 = vector.broadcast %div3A_49 : vector<400x1xf32> to vector<400x128xf32>
    %sub3A_60 = arith.subf %add3A_46, %sub3A_59 : vector<400x128xf32>
    %add3A_61 = arith.constant 9.99999974E-6 : f32
    %add3A_62 = vector.broadcast %add3A_61 : f32 to vector<400x1xf32>
    %add3A_63 = arith.addf %div3A_58, %add3A_62 : vector<400x1xf32>
    %rsqrt3A = math.rsqrt %add3A_63 : vector<400x1xf32>
    %mul3A_64 = vector.broadcast %rsqrt3A : vector<400x1xf32> to vector<400x128xf32>
    %mul3A_65 = arith.mulf %sub3A_60, %mul3A_64 : vector<400x128xf32>
    %get3A_66 = arith.constant 0 : index
    %get3A_67 = arith.constant 0 : index
    %get3A_68 = vector.load %arg11[%get3A_66, %get3A_67] : memref<1x128xf32, #tpu.memory_space<vmem>>, vector<1x128xf32>
    %mul3A_69 = vector.broadcast %get3A_68 : vector<1x128xf32> to vector<400x128xf32>
    %mul3A_70 = arith.mulf %mul3A_65, %mul3A_69 : vector<400x128xf32>
    %get3A_71 = arith.constant 0 : index
    %get3A_72 = arith.constant 0 : index
    %get3A_73 = vector.load %arg12[%get3A_71, %get3A_72] : memref<1x128xf32, #tpu.memory_space<vmem>>, vector<1x128xf32>
    %add3A_74 = vector.broadcast %get3A_73 : vector<1x128xf32> to vector<400x128xf32>
    %add3A_75 = arith.addf %mul3A_70, %add3A_74 : vector<400x128xf32>
    %reshape3A = vector.shape_cast %add3A_75 : vector<400x128xf32> to vector<8x50x128xf32>
    %reduce_sum3A_76 = arith.constant dense<0.000000e+00> : vector<8x128xf32>
    %reduce_sum3A_77 = vector.multi_reduction <add>, %reshape3A, %reduce_sum3A_76 [1] : vector<8x50x128xf32> to vector<8x128xf32>
    %mul3A_78 = arith.constant 2.000000e-02 : f32
    %mul3A_79 = vector.broadcast %mul3A_78 : f32 to vector<8x128xf32>
    %mul3A_80 = arith.mulf %reduce_sum3A_77, %mul3A_79 : vector<8x128xf32>
    %mul3A_81 = arith.constant 8 : i32
    %mul3A_82 = arith.muli %arg0, %mul3A_81 : i32
    %swap3A = arith.index_cast %mul3A_82 : i32 to index
    %swap3A_83 = arith.constant 0 : index
    %swap3A_84 = vector.load %arg18[%swap3A, %swap3A_83] : memref<200x128xf32, #tpu.memory_space<vmem>>, vector<8x128xf32>
    tpu.vector_store %arg18[%swap3A, %swap3A_83], %mul3A_80 {strides = array<i32>} : memref<200x128xf32, #tpu.memory_space<vmem>>, vector<8x128xf32>,
    %eq3A = arith.constant 24 : i32
    %eq3A_85 = arith.cmpi eq, %arg0, %eq3A : i32
    %convert_element_type3A = arith.extui %eq3A_85 : i1 to i32
    %cond3A = arith.constant 0 : i32
    %cond3A_86 = arith.cmpi ne, %convert_element_type3A, %cond3A : i32
    scf.if %cond3A_86 {
      %get3A_87 = arith.constant 0 : index
      %get3A_88 = arith.constant 0 : index
      %get3A_89 = vector.load %arg18[%get3A_87, %get3A_88] : memref<200x128xf32, #tpu.memory_space<vmem>>, vector<200x128xf32>
      %get3A_90 = arith.constant 0 : index
      %get3A_91 = arith.constant 0 : index
      %get3A_92 = vector.load %arg13[%get3A_90, %get3A_91] : memref<128x256xf32, #tpu.memory_space<vmem>>, vector<128x256xf32>
      %dot_general3A_93 = arith.constant dense<0.000000e+00> : vector<200x256xf32>
      %dot_general3A_94 = tpu.matmul %get3A_89, %get3A_92, %dot_general3A_93 {dimension_numbers = #tpu.dot_dimension_numbers<[1], [0], [0], [1], [0, 0, 1, 1], [], []>, transpose_lhs_hint = false} : vector<200x128xf32>, vector<128x256xf32>, vector<200x256xf32> -> vector<200x256xf32>
      %get3A_95 = arith.constant 0 : index
      %get3A_96 = arith.constant 0 : index
      %get3A_97 = vector.load %arg14[%get3A_95, %get3A_96] : memref<1x256xf32, #tpu.memory_space<vmem>>, vector<1x256xf32>
      %add3A_98 = vector.broadcast %get3A_97 : vector<1x256xf32> to vector<200x256xf32>
      %add3A_99 = arith.addf %dot_general3A_94, %add3A_98 : vector<200x256xf32>
      %max3A_100 = arith.constant 0.000000e+00 : f32
      %max3A_101 = vector.broadcast %max3A_100 : f32 to vector<200x256xf32>
      %max3A_102 = arith.maximumf %add3A_99, %max3A_101 : vector<200x256xf32>
      %get3A_103 = arith.constant 0 : index
      %get3A_104 = arith.constant 0 : index
      %get3A_105 = vector.load %arg15[%get3A_103, %get3A_104] : memref<256x128xf32, #tpu.memory_space<vmem>>, vector<256x128xf32>
      %dot_general3A_106 = arith.constant dense<0.000000e+00> : vector<200x128xf32>
      %dot_general3A_107 = tpu.matmul %max3A_102, %get3A_105, %dot_general3A_106 {dimension_numbers = #tpu.dot_dimension_numbers<[1], [0], [0], [1], [0, 0, 1, 1], [], []>, transpose_lhs_hint = false} : vector<200x256xf32>, vector<256x128xf32>, vector<200x128xf32> -> vector<200x128xf32>
      %get3A_108 = arith.constant 0 : index
      %get3A_109 = arith.constant 0 : index
      %get3A_110 = vector.load %arg16[%get3A_108, %get3A_109] : memref<1x128xf32, #tpu.memory_space<vmem>>, vector<1x128xf32>
      %add3A_111 = vector.broadcast %get3A_110 : vector<1x128xf32> to vector<200x128xf32>
      %add3A_112 = arith.addf %dot_general3A_107, %add3A_111 : vector<200x128xf32>
      %mul3A_113 = arith.constant 5.000000e-01 : f32
      %mul3A_114 = vector.broadcast %mul3A_113 : f32 to vector<200x128xf32>
      %mul3A_115 = arith.mulf %add3A_112, %mul3A_114 : vector<200x128xf32>
      %swap3A_116 = arith.constant 0 : index
      %swap3A_117 = arith.constant 0 : index
      %swap3A_118 = vector.load %arg17[%swap3A_116, %swap3A_117] : memref<200x128xf32, #tpu.memory_space<vmem>>, vector<200x128xf32>
      tpu.vector_store %arg17[%swap3A_116, %swap3A_117], %mul3A_115 {strides = array<i32>} : memref<200x128xf32, #tpu.memory_space<vmem>>, vector<200x128xf32>,
    } else {
    }
    return
  }
  func.func @transform_0(%arg0: i32) -> (i32, i32) {
    %c0_i32 = arith.constant 0 : i32
    %c0_i32_0 = arith.constant 0 : i32
    return %arg0, %c0_i32 : i32, i32
  }
  func.func @transform_1(%arg0: i32) -> (i32, i32) {
    %sub3A = arith.constant 0 : i32
    %sub3A_0 = arith.subi %arg0, %sub3A : i32
    %jit3A = arith.constant 0 : i32
    %jit3A_1 = arith.constant 5 : i32
    %max3A = arith.maxsi %jit3A, %sub3A_0 : i32
    %min3A = arith.minsi %jit3A_1, %max3A : i32
    %c0_i32 = arith.constant 0 : i32
    %c0_i32_2 = arith.constant 0 : i32
    return %min3A, %c0_i32 : i32, i32
  }
  func.func @transform_2(%arg0: i32) -> (i32, i32) {
    %sub3A = arith.constant 6 : i32
    %sub3A_0 = arith.subi %arg0, %sub3A : i32
    %jit3A = arith.constant 0 : i32
    %jit3A_1 = arith.constant 5 : i32
    %max3A = arith.maxsi %jit3A, %sub3A_0 : i32
    %min3A = arith.minsi %jit3A_1, %max3A : i32
    %c0_i32 = arith.constant 0 : i32
    %c0_i32_2 = arith.constant 0 : i32
    return %min3A, %c0_i32 : i32, i32
  }
  func.func @transform_3(%arg0: i32) -> (i32, i32) {
    %sub3A = arith.constant 12 : i32
    %sub3A_0 = arith.subi %arg0, %sub3A : i32
    %jit3A = arith.constant 0 : i32
    %jit3A_1 = arith.constant 5 : i32
    %max3A = arith.maxsi %jit3A, %sub3A_0 : i32
    %min3A = arith.minsi %jit3A_1, %max3A : i32
    %c0_i32 = arith.constant 0 : i32
    %c0_i32_2 = arith.constant 0 : i32
    return %min3A, %c0_i32 : i32, i32
  }
  func.func @transform_4(%arg0: i32) -> (i32, i32) {
    %sub3A = arith.constant 18 : i32
    %sub3A_0 = arith.subi %arg0, %sub3A : i32
    %jit3A = arith.constant 0 : i32
    %jit3A_1 = arith.constant 6 : i32
    %max3A = arith.maxsi %jit3A, %sub3A_0 : i32
    %min3A = arith.minsi %jit3A_1, %max3A : i32
    %c0_i32 = arith.constant 0 : i32
    %c0_i32_2 = arith.constant 0 : i32
    return %min3A, %c0_i32 : i32, i32
  }
  func.func @transform_5(%arg0: i32) -> (i32, i32) {
    %c0_i32 = arith.constant 0 : i32
    %c0_i32_0 = arith.constant 0 : i32
    %c0_i32_1 = arith.constant 0 : i32
    return %c0_i32, %c0_i32_0 : i32, i32
  }
  func.func @transform_6(%arg0: i32) -> (i32, i32) {
    %c0_i32 = arith.constant 0 : i32
    %c0_i32_0 = arith.constant 0 : i32
    %c0_i32_1 = arith.constant 0 : i32
    return %c0_i32, %c0_i32_0 : i32, i32
  }
  func.func @transform_7(%arg0: i32) -> (i32, i32) {
    %c0_i32 = arith.constant 0 : i32
    %c0_i32_0 = arith.constant 0 : i32
    %c0_i32_1 = arith.constant 0 : i32
    return %c0_i32, %c0_i32_0 : i32, i32
  }
  func.func @transform_8(%arg0: i32) -> (i32, i32) {
    %c0_i32 = arith.constant 0 : i32
    %c0_i32_0 = arith.constant 0 : i32
    %c0_i32_1 = arith.constant 0 : i32
    return %c0_i32, %c0_i32_0 : i32, i32
  }
  func.func @transform_9(%arg0: i32) -> (i32, i32) {
    %c0_i32 = arith.constant 0 : i32
    %c0_i32_0 = arith.constant 0 : i32
    %c0_i32_1 = arith.constant 0 : i32
    return %c0_i32, %c0_i32_0 : i32, i32
  }
  func.func @transform_10(%arg0: i32) -> (i32, i32) {
    %c0_i32 = arith.constant 0 : i32
    %c0_i32_0 = arith.constant 0 : i32
    %c0_i32_1 = arith.constant 0 : i32
    return %c0_i32, %c0_i32_0 : i32, i32
  }
  func.func @transform_11(%arg0: i32) -> (i32, i32) {
    %c0_i32 = arith.constant 0 : i32
    %c0_i32_0 = arith.constant 0 : i32
    %c0_i32_1 = arith.constant 0 : i32
    return %c0_i32, %c0_i32_0 : i32, i32
  }
  func.func @transform_12(%arg0: i32) -> (i32, i32) {
    %c0_i32 = arith.constant 0 : i32
    %c0_i32_0 = arith.constant 0 : i32
    %c0_i32_1 = arith.constant 0 : i32
    return %c0_i32, %c0_i32_0 : i32, i32
  }
  func.func @transform_13(%arg0: i32) -> (i32, i32) {
    %c0_i32 = arith.constant 0 : i32
    %c0_i32_0 = arith.constant 0 : i32
    %c0_i32_1 = arith.constant 0 : i32
    return %c0_i32, %c0_i32_0 : i32, i32
  }
  func.func @transform_14(%arg0: i32) -> (i32, i32) {
    %c0_i32 = arith.constant 0 : i32
    %c0_i32_0 = arith.constant 0 : i32
    %c0_i32_1 = arith.constant 0 : i32
    return %c0_i32, %c0_i32_0 : i32, i32
  }
  func.func @transform_15(%arg0: i32) -> (i32, i32) {
    %c0_i32 = arith.constant 0 : i32
    %c0_i32_0 = arith.constant 0 : i32
    %c0_i32_1 = arith.constant 0 : i32
    return %c0_i32, %c0_i32_0 : i32, i32
  }
  func.func @transform_16(%arg0: i32) -> (i32, i32) {
    %c0_i32 = arith.constant 0 : i32
    %c0_i32_0 = arith.constant 0 : i32
    %c0_i32_1 = arith.constant 0 : i32
    return %c0_i32, %c0_i32_0 : i32, i32
  }
}

</mosaic_0001>

<sc_bundles>
// kernel: kernel.10.cloned.1.call-start
scs
__scs_entry_jumppad:
0x0: {  	(pc) =	sbr.rel $0x88, $3  }
0x1: {  	(tag) =	ssettag $0x0;
	lr =	simm.s32 $0x1  }
0x2: {  	[smem:$0x3F94] =	sst lr;
	_ =	strace $0xD0000000  }
0x3: {  	_ = 	snop  }
0x4: {  	_ = 	snop  }
0x5: {  	_ = 	snop  }
0x6: {  	_ = 	snop  }
0x7: {  	_ = 	snop  }
__scs_overlays_trampoline_lowered:
0x8: {  	[smem:$0x3FA3] =	sst s0  }
0x9: {  	[smem:$0x3FA4] =	sst s1  }
0xa: {  	[smem:$0x3FA5] =	sst s2  }
0xb: {  	[smem:$0x3FA6] =	sst s3  }
0xc: {  	[smem:$0x3FA7] =	sst s4  }
0xd: {  	[smem:$0x3FA8] =	sst s5  }
0xe: {  	[smem:$0x3FA9] =	sst s6  }
0xf: {  	[smem:$0x3FAA] =	sst s7  }
0x10: {  	[smem:$0x3FAB] =	sst s8  }
0x11: {  	[smem:$0x3FAC] =	sst s9;
	s0 =	simm.s32 @!p0 $0x0  }
0x12: {  	s1 =	sld [smem:$0x3F92];
	s0 =	simm.s32 @p0 $0x1  }
0x13: {  	[smem:$0x3FAD] =	sst s0;
	s0 =	simm.s32 @!p1 $0x0  }
0x14: {  	s2 =	sld [smem:$0x3F91];
	s0 =	simm.s32 @p1 $0x1  }
0x15: {  	[smem:$0x3FAE] =	sst s0;
	s0 =	simm.s32 @!p2 $0x0  }
0x16: {  	s3 =	sld [smem:$0x3FDB];
	s0 =	simm.s32 @p2 $0x1  }
0x17: {  	s4 =	simm.s32 $0x1BF5;
	[smem:$0x3FB0] =	sst s0  }
0x18: {  	s0 =	sld [smem:$0x3F93];
	_ =	swait.ge [sflag:s4], $0x0  }
0x19: {  	s7 =	sld [smem:$0x3F94]  }
0x1a: {  	s8 =	sadd.s32 $0xFFFFE003, lr  }
0x1b: {  	s9 =	sadd.s32 $0xFFFFFEF7, lr;
	s5 =	simm.s32 $0xFFFFFFFF;
	p2 =	slt.u32 s8, $0xFFFFF086  }
0x1c: {  	p1 =	slt.u32 s9, $0xF7A;
	s5 =	simm.s32 @!p2 $0x0  }
0x1d: {  	s5 =	simm.s32 @p1 $0x1;
	p0 =	seq.s32 s7, s2  }
0x1e: {  	s7 =	smul.u32 @!p0 $0xF7A, s2;
	p2 =	seq.s32 @!p0 s5, $0x0  }
0x1f: {  	s9 =	smul.u32 $0xF7A, s1;
	s8 =	simm.s32 @!p0 $0x1BF5;
	p2 =	por !p2, p0  }
0x20: {  	[sflag:s8] =	ssyncset.s32 @!p0 $0xFFFFF086;
	s6 =	sadd.s32 @!p0 s3, s7;
	s7 =	simm.s32 @!p0 $0x108  }
0x21: {  	s3 =	sadd.s32 s3, s9;
	s6 =	sadd.s32 @!p0 $0x88, s6;
	s7 =	simm.s32 @p2 $0x1082  }
0x22: {  	[simem:s7], [sflag:s8] =	dma.local @!p0 [hbm:s6], $0xF7A  }
0x23: {  	s9 =	sor.u32 $0xD0000000, s2;
	s6 =	simm.s32 $0x108;
	_ =	swait.ge @!p0 [sflag:s8], $0x0  }
0x24: {  	s3 =	sadd.s32 $0x88, s3;
	s6 =	simm.s32 @!p1 $0x1082;
	[sflag:s4] =	ssyncset.s32 $0xFFFFF086  }
0x25: {  	[simem:s6], [sflag:s4] =	dma.local [hbm:s3], $0xF7A  }
0x26: {  	[smem:$0x3F94] =	sst s1;
	(tag) =	ssettag s2;
	_ =	strace s9  }
0x27: {  	s1 =	sld [smem:$0x3FA4]  }
0x28: {  	s2 =	sld [smem:$0x3FA5]  }
0x29: {  	s4 =	sld [smem:$0x3FA7]  }
0x2a: {  	p0 =	seq.s32 s5, $0x0;
	s5 =	sld [smem:$0x3FA8]  }
0x2b: {  	s6 =	sld [smem:$0x3FA9]  }
0x2c: {  	s7 =	sld [smem:$0x3FAA]  }
0x2d: {  	s3 =	simm.s32 $0x108;
	s8 =	sld [smem:$0x3FAB]  }
0x2e: {  	s3 =	simm.s32 @!p0 $0x1082;
	s9 =	sld [smem:$0x3FAC]  }
0x2f: {  	lr =	sadd.s32 s0, s3;
	s0 =	sld [smem:$0x3FA3]  }
0x30: {  	s3 =	sld [smem:$0x3FA6]  }
0x31: {  	[smem:$0x3FAF] =	sst s10  }
0x32: {  	s10 =	sld [smem:$0x3FAD];
	_ =	sdelay $0x3  }
0x33: {  	p0 =	seq.s32 s10, $0x1;
	s10 =	sld [smem:$0x3FAF];
	_ =	sdelay $0x3  }
0x34: {  	[smem:$0x3FAF] =	sst s10  }
0x35: {  	s10 =	sld [smem:$0x3FAE];
	_ =	sdelay $0x3  }
0x36: {  	p1 =	seq.s32 s10, $0x1;
	s10 =	sld [smem:$0x3FAF];
	_ =	sdelay $0x3  }
0x37: {  	[smem:$0x3FAF] =	sst s10  }
0x38: {  	s10 =	sld [smem:$0x3FB0]  }
0x39: {  	_ = 	snop;
	(pc) =	sbr.ind lr, $3  }
0x3a: {  	_ = 	snop  }
0x3b: {  	_ = 	snop  }
0x3c: {  	p2 =	seq.s32 s10, $0x1;
	s10 =	sld [smem:$0x3FAF]  }
0x3d: {  	_ =	shalt  }
0x3e: {  	_ =	shalt  }
0x3f: {  	_ =	shalt  }
0x40: {  	_ =	shalt  }
0x41: {  	_ =	shalt  }
0x42: {  	_ =	shalt  }
0x43: {  	_ =	shalt  }
0x44: {  	_ =	shalt  }
0x45: {  	_ =	shalt  }
0x46: {  	_ =	shalt  }
0x47: {  	_ =	shalt  }
0x48: {  	_ =	shalt  }
0x49: {  	_ =	shalt  }
0x4a: {  	_ =	shalt  }
0x4b: {  	_ =	shalt  }
0x4c: {  	_ =	shalt  }
0x4d: {  	_ =	shalt  }
0x4e: {  	_ =	shalt  }
0x4f: {  	_ =	shalt  }
0x50: {  	_ =	shalt  }
0x51: {  	_ =	shalt  }
0x52: {  	_ =	shalt  }
0x53: {  	_ =	shalt  }
0x54: {  	_ =	shalt  }
0x55: {  	_ =	shalt  }
0x56: {  	_ =	shalt  }
0x57: {  	_ =	shalt  }
0x58: {  	_ =	shalt  }
0x59: {  	_ =	shalt  }
0x5a: {  	_ =	shalt  }
0x5b: {  	_ =	shalt  }
0x5c: {  	_ =	shalt  }
0x5d: {  	_ =	shalt  }
0x5e: {  	_ =	shalt  }
0x5f: {  	_ =	shalt  }
0x60: {  	_ =	shalt  }
0x61: {  	_ =	shalt  }
0x62: {  	_ =	shalt  }
0x63: {  	_ =	shalt  }
0x64: {  	_ =	shalt  }
0x65: {  	_ =	shalt  }
0x66: {  	_ =	shalt  }
0x67: {  	_ =	shalt  }
0x68: {  	_ =	shalt  }
0x69: {  	_ =	shalt  }
0x6a: {  	_ =	shalt  }
0x6b: {  	_ =	shalt  }
0x6c: {  	_ =	shalt  }
0x6d: {  	_ =	shalt  }
0x6e: {  	_ =	shalt  }
0x6f: {  	_ =	shalt  }
0x70: {  	_ =	shalt  }
0x71: {  	_ =	shalt  }
0x72: {  	_ =	shalt  }
0x73: {  	_ =	shalt  }
0x74: {  	_ =	shalt  }
0x75: {  	_ =	shalt  }
0x76: {  	_ =	shalt  }
0x77: {  	_ =	shalt  }
0x78: {  	_ =	shalt  }
0x79: {  	_ =	shalt  }
0x7a: {  	_ =	shalt  }
0x7b: {  	_ =	shalt  }
0x7c: {  	_ =	shalt  }
0x7d: {  	_ =	shalt  }
0x7e: {  	_ =	shalt  }
0x7f: {  	_ =	shalt  }
0x80: {  	_ =	shalt  }
0x81: {  	_ =	shalt  }
0x82: {  	_ =	shalt  }
0x83: {  	_ =	shalt  }
0x84: {  	_ =	shalt  }
0x85: {  	_ =	shalt  }
0x86: {  	_ =	shalt  }
0x87: {  	_ =	shalt  }
.Lfunc_end0:
.L_simem_size_0:
called_computation.1_lowered:
.L_overlay_start_0:
0x88: {  	s2 =	sld [smem:$0x3FD9]  }
0x89: {  	s3 =	sld [smem:$0x3FFE];
	_ =	sdelay $0x1  }
0x8a: {  	s1 =	srdreg.scid  }
0x8b: {  	s0 =	sand.u32 $0x1, s1  }
0x8c: {  	s17 =	sshll.u32 s0, $0xA;
	s2 =	sadd.s32 s3, s2  }
0x8d: {  	s2 =	sadd.s32 s2, s17  }
0x8e: {  	[smem:$0x3FBB] =	sst s2  }
0x8f: {  	_ = 	snop  }
0x90: {  	s2 =	sld [smem:$0x3FC9];
	(tm) =	ssettm $0x1  }
0x91: {  	s18 =	sld [smem:$0x3FFB];
	_ =	sdelay $0x3  }
0x92: {  	_ =	strace s18  }
0x93: {  	s3 =	sld [smem:$0x3FFC];
	_ =	sdelay $0x3  }
0x94: {  	_ =	strace s3  }
0x95: {  	s3 =	sld [smem:$0x3FFD];
	_ =	sdelay $0x3  }
0x96: {  	_ =	strace s3  }
0x97: {  	_ =	strace $0x8FFFFFFF  }
0x98: {  	s19 =	sld [smem:$0x3FDB];
	_ =	sdelay $0x1  }
0x99: {  	s4 =	simm.s32 $_scs_section_size  }
0x9a: {  	s5 =	simm.s32 $_size__tile_overlayer_lowered;
	s6 =	simm.s32 $_tile_overlayer_lowered  }
0x9b: {  	s22 =	simm.s32 $0x1BFF;
	s21 =	sshll.u32 s6, $0x1;
	s3 =	sadd.s32 s4, s19  }
0x9c: {  	s7 =	simm.s32 $0x0;
	s20 =	sshll.u32 s5, $0x1;
	s5 =	sadd.s32 s21, s3  }
0x9d: {  	[timem:s7], [sflag:s22] =	dma.local [hbm:s5], s20  }
0x9e: {  	_ =	swait.ge [sflag:s22], s20  }
0x9f: {  	s4 =	ssub.s32 $0x0, s20;
	[sflag:s22] =	ssyncset.done $0x0  }
0xa0: {  	[sflag:s22] =	ssyncadd.s32 s4;
	_ =	sdelay $0x1  }
0xa1: {  	s23 =	simm.s32 $0x1B8B  }
0xa2: {  	_ =	swait.ge [sflag:s23], $0x1  }
0xa3: {  	[sflag:s23] =	ssyncset.done $0x0  }
0xa4: {  	s25 =	simm.s32 $0x1B8E;
	s24 =	sld [smem:$0x3FFE];
	[sflag:s23] =	ssyncadd.s32 $0xFFFFFFFF  }
0xa5: {  	s26 =	simm.s32 $execute0_lowered;
	[smem:$0x3FD2] =	sst s25  }
0xa6: {  	s5 =	sshll.u32 s26, $0x1;
	_ =	strace $0x80000046;
	[dreg:$0x1] =	wrdreg $0xFFFFFFFF  }
0xa7: {  	s28 =	simm.s32 $_size_execute0_lowered;
	s3 =	sadd.s32 s3, s5;
	[dreg:$0x0] =	wrdreg $0x0  }
0xa8: {  	s5 =	sshll.u32 s28, $0x1;
	[dreg:$0x2] =	wrdreg s3  }
0xa9: {  	[dreg:$0x3] =	wrdreg s5  }
0xaa: {  	[dreg:$0x4] =	wrdreg $0xC0  }
0xab: {  	_ =	task [dreg:s7], $0x5FFFF  }
0xac: {  	[dreg:$0x1] =	wrdreg $0xFFFFFFFF  }
0xad: {  	[dreg:$0x0] =	wrdreg $0x60  }
0xae: {  	[dreg:$0x2] =	wrdreg s24  }
0xaf: {  	[dreg:$0x3] =	wrdreg s2  }
0xb0: {  	[dreg:$0x4] =	wrdreg $0xC000  }
0xb1: {  	[dreg:$0x5] =	wrdreg $0x3C000  }
0xb2: {  	[dreg:$0x6] =	wrdreg $0xA  }
0xb3: {  	_ =	task.clear_ibuf [dreg:s7], $0x7FFFF;
	_ =	strace $0x90000046  }
0xb4: {  	s29 =	simm.s32 $0xA;
	_ =	strace $0x80000048  }
0xb5: {  	_ =	swait.ge [sflag:s29], $0x1  }
0xb6: {  	[sflag:s29] =	ssyncadd.s32 $0xFFFFFFFF  }
0xb7: {  	_ =	strace $0x90000048  }
0xb8: {  	_ =	sfence  }
0xb9: {  	s30 =	sld [smem:$0x0];
	_ =	sdelay $0x2  }
0xba: {  	s31 =	sshll.u32 s1, $0xD;
	s1 =	sshrl.u32 s1, $0x2  }
0xbb: {  	s3 =	sand.u32 $0x4000, s31;
	s1 =	sadd.s32 s1, s30  }
0xbc: {  	s0 =	sor.u32 s3, s0;
	s1 =	sshll.u32 s1, $0x11  }
0xbd: {  	s0 =	sor.u32 s1, s0  }
0xbe: {  	s0 =	sadd.s32 $0x8F2B, s0  }
0xbf: {  	[sflag:s0] =	ssyncadd.remote.s32 $0x1  }
0xc0: {  	_ =	sfence.sel $0xFFFF  }
0xc1: {  	[dreg:$0x0] =	wrdreg $0xFFFFFFFF;
	(pc) =	sbr.abs _section_cstart, $3  }
0xc2: {  	[dreg:$0x1] =	wrdreg $0xFFFFFFFF  }
0xc3: {  	_ =	task.clear_ibuf [dreg:s7], $0x2FFFF;
	_ =	strace $0x9FFFFFFF  }
0xc4: {  	(tm) =	ssettm $0x7FFFFFFF  }
0xc5: {  	_ =	shalt  }
tec
execute0_lowered:
.L_overlay_start_1:
0x0: {  	(tag) =	ssettag $0x1  }
0x1: {  	s4 =	rddreg [dreg:$0x0]  }
0x2: {  	s8 =	rddreg [dreg:$0x1]  }
0x3: {  	s0 =	rddreg [dreg:$0x2];
	s2 =	srdreg.scid  }
0x4: {  	s1 =	rddreg [dreg:$0x3];
	s13 =	stileid.u32;
	s6 =	simm.s32 $0x258  }
0x5: {  	s3 =	simm.s32 $0x0;
	s16 =	simm.s32 $0x80;
	s17 =	simm.s32 $0x1B480  }
0x6: {  	s18 =	simm.s32 $0x1;
	s19 =	simm.s32 $0x1F480;
	s7 =	smul.u32 $0x18, s13  }
0x7: {  	s20 =	simm.s32 $0x2;
	s21 =	simm.s32 $0x1F500;
	s26 =	smul.u32 $0x3000, s13  }
0x8: {  	s22 =	simm.s32 $0x3;
	s23 =	simm.s32 $0x4;
	s9 =	smul.u32 $0x600, s13  }
0x9: {  	s5 =	sand.u32 $0x1, s2;
	s2 =	rddreg [dreg:$0x4];
	s10 =	smul.u32 $0xC000, s13  }
0xa: {  	s24 =	simm.s32 $0x0;
	[smem:$0x7FF] =	sst s3;
	s11 =	smul.u32 $0x4E000, s13  }
0xb: {  	s31 =	smul.u32 $0x2700, s13;
	s15 =	sadd.s32 $0x138000, s1;
	p0 =	seq.s32 s5, $0x0  }
0xc: {  	_ =	strace $0x80000047;
	s5 =	ssub.s32 $0x2, s5;
	s6 =	simm.s32 @!p0 $0x3D8  }
0xd: {  	s28 =	sshrl.u32 s5, $0x1;
	s29 =	sshrl.u32 s10, $0x2;
	s30 =	sshrl.u32 s11, $0x2  }
0xe: {  	s11 =	simm.s32 $0x5;
	s6 =	sadd.s32 s7, s6;
	s7 =	sshrl.u32 s26, $0x3  }
0xf: {  	s14 =	sadd.s32 s30, s1;
	s6 =	sshll.u32 s6, $0x4;
	s7 =	sadd.s32 $0x6000, s7  }
0x10: {  	s14 =	sshrl.u32 s14, $0x3;
	s6 =	sadd.s32 s6, s4;
	s7 =	smov.u32 @p0 s9  }
.Ltmp0:
0x11: {  	s9 =	ssub.s32 s5, s28;
	p0 =	sne.s32 s13, $0x0;
	(pc) =	sbr.rel .LBB2_1-.Ltmp0, $4  }
0x12: {  	s12 =	sadd.s32 s7, s4;
	s4 =	smul.u32 $0x60, s13;
	s5 =	sadd.s32 $0x3200, s6  }
0x13: {  	s6 =	sadd.s32 s29, s0;
	s7 =	sadd.s32 s8, s31;
	s8 =	sadd.s32 $0x27000, s8  }
0x14: {  	s9 =	smax.u32 s9, $0x1;
	s13 =	sshll.u32 s13, $0x6;
	s15 =	sshrl.u32 @!p0 s15, $0x3  }
0x15: {  	v0 =	vimm.f32 $0.0e+00;
	s10 =	sadd.s32 $0xFA00, s12;
	s12 =	simm.s32 $0x17480;
	s13 =	sor.u32 $0x1C05, s13  }
.LBB2_6:
0x16: {  	_ =	swait.ge [sflag:s22], $0x4000  }
0x17: {  	[sflag:s22] =	ssyncset.done $0x0  }
0x18: {  	[sflag:s22] =	ssyncadd.s32 $0xFFFFC000  }
0x19: {  	s24 =	sadd.s32 $0x1, s24;
	_ =	swait.ge [sflag:s23], $0x4000  }
0x1a: {  	p1 =	sne.s32 s24, s9;
	[sflag:s23] =	ssyncset.done $0x0  }
.Ltmp1:
0x1b: {  	s25 =	sshrl.u32 s6, $0x3;
	[sflag:s23] =	ssyncadd.s32 $0xFFFFC000;
	(pc) =	sbr.rel @!p1 .LBB2_7-.Ltmp1, $4  }
0x1c: {  	[hbm:s10], [sflag:s13] =	dma.local [spmem:s25], $0x600  }
0x1d: {  	_ =	swait.ge [sflag:s11], $0x600  }
0x1e: {  	[sflag:s11] =	ssyncset.done $0x0  }
0x1f: {  	[sflag:s11] =	ssyncadd.s32 $0xFFFFFA00  }
.LBB2_1:
0x20: {  	[tilespmem:s3], [sflag:$0x5] =	stream.linear.gather [hbm4b:s5+s3], $0xC00, $0x38;
	[tilespmem:$0x1F580] =	vst v63  }
0x21: {  	_ =	swait.ge [sflag:s11], $0xC00  }
0x22: {  	[sflag:s11] =	ssyncset.done $0x0  }
0x23: {  	s25 =	simm.s32 $0x0;
	s26 =	simm.s32 $0x200;
	[sflag:s11] =	ssyncadd.s32 $0xFFFFF400  }
.LBB2_2:
0x24: {  	p1 =	sne.s32 s26, $0xFE00;
	[tilespmem:s25+$0x174F0] =	vst v0  }
0x25: {  	[tilespmem:s25+$0x17480] =	vst v0  }
0x26: {  	[tilespmem:s25+$0x17490] =	vst v0  }
.Ltmp2:
0x27: {  	[tilespmem:s25+$0x174A0] =	vst v0;
	(pc) =	sbr.rel @p1 .LBB2_2-.Ltmp2, $4  }
0x28: {  	[tilespmem:s25+$0x174B0] =	vst v0  }
0x29: {  	[tilespmem:s25+$0x174C0] =	vst v0  }
0x2a: {  	[tilespmem:s25+$0x174D0] =	vst v0  }
0x2b: {  	[tilespmem:s25+$0x174E0] =	vst v0;
	s25 =	sshra.s32 s26, $0x2;
	s26 =	sadd.s32 $0x200, s26  }
0x2c: {  	[tilespmem:s25+$0x174F0] =	vst v0  }
0x2d: {  	[tilespmem:s25+$0x17480] =	vst v0  }
0x2e: {  	[tilespmem:s25+$0x17490] =	vst v0  }
0x2f: {  	[tilespmem:s25+$0x174A0] =	vst v0  }
0x30: {  	[tilespmem:s25+$0x174B0] =	vst v0  }
0x31: {  	[tilespmem:s25+$0x174C0] =	vst v0  }
0x32: {  	[tilespmem:s25+$0x174D0] =	vst v0  }
0x33: {  	[tilespmem:s25+$0x174E0] =	vst v0  }
0x34: {  	[spmem:s6] =	stream.linear.scatter [tilespmem:s12], [sflag:$0x5], $0x3000, $0x38;
	[tilespmem:$0x1F580] =	vst v63  }
0x35: {  	_ =	swait.ge [sflag:s11], $0x3000  }
0x36: {  	[sflag:s11] =	ssyncset.done $0x0  }
0x37: {  	[sflag:s11] =	ssyncadd.s32 $0xFFFFD000  }
0x38: {  	[spmem:s14], [sflag:s13] =	dma.local [hbm:s7], $0x2700  }
0x39: {  	_ =	swait.ge [sflag:s11], $0x2700  }
0x3a: {  	[sflag:s11] =	ssyncset.done $0x0  }
0x3b: {  	s25 =	simm.s32 @!p0 $0x5;
	[sflag:s11] =	ssyncadd.s32 $0xFFFFD900  }
0x3c: {  	[spmem:s15], [sflag:s13] =	dma.local @!p0 [hbm:s8], $0x100  }
0x3d: {  	_ =	swait.ge @!p0 [sflag:s25], $0x100  }
0x3e: {  	[sflag:s25] =	ssyncset.done @!p0 $0x0  }
0x3f: {  	[sflag:s25] =	ssyncadd.s32 @!p0 $0xFFFFFF00  }
0x40: {  	[bflag:$0x0] =	sbarrier.arrive $0xFFFF  }
0x41: {  	[tilespmem:s12], [sflag:$0x1] =	stream.indirect.gather [spmem:s1], $0x80, s3, s16, $0xb8;
	[tilespmem:$0x1F580] =	vst v63  }
0x42: {  	s26 =	simm.s32 $0x7;
	s25 =	simm.s32 $0x180  }
0x43: {  	[tilespmem:s17], [sflag:$0x2] =	stream.indirect.gather [spmem:s1], $0x80, s16, s16, $0xb8;
	[tilespmem:$0x1F580] =	vst v63  }
.LBB2_4:
0x44: {  	_ =	swait.ge [sflag:s18], $0x4000;
	s28 =	sadd.s32 s4, s26  }
0x45: {  	[sflag:s18] =	ssyncset.done $0x0;
	s29 =	sadd.s32 $0xFFFFFFF9, s28  }
0x46: {  	[sflag:s18] =	ssyncadd.s32 $0xFFFFC000;
	v1 =	vmov s29  }
0x47: {  	s30 =	sadd.s32 $0xFFFFFFFA, s28;
	[tilespmem:$0x1F480] =	vst v1  }
0x48: {  	[tilespmem:$0x1F490] =	vst v1;
	v1 =	vmov s30  }
0x49: {  	s31 =	sadd.s32 $0xFFFFFFFB, s28;
	[tilespmem:$0x1F4A0] =	vst v1  }
0x4a: {  	[tilespmem:$0x1F4B0] =	vst v1;
	v1 =	vmov s31  }
0x4b: {  	s30 =	sadd.s32 $0xFFFFFFFC, s28;
	[tilespmem:$0x1F4C0] =	vst v1  }
0x4c: {  	[tilespmem:$0x1F4D0] =	vst v1;
	v1 =	vmov s30  }
0x4d: {  	[tilespmem:$0x1F4E0] =	vst v1  }
0x4e: {  	[tilespmem:$0x1F4F0] =	vst v1  }
0x4f: {  	[spmem:s0] =	stream.indirect.scatter.add.f32 [tilespmem:s12], [sflag:$0x3], $0x80, s19, s16, $0xb8;
	[tilespmem:$0x1F580] =	vst v63  }
0x50: {  	_ =	swait.ge [sflag:s20], $0x4000  }
0x51: {  	s31 =	sadd.s32 $0xFFFFFFFD, s28;
	[sflag:s20] =	ssyncset.done $0x0  }
0x52: {  	v1 =	vmov s31;
	[sflag:s20] =	ssyncadd.s32 $0xFFFFC000  }
0x53: {  	s30 =	sadd.s32 $0xFFFFFFFE, s28;
	[tilespmem:$0x1F500] =	vst v1  }
0x54: {  	[tilespmem:$0x1F510] =	vst v1;
	v1 =	vmov s30  }
0x55: {  	s31 =	sadd.s32 $0xFFFFFFFF, s28;
	[tilespmem:$0x1F520] =	vst v1  }
0x56: {  	p1 =	seq.s32 s26, $0x5F;
	[tilespmem:$0x1F530] =	vst v1;
	v1 =	vmov s31  }
.Ltmp3:
0x57: {  	[tilespmem:$0x1F540] =	vst v1;
	(pc) =	sbr.rel @p1 .LBB2_6-.Ltmp3, $4  }
0x58: {  	[tilespmem:$0x1F550] =	vst v1;
	v1 =	vmov s28  }
0x59: {  	[tilespmem:$0x1F560] =	vst v1  }
0x5a: {  	[tilespmem:$0x1F570] =	vst v1  }
0x5b: {  	[spmem:s0] =	stream.indirect.scatter.add.f32 [tilespmem:s17], [sflag:$0x4], $0x80, s21, s16, $0xb8;
	[tilespmem:$0x1F580] =	vst v63  }
0x5c: {  	_ =	swait.ge [sflag:s22], $0x4000  }
0x5d: {  	[sflag:s22] =	ssyncset.done $0x0  }
0x5e: {  	s28 =	sadd.s32 $0xFFFFFF80, s25;
	[sflag:s22] =	ssyncadd.s32 $0xFFFFC000  }
0x5f: {  	[tilespmem:s12], [sflag:$0x1] =	stream.indirect.gather [spmem:s1], $0x80, s28, s16, $0xb8;
	[tilespmem:$0x1F580] =	vst v63  }
.Ltmp4:
0x60: {  	_ =	swait.ge [sflag:s23], $0x4000;
	(pc) =	sbr.rel .LBB2_4-.Ltmp4, $4  }
0x61: {  	[sflag:s23] =	ssyncset.done $0x0  }
0x62: {  	[sflag:s23] =	ssyncadd.s32 $0xFFFFC000  }
0x63: {  	[tilespmem:s17], [sflag:$0x2] =	stream.indirect.gather [spmem:s1], $0x80, s25, s16, $0xb8;
	[tilespmem:$0x1F580] =	vst v63  }
0x64: {  	s26 =	sadd.s32 $0x8, s26;
	s25 =	sadd.s32 $0x100, s25  }
.LBB2_7:
0x65: {  	_ =	sfence.sel $0x180000  }
0x66: {  	[bflag:$0x0] =	sbarrier.arrive $0xFFFF  }
0x67: {  	_ =	strace $0x90000047  }
0x68: {  	s0 =	sadd.s32 @!p0 $0x100000, s2;
	[bflag:$0x2] =	sbarrier.arrive $0xFFFF  }
0x69: {  	[sflag:s0] =	ssyncadd.tile.s32 @!p0 $0x1;
	_ =	shalt  }
.Lfunc_end2:
_tile_overlayer_lowered:
.L_overlay_start_2:
0x6a: {  	(tag) =	ssettag $0x2  }
0x6b: {  	s0 =	rddreg [dreg:$0x0];
	s2 =	stileid.u32  }
0x6c: {  	s1 =	rddreg [dreg:$0x1];
	p0 =	sne.s32 s2, $0x0  }
0x6d: {  	s3 =	rddreg [dreg:$0x2];
	[bflag:$0x3] =	sbarrier.arrive $0xFFFF;
	s2 =	simm.s32 @!p0 $0x1C05  }
0x6e: {  	[timem:s3], [sflag:s2] =	dma.local @!p0 [hbm:s0], s1  }
0x6f: {  	s0 =	simm.s32 @!p0 $0x5  }
0x70: {  	_ =	swait.ge @!p0 [sflag:s0], s1  }
0x71: {  	s1 =	ssub.s32 @!p0 $0x0, s1;
	[sflag:s0] =	ssyncset.done @!p0 $0x0  }
0x72: {  	[sflag:s0] =	ssyncadd.s32 @!p0 s1  }
0x73: {  	[bflag:$0x3] =	sbarrier.arrive $0xFFFF  }
0x74: {  	_ =	shalt  }

// kernel: kernel.13.cloned.1.call-start
scs
__scs_entry_jumppad:
0x0: {  	(pc) =	sbr.rel $0x88, $3  }
0x1: {  	(tag) =	ssettag $0x0;
	lr =	simm.s32 $0x1  }
0x2: {  	[smem:$0x3F94] =	sst lr;
	_ =	strace $0xD0000000  }
0x3: {  	_ = 	snop  }
0x4: {  	_ = 	snop  }
0x5: {  	_ = 	snop  }
0x6: {  	_ = 	snop  }
0x7: {  	_ = 	snop  }
__scs_overlays_trampoline_lowered:
0x8: {  	[smem:$0x3FA3] =	sst s0  }
0x9: {  	[smem:$0x3FA4] =	sst s1  }
0xa: {  	[smem:$0x3FA5] =	sst s2  }
0xb: {  	[smem:$0x3FA6] =	sst s3  }
0xc: {  	[smem:$0x3FA7] =	sst s4  }
0xd: {  	[smem:$0x3FA8] =	sst s5  }
0xe: {  	[smem:$0x3FA9] =	sst s6  }
0xf: {  	[smem:$0x3FAA] =	sst s7  }
0x10: {  	[smem:$0x3FAB] =	sst s8  }
0x11: {  	[smem:$0x3FAC] =	sst s9;
	s0 =	simm.s32 @!p0 $0x0  }
0x12: {  	s1 =	sld [smem:$0x3F92];
	s0 =	simm.s32 @p0 $0x1  }
0x13: {  	[smem:$0x3FAD] =	sst s0;
	s0 =	simm.s32 @!p1 $0x0  }
0x14: {  	s2 =	sld [smem:$0x3F91];
	s0 =	simm.s32 @p1 $0x1  }
0x15: {  	[smem:$0x3FAE] =	sst s0;
	s0 =	simm.s32 @!p2 $0x0  }
0x16: {  	s3 =	sld [smem:$0x3FDB];
	s0 =	simm.s32 @p2 $0x1  }
0x17: {  	s4 =	simm.s32 $0x1BF5;
	[smem:$0x3FB0] =	sst s0  }
0x18: {  	s0 =	sld [smem:$0x3F93];
	_ =	swait.ge [sflag:s4], $0x0  }
0x19: {  	s7 =	sld [smem:$0x3F94]  }
0x1a: {  	s8 =	sadd.s32 $0xFFFFE003, lr  }
0x1b: {  	s9 =	sadd.s32 $0xFFFFFEF7, lr;
	s5 =	simm.s32 $0xFFFFFFFF;
	p2 =	slt.u32 s8, $0xFFFFF086  }
0x1c: {  	p1 =	slt.u32 s9, $0xF7A;
	s5 =	simm.s32 @!p2 $0x0  }
0x1d: {  	s5 =	simm.s32 @p1 $0x1;
	p0 =	seq.s32 s7, s2  }
0x1e: {  	s7 =	smul.u32 @!p0 $0xF7A, s2;
	p2 =	seq.s32 @!p0 s5, $0x0  }
0x1f: {  	s9 =	smul.u32 $0xF7A, s1;
	s8 =	simm.s32 @!p0 $0x1BF5;
	p2 =	por !p2, p0  }
0x20: {  	[sflag:s8] =	ssyncset.s32 @!p0 $0xFFFFF086;
	s6 =	sadd.s32 @!p0 s3, s7;
	s7 =	simm.s32 @!p0 $0x108  }
0x21: {  	s3 =	sadd.s32 s3, s9;
	s6 =	sadd.s32 @!p0 $0x88, s6;
	s7 =	simm.s32 @p2 $0x1082  }
0x22: {  	[simem:s7], [sflag:s8] =	dma.local @!p0 [hbm:s6], $0xF7A  }
0x23: {  	s9 =	sor.u32 $0xD0000000, s2;
	s6 =	simm.s32 $0x108;
	_ =	swait.ge @!p0 [sflag:s8], $0x0  }
0x24: {  	s3 =	sadd.s32 $0x88, s3;
	s6 =	simm.s32 @!p1 $0x1082;
	[sflag:s4] =	ssyncset.s32 $0xFFFFF086  }
0x25: {  	[simem:s6], [sflag:s4] =	dma.local [hbm:s3], $0xF7A  }
0x26: {  	[smem:$0x3F94] =	sst s1;
	(tag) =	ssettag s2;
	_ =	strace s9  }
0x27: {  	s1 =	sld [smem:$0x3FA4]  }
0x28: {  	s2 =	sld [smem:$0x3FA5]  }
0x29: {  	s4 =	sld [smem:$0x3FA7]  }
0x2a: {  	p0 =	seq.s32 s5, $0x0;
	s5 =	sld [smem:$0x3FA8]  }
0x2b: {  	s6 =	sld [smem:$0x3FA9]  }
0x2c: {  	s7 =	sld [smem:$0x3FAA]  }
0x2d: {  	s3 =	simm.s32 $0x108;
	s8 =	sld [smem:$0x3FAB]  }
0x2e: {  	s3 =	simm.s32 @!p0 $0x1082;
	s9 =	sld [smem:$0x3FAC]  }
0x2f: {  	lr =	sadd.s32 s0, s3;
	s0 =	sld [smem:$0x3FA3]  }
0x30: {  	s3 =	sld [smem:$0x3FA6]  }
0x31: {  	[smem:$0x3FAF] =	sst s10  }
0x32: {  	s10 =	sld [smem:$0x3FAD];
	_ =	sdelay $0x3  }
0x33: {  	p0 =	seq.s32 s10, $0x1;
	s10 =	sld [smem:$0x3FAF];
	_ =	sdelay $0x3  }
0x34: {  	[smem:$0x3FAF] =	sst s10  }
0x35: {  	s10 =	sld [smem:$0x3FAE];
	_ =	sdelay $0x3  }
0x36: {  	p1 =	seq.s32 s10, $0x1;
	s10 =	sld [smem:$0x3FAF];
	_ =	sdelay $0x3  }
0x37: {  	[smem:$0x3FAF] =	sst s10  }
0x38: {  	s10 =	sld [smem:$0x3FB0]  }
0x39: {  	_ = 	snop;
	(pc) =	sbr.ind lr, $3  }
0x3a: {  	_ = 	snop  }
0x3b: {  	_ = 	snop  }
0x3c: {  	p2 =	seq.s32 s10, $0x1;
	s10 =	sld [smem:$0x3FAF]  }
0x3d: {  	_ =	shalt  }
0x3e: {  	_ =	shalt  }
0x3f: {  	_ =	shalt  }
0x40: {  	_ =	shalt  }
0x41: {  	_ =	shalt  }
0x42: {  	_ =	shalt  }
0x43: {  	_ =	shalt  }
0x44: {  	_ =	shalt  }
0x45: {  	_ =	shalt  }
0x46: {  	_ =	shalt  }
0x47: {  	_ =	shalt  }
0x48: {  	_ =	shalt  }
0x49: {  	_ =	shalt  }
0x4a: {  	_ =	shalt  }
0x4b: {  	_ =	shalt  }
0x4c: {  	_ =	shalt  }
0x4d: {  	_ =	shalt  }
0x4e: {  	_ =	shalt  }
0x4f: {  	_ =	shalt  }
0x50: {  	_ =	shalt  }
0x51: {  	_ =	shalt  }
0x52: {  	_ =	shalt  }
0x53: {  	_ =	shalt  }
0x54: {  	_ =	shalt  }
0x55: {  	_ =	shalt  }
0x56: {  	_ =	shalt  }
0x57: {  	_ =	shalt  }
0x58: {  	_ =	shalt  }
0x59: {  	_ =	shalt  }
0x5a: {  	_ =	shalt  }
0x5b: {  	_ =	shalt  }
0x5c: {  	_ =	shalt  }
0x5d: {  	_ =	shalt  }
0x5e: {  	_ =	shalt  }
0x5f: {  	_ =	shalt  }
0x60: {  	_ =	shalt  }
0x61: {  	_ =	shalt  }
0x62: {  	_ =	shalt  }
0x63: {  	_ =	shalt  }
0x64: {  	_ =	shalt  }
0x65: {  	_ =	shalt  }
0x66: {  	_ =	shalt  }
0x67: {  	_ =	shalt  }
0x68: {  	_ =	shalt  }
0x69: {  	_ =	shalt  }
0x6a: {  	_ =	shalt  }
0x6b: {  	_ =	shalt  }
0x6c: {  	_ =	shalt  }
0x6d: {  	_ =	shalt  }
0x6e: {  	_ =	shalt  }
0x6f: {  	_ =	shalt  }
0x70: {  	_ =	shalt  }
0x71: {  	_ =	shalt  }
0x72: {  	_ =	shalt  }
0x73: {  	_ =	shalt  }
0x74: {  	_ =	shalt  }
0x75: {  	_ =	shalt  }
0x76: {  	_ =	shalt  }
0x77: {  	_ =	shalt  }
0x78: {  	_ =	shalt  }
0x79: {  	_ =	shalt  }
0x7a: {  	_ =	shalt  }
0x7b: {  	_ =	shalt  }
0x7c: {  	_ =	shalt  }
0x7d: {  	_ =	shalt  }
0x7e: {  	_ =	shalt  }
0x7f: {  	_ =	shalt  }
0x80: {  	_ =	shalt  }
0x81: {  	_ =	shalt  }
0x82: {  	_ =	shalt  }
0x83: {  	_ =	shalt  }
0x84: {  	_ =	shalt  }
0x85: {  	_ =	shalt  }
0x86: {  	_ =	shalt  }
0x87: {  	_ =	shalt  }
.Lfunc_end0:
.L_simem_size_0:
called_computation.2_lowered:
.L_overlay_start_0:
0x88: {  	s2 =	sld [smem:$0x3FD9]  }
0x89: {  	s3 =	sld [smem:$0x3FFE];
	_ =	sdelay $0x1  }
0x8a: {  	s1 =	srdreg.scid  }
0x8b: {  	s0 =	sand.u32 $0x1, s1  }
0x8c: {  	s17 =	sshll.u32 s0, $0xA;
	s2 =	sadd.s32 s3, s2  }
0x8d: {  	s2 =	sadd.s32 s2, s17  }
0x8e: {  	[smem:$0x3FBB] =	sst s2  }
0x8f: {  	_ = 	snop  }
0x90: {  	s18 =	sld [smem:$0x3FC9];
	(tm) =	ssettm $0x1  }
0x91: {  	s19 =	sld [smem:$0x3FFB];
	_ =	sdelay $0x3  }
0x92: {  	_ =	strace s19  }
0x93: {  	s2 =	sld [smem:$0x3FFC];
	_ =	sdelay $0x3  }
0x94: {  	_ =	strace s2  }
0x95: {  	s2 =	sld [smem:$0x3FFD];
	_ =	sdelay $0x3  }
0x96: {  	_ =	strace s2  }
0x97: {  	_ =	strace $0x8FFFFFFF  }
0x98: {  	s20 =	sld [smem:$0x3FDB];
	_ =	sdelay $0x1  }
0x99: {  	s4 =	simm.s32 $_scs_section_size  }
0x9a: {  	s5 =	simm.s32 $_size__tile_overlayer_lowered;
	s6 =	simm.s32 $_tile_overlayer_lowered  }
0x9b: {  	s7 =	simm.s32 $0x1BFF;
	s21 =	sshll.u32 s6, $0x1;
	s4 =	sadd.s32 s4, s20  }
0x9c: {  	s22 =	simm.s32 $0x0;
	s5 =	sshll.u32 s5, $0x1;
	s6 =	sadd.s32 s21, s4  }
0x9d: {  	[timem:s22], [sflag:s7] =	dma.local [hbm:s6], s5  }
0x9e: {  	_ =	swait.ge [sflag:s7], s5  }
0x9f: {  	s5 =	ssub.s32 $0x0, s5;
	[sflag:s7] =	ssyncset.done $0x0  }
0xa0: {  	[sflag:s7] =	ssyncadd.s32 s5;
	_ =	sdelay $0x1  }
0xa1: {  	s23 =	simm.s32 $0x1B8B  }
0xa2: {  	_ =	swait.ge [sflag:s23], $0x1  }
0xa3: {  	[sflag:s23] =	ssyncset.done $0x0  }
0xa4: {  	[sflag:s23] =	ssyncadd.s32 $0xFFFFFFFF  }
0xa5: {  	s5 =	sld [smem:$0x0]  }
0xa6: {  	s6 =	sand.u32 $0xFFFFFFFE, s1  }
0xa7: {  	p0 =	sne.s32 s1, s6  }
0xa8: {  	s6 =	sshll.u32 @p0 s6, $0xE  }
0xa9: {  	s6 =	sadd.s32 @p0 $0x11B8D, s6;
	s7 =	sshll.u32 @p0 s5, $0x11  }
0xaa: {  	s6 =	sor.u32 @p0 s7, s6  }
0xab: {  	[sflag:s6] =	ssyncadd.remote.s32 @p0 $0x1;
	_ =	sdelay $0x1  }
0xac: {  	s6 =	simm.s32 @p0 $0x1B8D  }
0xad: {  	_ =	swait.eq @p0 [sflag:s6], $0x1  }
0xae: {  	[sflag:s6] =	ssyncadd.s32 @p0 $0xFFFFFFFF  }
0xaf: {  	s7 =	sshll.u32 @!p0 s1, $0xE  }
0xb0: {  	s7 =	sor.u32 @!p0 $0x4000, s7;
	s6 =	simm.s32 @!p0 $0x1B8D  }
0xb1: {  	s5 =	sshll.u32 @!p0 s5, $0x11;
	s7 =	sadd.s32 @!p0 $0x11B8D, s7;
	_ =	swait.eq @!p0 [sflag:s6], $0x1  }
0xb2: {  	s5 =	sor.u32 @!p0 s5, s7;
	[sflag:s6] =	ssyncadd.s32 @!p0 $0xFFFFFFFF  }
0xb3: {  	s25 =	simm.s32 $0x1B8E;
	s24 =	sld [smem:$0x3FFE];
	[sflag:s5] =	ssyncadd.remote.s32 @!p0 $0x1  }
0xb4: {  	s26 =	simm.s32 $execute0_lowered;
	[smem:$0x3FD2] =	sst s25  }
0xb5: {  	s6 =	sshll.u32 s26, $0x1;
	_ =	strace $0x80000049;
	[dreg:$0x1] =	wrdreg $0xFFFFFFFF  }
0xb6: {  	s28 =	simm.s32 $_size_execute0_lowered;
	s4 =	sadd.s32 s4, s6;
	[dreg:$0x0] =	wrdreg $0x0  }
0xb7: {  	s6 =	sshll.u32 s28, $0x1;
	[dreg:$0x2] =	wrdreg s4  }
0xb8: {  	[dreg:$0x3] =	wrdreg s6  }
0xb9: {  	[dreg:$0x4] =	wrdreg $0xC0  }
0xba: {  	_ =	task [dreg:s22], $0x5FFFF  }
0xbb: {  	[dreg:$0x1] =	wrdreg $0xFFFFFFFF  }
0xbc: {  	[dreg:$0x0] =	wrdreg $0x60  }
0xbd: {  	[dreg:$0x2] =	wrdreg s24  }
0xbe: {  	[dreg:$0x3] =	wrdreg s18  }
0xbf: {  	[dreg:$0x4] =	wrdreg $0xC000  }
0xc0: {  	[dreg:$0x5] =	wrdreg $0x3C000  }
0xc1: {  	[dreg:$0x6] =	wrdreg $0xB  }
0xc2: {  	_ =	task.clear_ibuf [dreg:s22], $0x7FFFF;
	_ =	strace $0x90000049  }
0xc3: {  	s29 =	simm.s32 $0xB;
	_ =	strace $0x8000004B  }
0xc4: {  	_ =	swait.ge [sflag:s29], $0x1  }
0xc5: {  	[sflag:s29] =	ssyncadd.s32 $0xFFFFFFFF  }
0xc6: {  	_ =	strace $0x9000004B  }
0xc7: {  	_ =	sfence  }
0xc8: {  	s30 =	sld [smem:$0x0];
	_ =	sdelay $0x2  }
0xc9: {  	s31 =	sshll.u32 s1, $0xD;
	s1 =	sshrl.u32 s1, $0x2  }
0xca: {  	s4 =	sand.u32 $0x4000, s31;
	s1 =	sadd.s32 s1, s30  }
0xcb: {  	s0 =	sor.u32 s4, s0;
	s1 =	sshll.u32 s1, $0x11  }
0xcc: {  	s0 =	sor.u32 s1, s0  }
0xcd: {  	s0 =	sadd.s32 $0x8F2B, s0  }
0xce: {  	[sflag:s0] =	ssyncadd.remote.s32 $0x1  }
0xcf: {  	_ =	sfence.sel $0xFFFF  }
0xd0: {  	[dreg:$0x0] =	wrdreg $0xFFFFFFFF;
	(pc) =	sbr.abs _section_cstart, $3  }
0xd1: {  	[dreg:$0x1] =	wrdreg $0xFFFFFFFF  }
0xd2: {  	_ =	task.clear_ibuf [dreg:s22], $0x2FFFF;
	_ =	strace $0x9FFFFFFF  }
0xd3: {  	(tm) =	ssettm $0x7FFFFFFF  }
tec
execute0_lowered:
.L_overlay_start_1:
0x0: {  	(tag) =	ssettag $0x1  }
0x1: {  	s4 =	rddreg [dreg:$0x0]  }
0x2: {  	s8 =	rddreg [dreg:$0x1]  }
0x3: {  	s0 =	rddreg [dreg:$0x2];
	s2 =	srdreg.scid  }
0x4: {  	s1 =	rddreg [dreg:$0x3];
	s13 =	stileid.u32;
	s6 =	simm.s32 $0x4B0  }
0x5: {  	s3 =	simm.s32 $0x0;
	s16 =	simm.s32 $0x80;
	s17 =	simm.s32 $0x1B480  }
0x6: {  	s18 =	simm.s32 $0x1;
	s19 =	simm.s32 $0x1F480;
	s7 =	smul.u32 $0x18, s13  }
0x7: {  	s20 =	simm.s32 $0x2;
	s21 =	simm.s32 $0x1F500;
	s26 =	smul.u32 $0x3000, s13  }
0x8: {  	s22 =	simm.s32 $0x3;
	s23 =	simm.s32 $0x4;
	s9 =	smul.u32 $0x600, s13  }
0x9: {  	s5 =	sand.u32 $0x1, s2;
	s2 =	rddreg [dreg:$0x4];
	s10 =	smul.u32 $0xC000, s13  }
0xa: {  	s24 =	simm.s32 $0x0;
	[smem:$0x7FF] =	sst s3;
	s11 =	smul.u32 $0x4E000, s13  }
0xb: {  	s31 =	smul.u32 $0x2700, s13;
	s15 =	sadd.s32 $0x138000, s1;
	p0 =	seq.s32 s5, $0x0  }
0xc: {  	_ =	strace $0x8000004A;
	s5 =	ssub.s32 $0x2, s5;
	s6 =	simm.s32 @!p0 $0x630  }
0xd: {  	s28 =	sshrl.u32 s5, $0x1;
	s29 =	sshrl.u32 s10, $0x2;
	s30 =	sshrl.u32 s11, $0x2  }
0xe: {  	s11 =	simm.s32 $0x5;
	s6 =	sadd.s32 s7, s6;
	s7 =	sshrl.u32 s26, $0x3  }
0xf: {  	s14 =	sadd.s32 s30, s1;
	s6 =	sshll.u32 s6, $0x4;
	s7 =	sadd.s32 $0x6000, s7  }
0x10: {  	s14 =	sshrl.u32 s14, $0x3;
	s6 =	sadd.s32 s6, s4;
	s7 =	smov.u32 @p0 s9  }
.Ltmp0:
0x11: {  	s9 =	ssub.s32 s5, s28;
	p0 =	sne.s32 s13, $0x0;
	(pc) =	sbr.rel .LBB2_1-.Ltmp0, $4  }
0x12: {  	s12 =	sadd.s32 s7, s4;
	s4 =	smul.u32 $0x60, s13;
	s5 =	sadd.s32 $0x3200, s6  }
0x13: {  	s6 =	sadd.s32 s29, s0;
	s7 =	sadd.s32 s8, s31;
	s8 =	sadd.s32 $0x27000, s8  }
0x14: {  	s9 =	smax.u32 s9, $0x1;
	s13 =	sshll.u32 s13, $0x6;
	s15 =	sshrl.u32 @!p0 s15, $0x3  }
0x15: {  	v0 =	vimm.f32 $0.0e+00;
	s10 =	sadd.s32 $0x1BA00, s12;
	s12 =	simm.s32 $0x17480;
	s13 =	sor.u32 $0x1C05, s13  }
.LBB2_6:
0x16: {  	_ =	swait.ge [sflag:s22], $0x4000  }
0x17: {  	[sflag:s22] =	ssyncset.done $0x0  }
0x18: {  	[sflag:s22] =	ssyncadd.s32 $0xFFFFC000  }
0x19: {  	s24 =	sadd.s32 $0x1, s24;
	_ =	swait.ge [sflag:s23], $0x4000  }
0x1a: {  	p1 =	sne.s32 s24, s9;
	[sflag:s23] =	ssyncset.done $0x0  }
.Ltmp1:
0x1b: {  	s25 =	sshrl.u32 s6, $0x3;
	[sflag:s23] =	ssyncadd.s32 $0xFFFFC000;
	(pc) =	sbr.rel @!p1 .LBB2_7-.Ltmp1, $4  }
0x1c: {  	[hbm:s10], [sflag:s13] =	dma.local [spmem:s25], $0x600  }
0x1d: {  	_ =	swait.ge [sflag:s11], $0x600  }
0x1e: {  	[sflag:s11] =	ssyncset.done $0x0  }
0x1f: {  	[sflag:s11] =	ssyncadd.s32 $0xFFFFFA00  }
.LBB2_1:
0x20: {  	[tilespmem:s3], [sflag:$0x5] =	stream.linear.gather [hbm4b:s5+s3], $0xC00, $0x38;
	[tilespmem:$0x1F580] =	vst v63  }
0x21: {  	_ =	swait.ge [sflag:s11], $0xC00  }
0x22: {  	[sflag:s11] =	ssyncset.done $0x0  }
0x23: {  	s25 =	simm.s32 $0x0;
	s26 =	simm.s32 $0x200;
	[sflag:s11] =	ssyncadd.s32 $0xFFFFF400  }
.LBB2_2:
0x24: {  	p1 =	sne.s32 s26, $0xFE00;
	[tilespmem:s25+$0x174F0] =	vst v0  }
0x25: {  	[tilespmem:s25+$0x17480] =	vst v0  }
0x26: {  	[tilespmem:s25+$0x17490] =	vst v0  }
.Ltmp2:
0x27: {  	[tilespmem:s25+$0x174A0] =	vst v0;
	(pc) =	sbr.rel @p1 .LBB2_2-.Ltmp2, $4  }
0x28: {  	[tilespmem:s25+$0x174B0] =	vst v0  }
0x29: {  	[tilespmem:s25+$0x174C0] =	vst v0  }
0x2a: {  	[tilespmem:s25+$0x174D0] =	vst v0  }
0x2b: {  	[tilespmem:s25+$0x174E0] =	vst v0;
	s25 =	sshra.s32 s26, $0x2;
	s26 =	sadd.s32 $0x200, s26  }
0x2c: {  	[tilespmem:s25+$0x174F0] =	vst v0  }
0x2d: {  	[tilespmem:s25+$0x17480] =	vst v0  }
0x2e: {  	[tilespmem:s25+$0x17490] =	vst v0  }
0x2f: {  	[tilespmem:s25+$0x174A0] =	vst v0  }
0x30: {  	[tilespmem:s25+$0x174B0] =	vst v0  }
0x31: {  	[tilespmem:s25+$0x174C0] =	vst v0  }
0x32: {  	[tilespmem:s25+$0x174D0] =	vst v0  }
0x33: {  	[tilespmem:s25+$0x174E0] =	vst v0  }
0x34: {  	[spmem:s6] =	stream.linear.scatter [tilespmem:s12], [sflag:$0x5], $0x3000, $0x38;
	[tilespmem:$0x1F580] =	vst v63  }
0x35: {  	_ =	swait.ge [sflag:s11], $0x3000  }
0x36: {  	[sflag:s11] =	ssyncset.done $0x0  }
0x37: {  	[sflag:s11] =	ssyncadd.s32 $0xFFFFD000  }
0x38: {  	[spmem:s14], [sflag:s13] =	dma.local [hbm:s7], $0x2700  }
0x39: {  	_ =	swait.ge [sflag:s11], $0x2700  }
0x3a: {  	[sflag:s11] =	ssyncset.done $0x0  }
0x3b: {  	s25 =	simm.s32 @!p0 $0x5;
	[sflag:s11] =	ssyncadd.s32 $0xFFFFD900  }
0x3c: {  	[spmem:s15], [sflag:s13] =	dma.local @!p0 [hbm:s8], $0x100  }
0x3d: {  	_ =	swait.ge @!p0 [sflag:s25], $0x100  }
0x3e: {  	[sflag:s25] =	ssyncset.done @!p0 $0x0  }
0x3f: {  	[sflag:s25] =	ssyncadd.s32 @!p0 $0xFFFFFF00  }
0x40: {  	[bflag:$0x0] =	sbarrier.arrive $0xFFFF  }
0x41: {  	[tilespmem:s12], [sflag:$0x1] =	stream.indirect.gather [spmem:s1], $0x80, s3, s16, $0xb8;
	[tilespmem:$0x1F580] =	vst v63  }
0x42: {  	s26 =	simm.s32 $0x7;
	s25 =	simm.s32 $0x180  }
0x43: {  	[tilespmem:s17], [sflag:$0x2] =	stream.indirect.gather [spmem:s1], $0x80, s16, s16, $0xb8;
	[tilespmem:$0x1F580] =	vst v63  }
.LBB2_4:
0x44: {  	_ =	swait.ge [sflag:s18], $0x4000;
	s28 =	sadd.s32 s4, s26  }
0x45: {  	[sflag:s18] =	ssyncset.done $0x0;
	s29 =	sadd.s32 $0xFFFFFFF9, s28  }
0x46: {  	[sflag:s18] =	ssyncadd.s32 $0xFFFFC000;
	v1 =	vmov s29  }
0x47: {  	s30 =	sadd.s32 $0xFFFFFFFA, s28;
	[tilespmem:$0x1F480] =	vst v1  }
0x48: {  	[tilespmem:$0x1F490] =	vst v1;
	v1 =	vmov s30  }
0x49: {  	s31 =	sadd.s32 $0xFFFFFFFB, s28;
	[tilespmem:$0x1F4A0] =	vst v1  }
0x4a: {  	[tilespmem:$0x1F4B0] =	vst v1;
	v1 =	vmov s31  }
0x4b: {  	s30 =	sadd.s32 $0xFFFFFFFC, s28;
	[tilespmem:$0x1F4C0] =	vst v1  }
0x4c: {  	[tilespmem:$0x1F4D0] =	vst v1;
	v1 =	vmov s30  }
0x4d: {  	[tilespmem:$0x1F4E0] =	vst v1  }
0x4e: {  	[tilespmem:$0x1F4F0] =	vst v1  }
0x4f: {  	[spmem:s0] =	stream.indirect.scatter.add.f32 [tilespmem:s12], [sflag:$0x3], $0x80, s19, s16, $0xb8;
	[tilespmem:$0x1F580] =	vst v63  }
0x50: {  	_ =	swait.ge [sflag:s20], $0x4000  }
0x51: {  	s31 =	sadd.s32 $0xFFFFFFFD, s28;
	[sflag:s20] =	ssyncset.done $0x0  }
0x52: {  	v1 =	vmov s31;
	[sflag:s20] =	ssyncadd.s32 $0xFFFFC000  }
0x53: {  	s30 =	sadd.s32 $0xFFFFFFFE, s28;
	[tilespmem:$0x1F500] =	vst v1  }
0x54: {  	[tilespmem:$0x1F510] =	vst v1;
	v1 =	vmov s30  }
0x55: {  	s31 =	sadd.s32 $0xFFFFFFFF, s28;
	[tilespmem:$0x1F520] =	vst v1  }
0x56: {  	p1 =	seq.s32 s26, $0x5F;
	[tilespmem:$0x1F530] =	vst v1;
	v1 =	vmov s31  }
.Ltmp3:
0x57: {  	[tilespmem:$0x1F540] =	vst v1;
	(pc) =	sbr.rel @p1 .LBB2_6-.Ltmp3, $4  }
0x58: {  	[tilespmem:$0x1F550] =	vst v1;
	v1 =	vmov s28  }
0x59: {  	[tilespmem:$0x1F560] =	vst v1  }
0x5a: {  	[tilespmem:$0x1F570] =	vst v1  }
0x5b: {  	[spmem:s0] =	stream.indirect.scatter.add.f32 [tilespmem:s17], [sflag:$0x4], $0x80, s21, s16, $0xb8;
	[tilespmem:$0x1F580] =	vst v63  }
0x5c: {  	_ =	swait.ge [sflag:s22], $0x4000  }
0x5d: {  	[sflag:s22] =	ssyncset.done $0x0  }
0x5e: {  	s28 =	sadd.s32 $0xFFFFFF80, s25;
	[sflag:s22] =	ssyncadd.s32 $0xFFFFC000  }
0x5f: {  	[tilespmem:s12], [sflag:$0x1] =	stream.indirect.gather [spmem:s1], $0x80, s28, s16, $0xb8;
	[tilespmem:$0x1F580] =	vst v63  }
.Ltmp4:
0x60: {  	_ =	swait.ge [sflag:s23], $0x4000;
	(pc) =	sbr.rel .LBB2_4-.Ltmp4, $4  }
0x61: {  	[sflag:s23] =	ssyncset.done $0x0  }
0x62: {  	[sflag:s23] =	ssyncadd.s32 $0xFFFFC000  }
0x63: {  	[tilespmem:s17], [sflag:$0x2] =	stream.indirect.gather [spmem:s1], $0x80, s25, s16, $0xb8;
	[tilespmem:$0x1F580] =	vst v63  }
0x64: {  	s26 =	sadd.s32 $0x8, s26;
	s25 =	sadd.s32 $0x100, s25  }
.LBB2_7:
0x65: {  	_ =	sfence.sel $0x180000  }
0x66: {  	[bflag:$0x0] =	sbarrier.arrive $0xFFFF  }
0x67: {  	_ =	strace $0x9000004A  }
0x68: {  	s0 =	sadd.s32 @!p0 $0x100000, s2;
	[bflag:$0x2] =	sbarrier.arrive $0xFFFF  }
0x69: {  	[sflag:s0] =	ssyncadd.tile.s32 @!p0 $0x1;
	_ =	shalt  }
.Lfunc_end2:
_tile_overlayer_lowered:
.L_overlay_start_2:
0x6a: {  	(tag) =	ssettag $0x2  }
0x6b: {  	s0 =	rddreg [dreg:$0x0];
	s2 =	stileid.u32  }
0x6c: {  	s1 =	rddreg [dreg:$0x1];
	p0 =	sne.s32 s2, $0x0  }
0x6d: {  	s3 =	rddreg [dreg:$0x2];
	[bflag:$0x3] =	sbarrier.arrive $0xFFFF;
	s2 =	simm.s32 @!p0 $0x1C05  }
0x6e: {  	[timem:s3], [sflag:s2] =	dma.local @!p0 [hbm:s0], s1  }
0x6f: {  	s0 =	simm.s32 @!p0 $0x5  }
0x70: {  	_ =	swait.ge @!p0 [sflag:s0], s1  }
0x71: {  	s1 =	ssub.s32 @!p0 $0x0, s1;
	[sflag:s0] =	ssyncset.done @!p0 $0x0  }
0x72: {  	[sflag:s0] =	ssyncadd.s32 @!p0 s1  }
0x73: {  	[bflag:$0x3] =	sbarrier.arrive $0xFFFF  }
0x74: {  	_ =	shalt  }

// kernel: kernel.16.cloned.1.call-start
scs
__scs_entry_jumppad:
0x0: {  	(pc) =	sbr.rel $0x88, $3  }
0x1: {  	(tag) =	ssettag $0x0;
	lr =	simm.s32 $0x1  }
0x2: {  	[smem:$0x3F94] =	sst lr;
	_ =	strace $0xD0000000  }
0x3: {  	_ = 	snop  }
0x4: {  	_ = 	snop  }
0x5: {  	_ = 	snop  }
0x6: {  	_ = 	snop  }
0x7: {  	_ = 	snop  }
__scs_overlays_trampoline_lowered:
0x8: {  	[smem:$0x3FA3] =	sst s0  }
0x9: {  	[smem:$0x3FA4] =	sst s1  }
0xa: {  	[smem:$0x3FA5] =	sst s2  }
0xb: {  	[smem:$0x3FA6] =	sst s3  }
0xc: {  	[smem:$0x3FA7] =	sst s4  }
0xd: {  	[smem:$0x3FA8] =	sst s5  }
0xe: {  	[smem:$0x3FA9] =	sst s6  }
0xf: {  	[smem:$0x3FAA] =	sst s7  }
0x10: {  	[smem:$0x3FAB] =	sst s8  }
0x11: {  	[smem:$0x3FAC] =	sst s9;
	s0 =	simm.s32 @!p0 $0x0  }
0x12: {  	s1 =	sld [smem:$0x3F92];
	s0 =	simm.s32 @p0 $0x1  }
0x13: {  	[smem:$0x3FAD] =	sst s0;
	s0 =	simm.s32 @!p1 $0x0  }
0x14: {  	s2 =	sld [smem:$0x3F91];
	s0 =	simm.s32 @p1 $0x1  }
0x15: {  	[smem:$0x3FAE] =	sst s0;
	s0 =	simm.s32 @!p2 $0x0  }
0x16: {  	s3 =	sld [smem:$0x3FDB];
	s0 =	simm.s32 @p2 $0x1  }
0x17: {  	s4 =	simm.s32 $0x1BF5;
	[smem:$0x3FB0] =	sst s0  }
0x18: {  	s0 =	sld [smem:$0x3F93];
	_ =	swait.ge [sflag:s4], $0x0  }
0x19: {  	s7 =	sld [smem:$0x3F94]  }
0x1a: {  	s8 =	sadd.s32 $0xFFFFE003, lr  }
0x1b: {  	s9 =	sadd.s32 $0xFFFFFEF7, lr;
	s5 =	simm.s32 $0xFFFFFFFF;
	p2 =	slt.u32 s8, $0xFFFFF086  }
0x1c: {  	p1 =	slt.u32 s9, $0xF7A;
	s5 =	simm.s32 @!p2 $0x0  }
0x1d: {  	s5 =	simm.s32 @p1 $0x1;
	p0 =	seq.s32 s7, s2  }
0x1e: {  	s7 =	smul.u32 @!p0 $0xF7A, s2;
	p2 =	seq.s32 @!p0 s5, $0x0  }
0x1f: {  	s9 =	smul.u32 $0xF7A, s1;
	s8 =	simm.s32 @!p0 $0x1BF5;
	p2 =	por !p2, p0  }
0x20: {  	[sflag:s8] =	ssyncset.s32 @!p0 $0xFFFFF086;
	s6 =	sadd.s32 @!p0 s3, s7;
	s7 =	simm.s32 @!p0 $0x108  }
0x21: {  	s3 =	sadd.s32 s3, s9;
	s6 =	sadd.s32 @!p0 $0x88, s6;
	s7 =	simm.s32 @p2 $0x1082  }
0x22: {  	[simem:s7], [sflag:s8] =	dma.local @!p0 [hbm:s6], $0xF7A  }
0x23: {  	s9 =	sor.u32 $0xD0000000, s2;
	s6 =	simm.s32 $0x108;
	_ =	swait.ge @!p0 [sflag:s8], $0x0  }
0x24: {  	s3 =	sadd.s32 $0x88, s3;
	s6 =	simm.s32 @!p1 $0x1082;
	[sflag:s4] =	ssyncset.s32 $0xFFFFF086  }
0x25: {  	[simem:s6], [sflag:s4] =	dma.local [hbm:s3], $0xF7A  }
0x26: {  	[smem:$0x3F94] =	sst s1;
	(tag) =	ssettag s2;
	_ =	strace s9  }
0x27: {  	s1 =	sld [smem:$0x3FA4]  }
0x28: {  	s2 =	sld [smem:$0x3FA5]  }
0x29: {  	s4 =	sld [smem:$0x3FA7]  }
0x2a: {  	p0 =	seq.s32 s5, $0x0;
	s5 =	sld [smem:$0x3FA8]  }
0x2b: {  	s6 =	sld [smem:$0x3FA9]  }
0x2c: {  	s7 =	sld [smem:$0x3FAA]  }
0x2d: {  	s3 =	simm.s32 $0x108;
	s8 =	sld [smem:$0x3FAB]  }
0x2e: {  	s3 =	simm.s32 @!p0 $0x1082;
	s9 =	sld [smem:$0x3FAC]  }
0x2f: {  	lr =	sadd.s32 s0, s3;
	s0 =	sld [smem:$0x3FA3]  }
0x30: {  	s3 =	sld [smem:$0x3FA6]  }
0x31: {  	[smem:$0x3FAF] =	sst s10  }
0x32: {  	s10 =	sld [smem:$0x3FAD];
	_ =	sdelay $0x3  }
0x33: {  	p0 =	seq.s32 s10, $0x1;
	s10 =	sld [smem:$0x3FAF];
	_ =	sdelay $0x3  }
0x34: {  	[smem:$0x3FAF] =	sst s10  }
0x35: {  	s10 =	sld [smem:$0x3FAE];
	_ =	sdelay $0x3  }
0x36: {  	p1 =	seq.s32 s10, $0x1;
	s10 =	sld [smem:$0x3FAF];
	_ =	sdelay $0x3  }
0x37: {  	[smem:$0x3FAF] =	sst s10  }
0x38: {  	s10 =	sld [smem:$0x3FB0]  }
0x39: {  	_ = 	snop;
	(pc) =	sbr.ind lr, $3  }
0x3a: {  	_ = 	snop  }
0x3b: {  	_ = 	snop  }
0x3c: {  	p2 =	seq.s32 s10, $0x1;
	s10 =	sld [smem:$0x3FAF]  }
0x3d: {  	_ =	shalt  }
0x3e: {  	_ =	shalt  }
0x3f: {  	_ =	shalt  }
0x40: {  	_ =	shalt  }
0x41: {  	_ =	shalt  }
0x42: {  	_ =	shalt  }
0x43: {  	_ =	shalt  }
0x44: {  	_ =	shalt  }
0x45: {  	_ =	shalt  }
0x46: {  	_ =	shalt  }
0x47: {  	_ =	shalt  }
0x48: {  	_ =	shalt  }
0x49: {  	_ =	shalt  }
0x4a: {  	_ =	shalt  }
0x4b: {  	_ =	shalt  }
0x4c: {  	_ =	shalt  }
0x4d: {  	_ =	shalt  }
0x4e: {  	_ =	shalt  }
0x4f: {  	_ =	shalt  }
0x50: {  	_ =	shalt  }
0x51: {  	_ =	shalt  }
0x52: {  	_ =	shalt  }
0x53: {  	_ =	shalt  }
0x54: {  	_ =	shalt  }
0x55: {  	_ =	shalt  }
0x56: {  	_ =	shalt  }
0x57: {  	_ =	shalt  }
0x58: {  	_ =	shalt  }
0x59: {  	_ =	shalt  }
0x5a: {  	_ =	shalt  }
0x5b: {  	_ =	shalt  }
0x5c: {  	_ =	shalt  }
0x5d: {  	_ =	shalt  }
0x5e: {  	_ =	shalt  }
0x5f: {  	_ =	shalt  }
0x60: {  	_ =	shalt  }
0x61: {  	_ =	shalt  }
0x62: {  	_ =	shalt  }
0x63: {  	_ =	shalt  }
0x64: {  	_ =	shalt  }
0x65: {  	_ =	shalt  }
0x66: {  	_ =	shalt  }
0x67: {  	_ =	shalt  }
0x68: {  	_ =	shalt  }
0x69: {  	_ =	shalt  }
0x6a: {  	_ =	shalt  }
0x6b: {  	_ =	shalt  }
0x6c: {  	_ =	shalt  }
0x6d: {  	_ =	shalt  }
0x6e: {  	_ =	shalt  }
0x6f: {  	_ =	shalt  }
0x70: {  	_ =	shalt  }
0x71: {  	_ =	shalt  }
0x72: {  	_ =	shalt  }
0x73: {  	_ =	shalt  }
0x74: {  	_ =	shalt  }
0x75: {  	_ =	shalt  }
0x76: {  	_ =	shalt  }
0x77: {  	_ =	shalt  }
0x78: {  	_ =	shalt  }
0x79: {  	_ =	shalt  }
0x7a: {  	_ =	shalt  }
0x7b: {  	_ =	shalt  }
0x7c: {  	_ =	shalt  }
0x7d: {  	_ =	shalt  }
0x7e: {  	_ =	shalt  }
0x7f: {  	_ =	shalt  }
0x80: {  	_ =	shalt  }
0x81: {  	_ =	shalt  }
0x82: {  	_ =	shalt  }
0x83: {  	_ =	shalt  }
0x84: {  	_ =	shalt  }
0x85: {  	_ =	shalt  }
0x86: {  	_ =	shalt  }
0x87: {  	_ =	shalt  }
.Lfunc_end0:
.L_simem_size_0:
called_computation.3_lowered:
.L_overlay_start_0:
0x88: {  	s2 =	sld [smem:$0x3FD9]  }
0x89: {  	s3 =	sld [smem:$0x3FFE];
	_ =	sdelay $0x1  }
0x8a: {  	s1 =	srdreg.scid  }
0x8b: {  	s0 =	sand.u32 $0x1, s1  }
0x8c: {  	s17 =	sshll.u32 s0, $0xA;
	s2 =	sadd.s32 s3, s2  }
0x8d: {  	s2 =	sadd.s32 s2, s17  }
0x8e: {  	[smem:$0x3FBB] =	sst s2  }
0x8f: {  	_ = 	snop  }
0x90: {  	s18 =	sld [smem:$0x3FC9];
	(tm) =	ssettm $0x1  }
0x91: {  	s19 =	sld [smem:$0x3FFB];
	_ =	sdelay $0x3  }
0x92: {  	_ =	strace s19  }
0x93: {  	s2 =	sld [smem:$0x3FFC];
	_ =	sdelay $0x3  }
0x94: {  	_ =	strace s2  }
0x95: {  	s2 =	sld [smem:$0x3FFD];
	_ =	sdelay $0x3  }
0x96: {  	_ =	strace s2  }
0x97: {  	_ =	strace $0x8FFFFFFF  }
0x98: {  	s20 =	sld [smem:$0x3FDB];
	_ =	sdelay $0x1  }
0x99: {  	s4 =	simm.s32 $_scs_section_size  }
0x9a: {  	s5 =	simm.s32 $_size__tile_overlayer_lowered;
	s6 =	simm.s32 $_tile_overlayer_lowered  }
0x9b: {  	s7 =	simm.s32 $0x1BFF;
	s21 =	sshll.u32 s6, $0x1;
	s4 =	sadd.s32 s4, s20  }
0x9c: {  	s22 =	simm.s32 $0x0;
	s5 =	sshll.u32 s5, $0x1;
	s6 =	sadd.s32 s21, s4  }
0x9d: {  	[timem:s22], [sflag:s7] =	dma.local [hbm:s6], s5  }
0x9e: {  	_ =	swait.ge [sflag:s7], s5  }
0x9f: {  	s5 =	ssub.s32 $0x0, s5;
	[sflag:s7] =	ssyncset.done $0x0  }
0xa0: {  	[sflag:s7] =	ssyncadd.s32 s5;
	_ =	sdelay $0x1  }
0xa1: {  	s23 =	simm.s32 $0x1B8B  }
0xa2: {  	_ =	swait.ge [sflag:s23], $0x1  }
0xa3: {  	[sflag:s23] =	ssyncset.done $0x0  }
0xa4: {  	[sflag:s23] =	ssyncadd.s32 $0xFFFFFFFF  }
0xa5: {  	s5 =	sld [smem:$0x0]  }
0xa6: {  	s6 =	sand.u32 $0xFFFFFFFE, s1  }
0xa7: {  	p0 =	sne.s32 s1, s6  }
0xa8: {  	s6 =	sshll.u32 @p0 s6, $0xE  }
0xa9: {  	s6 =	sadd.s32 @p0 $0x11B8D, s6;
	s7 =	sshll.u32 @p0 s5, $0x11  }
0xaa: {  	s6 =	sor.u32 @p0 s7, s6  }
0xab: {  	[sflag:s6] =	ssyncadd.remote.s32 @p0 $0x1;
	_ =	sdelay $0x1  }
0xac: {  	s6 =	simm.s32 @p0 $0x1B8D  }
0xad: {  	_ =	swait.eq @p0 [sflag:s6], $0x1  }
0xae: {  	[sflag:s6] =	ssyncadd.s32 @p0 $0xFFFFFFFF  }
0xaf: {  	s7 =	sshll.u32 @!p0 s1, $0xE  }
0xb0: {  	s7 =	sor.u32 @!p0 $0x4000, s7;
	s6 =	simm.s32 @!p0 $0x1B8D  }
0xb1: {  	s5 =	sshll.u32 @!p0 s5, $0x11;
	s7 =	sadd.s32 @!p0 $0x11B8D, s7;
	_ =	swait.eq @!p0 [sflag:s6], $0x1  }
0xb2: {  	s5 =	sor.u32 @!p0 s5, s7;
	[sflag:s6] =	ssyncadd.s32 @!p0 $0xFFFFFFFF  }
0xb3: {  	s25 =	simm.s32 $0x1B8E;
	s24 =	sld [smem:$0x3FFE];
	[sflag:s5] =	ssyncadd.remote.s32 @!p0 $0x1  }
0xb4: {  	s26 =	simm.s32 $execute0_lowered;
	[smem:$0x3FD2] =	sst s25  }
0xb5: {  	s6 =	sshll.u32 s26, $0x1;
	_ =	strace $0x8000004C;
	[dreg:$0x1] =	wrdreg $0xFFFFFFFF  }
0xb6: {  	s28 =	simm.s32 $_size_execute0_lowered;
	s4 =	sadd.s32 s4, s6;
	[dreg:$0x0] =	wrdreg $0x0  }
0xb7: {  	s6 =	sshll.u32 s28, $0x1;
	[dreg:$0x2] =	wrdreg s4  }
0xb8: {  	[dreg:$0x3] =	wrdreg s6  }
0xb9: {  	[dreg:$0x4] =	wrdreg $0xC0  }
0xba: {  	_ =	task [dreg:s22], $0x5FFFF  }
0xbb: {  	[dreg:$0x1] =	wrdreg $0xFFFFFFFF  }
0xbc: {  	[dreg:$0x0] =	wrdreg $0x60  }
0xbd: {  	[dreg:$0x2] =	wrdreg s24  }
0xbe: {  	[dreg:$0x3] =	wrdreg s18  }
0xbf: {  	[dreg:$0x4] =	wrdreg $0xC000  }
0xc0: {  	[dreg:$0x5] =	wrdreg $0x3C000  }
0xc1: {  	[dreg:$0x6] =	wrdreg $0xC  }
0xc2: {  	_ =	task.clear_ibuf [dreg:s22], $0x7FFFF;
	_ =	strace $0x9000004C  }
0xc3: {  	s29 =	simm.s32 $0xC;
	_ =	strace $0x8000004E  }
0xc4: {  	_ =	swait.ge [sflag:s29], $0x1  }
0xc5: {  	[sflag:s29] =	ssyncadd.s32 $0xFFFFFFFF  }
0xc6: {  	_ =	strace $0x9000004E  }
0xc7: {  	_ =	sfence  }
0xc8: {  	s30 =	sld [smem:$0x0];
	_ =	sdelay $0x2  }
0xc9: {  	s31 =	sshll.u32 s1, $0xD;
	s1 =	sshrl.u32 s1, $0x2  }
0xca: {  	s4 =	sand.u32 $0x4000, s31;
	s1 =	sadd.s32 s1, s30  }
0xcb: {  	s0 =	sor.u32 s4, s0;
	s1 =	sshll.u32 s1, $0x11  }
0xcc: {  	s0 =	sor.u32 s1, s0  }
0xcd: {  	s0 =	sadd.s32 $0x8F2B, s0  }
0xce: {  	[sflag:s0] =	ssyncadd.remote.s32 $0x1  }
0xcf: {  	_ =	sfence.sel $0xFFFF  }
0xd0: {  	[dreg:$0x0] =	wrdreg $0xFFFFFFFF;
	(pc) =	sbr.abs _section_cstart, $3  }
0xd1: {  	[dreg:$0x1] =	wrdreg $0xFFFFFFFF  }
0xd2: {  	_ =	task.clear_ibuf [dreg:s22], $0x2FFFF;
	_ =	strace $0x9FFFFFFF  }
0xd3: {  	(tm) =	ssettm $0x7FFFFFFF  }
tec
execute0_lowered:
.L_overlay_start_1:
0x0: {  	(tag) =	ssettag $0x1  }
0x1: {  	s4 =	rddreg [dreg:$0x0]  }
0x2: {  	s8 =	rddreg [dreg:$0x1]  }
0x3: {  	s0 =	rddreg [dreg:$0x2];
	s2 =	srdreg.scid  }
0x4: {  	s1 =	rddreg [dreg:$0x3];
	s13 =	stileid.u32;
	s6 =	simm.s32 $0x708  }
0x5: {  	s3 =	simm.s32 $0x0;
	s16 =	simm.s32 $0x80;
	s17 =	simm.s32 $0x1B480  }
0x6: {  	s18 =	simm.s32 $0x1;
	s19 =	simm.s32 $0x1F480;
	s7 =	smul.u32 $0x18, s13  }
0x7: {  	s20 =	simm.s32 $0x2;
	s21 =	simm.s32 $0x1F500;
	s26 =	smul.u32 $0x3000, s13  }
0x8: {  	s22 =	simm.s32 $0x3;
	s23 =	simm.s32 $0x4;
	s9 =	smul.u32 $0x600, s13  }
0x9: {  	s5 =	sand.u32 $0x1, s2;
	s2 =	rddreg [dreg:$0x4];
	s10 =	smul.u32 $0xC000, s13  }
0xa: {  	s24 =	simm.s32 $0x0;
	[smem:$0x7FF] =	sst s3;
	s11 =	smul.u32 $0x4E000, s13  }
0xb: {  	s31 =	smul.u32 $0x2700, s13;
	s15 =	sadd.s32 $0x138000, s1;
	p0 =	seq.s32 s5, $0x0  }
0xc: {  	_ =	strace $0x8000004D;
	s5 =	ssub.s32 $0x2, s5;
	s6 =	simm.s32 @!p0 $0x888  }
0xd: {  	s28 =	sshrl.u32 s5, $0x1;
	s29 =	sshrl.u32 s10, $0x2;
	s30 =	sshrl.u32 s11, $0x2  }
0xe: {  	s11 =	simm.s32 $0x5;
	s6 =	sadd.s32 s7, s6;
	s7 =	sshrl.u32 s26, $0x3  }
0xf: {  	s14 =	sadd.s32 s30, s1;
	s6 =	sshll.u32 s6, $0x4;
	s7 =	sadd.s32 $0x6000, s7  }
0x10: {  	s14 =	sshrl.u32 s14, $0x3;
	s6 =	sadd.s32 s6, s4;
	s7 =	smov.u32 @p0 s9  }
.Ltmp0:
0x11: {  	s9 =	ssub.s32 s5, s28;
	p0 =	sne.s32 s13, $0x0;
	(pc) =	sbr.rel .LBB2_1-.Ltmp0, $4  }
0x12: {  	s12 =	sadd.s32 s7, s4;
	s4 =	smul.u32 $0x60, s13;
	s5 =	sadd.s32 $0x3200, s6  }
0x13: {  	s6 =	sadd.s32 s29, s0;
	s7 =	sadd.s32 s8, s31;
	s8 =	sadd.s32 $0x27000, s8  }
0x14: {  	s9 =	smax.u32 s9, $0x1;
	s13 =	sshll.u32 s13, $0x6;
	s15 =	sshrl.u32 @!p0 s15, $0x3  }
0x15: {  	v0 =	vimm.f32 $0.0e+00;
	s10 =	sadd.s32 $0x27A00, s12;
	s12 =	simm.s32 $0x17480;
	s13 =	sor.u32 $0x1C05, s13  }
.LBB2_6:
0x16: {  	_ =	swait.ge [sflag:s22], $0x4000  }
0x17: {  	[sflag:s22] =	ssyncset.done $0x0  }
0x18: {  	[sflag:s22] =	ssyncadd.s32 $0xFFFFC000  }
0x19: {  	s24 =	sadd.s32 $0x1, s24;
	_ =	swait.ge [sflag:s23], $0x4000  }
0x1a: {  	p1 =	sne.s32 s24, s9;
	[sflag:s23] =	ssyncset.done $0x0  }
.Ltmp1:
0x1b: {  	s25 =	sshrl.u32 s6, $0x3;
	[sflag:s23] =	ssyncadd.s32 $0xFFFFC000;
	(pc) =	sbr.rel @!p1 .LBB2_7-.Ltmp1, $4  }
0x1c: {  	[hbm:s10], [sflag:s13] =	dma.local [spmem:s25], $0x600  }
0x1d: {  	_ =	swait.ge [sflag:s11], $0x600  }
0x1e: {  	[sflag:s11] =	ssyncset.done $0x0  }
0x1f: {  	[sflag:s11] =	ssyncadd.s32 $0xFFFFFA00  }
.LBB2_1:
0x20: {  	[tilespmem:s3], [sflag:$0x5] =	stream.linear.gather [hbm4b:s5+s3], $0xC00, $0x38;
	[tilespmem:$0x1F580] =	vst v63  }
0x21: {  	_ =	swait.ge [sflag:s11], $0xC00  }
0x22: {  	[sflag:s11] =	ssyncset.done $0x0  }
0x23: {  	s25 =	simm.s32 $0x0;
	s26 =	simm.s32 $0x200;
	[sflag:s11] =	ssyncadd.s32 $0xFFFFF400  }
.LBB2_2:
0x24: {  	p1 =	sne.s32 s26, $0xFE00;
	[tilespmem:s25+$0x174F0] =	vst v0  }
0x25: {  	[tilespmem:s25+$0x17480] =	vst v0  }
0x26: {  	[tilespmem:s25+$0x17490] =	vst v0  }
.Ltmp2:
0x27: {  	[tilespmem:s25+$0x174A0] =	vst v0;
	(pc) =	sbr.rel @p1 .LBB2_2-.Ltmp2, $4  }
0x28: {  	[tilespmem:s25+$0x174B0] =	vst v0  }
0x29: {  	[tilespmem:s25+$0x174C0] =	vst v0  }
0x2a: {  	[tilespmem:s25+$0x174D0] =	vst v0  }
0x2b: {  	[tilespmem:s25+$0x174E0] =	vst v0;
	s25 =	sshra.s32 s26, $0x2;
	s26 =	sadd.s32 $0x200, s26  }
0x2c: {  	[tilespmem:s25+$0x174F0] =	vst v0  }
0x2d: {  	[tilespmem:s25+$0x17480] =	vst v0  }
0x2e: {  	[tilespmem:s25+$0x17490] =	vst v0  }
0x2f: {  	[tilespmem:s25+$0x174A0] =	vst v0  }
0x30: {  	[tilespmem:s25+$0x174B0] =	vst v0  }
0x31: {  	[tilespmem:s25+$0x174C0] =	vst v0  }
0x32: {  	[tilespmem:s25+$0x174D0] =	vst v0  }
0x33: {  	[tilespmem:s25+$0x174E0] =	vst v0  }
0x34: {  	[spmem:s6] =	stream.linear.scatter [tilespmem:s12], [sflag:$0x5], $0x3000, $0x38;
	[tilespmem:$0x1F580] =	vst v63  }
0x35: {  	_ =	swait.ge [sflag:s11], $0x3000  }
0x36: {  	[sflag:s11] =	ssyncset.done $0x0  }
0x37: {  	[sflag:s11] =	ssyncadd.s32 $0xFFFFD000  }
0x38: {  	[spmem:s14], [sflag:s13] =	dma.local [hbm:s7], $0x2700  }
0x39: {  	_ =	swait.ge [sflag:s11], $0x2700  }
0x3a: {  	[sflag:s11] =	ssyncset.done $0x0  }
0x3b: {  	s25 =	simm.s32 @!p0 $0x5;
	[sflag:s11] =	ssyncadd.s32 $0xFFFFD900  }
0x3c: {  	[spmem:s15], [sflag:s13] =	dma.local @!p0 [hbm:s8], $0x100  }
0x3d: {  	_ =	swait.ge @!p0 [sflag:s25], $0x100  }
0x3e: {  	[sflag:s25] =	ssyncset.done @!p0 $0x0  }
0x3f: {  	[sflag:s25] =	ssyncadd.s32 @!p0 $0xFFFFFF00  }
0x40: {  	[bflag:$0x0] =	sbarrier.arrive $0xFFFF  }
0x41: {  	[tilespmem:s12], [sflag:$0x1] =	stream.indirect.gather [spmem:s1], $0x80, s3, s16, $0xb8;
	[tilespmem:$0x1F580] =	vst v63  }
0x42: {  	s26 =	simm.s32 $0x7;
	s25 =	simm.s32 $0x180  }
0x43: {  	[tilespmem:s17], [sflag:$0x2] =	stream.indirect.gather [spmem:s1], $0x80, s16, s16, $0xb8;
	[tilespmem:$0x1F580] =	vst v63  }
.LBB2_4:
0x44: {  	_ =	swait.ge [sflag:s18], $0x4000;
	s28 =	sadd.s32 s4, s26  }
0x45: {  	[sflag:s18] =	ssyncset.done $0x0;
	s29 =	sadd.s32 $0xFFFFFFF9, s28  }
0x46: {  	[sflag:s18] =	ssyncadd.s32 $0xFFFFC000;
	v1 =	vmov s29  }
0x47: {  	s30 =	sadd.s32 $0xFFFFFFFA, s28;
	[tilespmem:$0x1F480] =	vst v1  }
0x48: {  	[tilespmem:$0x1F490] =	vst v1;
	v1 =	vmov s30  }
0x49: {  	s31 =	sadd.s32 $0xFFFFFFFB, s28;
	[tilespmem:$0x1F4A0] =	vst v1  }
0x4a: {  	[tilespmem:$0x1F4B0] =	vst v1;
	v1 =	vmov s31  }
0x4b: {  	s30 =	sadd.s32 $0xFFFFFFFC, s28;
	[tilespmem:$0x1F4C0] =	vst v1  }
0x4c: {  	[tilespmem:$0x1F4D0] =	vst v1;
	v1 =	vmov s30  }
0x4d: {  	[tilespmem:$0x1F4E0] =	vst v1  }
0x4e: {  	[tilespmem:$0x1F4F0] =	vst v1  }
0x4f: {  	[spmem:s0] =	stream.indirect.scatter.add.f32 [tilespmem:s12], [sflag:$0x3], $0x80, s19, s16, $0xb8;
	[tilespmem:$0x1F580] =	vst v63  }
0x50: {  	_ =	swait.ge [sflag:s20], $0x4000  }
0x51: {  	s31 =	sadd.s32 $0xFFFFFFFD, s28;
	[sflag:s20] =	ssyncset.done $0x0  }
0x52: {  	v1 =	vmov s31;
	[sflag:s20] =	ssyncadd.s32 $0xFFFFC000  }
0x53: {  	s30 =	sadd.s32 $0xFFFFFFFE, s28;
	[tilespmem:$0x1F500] =	vst v1  }
0x54: {  	[tilespmem:$0x1F510] =	vst v1;
	v1 =	vmov s30  }
0x55: {  	s31 =	sadd.s32 $0xFFFFFFFF, s28;
	[tilespmem:$0x1F520] =	vst v1  }
0x56: {  	p1 =	seq.s32 s26, $0x5F;
	[tilespmem:$0x1F530] =	vst v1;
	v1 =	vmov s31  }
.Ltmp3:
0x57: {  	[tilespmem:$0x1F540] =	vst v1;
	(pc) =	sbr.rel @p1 .LBB2_6-.Ltmp3, $4  }
0x58: {  	[tilespmem:$0x1F550] =	vst v1;
	v1 =	vmov s28  }
0x59: {  	[tilespmem:$0x1F560] =	vst v1  }
0x5a: {  	[tilespmem:$0x1F570] =	vst v1  }
0x5b: {  	[spmem:s0] =	stream.indirect.scatter.add.f32 [tilespmem:s17], [sflag:$0x4], $0x80, s21, s16, $0xb8;
	[tilespmem:$0x1F580] =	vst v63  }
0x5c: {  	_ =	swait.ge [sflag:s22], $0x4000  }
0x5d: {  	[sflag:s22] =	ssyncset.done $0x0  }
0x5e: {  	s28 =	sadd.s32 $0xFFFFFF80, s25;
	[sflag:s22] =	ssyncadd.s32 $0xFFFFC000  }
0x5f: {  	[tilespmem:s12], [sflag:$0x1] =	stream.indirect.gather [spmem:s1], $0x80, s28, s16, $0xb8;
	[tilespmem:$0x1F580] =	vst v63  }
.Ltmp4:
0x60: {  	_ =	swait.ge [sflag:s23], $0x4000;
	(pc) =	sbr.rel .LBB2_4-.Ltmp4, $4  }
0x61: {  	[sflag:s23] =	ssyncset.done $0x0  }
0x62: {  	[sflag:s23] =	ssyncadd.s32 $0xFFFFC000  }
0x63: {  	[tilespmem:s17], [sflag:$0x2] =	stream.indirect.gather [spmem:s1], $0x80, s25, s16, $0xb8;
	[tilespmem:$0x1F580] =	vst v63  }
0x64: {  	s26 =	sadd.s32 $0x8, s26;
	s25 =	sadd.s32 $0x100, s25  }
.LBB2_7:
0x65: {  	_ =	sfence.sel $0x180000  }
0x66: {  	[bflag:$0x0] =	sbarrier.arrive $0xFFFF  }
0x67: {  	_ =	strace $0x9000004D  }
0x68: {  	s0 =	sadd.s32 @!p0 $0x100000, s2;
	[bflag:$0x2] =	sbarrier.arrive $0xFFFF  }
0x69: {  	[sflag:s0] =	ssyncadd.tile.s32 @!p0 $0x1;
	_ =	shalt  }
.Lfunc_end2:
_tile_overlayer_lowered:
.L_overlay_start_2:
0x6a: {  	(tag) =	ssettag $0x2  }
0x6b: {  	s0 =	rddreg [dreg:$0x0];
	s2 =	stileid.u32  }
0x6c: {  	s1 =	rddreg [dreg:$0x1];
	p0 =	sne.s32 s2, $0x0  }
0x6d: {  	s3 =	rddreg [dreg:$0x2];
	[bflag:$0x3] =	sbarrier.arrive $0xFFFF;
	s2 =	simm.s32 @!p0 $0x1C05  }
0x6e: {  	[timem:s3], [sflag:s2] =	dma.local @!p0 [hbm:s0], s1  }
0x6f: {  	s0 =	simm.s32 @!p0 $0x5  }
0x70: {  	_ =	swait.ge @!p0 [sflag:s0], s1  }
0x71: {  	s1 =	ssub.s32 @!p0 $0x0, s1;
	[sflag:s0] =	ssyncset.done @!p0 $0x0  }
0x72: {  	[sflag:s0] =	ssyncadd.s32 @!p0 s1  }
0x73: {  	[bflag:$0x3] =	sbarrier.arrive $0xFFFF  }
0x74: {  	_ =	shalt  }

// kernel: kernel.7.cloned.1.call-start
scs
__scs_entry_jumppad:
0x0: {  	(pc) =	sbr.rel $0x88, $3  }
0x1: {  	(tag) =	ssettag $0x0;
	lr =	simm.s32 $0x1  }
0x2: {  	[smem:$0x3F94] =	sst lr;
	_ =	strace $0xD0000000  }
0x3: {  	_ = 	snop  }
0x4: {  	_ = 	snop  }
0x5: {  	_ = 	snop  }
0x6: {  	_ = 	snop  }
0x7: {  	_ = 	snop  }
__scs_overlays_trampoline_lowered:
0x8: {  	[smem:$0x3FA3] =	sst s0  }
0x9: {  	[smem:$0x3FA4] =	sst s1  }
0xa: {  	[smem:$0x3FA5] =	sst s2  }
0xb: {  	[smem:$0x3FA6] =	sst s3  }
0xc: {  	[smem:$0x3FA7] =	sst s4  }
0xd: {  	[smem:$0x3FA8] =	sst s5  }
0xe: {  	[smem:$0x3FA9] =	sst s6  }
0xf: {  	[smem:$0x3FAA] =	sst s7  }
0x10: {  	[smem:$0x3FAB] =	sst s8  }
0x11: {  	[smem:$0x3FAC] =	sst s9;
	s0 =	simm.s32 @!p0 $0x0  }
0x12: {  	s1 =	sld [smem:$0x3F92];
	s0 =	simm.s32 @p0 $0x1  }
0x13: {  	[smem:$0x3FAD] =	sst s0;
	s0 =	simm.s32 @!p1 $0x0  }
0x14: {  	s2 =	sld [smem:$0x3F91];
	s0 =	simm.s32 @p1 $0x1  }
0x15: {  	[smem:$0x3FAE] =	sst s0;
	s0 =	simm.s32 @!p2 $0x0  }
0x16: {  	s3 =	sld [smem:$0x3FDB];
	s0 =	simm.s32 @p2 $0x1  }
0x17: {  	s4 =	simm.s32 $0x1BF5;
	[smem:$0x3FB0] =	sst s0  }
0x18: {  	s0 =	sld [smem:$0x3F93];
	_ =	swait.ge [sflag:s4], $0x0  }
0x19: {  	s7 =	sld [smem:$0x3F94]  }
0x1a: {  	s8 =	sadd.s32 $0xFFFFE003, lr  }
0x1b: {  	s9 =	sadd.s32 $0xFFFFFEF7, lr;
	s5 =	simm.s32 $0xFFFFFFFF;
	p2 =	slt.u32 s8, $0xFFFFF086  }
0x1c: {  	p1 =	slt.u32 s9, $0xF7A;
	s5 =	simm.s32 @!p2 $0x0  }
0x1d: {  	s5 =	simm.s32 @p1 $0x1;
	p0 =	seq.s32 s7, s2  }
0x1e: {  	s7 =	smul.u32 @!p0 $0xF7A, s2;
	p2 =	seq.s32 @!p0 s5, $0x0  }
0x1f: {  	s9 =	smul.u32 $0xF7A, s1;
	s8 =	simm.s32 @!p0 $0x1BF5;
	p2 =	por !p2, p0  }
0x20: {  	[sflag:s8] =	ssyncset.s32 @!p0 $0xFFFFF086;
	s6 =	sadd.s32 @!p0 s3, s7;
	s7 =	simm.s32 @!p0 $0x108  }
0x21: {  	s3 =	sadd.s32 s3, s9;
	s6 =	sadd.s32 @!p0 $0x88, s6;
	s7 =	simm.s32 @p2 $0x1082  }
0x22: {  	[simem:s7], [sflag:s8] =	dma.local @!p0 [hbm:s6], $0xF7A  }
0x23: {  	s9 =	sor.u32 $0xD0000000, s2;
	s6 =	simm.s32 $0x108;
	_ =	swait.ge @!p0 [sflag:s8], $0x0  }
0x24: {  	s3 =	sadd.s32 $0x88, s3;
	s6 =	simm.s32 @!p1 $0x1082;
	[sflag:s4] =	ssyncset.s32 $0xFFFFF086  }
0x25: {  	[simem:s6], [sflag:s4] =	dma.local [hbm:s3], $0xF7A  }
0x26: {  	[smem:$0x3F94] =	sst s1;
	(tag) =	ssettag s2;
	_ =	strace s9  }
0x27: {  	s1 =	sld [smem:$0x3FA4]  }
0x28: {  	s2 =	sld [smem:$0x3FA5]  }
0x29: {  	s4 =	sld [smem:$0x3FA7]  }
0x2a: {  	p0 =	seq.s32 s5, $0x0;
	s5 =	sld [smem:$0x3FA8]  }
0x2b: {  	s6 =	sld [smem:$0x3FA9]  }
0x2c: {  	s7 =	sld [smem:$0x3FAA]  }
0x2d: {  	s3 =	simm.s32 $0x108;
	s8 =	sld [smem:$0x3FAB]  }
0x2e: {  	s3 =	simm.s32 @!p0 $0x1082;
	s9 =	sld [smem:$0x3FAC]  }
0x2f: {  	lr =	sadd.s32 s0, s3;
	s0 =	sld [smem:$0x3FA3]  }
0x30: {  	s3 =	sld [smem:$0x3FA6]  }
0x31: {  	[smem:$0x3FAF] =	sst s10  }
0x32: {  	s10 =	sld [smem:$0x3FAD];
	_ =	sdelay $0x3  }
0x33: {  	p0 =	seq.s32 s10, $0x1;
	s10 =	sld [smem:$0x3FAF];
	_ =	sdelay $0x3  }
0x34: {  	[smem:$0x3FAF] =	sst s10  }
0x35: {  	s10 =	sld [smem:$0x3FAE];
	_ =	sdelay $0x3  }
0x36: {  	p1 =	seq.s32 s10, $0x1;
	s10 =	sld [smem:$0x3FAF];
	_ =	sdelay $0x3  }
0x37: {  	[smem:$0x3FAF] =	sst s10  }
0x38: {  	s10 =	sld [smem:$0x3FB0]  }
0x39: {  	_ = 	snop;
	(pc) =	sbr.ind lr, $3  }
0x3a: {  	_ = 	snop  }
0x3b: {  	_ = 	snop  }
0x3c: {  	p2 =	seq.s32 s10, $0x1;
	s10 =	sld [smem:$0x3FAF]  }
0x3d: {  	_ =	shalt  }
0x3e: {  	_ =	shalt  }
0x3f: {  	_ =	shalt  }
0x40: {  	_ =	shalt  }
0x41: {  	_ =	shalt  }
0x42: {  	_ =	shalt  }
0x43: {  	_ =	shalt  }
0x44: {  	_ =	shalt  }
0x45: {  	_ =	shalt  }
0x46: {  	_ =	shalt  }
0x47: {  	_ =	shalt  }
0x48: {  	_ =	shalt  }
0x49: {  	_ =	shalt  }
0x4a: {  	_ =	shalt  }
0x4b: {  	_ =	shalt  }
0x4c: {  	_ =	shalt  }
0x4d: {  	_ =	shalt  }
0x4e: {  	_ =	shalt  }
0x4f: {  	_ =	shalt  }
0x50: {  	_ =	shalt  }
0x51: {  	_ =	shalt  }
0x52: {  	_ =	shalt  }
0x53: {  	_ =	shalt  }
0x54: {  	_ =	shalt  }
0x55: {  	_ =	shalt  }
0x56: {  	_ =	shalt  }
0x57: {  	_ =	shalt  }
0x58: {  	_ =	shalt  }
0x59: {  	_ =	shalt  }
0x5a: {  	_ =	shalt  }
0x5b: {  	_ =	shalt  }
0x5c: {  	_ =	shalt  }
0x5d: {  	_ =	shalt  }
0x5e: {  	_ =	shalt  }
0x5f: {  	_ =	shalt  }
0x60: {  	_ =	shalt  }
0x61: {  	_ =	shalt  }
0x62: {  	_ =	shalt  }
0x63: {  	_ =	shalt  }
0x64: {  	_ =	shalt  }
0x65: {  	_ =	shalt  }
0x66: {  	_ =	shalt  }
0x67: {  	_ =	shalt  }
0x68: {  	_ =	shalt  }
0x69: {  	_ =	shalt  }
0x6a: {  	_ =	shalt  }
0x6b: {  	_ =	shalt  }
0x6c: {  	_ =	shalt  }
0x6d: {  	_ =	shalt  }
0x6e: {  	_ =	shalt  }
0x6f: {  	_ =	shalt  }
0x70: {  	_ =	shalt  }
0x71: {  	_ =	shalt  }
0x72: {  	_ =	shalt  }
0x73: {  	_ =	shalt  }
0x74: {  	_ =	shalt  }
0x75: {  	_ =	shalt  }
0x76: {  	_ =	shalt  }
0x77: {  	_ =	shalt  }
0x78: {  	_ =	shalt  }
0x79: {  	_ =	shalt  }
0x7a: {  	_ =	shalt  }
0x7b: {  	_ =	shalt  }
0x7c: {  	_ =	shalt  }
0x7d: {  	_ =	shalt  }
0x7e: {  	_ =	shalt  }
0x7f: {  	_ =	shalt  }
0x80: {  	_ =	shalt  }
0x81: {  	_ =	shalt  }
0x82: {  	_ =	shalt  }
0x83: {  	_ =	shalt  }
0x84: {  	_ =	shalt  }
0x85: {  	_ =	shalt  }
0x86: {  	_ =	shalt  }
0x87: {  	_ =	shalt  }
.Lfunc_end0:
.L_simem_size_0:
called_computation_lowered:
.L_overlay_start_0:
0x88: {  	s2 =	sld [smem:$0x3FD9]  }
0x89: {  	s3 =	sld [smem:$0x3FFE];
	_ =	sdelay $0x1  }
0x8a: {  	s1 =	srdreg.scid  }
0x8b: {  	s0 =	sand.u32 $0x1, s1  }
0x8c: {  	s17 =	sshll.u32 s0, $0xA;
	s2 =	sadd.s32 s3, s2  }
0x8d: {  	s2 =	sadd.s32 s2, s17  }
0x8e: {  	[smem:$0x3FBB] =	sst s2  }
0x8f: {  	_ = 	snop  }
0x90: {  	s18 =	sld [smem:$0x3FC9];
	(tm) =	ssettm $0x1  }
0x91: {  	s19 =	sld [smem:$0x3FFB];
	_ =	sdelay $0x3  }
0x92: {  	_ =	strace s19  }
0x93: {  	s2 =	sld [smem:$0x3FFC];
	_ =	sdelay $0x3  }
0x94: {  	_ =	strace s2  }
0x95: {  	s2 =	sld [smem:$0x3FFD];
	_ =	sdelay $0x3  }
0x96: {  	_ =	strace s2  }
0x97: {  	_ =	strace $0x8FFFFFFF  }
0x98: {  	s20 =	sld [smem:$0x3FDB];
	_ =	sdelay $0x1  }
0x99: {  	s4 =	simm.s32 $_scs_section_size  }
0x9a: {  	s5 =	simm.s32 $_size__tile_overlayer_lowered;
	s6 =	simm.s32 $_tile_overlayer_lowered  }
0x9b: {  	s7 =	simm.s32 $0x1BFF;
	s21 =	sshll.u32 s6, $0x1;
	s4 =	sadd.s32 s4, s20  }
0x9c: {  	s22 =	simm.s32 $0x0;
	s5 =	sshll.u32 s5, $0x1;
	s6 =	sadd.s32 s21, s4  }
0x9d: {  	[timem:s22], [sflag:s7] =	dma.local [hbm:s6], s5  }
0x9e: {  	_ =	swait.ge [sflag:s7], s5  }
0x9f: {  	s5 =	ssub.s32 $0x0, s5;
	[sflag:s7] =	ssyncset.done $0x0  }
0xa0: {  	[sflag:s7] =	ssyncadd.s32 s5;
	_ =	sdelay $0x1  }
0xa1: {  	s23 =	simm.s32 $0x1B8B  }
0xa2: {  	_ =	swait.ge [sflag:s23], $0x1  }
0xa3: {  	[sflag:s23] =	ssyncset.done $0x0  }
0xa4: {  	[sflag:s23] =	ssyncadd.s32 $0xFFFFFFFF  }
0xa5: {  	s5 =	sld [smem:$0x0]  }
0xa6: {  	s6 =	sand.u32 $0xFFFFFFFE, s1  }
0xa7: {  	p0 =	sne.s32 s1, s6  }
0xa8: {  	s6 =	sshll.u32 @p0 s6, $0xE  }
0xa9: {  	s6 =	sadd.s32 @p0 $0x11B8D, s6;
	s7 =	sshll.u32 @p0 s5, $0x11  }
0xaa: {  	s6 =	sor.u32 @p0 s7, s6  }
0xab: {  	[sflag:s6] =	ssyncadd.remote.s32 @p0 $0x1;
	_ =	sdelay $0x1  }
0xac: {  	s6 =	simm.s32 @p0 $0x1B8D  }
0xad: {  	_ =	swait.eq @p0 [sflag:s6], $0x1  }
0xae: {  	[sflag:s6] =	ssyncadd.s32 @p0 $0xFFFFFFFF  }
0xaf: {  	s7 =	sshll.u32 @!p0 s1, $0xE  }
0xb0: {  	s7 =	sor.u32 @!p0 $0x4000, s7;
	s6 =	simm.s32 @!p0 $0x1B8D  }
0xb1: {  	s5 =	sshll.u32 @!p0 s5, $0x11;
	s7 =	sadd.s32 @!p0 $0x11B8D, s7;
	_ =	swait.eq @!p0 [sflag:s6], $0x1  }
0xb2: {  	s5 =	sor.u32 @!p0 s5, s7;
	[sflag:s6] =	ssyncadd.s32 @!p0 $0xFFFFFFFF  }
0xb3: {  	s25 =	simm.s32 $0x1B8E;
	s24 =	sld [smem:$0x3FFE];
	[sflag:s5] =	ssyncadd.remote.s32 @!p0 $0x1  }
0xb4: {  	s26 =	simm.s32 $execute0_lowered;
	[smem:$0x3FD2] =	sst s25  }
0xb5: {  	s6 =	sshll.u32 s26, $0x1;
	_ =	strace $0x8000004F;
	[dreg:$0x1] =	wrdreg $0xFFFFFFFF  }
0xb6: {  	s28 =	simm.s32 $_size_execute0_lowered;
	s4 =	sadd.s32 s4, s6;
	[dreg:$0x0] =	wrdreg $0x0  }
0xb7: {  	s6 =	sshll.u32 s28, $0x1;
	[dreg:$0x2] =	wrdreg s4  }
0xb8: {  	[dreg:$0x3] =	wrdreg s6  }
0xb9: {  	[dreg:$0x4] =	wrdreg $0xC0  }
0xba: {  	_ =	task [dreg:s22], $0x5FFFF  }
0xbb: {  	[dreg:$0x1] =	wrdreg $0xFFFFFFFF  }
0xbc: {  	[dreg:$0x0] =	wrdreg $0x60  }
0xbd: {  	[dreg:$0x2] =	wrdreg s24  }
0xbe: {  	[dreg:$0x3] =	wrdreg s18  }
0xbf: {  	[dreg:$0x4] =	wrdreg $0xC000  }
0xc0: {  	[dreg:$0x5] =	wrdreg $0x3C000  }
0xc1: {  	[dreg:$0x6] =	wrdreg $0x9  }
0xc2: {  	_ =	task.clear_ibuf [dreg:s22], $0x7FFFF;
	_ =	strace $0x9000004F  }
0xc3: {  	s29 =	simm.s32 $0x9;
	_ =	strace $0x80000051  }
0xc4: {  	_ =	swait.ge [sflag:s29], $0x1  }
0xc5: {  	[sflag:s29] =	ssyncadd.s32 $0xFFFFFFFF  }
0xc6: {  	_ =	strace $0x90000051  }
0xc7: {  	_ =	sfence  }
0xc8: {  	s30 =	sld [smem:$0x0];
	_ =	sdelay $0x2  }
0xc9: {  	s31 =	sshll.u32 s1, $0xD;
	s1 =	sshrl.u32 s1, $0x2  }
0xca: {  	s4 =	sand.u32 $0x4000, s31;
	s1 =	sadd.s32 s1, s30  }
0xcb: {  	s0 =	sor.u32 s4, s0;
	s1 =	sshll.u32 s1, $0x11  }
0xcc: {  	s0 =	sor.u32 s1, s0  }
0xcd: {  	s0 =	sadd.s32 $0x8F2B, s0  }
0xce: {  	[sflag:s0] =	ssyncadd.remote.s32 $0x1  }
0xcf: {  	_ =	sfence.sel $0xFFFF  }
0xd0: {  	[dreg:$0x0] =	wrdreg $0xFFFFFFFF;
	(pc) =	sbr.abs _section_cstart, $3  }
0xd1: {  	[dreg:$0x1] =	wrdreg $0xFFFFFFFF  }
0xd2: {  	_ =	task.clear_ibuf [dreg:s22], $0x2FFFF;
	_ =	strace $0x9FFFFFFF  }
0xd3: {  	(tm) =	ssettm $0x7FFFFFFF  }
tec
execute0_lowered:
.L_overlay_start_1:
0x0: {  	(tag) =	ssettag $0x1  }
0x1: {  	s4 =	rddreg [dreg:$0x0]  }
0x2: {  	s8 =	rddreg [dreg:$0x1]  }
0x3: {  	s1 =	rddreg [dreg:$0x2]  }
0x4: {  	s2 =	rddreg [dreg:$0x3]  }
0x5: {  	s13 =	stileid.u32;
	s5 =	srdreg.scid  }
0x6: {  	s0 =	rddreg [dreg:$0x4];
	s3 =	simm.s32 $0x0;
	s16 =	simm.s32 $0x80  }
0x7: {  	s17 =	simm.s32 $0x1B480;
	s18 =	simm.s32 $0x1;
	s6 =	smul.u32 $0xC00, s13  }
0x8: {  	s19 =	simm.s32 $0x1F480;
	s20 =	simm.s32 $0x2;
	s26 =	smul.u32 $0x3000, s13  }
0x9: {  	s21 =	simm.s32 $0x1F500;
	s22 =	simm.s32 $0x3;
	s9 =	smul.u32 $0x600, s13  }
0xa: {  	s23 =	simm.s32 $0x4;
	s24 =	simm.s32 $0x0;
	s10 =	smul.u32 $0xC000, s13  }
0xb: {  	s5 =	sand.u32 $0x1, s5;
	[smem:$0x7FF] =	sst s3;
	s11 =	smul.u32 $0x4E000, s13  }
0xc: {  	s31 =	smul.u32 $0x2700, s13;
	s15 =	sadd.s32 $0x138000, s2;
	p0 =	seq.s32 s5, $0x0  }
0xd: {  	_ =	strace $0x80000050;
	s5 =	ssub.s32 $0x2, s5;
	s7 =	sadd.s32 $0xC000, s6  }
0xe: {  	s28 =	sshrl.u32 s5, $0x1;
	s29 =	sshrl.u32 s10, $0x2;
	s30 =	sshrl.u32 s11, $0x2  }
0xf: {  	s11 =	simm.s32 $0x5;
	s7 =	smov.u32 @p0 s6;
	s6 =	sshrl.u32 s26, $0x3  }
0x10: {  	s14 =	sadd.s32 s30, s2;
	s7 =	sshrl.u32 s7, $0x3;
	s6 =	sadd.s32 $0x6000, s6  }
0x11: {  	s14 =	sshrl.u32 s14, $0x3;
	s7 =	sadd.s32 s7, s4;
	s6 =	smov.u32 @p0 s9  }
.Ltmp0:
0x12: {  	s9 =	ssub.s32 s5, s28;
	p0 =	sne.s32 s13, $0x0;
	(pc) =	sbr.rel .LBB2_1-.Ltmp0, $4  }
0x13: {  	s12 =	sadd.s32 s6, s4;
	s4 =	smul.u32 $0x60, s13;
	s5 =	sadd.s32 $0x3200, s7  }
0x14: {  	s6 =	sadd.s32 s29, s1;
	s7 =	sadd.s32 s8, s31;
	s8 =	sadd.s32 $0x27000, s8  }
0x15: {  	s9 =	smax.u32 s9, $0x1;
	s13 =	sshll.u32 s13, $0x6;
	s15 =	sshrl.u32 @!p0 s15, $0x3  }
0x16: {  	v0 =	vimm.f32 $0.0e+00;
	s10 =	sadd.s32 $0x33A00, s12;
	s12 =	simm.s32 $0x17480;
	s13 =	sor.u32 $0x1C05, s13  }
.LBB2_6:
0x17: {  	_ =	swait.ge [sflag:s22], $0x4000  }
0x18: {  	[sflag:s22] =	ssyncset.done $0x0  }
0x19: {  	[sflag:s22] =	ssyncadd.s32 $0xFFFFC000  }
0x1a: {  	s24 =	sadd.s32 $0x1, s24;
	_ =	swait.ge [sflag:s23], $0x4000  }
0x1b: {  	p1 =	sne.s32 s24, s9;
	[sflag:s23] =	ssyncset.done $0x0  }
.Ltmp1:
0x1c: {  	s25 =	sshrl.u32 s6, $0x3;
	[sflag:s23] =	ssyncadd.s32 $0xFFFFC000;
	(pc) =	sbr.rel @!p1 .LBB2_7-.Ltmp1, $4  }
0x1d: {  	[hbm:s10], [sflag:s13] =	dma.local [spmem:s25], $0x600  }
0x1e: {  	_ =	swait.ge [sflag:s11], $0x600  }
0x1f: {  	[sflag:s11] =	ssyncset.done $0x0  }
0x20: {  	[sflag:s11] =	ssyncadd.s32 $0xFFFFFA00  }
.LBB2_1:
0x21: {  	[tilespmem:s3], [sflag:$0x5] =	stream.linear.gather [hbm4b:s5+s3], $0xC00, $0x38;
	[tilespmem:$0x1F580] =	vst v63  }
0x22: {  	_ =	swait.ge [sflag:s11], $0xC00  }
0x23: {  	[sflag:s11] =	ssyncset.done $0x0  }
0x24: {  	s25 =	simm.s32 $0x0;
	s26 =	simm.s32 $0x200;
	[sflag:s11] =	ssyncadd.s32 $0xFFFFF400  }
.LBB2_2:
0x25: {  	p1 =	sne.s32 s26, $0xFE00;
	[tilespmem:s25+$0x174F0] =	vst v0  }
0x26: {  	[tilespmem:s25+$0x17480] =	vst v0  }
0x27: {  	[tilespmem:s25+$0x17490] =	vst v0  }
.Ltmp2:
0x28: {  	[tilespmem:s25+$0x174A0] =	vst v0;
	(pc) =	sbr.rel @p1 .LBB2_2-.Ltmp2, $4  }
0x29: {  	[tilespmem:s25+$0x174B0] =	vst v0  }
0x2a: {  	[tilespmem:s25+$0x174C0] =	vst v0  }
0x2b: {  	[tilespmem:s25+$0x174D0] =	vst v0  }
0x2c: {  	[tilespmem:s25+$0x174E0] =	vst v0;
	s25 =	sshra.s32 s26, $0x2;
	s26 =	sadd.s32 $0x200, s26  }
0x2d: {  	[tilespmem:s25+$0x174F0] =	vst v0  }
0x2e: {  	[tilespmem:s25+$0x17480] =	vst v0  }
0x2f: {  	[tilespmem:s25+$0x17490] =	vst v0  }
0x30: {  	[tilespmem:s25+$0x174A0] =	vst v0  }
0x31: {  	[tilespmem:s25+$0x174B0] =	vst v0  }
0x32: {  	[tilespmem:s25+$0x174C0] =	vst v0  }
0x33: {  	[tilespmem:s25+$0x174D0] =	vst v0  }
0x34: {  	[tilespmem:s25+$0x174E0] =	vst v0  }
0x35: {  	[spmem:s6] =	stream.linear.scatter [tilespmem:s12], [sflag:$0x5], $0x3000, $0x38;
	[tilespmem:$0x1F580] =	vst v63  }
0x36: {  	_ =	swait.ge [sflag:s11], $0x3000  }
0x37: {  	[sflag:s11] =	ssyncset.done $0x0  }
0x38: {  	[sflag:s11] =	ssyncadd.s32 $0xFFFFD000  }
0x39: {  	[spmem:s14], [sflag:s13] =	dma.local [hbm:s7], $0x2700  }
0x3a: {  	_ =	swait.ge [sflag:s11], $0x2700  }
0x3b: {  	[sflag:s11] =	ssyncset.done $0x0  }
0x3c: {  	s25 =	simm.s32 @!p0 $0x5;
	[sflag:s11] =	ssyncadd.s32 $0xFFFFD900  }
0x3d: {  	[spmem:s15], [sflag:s13] =	dma.local @!p0 [hbm:s8], $0x100  }
0x3e: {  	_ =	swait.ge @!p0 [sflag:s25], $0x100  }
0x3f: {  	[sflag:s25] =	ssyncset.done @!p0 $0x0  }
0x40: {  	[sflag:s25] =	ssyncadd.s32 @!p0 $0xFFFFFF00  }
0x41: {  	[bflag:$0x0] =	sbarrier.arrive $0xFFFF  }
0x42: {  	[tilespmem:s12], [sflag:$0x1] =	stream.indirect.gather [spmem:s2], $0x80, s3, s16, $0xb8;
	[tilespmem:$0x1F580] =	vst v63  }
0x43: {  	s26 =	simm.s32 $0x7;
	s25 =	simm.s32 $0x180  }
0x44: {  	[tilespmem:s17], [sflag:$0x2] =	stream.indirect.gather [spmem:s2], $0x80, s16, s16, $0xb8;
	[tilespmem:$0x1F580] =	vst v63  }
.LBB2_4:
0x45: {  	_ =	swait.ge [sflag:s18], $0x4000;
	s28 =	sadd.s32 s4, s26  }
0x46: {  	[sflag:s18] =	ssyncset.done $0x0;
	s29 =	sadd.s32 $0xFFFFFFF9, s28  }
0x47: {  	[sflag:s18] =	ssyncadd.s32 $0xFFFFC000;
	v1 =	vmov s29  }
0x48: {  	s30 =	sadd.s32 $0xFFFFFFFA, s28;
	[tilespmem:$0x1F480] =	vst v1  }
0x49: {  	[tilespmem:$0x1F490] =	vst v1;
	v1 =	vmov s30  }
0x4a: {  	s31 =	sadd.s32 $0xFFFFFFFB, s28;
	[tilespmem:$0x1F4A0] =	vst v1  }
0x4b: {  	[tilespmem:$0x1F4B0] =	vst v1;
	v1 =	vmov s31  }
0x4c: {  	s30 =	sadd.s32 $0xFFFFFFFC, s28;
	[tilespmem:$0x1F4C0] =	vst v1  }
0x4d: {  	[tilespmem:$0x1F4D0] =	vst v1;
	v1 =	vmov s30  }
0x4e: {  	[tilespmem:$0x1F4E0] =	vst v1  }
0x4f: {  	[tilespmem:$0x1F4F0] =	vst v1  }
0x50: {  	[spmem:s1] =	stream.indirect.scatter.add.f32 [tilespmem:s12], [sflag:$0x3], $0x80, s19, s16, $0xb8;
	[tilespmem:$0x1F580] =	vst v63  }
0x51: {  	_ =	swait.ge [sflag:s20], $0x4000  }
0x52: {  	s31 =	sadd.s32 $0xFFFFFFFD, s28;
	[sflag:s20] =	ssyncset.done $0x0  }
0x53: {  	v1 =	vmov s31;
	[sflag:s20] =	ssyncadd.s32 $0xFFFFC000  }
0x54: {  	s30 =	sadd.s32 $0xFFFFFFFE, s28;
	[tilespmem:$0x1F500] =	vst v1  }
0x55: {  	[tilespmem:$0x1F510] =	vst v1;
	v1 =	vmov s30  }
0x56: {  	s31 =	sadd.s32 $0xFFFFFFFF, s28;
	[tilespmem:$0x1F520] =	vst v1  }
0x57: {  	p1 =	seq.s32 s26, $0x5F;
	[tilespmem:$0x1F530] =	vst v1;
	v1 =	vmov s31  }
.Ltmp3:
0x58: {  	[tilespmem:$0x1F540] =	vst v1;
	(pc) =	sbr.rel @p1 .LBB2_6-.Ltmp3, $4  }
0x59: {  	[tilespmem:$0x1F550] =	vst v1;
	v1 =	vmov s28  }
0x5a: {  	[tilespmem:$0x1F560] =	vst v1  }
0x5b: {  	[tilespmem:$0x1F570] =	vst v1  }
0x5c: {  	[spmem:s1] =	stream.indirect.scatter.add.f32 [tilespmem:s17], [sflag:$0x4], $0x80, s21, s16, $0xb8;
	[tilespmem:$0x1F580] =	vst v63  }
0x5d: {  	_ =	swait.ge [sflag:s22], $0x4000  }
0x5e: {  	[sflag:s22] =	ssyncset.done $0x0  }
0x5f: {  	s28 =	sadd.s32 $0xFFFFFF80, s25;
	[sflag:s22] =	ssyncadd.s32 $0xFFFFC000  }
0x60: {  	[tilespmem:s12], [sflag:$0x1] =	stream.indirect.gather [spmem:s2], $0x80, s28, s16, $0xb8;
	[tilespmem:$0x1F580] =	vst v63  }
.Ltmp4:
0x61: {  	_ =	swait.ge [sflag:s23], $0x4000;
	(pc) =	sbr.rel .LBB2_4-.Ltmp4, $4  }
0x62: {  	[sflag:s23] =	ssyncset.done $0x0  }
0x63: {  	[sflag:s23] =	ssyncadd.s32 $0xFFFFC000  }
0x64: {  	[tilespmem:s17], [sflag:$0x2] =	stream.indirect.gather [spmem:s2], $0x80, s25, s16, $0xb8;
	[tilespmem:$0x1F580] =	vst v63  }
0x65: {  	s26 =	sadd.s32 $0x8, s26;
	s25 =	sadd.s32 $0x100, s25  }
.LBB2_7:
0x66: {  	_ =	sfence.sel $0x180000  }
0x67: {  	[bflag:$0x0] =	sbarrier.arrive $0xFFFF  }
0x68: {  	_ =	strace $0x90000050  }
0x69: {  	s0 =	sadd.s32 @!p0 $0x100000, s0;
	[bflag:$0x2] =	sbarrier.arrive $0xFFFF  }
0x6a: {  	[sflag:s0] =	ssyncadd.tile.s32 @!p0 $0x1;
	_ =	shalt  }
.Lfunc_end2:
_tile_overlayer_lowered:
.L_overlay_start_2:
0x6b: {  	(tag) =	ssettag $0x2  }
0x6c: {  	s0 =	rddreg [dreg:$0x0];
	s2 =	stileid.u32  }
0x6d: {  	s1 =	rddreg [dreg:$0x1];
	p0 =	sne.s32 s2, $0x0  }
0x6e: {  	s3 =	rddreg [dreg:$0x2];
	[bflag:$0x3] =	sbarrier.arrive $0xFFFF;
	s2 =	simm.s32 @!p0 $0x1C05  }
0x6f: {  	[timem:s3], [sflag:s2] =	dma.local @!p0 [hbm:s0], s1  }
0x70: {  	s0 =	simm.s32 @!p0 $0x5  }
0x71: {  	_ =	swait.ge @!p0 [sflag:s0], s1  }
0x72: {  	s1 =	ssub.s32 @!p0 $0x0, s1;
	[sflag:s0] =	ssyncset.done @!p0 $0x0  }
0x73: {  	[sflag:s0] =	ssyncadd.s32 @!p0 s1  }
0x74: {  	[bflag:$0x3] =	sbarrier.arrive $0xFFFF  }
0x75: {  	_ =	shalt  }

</sc_bundles>
